<compile_context>
chip_gen: v7x
topology: tpu7x:2x2x1
jax: 0.10.2.dev20260603
libtpu: 0.0.44.dev20260713+nightly
codegen_flags: <defaults>
</compile_context>

<pallas_src>
import functools

import jax
import jax.numpy as jnp
from jax import lax
from jax.experimental import pallas as pl
from jax.experimental.pallas import tpu as pltpu
from jax.experimental.pallas import tpu_sc as plsc

L = 16


def _make_sc_interp(B, C, H, W, NW, CHUNK):
    N = B * H * W
    assert N % NW == 0
    q_per_tile = N // NW
    assert q_per_tile % CHUNK == 0
    n_chunks = q_per_tile // CHUNK
    log2_hw = (H * W).bit_length() - 1
    assert H * W == 1 << log2_hw and W == 1 << (W.bit_length() - 1)
    log2_w = W.bit_length() - 1

    mesh = plsc.VectorSubcoreMesh(core_axis_name="c", subcore_axis_name="s")

    @functools.partial(
        pl.kernel,
        mesh=mesh,
        out_type=jax.ShapeDtypeStruct((N, C), jnp.float32),
        scratch_types=[
            pltpu.VMEM((CHUNK,), jnp.float32),
            pltpu.VMEM((CHUNK,), jnp.float32),
            pltpu.VMEM((CHUNK,), jnp.int32),
            pltpu.VMEM((CHUNK,), jnp.int32),
            pltpu.VMEM((CHUNK,), jnp.int32),
            pltpu.VMEM((CHUNK,), jnp.int32),
            pltpu.VMEM((CHUNK,), jnp.float32),
            pltpu.VMEM((CHUNK,), jnp.float32),
            pltpu.VMEM((CHUNK,), jnp.float32),
            pltpu.VMEM((CHUNK,), jnp.float32),
            pltpu.VMEM((CHUNK, C), jnp.float32),
            pltpu.VMEM((CHUNK, C), jnp.float32),
            pltpu.VMEM((CHUNK, C), jnp.float32),
            pltpu.VMEM((CHUNK, C), jnp.float32),
            pltpu.VMEM((CHUNK, C), jnp.float32),
            pltpu.SemaphoreType.DMA,
        ],
        compiler_params=pltpu.CompilerParams(use_tc_tiling_on_sc=False),
    )
    def sc_interp(
        table_hbm, xq_hbm, yq_hbm, out_hbm,
        xq_v, yq_v, i00_v, i01_v, i10_v, i11_v,
        w00_v, w01_v, w10_v, w11_v,
        r00_v, r01_v, r10_v, r11_v, out_v, sem,
    ):
        wid = lax.axis_index("s") * 2 + lax.axis_index("c")
        tile_base = wid * q_per_tile

        def chunk_body(ic, _):
            base = tile_base + ic * CHUNK
            pltpu.sync_copy(xq_hbm.at[pl.ds(base, CHUNK)], xq_v)
            pltpu.sync_copy(yq_hbm.at[pl.ds(base, CHUNK)], yq_v)

            iota = lax.iota(jnp.int32, L)
            for g in range(CHUNK // L):
                sl = pl.ds(g * L, L)
                xv = xq_v[sl]
                yv = yq_v[sl]
                x0 = jnp.minimum(jnp.maximum(xv.astype(jnp.int32), 0), W - 1)
                y0 = jnp.minimum(jnp.maximum(yv.astype(jnp.int32), 0), H - 1)
                x1 = jnp.minimum(x0 + 1, W - 1)
                y1 = jnp.minimum(y0 + 1, H - 1)
                fx = xv - x0.astype(jnp.float32)
                fy = yv - y0.astype(jnp.float32)
                qv = base + g * L + iota
                offs = lax.shift_left(
                    lax.shift_right_logical(qv, log2_hw), log2_hw)
                row0 = offs + lax.shift_left(y0, log2_w)
                row1 = offs + lax.shift_left(y1, log2_w)
                i00_v[sl] = row0 + x0
                i01_v[sl] = row0 + x1
                i10_v[sl] = row1 + x0
                i11_v[sl] = row1 + x1
                gx = 1.0 - fx
                gy = 1.0 - fy
                w00_v[sl] = gy * gx
                w01_v[sl] = gy * fx
                w10_v[sl] = fy * gx
                w11_v[sl] = fy * fx

            c00 = pltpu.async_copy(table_hbm.at[i00_v], r00_v, sem)
            c01 = pltpu.async_copy(table_hbm.at[i01_v], r01_v, sem)
            c10 = pltpu.async_copy(table_hbm.at[i10_v], r10_v, sem)
            c11 = pltpu.async_copy(table_hbm.at[i11_v], r11_v, sem)
            c00.wait()
            c01.wait()
            c10.wait()
            c11.wait()

            def group_body(g, _):
                gs = pl.ds(g * L, L)
                wv00 = w00_v[gs]
                wv01 = w01_v[gs]
                wv10 = w10_v[gs]
                wv11 = w11_v[gs]
                for l in range(L):
                    q = g * L + l
                    w00 = jnp.full((L,), wv00[l], dtype=jnp.float32)
                    w01 = jnp.full((L,), wv01[l], dtype=jnp.float32)
                    w10 = jnp.full((L,), wv10[l], dtype=jnp.float32)
                    w11 = jnp.full((L,), wv11[l], dtype=jnp.float32)
                    for k in range(C // L):
                        cs = pl.ds(k * L, L)
                        acc = w00 * r00_v[q, cs]
                        acc = acc + w01 * r01_v[q, cs]
                        acc = acc + w10 * r10_v[q, cs]
                        acc = acc + w11 * r11_v[q, cs]
                        out_v[q, cs] = acc
                return 0

            lax.fori_loop(0, CHUNK // L, group_body, 0)
            pltpu.sync_copy(out_v, out_hbm.at[pl.ds(base, CHUNK)])
            return 0

        lax.fori_loop(0, n_chunks, chunk_body, 0)

    return sc_interp


def kernel(v, xq, yq):
    B, C, H, W = v.shape
    info = plsc.get_sparse_core_info()
    NW = info.num_cores * info.num_subcores
    table = jnp.transpose(v, (0, 2, 3, 1)).reshape(B * H * W, C)
    xq_f = xq.reshape(B * H * W)
    yq_f = yq.reshape(B * H * W)
    sc = _make_sc_interp(B, C, H, W, NW, CHUNK=128)
    out_rows = sc(table, xq_f, yq_f)
    return jnp.transpose(out_rows.reshape(B, H, W, C), (0, 3, 1, 2))

# --- scband reference (transcript-rebuilt; emitter-appended) ---
"""Pipeline reference for scband-interp2-68719477102 (READ-ONLY COPY).

The authoritative reference and input builder live on the scoring server;
editing this copy changes nothing except your own understanding.
"""

import jax, jax.numpy as jnp
import numpy as np

B, C, H, W = 2, 96, 512, 512

def setup_inputs(seed: int = 0) -> dict:
    key = jax.random.key(seed)
    kv, kx, ky = jax.random.split(key, 3)
    v = jax.random.normal(kv, (B, C, H, W), dtype=jnp.float32)
    # uniform query coords spread over the full image plane (harness fill=rand is [0,1);
    # scaled here to exercise random gathers across the whole feature map)
    xq = jax.random.uniform(kx, (B, H, W), dtype=jnp.float32) * (W - 1)
    yq = jax.random.uniform(ky, (B, H, W), dtype=jnp.float32) * (H - 1)
    return {"v": v, "xq": xq, "yq": yq}

def reference(v, xq, yq):
    b, c, h, w = v.shape
    x0 = jnp.clip(jnp.floor(xq), 0, w - 1).astype(jnp.int32)
    y0 = jnp.clip(jnp.floor(yq), 0, h - 1).astype(jnp.int32)
    x1 = jnp.clip(x0 + 1, 0, w - 1)
    y1 = jnp.clip(y0 + 1, 0, h - 1)
    offs = (jnp.arange(b, dtype=jnp.int32) * (h * w)).reshape(-1, 1, 1)
    i00 = y0 * w + x0 + offs
    i01 = y0 * w + x1 + offs
    i10 = y1 * w + x0 + offs
    i11 = y1 * w + x1 + offs
    # bchw -> (b*h*w, c)
    v_flat = jnp.transpose(v, (0, 2, 3, 1)).reshape(-1, c)
    def gather(idx):
        return jnp.take(v_flat, idx.reshape(-1), axis=0).reshape(b, h, w, c)
    v00 = gather(i00)
    v01 = gather(i01)
    v10 = gather(i10)
    v11 = gather(i11)
    fx = (xq - x0.astype(jnp.float32))[..., None]
    fy = (yq - y0.astype(jnp.float32))[..., None]
    w00 = (1.0 - fy) * (1.0 - fx)
    w01 = (1.0 - fy) * fx
    w10 = fy * (1.0 - fx)
    w11 = fy * fx
    values_bhwc = v00 * w00 + v01 * w01 + v10 * w10 + v11 * w11
    values = jnp.transpose(values_bhwc, (0, 3, 1, 2))  # bhwc -> bchw
    invalid = ((xq < 0) | (xq >= w) | (yq < 0) | (yq >= h)).astype(jnp.float32)[:, None, :, :]
    return (1.0 - invalid) * values

if __name__ == "__main__":
    import jax
    _d = setup_inputs()
    print(jax.jit(kernel)(*tuple(_d.values())))

</pallas_src>

<mosaic_0001>
#map = affine_map<(d0, d1) -> (0, 0)>
#map1 = affine_map<(d0, d1) -> (0)>
module attributes {stable_mosaic.version = 14 : i64} {
  func.func @sc_interp(%arg0: i32, %arg1: i32, %arg2: memref<524288x96xf32, #tpu.memory_space<hbm>>, %arg3: memref<524288xf32, #tpu.memory_space<hbm>>, %arg4: memref<524288xf32, #tpu.memory_space<hbm>>, %arg5: memref<524288x96xf32, #tpu.memory_space<hbm>>, %arg6: memref<128xf32, #tpu.memory_space<vmem>>, %arg7: memref<128xf32, #tpu.memory_space<vmem>>, %arg8: memref<128xi32, #tpu.memory_space<vmem>>, %arg9: memref<128xi32, #tpu.memory_space<vmem>>, %arg10: memref<128xi32, #tpu.memory_space<vmem>>, %arg11: memref<128xi32, #tpu.memory_space<vmem>>, %arg12: memref<128xf32, #tpu.memory_space<vmem>>, %arg13: memref<128xf32, #tpu.memory_space<vmem>>, %arg14: memref<128xf32, #tpu.memory_space<vmem>>, %arg15: memref<128xf32, #tpu.memory_space<vmem>>, %arg16: memref<128x96xf32, #tpu.memory_space<vmem>>, %arg17: memref<128x96xf32, #tpu.memory_space<vmem>>, %arg18: memref<128x96xf32, #tpu.memory_space<vmem>>, %arg19: memref<128x96xf32, #tpu.memory_space<vmem>>, %arg20: memref<128x96xf32, #tpu.memory_space<vmem>>, %arg21: memref<!tpu.dma_semaphore, #tpu.memory_space<semaphore_mem>>) attributes {dimension_semantics = [#tpu.dimension_semantics<core_parallel>, #tpu.dimension_semantics<subcore_parallel>], iteration_bounds = array<i64: 2, 16>, scalar_prefetch = 0 : i64, scratch_operands = 16 : i64, tpu.core_type = #tpu.core_type<sc_vector_subcore>, window_params = [{transform_indices = #map}, {transform_indices = #map1}, {transform_indices = #map1}, {transform_indices = #map}]} {
    %mul3A = arith.constant 2 : i32
    %mul3A_0 = arith.muli %arg1, %mul3A : i32
    %add3A = arith.addi %mul3A_0, %arg0 : i32
    %mul3A_1 = arith.constant 16384 : i32
    %mul3A_2 = arith.muli %add3A, %mul3A_1 : i32
    %scan3A = arith.constant 0 : i32
    %scan3A_3 = arith.constant 0 : i32
    %scan3A_4 = arith.constant 128 : i32
    %scan3A_5 = arith.addi %scan3A_3, %scan3A_4 : i32
    %scan3A_6 = arith.constant 1 : i32
    %scan3A_7 = scf.for %scan3A_9 = %scan3A_3 to %scan3A_5 step %scan3A_6 iter_args(%scan3A_10 = %scan3A) -> (i32)  : i32 {
      %mul3A_11 = arith.constant 128 : i32
      %mul3A_12 = arith.muli %scan3A_9, %mul3A_11 : i32
      %add3A_13 = arith.addi %mul3A_2, %mul3A_12 : i32
      "tpu.region"() ({
        %run_scoped3A = tpu.sem_alloc : memref<!tpu.dma_semaphore, #tpu.memory_space<semaphore_mem>>
        %dma_start3A_836 = tpu.memref_slice %arg3[%add3A_13] : memref<524288xf32, #tpu.memory_space<hbm>> -> memref<128xf32, #tpu.memory_space<hbm>>
        %dma_start3A_837 = tpu.memref_slice %arg3[%add3A_13] : memref<524288xf32, #tpu.memory_space<hbm>> -> memref<128xf32, #tpu.memory_space<hbm>>
        tpu.enqueue_dma source(%dma_start3A_837 : memref<128xf32, #tpu.memory_space<hbm>>) target(%arg6 : memref<128xf32, #tpu.memory_space<vmem>>) target_semaphore(%run_scoped3A : memref<!tpu.dma_semaphore, #tpu.memory_space<semaphore_mem>>)
        %dma_wait3A_838 = tpu.memref_slice %arg3[%add3A_13] : memref<524288xf32, #tpu.memory_space<hbm>> -> memref<128xf32, #tpu.memory_space<hbm>>
        %dma_wait3A_839 = tpu.memref_slice %arg3[%add3A_13] : memref<524288xf32, #tpu.memory_space<hbm>> -> memref<128xf32, #tpu.memory_space<hbm>>
        tpu.wait_dma2 semaphore(%run_scoped3A : memref<!tpu.dma_semaphore, #tpu.memory_space<semaphore_mem>>) src(%dma_wait3A_839 : memref<128xf32, #tpu.memory_space<hbm>>) dst(%arg6 : memref<128xf32, #tpu.memory_space<vmem>>)
        tpu.yield
      }) : () -> ()
      "tpu.region"() ({
        %run_scoped3A = tpu.sem_alloc : memref<!tpu.dma_semaphore, #tpu.memory_space<semaphore_mem>>
        %dma_start3A_836 = tpu.memref_slice %arg4[%add3A_13] : memref<524288xf32, #tpu.memory_space<hbm>> -> memref<128xf32, #tpu.memory_space<hbm>>
        %dma_start3A_837 = tpu.memref_slice %arg4[%add3A_13] : memref<524288xf32, #tpu.memory_space<hbm>> -> memref<128xf32, #tpu.memory_space<hbm>>
        tpu.enqueue_dma source(%dma_start3A_837 : memref<128xf32, #tpu.memory_space<hbm>>) target(%arg7 : memref<128xf32, #tpu.memory_space<vmem>>) target_semaphore(%run_scoped3A : memref<!tpu.dma_semaphore, #tpu.memory_space<semaphore_mem>>)
        %dma_wait3A_838 = tpu.memref_slice %arg4[%add3A_13] : memref<524288xf32, #tpu.memory_space<hbm>> -> memref<128xf32, #tpu.memory_space<hbm>>
        %dma_wait3A_839 = tpu.memref_slice %arg4[%add3A_13] : memref<524288xf32, #tpu.memory_space<hbm>> -> memref<128xf32, #tpu.memory_space<hbm>>
        tpu.wait_dma2 semaphore(%run_scoped3A : memref<!tpu.dma_semaphore, #tpu.memory_space<semaphore_mem>>) src(%dma_wait3A_839 : memref<128xf32, #tpu.memory_space<hbm>>) dst(%arg7 : memref<128xf32, #tpu.memory_space<vmem>>)
        tpu.yield
      }) : () -> ()
      %iota3A = tpu.iota {dimensions = array<i32: 0>} : vector<16xi32>
      %get3A = arith.constant 0 : index
      %get3A_14 = tpu.vector_load %arg6[%get3A] {strides = array<i32>} : memref<128xf32, #tpu.memory_space<vmem>>, vector<16xf32>,
      %get3A_15 = vector.shape_cast %get3A_14 : vector<16xf32> to vector<16xf32>
      %get3A_16 = arith.constant 0 : index
      %get3A_17 = tpu.vector_load %arg7[%get3A_16] {strides = array<i32>} : memref<128xf32, #tpu.memory_space<vmem>>, vector<16xf32>,
      %get3A_18 = vector.shape_cast %get3A_17 : vector<16xf32> to vector<16xf32>
      %convert_element_type3A = arith.fptosi %get3A_15 : vector<16xf32> to vector<16xi32>
      %max3A = arith.constant 0 : i32
      %max3A_19 = vector.broadcast %max3A : i32 to vector<16xi32>
      %max3A_20 = arith.maxsi %convert_element_type3A, %max3A_19 : vector<16xi32>
      %min3A = arith.constant 511 : i32
      %min3A_21 = vector.broadcast %min3A : i32 to vector<16xi32>
      %min3A_22 = arith.minsi %max3A_20, %min3A_21 : vector<16xi32>
      %convert_element_type3A_23 = arith.fptosi %get3A_18 : vector<16xf32> to vector<16xi32>
      %max3A_24 = arith.constant 0 : i32
      %max3A_25 = vector.broadcast %max3A_24 : i32 to vector<16xi32>
      %max3A_26 = arith.maxsi %convert_element_type3A_23, %max3A_25 : vector<16xi32>
      %min3A_27 = arith.constant 511 : i32
      %min3A_28 = vector.broadcast %min3A_27 : i32 to vector<16xi32>
      %min3A_29 = arith.minsi %max3A_26, %min3A_28 : vector<16xi32>
      %add3A_30 = arith.constant 1 : i32
      %add3A_31 = vector.broadcast %add3A_30 : i32 to vector<16xi32>
      %add3A_32 = arith.addi %min3A_22, %add3A_31 : vector<16xi32>
      %min3A_33 = arith.constant 511 : i32
      %min3A_34 = vector.broadcast %min3A_33 : i32 to vector<16xi32>
      %min3A_35 = arith.minsi %add3A_32, %min3A_34 : vector<16xi32>
      %add3A_36 = arith.constant 1 : i32
      %add3A_37 = vector.broadcast %add3A_36 : i32 to vector<16xi32>
      %add3A_38 = arith.addi %min3A_29, %add3A_37 : vector<16xi32>
      %min3A_39 = arith.constant 511 : i32
      %min3A_40 = vector.broadcast %min3A_39 : i32 to vector<16xi32>
      %min3A_41 = arith.minsi %add3A_38, %min3A_40 : vector<16xi32>
      %convert_element_type3A_42 = arith.sitofp %min3A_22 : vector<16xi32> to vector<16xf32>
      %sub3A = arith.subf %get3A_15, %convert_element_type3A_42 : vector<16xf32>
      %convert_element_type3A_43 = arith.sitofp %min3A_29 : vector<16xi32> to vector<16xf32>
      %sub3A_44 = arith.subf %get3A_18, %convert_element_type3A_43 : vector<16xf32>
      %add3A_45 = arith.constant 0 : i32
      %add3A_46 = arith.addi %add3A_13, %add3A_45 : i32
      %add3A_47 = vector.broadcast %add3A_46 : i32 to vector<16xi32>
      %add3A_48 = arith.addi %add3A_47, %iota3A : vector<16xi32>
      %shift_right_logical3A = arith.constant 18 : i32
      %shift_right_logical3A_49 = vector.broadcast %shift_right_logical3A : i32 to vector<16xi32>
      %shift_right_logical3A_50 = arith.shrui %add3A_48, %shift_right_logical3A_49 : vector<16xi32>
      %shift_left3A = arith.constant 18 : i32
      %shift_left3A_51 = vector.broadcast %shift_left3A : i32 to vector<16xi32>
      %shift_left3A_52 = arith.shli %shift_right_logical3A_50, %shift_left3A_51 : vector<16xi32>
      %shift_left3A_53 = arith.constant 9 : i32
      %shift_left3A_54 = vector.broadcast %shift_left3A_53 : i32 to vector<16xi32>
      %shift_left3A_55 = arith.shli %min3A_29, %shift_left3A_54 : vector<16xi32>
      %add3A_56 = arith.addi %shift_left3A_52, %shift_left3A_55 : vector<16xi32>
      %shift_left3A_57 = arith.constant 9 : i32
      %shift_left3A_58 = vector.broadcast %shift_left3A_57 : i32 to vector<16xi32>
      %shift_left3A_59 = arith.shli %min3A_41, %shift_left3A_58 : vector<16xi32>
      %add3A_60 = arith.addi %shift_left3A_52, %shift_left3A_59 : vector<16xi32>
      %add3A_61 = arith.addi %add3A_56, %min3A_22 : vector<16xi32>
      %swap3A = arith.constant 0 : index
      %swap3A_62 = tpu.vector_load %arg8[%swap3A] {strides = array<i32>} : memref<128xi32, #tpu.memory_space<vmem>>, vector<16xi32>,
      %swap3A_63 = vector.shape_cast %swap3A_62 : vector<16xi32> to vector<16xi32>
      %swap3A_64 = vector.shape_cast %add3A_61 : vector<16xi32> to vector<16xi32>
      tpu.vector_store %arg8[%swap3A], %swap3A_64 {strides = array<i32>} : memref<128xi32, #tpu.memory_space<vmem>>, vector<16xi32>,
      %add3A_65 = arith.addi %add3A_56, %min3A_35 : vector<16xi32>
      %swap3A_66 = arith.constant 0 : index
      %swap3A_67 = tpu.vector_load %arg9[%swap3A_66] {strides = array<i32>} : memref<128xi32, #tpu.memory_space<vmem>>, vector<16xi32>,
      %swap3A_68 = vector.shape_cast %swap3A_67 : vector<16xi32> to vector<16xi32>
      %swap3A_69 = vector.shape_cast %add3A_65 : vector<16xi32> to vector<16xi32>
      tpu.vector_store %arg9[%swap3A_66], %swap3A_69 {strides = array<i32>} : memref<128xi32, #tpu.memory_space<vmem>>, vector<16xi32>,
      %add3A_70 = arith.addi %add3A_60, %min3A_22 : vector<16xi32>
      %swap3A_71 = arith.constant 0 : index
      %swap3A_72 = tpu.vector_load %arg10[%swap3A_71] {strides = array<i32>} : memref<128xi32, #tpu.memory_space<vmem>>, vector<16xi32>,
      %swap3A_73 = vector.shape_cast %swap3A_72 : vector<16xi32> to vector<16xi32>
      %swap3A_74 = vector.shape_cast %add3A_70 : vector<16xi32> to vector<16xi32>
      tpu.vector_store %arg10[%swap3A_71], %swap3A_74 {strides = array<i32>} : memref<128xi32, #tpu.memory_space<vmem>>, vector<16xi32>,
      %add3A_75 = arith.addi %add3A_60, %min3A_35 : vector<16xi32>
      %swap3A_76 = arith.constant 0 : index
      %swap3A_77 = tpu.vector_load %arg11[%swap3A_76] {strides = array<i32>} : memref<128xi32, #tpu.memory_space<vmem>>, vector<16xi32>,
      %swap3A_78 = vector.shape_cast %swap3A_77 : vector<16xi32> to vector<16xi32>
      %swap3A_79 = vector.shape_cast %add3A_75 : vector<16xi32> to vector<16xi32>
      tpu.vector_store %arg11[%swap3A_76], %swap3A_79 {strides = array<i32>} : memref<128xi32, #tpu.memory_space<vmem>>, vector<16xi32>,
      %sub3A_80 = arith.constant 1.000000e+00 : f32
      %sub3A_81 = vector.broadcast %sub3A_80 : f32 to vector<16xf32>
      %sub3A_82 = arith.subf %sub3A_81, %sub3A : vector<16xf32>
      %sub3A_83 = arith.constant 1.000000e+00 : f32
      %sub3A_84 = vector.broadcast %sub3A_83 : f32 to vector<16xf32>
      %sub3A_85 = arith.subf %sub3A_84, %sub3A_44 : vector<16xf32>
      %mul3A_86 = arith.mulf %sub3A_85, %sub3A_82 : vector<16xf32>
      %swap3A_87 = arith.constant 0 : index
      %swap3A_88 = tpu.vector_load %arg12[%swap3A_87] {strides = array<i32>} : memref<128xf32, #tpu.memory_space<vmem>>, vector<16xf32>,
      %swap3A_89 = vector.shape_cast %swap3A_88 : vector<16xf32> to vector<16xf32>
      %swap3A_90 = vector.shape_cast %mul3A_86 : vector<16xf32> to vector<16xf32>
      tpu.vector_store %arg12[%swap3A_87], %swap3A_90 {strides = array<i32>} : memref<128xf32, #tpu.memory_space<vmem>>, vector<16xf32>,
      %mul3A_91 = arith.mulf %sub3A_85, %sub3A : vector<16xf32>
      %swap3A_92 = arith.constant 0 : index
      %swap3A_93 = tpu.vector_load %arg13[%swap3A_92] {strides = array<i32>} : memref<128xf32, #tpu.memory_space<vmem>>, vector<16xf32>,
      %swap3A_94 = vector.shape_cast %swap3A_93 : vector<16xf32> to vector<16xf32>
      %swap3A_95 = vector.shape_cast %mul3A_91 : vector<16xf32> to vector<16xf32>
      tpu.vector_store %arg13[%swap3A_92], %swap3A_95 {strides = array<i32>} : memref<128xf32, #tpu.memory_space<vmem>>, vector<16xf32>,
      %mul3A_96 = arith.mulf %sub3A_44, %sub3A_82 : vector<16xf32>
      %swap3A_97 = arith.constant 0 : index
      %swap3A_98 = tpu.vector_load %arg14[%swap3A_97] {strides = array<i32>} : memref<128xf32, #tpu.memory_space<vmem>>, vector<16xf32>,
      %swap3A_99 = vector.shape_cast %swap3A_98 : vector<16xf32> to vector<16xf32>
      %swap3A_100 = vector.shape_cast %mul3A_96 : vector<16xf32> to vector<16xf32>
      tpu.vector_store %arg14[%swap3A_97], %swap3A_100 {strides = array<i32>} : memref<128xf32, #tpu.memory_space<vmem>>, vector<16xf32>,
      %mul3A_101 = arith.mulf %sub3A_44, %sub3A : vector<16xf32>
      %swap3A_102 = arith.constant 0 : index
      %swap3A_103 = tpu.vector_load %arg15[%swap3A_102] {strides = array<i32>} : memref<128xf32, #tpu.memory_space<vmem>>, vector<16xf32>,
      %swap3A_104 = vector.shape_cast %swap3A_103 : vector<16xf32> to vector<16xf32>
      %swap3A_105 = vector.shape_cast %mul3A_101 : vector<16xf32> to vector<16xf32>
      tpu.vector_store %arg15[%swap3A_102], %swap3A_105 {strides = array<i32>} : memref<128xf32, #tpu.memory_space<vmem>>, vector<16xf32>,
      %get3A_106 = arith.constant 16 : index
      %get3A_107 = tpu.vector_load %arg6[%get3A_106] {strides = array<i32>} : memref<128xf32, #tpu.memory_space<vmem>>, vector<16xf32>,
      %get3A_108 = vector.shape_cast %get3A_107 : vector<16xf32> to vector<16xf32>
      %get3A_109 = arith.constant 16 : index
      %get3A_110 = tpu.vector_load %arg7[%get3A_109] {strides = array<i32>} : memref<128xf32, #tpu.memory_space<vmem>>, vector<16xf32>,
      %get3A_111 = vector.shape_cast %get3A_110 : vector<16xf32> to vector<16xf32>
      %convert_element_type3A_112 = arith.fptosi %get3A_108 : vector<16xf32> to vector<16xi32>
      %max3A_113 = arith.constant 0 : i32
      %max3A_114 = vector.broadcast %max3A_113 : i32 to vector<16xi32>
      %max3A_115 = arith.maxsi %convert_element_type3A_112, %max3A_114 : vector<16xi32>
      %min3A_116 = arith.constant 511 : i32
      %min3A_117 = vector.broadcast %min3A_116 : i32 to vector<16xi32>
      %min3A_118 = arith.minsi %max3A_115, %min3A_117 : vector<16xi32>
      %convert_element_type3A_119 = arith.fptosi %get3A_111 : vector<16xf32> to vector<16xi32>
      %max3A_120 = arith.constant 0 : i32
      %max3A_121 = vector.broadcast %max3A_120 : i32 to vector<16xi32>
      %max3A_122 = arith.maxsi %convert_element_type3A_119, %max3A_121 : vector<16xi32>
      %min3A_123 = arith.constant 511 : i32
      %min3A_124 = vector.broadcast %min3A_123 : i32 to vector<16xi32>
      %min3A_125 = arith.minsi %max3A_122, %min3A_124 : vector<16xi32>
      %add3A_126 = arith.constant 1 : i32
      %add3A_127 = vector.broadcast %add3A_126 : i32 to vector<16xi32>
      %add3A_128 = arith.addi %min3A_118, %add3A_127 : vector<16xi32>
      %min3A_129 = arith.constant 511 : i32
      %min3A_130 = vector.broadcast %min3A_129 : i32 to vector<16xi32>
      %min3A_131 = arith.minsi %add3A_128, %min3A_130 : vector<16xi32>
      %add3A_132 = arith.constant 1 : i32
      %add3A_133 = vector.broadcast %add3A_132 : i32 to vector<16xi32>
      %add3A_134 = arith.addi %min3A_125, %add3A_133 : vector<16xi32>
      %min3A_135 = arith.constant 511 : i32
      %min3A_136 = vector.broadcast %min3A_135 : i32 to vector<16xi32>
      %min3A_137 = arith.minsi %add3A_134, %min3A_136 : vector<16xi32>
      %convert_element_type3A_138 = arith.sitofp %min3A_118 : vector<16xi32> to vector<16xf32>
      %sub3A_139 = arith.subf %get3A_108, %convert_element_type3A_138 : vector<16xf32>
      %convert_element_type3A_140 = arith.sitofp %min3A_125 : vector<16xi32> to vector<16xf32>
      %sub3A_141 = arith.subf %get3A_111, %convert_element_type3A_140 : vector<16xf32>
      %add3A_142 = arith.constant 16 : i32
      %add3A_143 = arith.addi %add3A_13, %add3A_142 : i32
      %add3A_144 = vector.broadcast %add3A_143 : i32 to vector<16xi32>
      %add3A_145 = arith.addi %add3A_144, %iota3A : vector<16xi32>
      %shift_right_logical3A_146 = arith.constant 18 : i32
      %shift_right_logical3A_147 = vector.broadcast %shift_right_logical3A_146 : i32 to vector<16xi32>
      %shift_right_logical3A_148 = arith.shrui %add3A_145, %shift_right_logical3A_147 : vector<16xi32>
      %shift_left3A_149 = arith.constant 18 : i32
      %shift_left3A_150 = vector.broadcast %shift_left3A_149 : i32 to vector<16xi32>
      %shift_left3A_151 = arith.shli %shift_right_logical3A_148, %shift_left3A_150 : vector<16xi32>
      %shift_left3A_152 = arith.constant 9 : i32
      %shift_left3A_153 = vector.broadcast %shift_left3A_152 : i32 to vector<16xi32>
      %shift_left3A_154 = arith.shli %min3A_125, %shift_left3A_153 : vector<16xi32>
      %add3A_155 = arith.addi %shift_left3A_151, %shift_left3A_154 : vector<16xi32>
      %shift_left3A_156 = arith.constant 9 : i32
      %shift_left3A_157 = vector.broadcast %shift_left3A_156 : i32 to vector<16xi32>
      %shift_left3A_158 = arith.shli %min3A_137, %shift_left3A_157 : vector<16xi32>
      %add3A_159 = arith.addi %shift_left3A_151, %shift_left3A_158 : vector<16xi32>
      %add3A_160 = arith.addi %add3A_155, %min3A_118 : vector<16xi32>
      %swap3A_161 = arith.constant 16 : index
      %swap3A_162 = tpu.vector_load %arg8[%swap3A_161] {strides = array<i32>} : memref<128xi32, #tpu.memory_space<vmem>>, vector<16xi32>,
      %swap3A_163 = vector.shape_cast %swap3A_162 : vector<16xi32> to vector<16xi32>
      %swap3A_164 = vector.shape_cast %add3A_160 : vector<16xi32> to vector<16xi32>
      tpu.vector_store %arg8[%swap3A_161], %swap3A_164 {strides = array<i32>} : memref<128xi32, #tpu.memory_space<vmem>>, vector<16xi32>,
      %add3A_165 = arith.addi %add3A_155, %min3A_131 : vector<16xi32>
      %swap3A_166 = arith.constant 16 : index
      %swap3A_167 = tpu.vector_load %arg9[%swap3A_166] {strides = array<i32>} : memref<128xi32, #tpu.memory_space<vmem>>, vector<16xi32>,
      %swap3A_168 = vector.shape_cast %swap3A_167 : vector<16xi32> to vector<16xi32>
      %swap3A_169 = vector.shape_cast %add3A_165 : vector<16xi32> to vector<16xi32>
      tpu.vector_store %arg9[%swap3A_166], %swap3A_169 {strides = array<i32>} : memref<128xi32, #tpu.memory_space<vmem>>, vector<16xi32>,
      %add3A_170 = arith.addi %add3A_159, %min3A_118 : vector<16xi32>
      %swap3A_171 = arith.constant 16 : index
      %swap3A_172 = tpu.vector_load %arg10[%swap3A_171] {strides = array<i32>} : memref<128xi32, #tpu.memory_space<vmem>>, vector<16xi32>,
      %swap3A_173 = vector.shape_cast %swap3A_172 : vector<16xi32> to vector<16xi32>
      %swap3A_174 = vector.shape_cast %add3A_170 : vector<16xi32> to vector<16xi32>
      tpu.vector_store %arg10[%swap3A_171], %swap3A_174 {strides = array<i32>} : memref<128xi32, #tpu.memory_space<vmem>>, vector<16xi32>,
      %add3A_175 = arith.addi %add3A_159, %min3A_131 : vector<16xi32>
      %swap3A_176 = arith.constant 16 : index
      %swap3A_177 = tpu.vector_load %arg11[%swap3A_176] {strides = array<i32>} : memref<128xi32, #tpu.memory_space<vmem>>, vector<16xi32>,
      %swap3A_178 = vector.shape_cast %swap3A_177 : vector<16xi32> to vector<16xi32>
      %swap3A_179 = vector.shape_cast %add3A_175 : vector<16xi32> to vector<16xi32>
      tpu.vector_store %arg11[%swap3A_176], %swap3A_179 {strides = array<i32>} : memref<128xi32, #tpu.memory_space<vmem>>, vector<16xi32>,
      %sub3A_180 = arith.constant 1.000000e+00 : f32
      %sub3A_181 = vector.broadcast %sub3A_180 : f32 to vector<16xf32>
      %sub3A_182 = arith.subf %sub3A_181, %sub3A_139 : vector<16xf32>
      %sub3A_183 = arith.constant 1.000000e+00 : f32
      %sub3A_184 = vector.broadcast %sub3A_183 : f32 to vector<16xf32>
      %sub3A_185 = arith.subf %sub3A_184, %sub3A_141 : vector<16xf32>
      %mul3A_186 = arith.mulf %sub3A_185, %sub3A_182 : vector<16xf32>
      %swap3A_187 = arith.constant 16 : index
      %swap3A_188 = tpu.vector_load %arg12[%swap3A_187] {strides = array<i32>} : memref<128xf32, #tpu.memory_space<vmem>>, vector<16xf32>,
      %swap3A_189 = vector.shape_cast %swap3A_188 : vector<16xf32> to vector<16xf32>
      %swap3A_190 = vector.shape_cast %mul3A_186 : vector<16xf32> to vector<16xf32>
      tpu.vector_store %arg12[%swap3A_187], %swap3A_190 {strides = array<i32>} : memref<128xf32, #tpu.memory_space<vmem>>, vector<16xf32>,
      %mul3A_191 = arith.mulf %sub3A_185, %sub3A_139 : vector<16xf32>
      %swap3A_192 = arith.constant 16 : index
      %swap3A_193 = tpu.vector_load %arg13[%swap3A_192] {strides = array<i32>} : memref<128xf32, #tpu.memory_space<vmem>>, vector<16xf32>,
      %swap3A_194 = vector.shape_cast %swap3A_193 : vector<16xf32> to vector<16xf32>
      %swap3A_195 = vector.shape_cast %mul3A_191 : vector<16xf32> to vector<16xf32>
      tpu.vector_store %arg13[%swap3A_192], %swap3A_195 {strides = array<i32>} : memref<128xf32, #tpu.memory_space<vmem>>, vector<16xf32>,
      %mul3A_196 = arith.mulf %sub3A_141, %sub3A_182 : vector<16xf32>
      %swap3A_197 = arith.constant 16 : index
      %swap3A_198 = tpu.vector_load %arg14[%swap3A_197] {strides = array<i32>} : memref<128xf32, #tpu.memory_space<vmem>>, vector<16xf32>,
      %swap3A_199 = vector.shape_cast %swap3A_198 : vector<16xf32> to vector<16xf32>
      %swap3A_200 = vector.shape_cast %mul3A_196 : vector<16xf32> to vector<16xf32>
      tpu.vector_store %arg14[%swap3A_197], %swap3A_200 {strides = array<i32>} : memref<128xf32, #tpu.memory_space<vmem>>, vector<16xf32>,
      %mul3A_201 = arith.mulf %sub3A_141, %sub3A_139 : vector<16xf32>
      %swap3A_202 = arith.constant 16 : index
      %swap3A_203 = tpu.vector_load %arg15[%swap3A_202] {strides = array<i32>} : memref<128xf32, #tpu.memory_space<vmem>>, vector<16xf32>,
      %swap3A_204 = vector.shape_cast %swap3A_203 : vector<16xf32> to vector<16xf32>
      %swap3A_205 = vector.shape_cast %mul3A_201 : vector<16xf32> to vector<16xf32>
      tpu.vector_store %arg15[%swap3A_202], %swap3A_205 {strides = array<i32>} : memref<128xf32, #tpu.memory_space<vmem>>, vector<16xf32>,
      %get3A_206 = arith.constant 32 : index
      %get3A_207 = tpu.vector_load %arg6[%get3A_206] {strides = array<i32>} : memref<128xf32, #tpu.memory_space<vmem>>, vector<16xf32>,
      %get3A_208 = vector.shape_cast %get3A_207 : vector<16xf32> to vector<16xf32>
      %get3A_209 = arith.constant 32 : index
      %get3A_210 = tpu.vector_load %arg7[%get3A_209] {strides = array<i32>} : memref<128xf32, #tpu.memory_space<vmem>>, vector<16xf32>,
      %get3A_211 = vector.shape_cast %get3A_210 : vector<16xf32> to vector<16xf32>
      %convert_element_type3A_212 = arith.fptosi %get3A_208 : vector<16xf32> to vector<16xi32>
      %max3A_213 = arith.constant 0 : i32
      %max3A_214 = vector.broadcast %max3A_213 : i32 to vector<16xi32>
      %max3A_215 = arith.maxsi %convert_element_type3A_212, %max3A_214 : vector<16xi32>
      %min3A_216 = arith.constant 511 : i32
      %min3A_217 = vector.broadcast %min3A_216 : i32 to vector<16xi32>
      %min3A_218 = arith.minsi %max3A_215, %min3A_217 : vector<16xi32>
      %convert_element_type3A_219 = arith.fptosi %get3A_211 : vector<16xf32> to vector<16xi32>
      %max3A_220 = arith.constant 0 : i32
      %max3A_221 = vector.broadcast %max3A_220 : i32 to vector<16xi32>
      %max3A_222 = arith.maxsi %convert_element_type3A_219, %max3A_221 : vector<16xi32>
      %min3A_223 = arith.constant 511 : i32
      %min3A_224 = vector.broadcast %min3A_223 : i32 to vector<16xi32>
      %min3A_225 = arith.minsi %max3A_222, %min3A_224 : vector<16xi32>
      %add3A_226 = arith.constant 1 : i32
      %add3A_227 = vector.broadcast %add3A_226 : i32 to vector<16xi32>
      %add3A_228 = arith.addi %min3A_218, %add3A_227 : vector<16xi32>
      %min3A_229 = arith.constant 511 : i32
      %min3A_230 = vector.broadcast %min3A_229 : i32 to vector<16xi32>
      %min3A_231 = arith.minsi %add3A_228, %min3A_230 : vector<16xi32>
      %add3A_232 = arith.constant 1 : i32
      %add3A_233 = vector.broadcast %add3A_232 : i32 to vector<16xi32>
      %add3A_234 = arith.addi %min3A_225, %add3A_233 : vector<16xi32>
      %min3A_235 = arith.constant 511 : i32
      %min3A_236 = vector.broadcast %min3A_235 : i32 to vector<16xi32>
      %min3A_237 = arith.minsi %add3A_234, %min3A_236 : vector<16xi32>
      %convert_element_type3A_238 = arith.sitofp %min3A_218 : vector<16xi32> to vector<16xf32>
      %sub3A_239 = arith.subf %get3A_208, %convert_element_type3A_238 : vector<16xf32>
      %convert_element_type3A_240 = arith.sitofp %min3A_225 : vector<16xi32> to vector<16xf32>
      %sub3A_241 = arith.subf %get3A_211, %convert_element_type3A_240 : vector<16xf32>
      %add3A_242 = arith.constant 32 : i32
      %add3A_243 = arith.addi %add3A_13, %add3A_242 : i32
      %add3A_244 = vector.broadcast %add3A_243 : i32 to vector<16xi32>
      %add3A_245 = arith.addi %add3A_244, %iota3A : vector<16xi32>
      %shift_right_logical3A_246 = arith.constant 18 : i32
      %shift_right_logical3A_247 = vector.broadcast %shift_right_logical3A_246 : i32 to vector<16xi32>
      %shift_right_logical3A_248 = arith.shrui %add3A_245, %shift_right_logical3A_247 : vector<16xi32>
      %shift_left3A_249 = arith.constant 18 : i32
      %shift_left3A_250 = vector.broadcast %shift_left3A_249 : i32 to vector<16xi32>
      %shift_left3A_251 = arith.shli %shift_right_logical3A_248, %shift_left3A_250 : vector<16xi32>
      %shift_left3A_252 = arith.constant 9 : i32
      %shift_left3A_253 = vector.broadcast %shift_left3A_252 : i32 to vector<16xi32>
      %shift_left3A_254 = arith.shli %min3A_225, %shift_left3A_253 : vector<16xi32>
      %add3A_255 = arith.addi %shift_left3A_251, %shift_left3A_254 : vector<16xi32>
      %shift_left3A_256 = arith.constant 9 : i32
      %shift_left3A_257 = vector.broadcast %shift_left3A_256 : i32 to vector<16xi32>
      %shift_left3A_258 = arith.shli %min3A_237, %shift_left3A_257 : vector<16xi32>
      %add3A_259 = arith.addi %shift_left3A_251, %shift_left3A_258 : vector<16xi32>
      %add3A_260 = arith.addi %add3A_255, %min3A_218 : vector<16xi32>
      %swap3A_261 = arith.constant 32 : index
      %swap3A_262 = tpu.vector_load %arg8[%swap3A_261] {strides = array<i32>} : memref<128xi32, #tpu.memory_space<vmem>>, vector<16xi32>,
      %swap3A_263 = vector.shape_cast %swap3A_262 : vector<16xi32> to vector<16xi32>
      %swap3A_264 = vector.shape_cast %add3A_260 : vector<16xi32> to vector<16xi32>
      tpu.vector_store %arg8[%swap3A_261], %swap3A_264 {strides = array<i32>} : memref<128xi32, #tpu.memory_space<vmem>>, vector<16xi32>,
      %add3A_265 = arith.addi %add3A_255, %min3A_231 : vector<16xi32>
      %swap3A_266 = arith.constant 32 : index
      %swap3A_267 = tpu.vector_load %arg9[%swap3A_266] {strides = array<i32>} : memref<128xi32, #tpu.memory_space<vmem>>, vector<16xi32>,
      %swap3A_268 = vector.shape_cast %swap3A_267 : vector<16xi32> to vector<16xi32>
      %swap3A_269 = vector.shape_cast %add3A_265 : vector<16xi32> to vector<16xi32>
      tpu.vector_store %arg9[%swap3A_266], %swap3A_269 {strides = array<i32>} : memref<128xi32, #tpu.memory_space<vmem>>, vector<16xi32>,
      %add3A_270 = arith.addi %add3A_259, %min3A_218 : vector<16xi32>
      %swap3A_271 = arith.constant 32 : index
      %swap3A_272 = tpu.vector_load %arg10[%swap3A_271] {strides = array<i32>} : memref<128xi32, #tpu.memory_space<vmem>>, vector<16xi32>,
      %swap3A_273 = vector.shape_cast %swap3A_272 : vector<16xi32> to vector<16xi32>
      %swap3A_274 = vector.shape_cast %add3A_270 : vector<16xi32> to vector<16xi32>
      tpu.vector_store %arg10[%swap3A_271], %swap3A_274 {strides = array<i32>} : memref<128xi32, #tpu.memory_space<vmem>>, vector<16xi32>,
      %add3A_275 = arith.addi %add3A_259, %min3A_231 : vector<16xi32>
      %swap3A_276 = arith.constant 32 : index
      %swap3A_277 = tpu.vector_load %arg11[%swap3A_276] {strides = array<i32>} : memref<128xi32, #tpu.memory_space<vmem>>, vector<16xi32>,
      %swap3A_278 = vector.shape_cast %swap3A_277 : vector<16xi32> to vector<16xi32>
      %swap3A_279 = vector.shape_cast %add3A_275 : vector<16xi32> to vector<16xi32>
      tpu.vector_store %arg11[%swap3A_276], %swap3A_279 {strides = array<i32>} : memref<128xi32, #tpu.memory_space<vmem>>, vector<16xi32>,
      %sub3A_280 = arith.constant 1.000000e+00 : f32
      %sub3A_281 = vector.broadcast %sub3A_280 : f32 to vector<16xf32>
      %sub3A_282 = arith.subf %sub3A_281, %sub3A_239 : vector<16xf32>
      %sub3A_283 = arith.constant 1.000000e+00 : f32
      %sub3A_284 = vector.broadcast %sub3A_283 : f32 to vector<16xf32>
      %sub3A_285 = arith.subf %sub3A_284, %sub3A_241 : vector<16xf32>
      %mul3A_286 = arith.mulf %sub3A_285, %sub3A_282 : vector<16xf32>
      %swap3A_287 = arith.constant 32 : index
      %swap3A_288 = tpu.vector_load %arg12[%swap3A_287] {strides = array<i32>} : memref<128xf32, #tpu.memory_space<vmem>>, vector<16xf32>,
      %swap3A_289 = vector.shape_cast %swap3A_288 : vector<16xf32> to vector<16xf32>
      %swap3A_290 = vector.shape_cast %mul3A_286 : vector<16xf32> to vector<16xf32>
      tpu.vector_store %arg12[%swap3A_287], %swap3A_290 {strides = array<i32>} : memref<128xf32, #tpu.memory_space<vmem>>, vector<16xf32>,
      %mul3A_291 = arith.mulf %sub3A_285, %sub3A_239 : vector<16xf32>
      %swap3A_292 = arith.constant 32 : index
      %swap3A_293 = tpu.vector_load %arg13[%swap3A_292] {strides = array<i32>} : memref<128xf32, #tpu.memory_space<vmem>>, vector<16xf32>,
      %swap3A_294 = vector.shape_cast %swap3A_293 : vector<16xf32> to vector<16xf32>
      %swap3A_295 = vector.shape_cast %mul3A_291 : vector<16xf32> to vector<16xf32>
      tpu.vector_store %arg13[%swap3A_292], %swap3A_295 {strides = array<i32>} : memref<128xf32, #tpu.memory_space<vmem>>, vector<16xf32>,
      %mul3A_296 = arith.mulf %sub3A_241, %sub3A_282 : vector<16xf32>
      %swap3A_297 = arith.constant 32 : index
      %swap3A_298 = tpu.vector_load %arg14[%swap3A_297] {strides = array<i32>} : memref<128xf32, #tpu.memory_space<vmem>>, vector<16xf32>,
      %swap3A_299 = vector.shape_cast %swap3A_298 : vector<16xf32> to vector<16xf32>
      %swap3A_300 = vector.shape_cast %mul3A_296 : vector<16xf32> to vector<16xf32>
      tpu.vector_store %arg14[%swap3A_297], %swap3A_300 {strides = array<i32>} : memref<128xf32, #tpu.memory_space<vmem>>, vector<16xf32>,
      %mul3A_301 = arith.mulf %sub3A_241, %sub3A_239 : vector<16xf32>
      %swap3A_302 = arith.constant 32 : index
      %swap3A_303 = tpu.vector_load %arg15[%swap3A_302] {strides = array<i32>} : memref<128xf32, #tpu.memory_space<vmem>>, vector<16xf32>,
      %swap3A_304 = vector.shape_cast %swap3A_303 : vector<16xf32> to vector<16xf32>
      %swap3A_305 = vector.shape_cast %mul3A_301 : vector<16xf32> to vector<16xf32>
      tpu.vector_store %arg15[%swap3A_302], %swap3A_305 {strides = array<i32>} : memref<128xf32, #tpu.memory_space<vmem>>, vector<16xf32>,
      %get3A_306 = arith.constant 48 : index
      %get3A_307 = tpu.vector_load %arg6[%get3A_306] {strides = array<i32>} : memref<128xf32, #tpu.memory_space<vmem>>, vector<16xf32>,
      %get3A_308 = vector.shape_cast %get3A_307 : vector<16xf32> to vector<16xf32>
      %get3A_309 = arith.constant 48 : index
      %get3A_310 = tpu.vector_load %arg7[%get3A_309] {strides = array<i32>} : memref<128xf32, #tpu.memory_space<vmem>>, vector<16xf32>,
      %get3A_311 = vector.shape_cast %get3A_310 : vector<16xf32> to vector<16xf32>
      %convert_element_type3A_312 = arith.fptosi %get3A_308 : vector<16xf32> to vector<16xi32>
      %max3A_313 = arith.constant 0 : i32
      %max3A_314 = vector.broadcast %max3A_313 : i32 to vector<16xi32>
      %max3A_315 = arith.maxsi %convert_element_type3A_312, %max3A_314 : vector<16xi32>
      %min3A_316 = arith.constant 511 : i32
      %min3A_317 = vector.broadcast %min3A_316 : i32 to vector<16xi32>
      %min3A_318 = arith.minsi %max3A_315, %min3A_317 : vector<16xi32>
      %convert_element_type3A_319 = arith.fptosi %get3A_311 : vector<16xf32> to vector<16xi32>
      %max3A_320 = arith.constant 0 : i32
      %max3A_321 = vector.broadcast %max3A_320 : i32 to vector<16xi32>
      %max3A_322 = arith.maxsi %convert_element_type3A_319, %max3A_321 : vector<16xi32>
      %min3A_323 = arith.constant 511 : i32
      %min3A_324 = vector.broadcast %min3A_323 : i32 to vector<16xi32>
      %min3A_325 = arith.minsi %max3A_322, %min3A_324 : vector<16xi32>
      %add3A_326 = arith.constant 1 : i32
      %add3A_327 = vector.broadcast %add3A_326 : i32 to vector<16xi32>
      %add3A_328 = arith.addi %min3A_318, %add3A_327 : vector<16xi32>
      %min3A_329 = arith.constant 511 : i32
      %min3A_330 = vector.broadcast %min3A_329 : i32 to vector<16xi32>
      %min3A_331 = arith.minsi %add3A_328, %min3A_330 : vector<16xi32>
      %add3A_332 = arith.constant 1 : i32
      %add3A_333 = vector.broadcast %add3A_332 : i32 to vector<16xi32>
      %add3A_334 = arith.addi %min3A_325, %add3A_333 : vector<16xi32>
      %min3A_335 = arith.constant 511 : i32
      %min3A_336 = vector.broadcast %min3A_335 : i32 to vector<16xi32>
      %min3A_337 = arith.minsi %add3A_334, %min3A_336 : vector<16xi32>
      %convert_element_type3A_338 = arith.sitofp %min3A_318 : vector<16xi32> to vector<16xf32>
      %sub3A_339 = arith.subf %get3A_308, %convert_element_type3A_338 : vector<16xf32>
      %convert_element_type3A_340 = arith.sitofp %min3A_325 : vector<16xi32> to vector<16xf32>
      %sub3A_341 = arith.subf %get3A_311, %convert_element_type3A_340 : vector<16xf32>
      %add3A_342 = arith.constant 48 : i32
      %add3A_343 = arith.addi %add3A_13, %add3A_342 : i32
      %add3A_344 = vector.broadcast %add3A_343 : i32 to vector<16xi32>
      %add3A_345 = arith.addi %add3A_344, %iota3A : vector<16xi32>
      %shift_right_logical3A_346 = arith.constant 18 : i32
      %shift_right_logical3A_347 = vector.broadcast %shift_right_logical3A_346 : i32 to vector<16xi32>
      %shift_right_logical3A_348 = arith.shrui %add3A_345, %shift_right_logical3A_347 : vector<16xi32>
      %shift_left3A_349 = arith.constant 18 : i32
      %shift_left3A_350 = vector.broadcast %shift_left3A_349 : i32 to vector<16xi32>
      %shift_left3A_351 = arith.shli %shift_right_logical3A_348, %shift_left3A_350 : vector<16xi32>
      %shift_left3A_352 = arith.constant 9 : i32
      %shift_left3A_353 = vector.broadcast %shift_left3A_352 : i32 to vector<16xi32>
      %shift_left3A_354 = arith.shli %min3A_325, %shift_left3A_353 : vector<16xi32>
      %add3A_355 = arith.addi %shift_left3A_351, %shift_left3A_354 : vector<16xi32>
      %shift_left3A_356 = arith.constant 9 : i32
      %shift_left3A_357 = vector.broadcast %shift_left3A_356 : i32 to vector<16xi32>
      %shift_left3A_358 = arith.shli %min3A_337, %shift_left3A_357 : vector<16xi32>
      %add3A_359 = arith.addi %shift_left3A_351, %shift_left3A_358 : vector<16xi32>
      %add3A_360 = arith.addi %add3A_355, %min3A_318 : vector<16xi32>
      %swap3A_361 = arith.constant 48 : index
      %swap3A_362 = tpu.vector_load %arg8[%swap3A_361] {strides = array<i32>} : memref<128xi32, #tpu.memory_space<vmem>>, vector<16xi32>,
      %swap3A_363 = vector.shape_cast %swap3A_362 : vector<16xi32> to vector<16xi32>
      %swap3A_364 = vector.shape_cast %add3A_360 : vector<16xi32> to vector<16xi32>
      tpu.vector_store %arg8[%swap3A_361], %swap3A_364 {strides = array<i32>} : memref<128xi32, #tpu.memory_space<vmem>>, vector<16xi32>,
      %add3A_365 = arith.addi %add3A_355, %min3A_331 : vector<16xi32>
      %swap3A_366 = arith.constant 48 : index
      %swap3A_367 = tpu.vector_load %arg9[%swap3A_366] {strides = array<i32>} : memref<128xi32, #tpu.memory_space<vmem>>, vector<16xi32>,
      %swap3A_368 = vector.shape_cast %swap3A_367 : vector<16xi32> to vector<16xi32>
      %swap3A_369 = vector.shape_cast %add3A_365 : vector<16xi32> to vector<16xi32>
      tpu.vector_store %arg9[%swap3A_366], %swap3A_369 {strides = array<i32>} : memref<128xi32, #tpu.memory_space<vmem>>, vector<16xi32>,
      %add3A_370 = arith.addi %add3A_359, %min3A_318 : vector<16xi32>
      %swap3A_371 = arith.constant 48 : index
      %swap3A_372 = tpu.vector_load %arg10[%swap3A_371] {strides = array<i32>} : memref<128xi32, #tpu.memory_space<vmem>>, vector<16xi32>,
      %swap3A_373 = vector.shape_cast %swap3A_372 : vector<16xi32> to vector<16xi32>
      %swap3A_374 = vector.shape_cast %add3A_370 : vector<16xi32> to vector<16xi32>
      tpu.vector_store %arg10[%swap3A_371], %swap3A_374 {strides = array<i32>} : memref<128xi32, #tpu.memory_space<vmem>>, vector<16xi32>,
      %add3A_375 = arith.addi %add3A_359, %min3A_331 : vector<16xi32>
      %swap3A_376 = arith.constant 48 : index
      %swap3A_377 = tpu.vector_load %arg11[%swap3A_376] {strides = array<i32>} : memref<128xi32, #tpu.memory_space<vmem>>, vector<16xi32>,
      %swap3A_378 = vector.shape_cast %swap3A_377 : vector<16xi32> to vector<16xi32>
      %swap3A_379 = vector.shape_cast %add3A_375 : vector<16xi32> to vector<16xi32>
      tpu.vector_store %arg11[%swap3A_376], %swap3A_379 {strides = array<i32>} : memref<128xi32, #tpu.memory_space<vmem>>, vector<16xi32>,
      %sub3A_380 = arith.constant 1.000000e+00 : f32
      %sub3A_381 = vector.broadcast %sub3A_380 : f32 to vector<16xf32>
      %sub3A_382 = arith.subf %sub3A_381, %sub3A_339 : vector<16xf32>
      %sub3A_383 = arith.constant 1.000000e+00 : f32
      %sub3A_384 = vector.broadcast %sub3A_383 : f32 to vector<16xf32>
      %sub3A_385 = arith.subf %sub3A_384, %sub3A_341 : vector<16xf32>
      %mul3A_386 = arith.mulf %sub3A_385, %sub3A_382 : vector<16xf32>
      %swap3A_387 = arith.constant 48 : index
      %swap3A_388 = tpu.vector_load %arg12[%swap3A_387] {strides = array<i32>} : memref<128xf32, #tpu.memory_space<vmem>>, vector<16xf32>,
      %swap3A_389 = vector.shape_cast %swap3A_388 : vector<16xf32> to vector<16xf32>
      %swap3A_390 = vector.shape_cast %mul3A_386 : vector<16xf32> to vector<16xf32>
      tpu.vector_store %arg12[%swap3A_387], %swap3A_390 {strides = array<i32>} : memref<128xf32, #tpu.memory_space<vmem>>, vector<16xf32>,
      %mul3A_391 = arith.mulf %sub3A_385, %sub3A_339 : vector<16xf32>
      %swap3A_392 = arith.constant 48 : index
      %swap3A_393 = tpu.vector_load %arg13[%swap3A_392] {strides = array<i32>} : memref<128xf32, #tpu.memory_space<vmem>>, vector<16xf32>,
      %swap3A_394 = vector.shape_cast %swap3A_393 : vector<16xf32> to vector<16xf32>
      %swap3A_395 = vector.shape_cast %mul3A_391 : vector<16xf32> to vector<16xf32>
      tpu.vector_store %arg13[%swap3A_392], %swap3A_395 {strides = array<i32>} : memref<128xf32, #tpu.memory_space<vmem>>, vector<16xf32>,
      %mul3A_396 = arith.mulf %sub3A_341, %sub3A_382 : vector<16xf32>
      %swap3A_397 = arith.constant 48 : index
      %swap3A_398 = tpu.vector_load %arg14[%swap3A_397] {strides = array<i32>} : memref<128xf32, #tpu.memory_space<vmem>>, vector<16xf32>,
      %swap3A_399 = vector.shape_cast %swap3A_398 : vector<16xf32> to vector<16xf32>
      %swap3A_400 = vector.shape_cast %mul3A_396 : vector<16xf32> to vector<16xf32>
      tpu.vector_store %arg14[%swap3A_397], %swap3A_400 {strides = array<i32>} : memref<128xf32, #tpu.memory_space<vmem>>, vector<16xf32>,
      %mul3A_401 = arith.mulf %sub3A_341, %sub3A_339 : vector<16xf32>
      %swap3A_402 = arith.constant 48 : index
      %swap3A_403 = tpu.vector_load %arg15[%swap3A_402] {strides = array<i32>} : memref<128xf32, #tpu.memory_space<vmem>>, vector<16xf32>,
      %swap3A_404 = vector.shape_cast %swap3A_403 : vector<16xf32> to vector<16xf32>
      %swap3A_405 = vector.shape_cast %mul3A_401 : vector<16xf32> to vector<16xf32>
      tpu.vector_store %arg15[%swap3A_402], %swap3A_405 {strides = array<i32>} : memref<128xf32, #tpu.memory_space<vmem>>, vector<16xf32>,
      %get3A_406 = arith.constant 64 : index
      %get3A_407 = tpu.vector_load %arg6[%get3A_406] {strides = array<i32>} : memref<128xf32, #tpu.memory_space<vmem>>, vector<16xf32>,
      %get3A_408 = vector.shape_cast %get3A_407 : vector<16xf32> to vector<16xf32>
      %get3A_409 = arith.constant 64 : index
      %get3A_410 = tpu.vector_load %arg7[%get3A_409] {strides = array<i32>} : memref<128xf32, #tpu.memory_space<vmem>>, vector<16xf32>,
      %get3A_411 = vector.shape_cast %get3A_410 : vector<16xf32> to vector<16xf32>
      %convert_element_type3A_412 = arith.fptosi %get3A_408 : vector<16xf32> to vector<16xi32>
      %max3A_413 = arith.constant 0 : i32
      %max3A_414 = vector.broadcast %max3A_413 : i32 to vector<16xi32>
      %max3A_415 = arith.maxsi %convert_element_type3A_412, %max3A_414 : vector<16xi32>
      %min3A_416 = arith.constant 511 : i32
      %min3A_417 = vector.broadcast %min3A_416 : i32 to vector<16xi32>
      %min3A_418 = arith.minsi %max3A_415, %min3A_417 : vector<16xi32>
      %convert_element_type3A_419 = arith.fptosi %get3A_411 : vector<16xf32> to vector<16xi32>
      %max3A_420 = arith.constant 0 : i32
      %max3A_421 = vector.broadcast %max3A_420 : i32 to vector<16xi32>
      %max3A_422 = arith.maxsi %convert_element_type3A_419, %max3A_421 : vector<16xi32>
      %min3A_423 = arith.constant 511 : i32
      %min3A_424 = vector.broadcast %min3A_423 : i32 to vector<16xi32>
      %min3A_425 = arith.minsi %max3A_422, %min3A_424 : vector<16xi32>
      %add3A_426 = arith.constant 1 : i32
      %add3A_427 = vector.broadcast %add3A_426 : i32 to vector<16xi32>
      %add3A_428 = arith.addi %min3A_418, %add3A_427 : vector<16xi32>
      %min3A_429 = arith.constant 511 : i32
      %min3A_430 = vector.broadcast %min3A_429 : i32 to vector<16xi32>
      %min3A_431 = arith.minsi %add3A_428, %min3A_430 : vector<16xi32>
      %add3A_432 = arith.constant 1 : i32
      %add3A_433 = vector.broadcast %add3A_432 : i32 to vector<16xi32>
      %add3A_434 = arith.addi %min3A_425, %add3A_433 : vector<16xi32>
      %min3A_435 = arith.constant 511 : i32
      %min3A_436 = vector.broadcast %min3A_435 : i32 to vector<16xi32>
      %min3A_437 = arith.minsi %add3A_434, %min3A_436 : vector<16xi32>
      %convert_element_type3A_438 = arith.sitofp %min3A_418 : vector<16xi32> to vector<16xf32>
      %sub3A_439 = arith.subf %get3A_408, %convert_element_type3A_438 : vector<16xf32>
      %convert_element_type3A_440 = arith.sitofp %min3A_425 : vector<16xi32> to vector<16xf32>
      %sub3A_441 = arith.subf %get3A_411, %convert_element_type3A_440 : vector<16xf32>
      %add3A_442 = arith.constant 64 : i32
      %add3A_443 = arith.addi %add3A_13, %add3A_442 : i32
      %add3A_444 = vector.broadcast %add3A_443 : i32 to vector<16xi32>
      %add3A_445 = arith.addi %add3A_444, %iota3A : vector<16xi32>
      %shift_right_logical3A_446 = arith.constant 18 : i32
      %shift_right_logical3A_447 = vector.broadcast %shift_right_logical3A_446 : i32 to vector<16xi32>
      %shift_right_logical3A_448 = arith.shrui %add3A_445, %shift_right_logical3A_447 : vector<16xi32>
      %shift_left3A_449 = arith.constant 18 : i32
      %shift_left3A_450 = vector.broadcast %shift_left3A_449 : i32 to vector<16xi32>
      %shift_left3A_451 = arith.shli %shift_right_logical3A_448, %shift_left3A_450 : vector<16xi32>
      %shift_left3A_452 = arith.constant 9 : i32
      %shift_left3A_453 = vector.broadcast %shift_left3A_452 : i32 to vector<16xi32>
      %shift_left3A_454 = arith.shli %min3A_425, %shift_left3A_453 : vector<16xi32>
      %add3A_455 = arith.addi %shift_left3A_451, %shift_left3A_454 : vector<16xi32>
      %shift_left3A_456 = arith.constant 9 : i32
      %shift_left3A_457 = vector.broadcast %shift_left3A_456 : i32 to vector<16xi32>
      %shift_left3A_458 = arith.shli %min3A_437, %shift_left3A_457 : vector<16xi32>
      %add3A_459 = arith.addi %shift_left3A_451, %shift_left3A_458 : vector<16xi32>
      %add3A_460 = arith.addi %add3A_455, %min3A_418 : vector<16xi32>
      %swap3A_461 = arith.constant 64 : index
      %swap3A_462 = tpu.vector_load %arg8[%swap3A_461] {strides = array<i32>} : memref<128xi32, #tpu.memory_space<vmem>>, vector<16xi32>,
      %swap3A_463 = vector.shape_cast %swap3A_462 : vector<16xi32> to vector<16xi32>
      %swap3A_464 = vector.shape_cast %add3A_460 : vector<16xi32> to vector<16xi32>
      tpu.vector_store %arg8[%swap3A_461], %swap3A_464 {strides = array<i32>} : memref<128xi32, #tpu.memory_space<vmem>>, vector<16xi32>,
      %add3A_465 = arith.addi %add3A_455, %min3A_431 : vector<16xi32>
      %swap3A_466 = arith.constant 64 : index
      %swap3A_467 = tpu.vector_load %arg9[%swap3A_466] {strides = array<i32>} : memref<128xi32, #tpu.memory_space<vmem>>, vector<16xi32>,
      %swap3A_468 = vector.shape_cast %swap3A_467 : vector<16xi32> to vector<16xi32>
      %swap3A_469 = vector.shape_cast %add3A_465 : vector<16xi32> to vector<16xi32>
      tpu.vector_store %arg9[%swap3A_466], %swap3A_469 {strides = array<i32>} : memref<128xi32, #tpu.memory_space<vmem>>, vector<16xi32>,
      %add3A_470 = arith.addi %add3A_459, %min3A_418 : vector<16xi32>
      %swap3A_471 = arith.constant 64 : index
      %swap3A_472 = tpu.vector_load %arg10[%swap3A_471] {strides = array<i32>} : memref<128xi32, #tpu.memory_space<vmem>>, vector<16xi32>,
      %swap3A_473 = vector.shape_cast %swap3A_472 : vector<16xi32> to vector<16xi32>
      %swap3A_474 = vector.shape_cast %add3A_470 : vector<16xi32> to vector<16xi32>
      tpu.vector_store %arg10[%swap3A_471], %swap3A_474 {strides = array<i32>} : memref<128xi32, #tpu.memory_space<vmem>>, vector<16xi32>,
      %add3A_475 = arith.addi %add3A_459, %min3A_431 : vector<16xi32>
      %swap3A_476 = arith.constant 64 : index
      %swap3A_477 = tpu.vector_load %arg11[%swap3A_476] {strides = array<i32>} : memref<128xi32, #tpu.memory_space<vmem>>, vector<16xi32>,
      %swap3A_478 = vector.shape_cast %swap3A_477 : vector<16xi32> to vector<16xi32>
      %swap3A_479 = vector.shape_cast %add3A_475 : vector<16xi32> to vector<16xi32>
      tpu.vector_store %arg11[%swap3A_476], %swap3A_479 {strides = array<i32>} : memref<128xi32, #tpu.memory_space<vmem>>, vector<16xi32>,
      %sub3A_480 = arith.constant 1.000000e+00 : f32
      %sub3A_481 = vector.broadcast %sub3A_480 : f32 to vector<16xf32>
      %sub3A_482 = arith.subf %sub3A_481, %sub3A_439 : vector<16xf32>
      %sub3A_483 = arith.constant 1.000000e+00 : f32
      %sub3A_484 = vector.broadcast %sub3A_483 : f32 to vector<16xf32>
      %sub3A_485 = arith.subf %sub3A_484, %sub3A_441 : vector<16xf32>
      %mul3A_486 = arith.mulf %sub3A_485, %sub3A_482 : vector<16xf32>
      %swap3A_487 = arith.constant 64 : index
      %swap3A_488 = tpu.vector_load %arg12[%swap3A_487] {strides = array<i32>} : memref<128xf32, #tpu.memory_space<vmem>>, vector<16xf32>,
      %swap3A_489 = vector.shape_cast %swap3A_488 : vector<16xf32> to vector<16xf32>
      %swap3A_490 = vector.shape_cast %mul3A_486 : vector<16xf32> to vector<16xf32>
      tpu.vector_store %arg12[%swap3A_487], %swap3A_490 {strides = array<i32>} : memref<128xf32, #tpu.memory_space<vmem>>, vector<16xf32>,
      %mul3A_491 = arith.mulf %sub3A_485, %sub3A_439 : vector<16xf32>
      %swap3A_492 = arith.constant 64 : index
      %swap3A_493 = tpu.vector_load %arg13[%swap3A_492] {strides = array<i32>} : memref<128xf32, #tpu.memory_space<vmem>>, vector<16xf32>,
      %swap3A_494 = vector.shape_cast %swap3A_493 : vector<16xf32> to vector<16xf32>
      %swap3A_495 = vector.shape_cast %mul3A_491 : vector<16xf32> to vector<16xf32>
      tpu.vector_store %arg13[%swap3A_492], %swap3A_495 {strides = array<i32>} : memref<128xf32, #tpu.memory_space<vmem>>, vector<16xf32>,
      %mul3A_496 = arith.mulf %sub3A_441, %sub3A_482 : vector<16xf32>
      %swap3A_497 = arith.constant 64 : index
      %swap3A_498 = tpu.vector_load %arg14[%swap3A_497] {strides = array<i32>} : memref<128xf32, #tpu.memory_space<vmem>>, vector<16xf32>,
      %swap3A_499 = vector.shape_cast %swap3A_498 : vector<16xf32> to vector<16xf32>
      %swap3A_500 = vector.shape_cast %mul3A_496 : vector<16xf32> to vector<16xf32>
      tpu.vector_store %arg14[%swap3A_497], %swap3A_500 {strides = array<i32>} : memref<128xf32, #tpu.memory_space<vmem>>, vector<16xf32>,
      %mul3A_501 = arith.mulf %sub3A_441, %sub3A_439 : vector<16xf32>
      %swap3A_502 = arith.constant 64 : index
      %swap3A_503 = tpu.vector_load %arg15[%swap3A_502] {strides = array<i32>} : memref<128xf32, #tpu.memory_space<vmem>>, vector<16xf32>,
      %swap3A_504 = vector.shape_cast %swap3A_503 : vector<16xf32> to vector<16xf32>
      %swap3A_505 = vector.shape_cast %mul3A_501 : vector<16xf32> to vector<16xf32>
      tpu.vector_store %arg15[%swap3A_502], %swap3A_505 {strides = array<i32>} : memref<128xf32, #tpu.memory_space<vmem>>, vector<16xf32>,
      %get3A_506 = arith.constant 80 : index
      %get3A_507 = tpu.vector_load %arg6[%get3A_506] {strides = array<i32>} : memref<128xf32, #tpu.memory_space<vmem>>, vector<16xf32>,
      %get3A_508 = vector.shape_cast %get3A_507 : vector<16xf32> to vector<16xf32>
      %get3A_509 = arith.constant 80 : index
      %get3A_510 = tpu.vector_load %arg7[%get3A_509] {strides = array<i32>} : memref<128xf32, #tpu.memory_space<vmem>>, vector<16xf32>,
      %get3A_511 = vector.shape_cast %get3A_510 : vector<16xf32> to vector<16xf32>
      %convert_element_type3A_512 = arith.fptosi %get3A_508 : vector<16xf32> to vector<16xi32>
      %max3A_513 = arith.constant 0 : i32
      %max3A_514 = vector.broadcast %max3A_513 : i32 to vector<16xi32>
      %max3A_515 = arith.maxsi %convert_element_type3A_512, %max3A_514 : vector<16xi32>
      %min3A_516 = arith.constant 511 : i32
      %min3A_517 = vector.broadcast %min3A_516 : i32 to vector<16xi32>
      %min3A_518 = arith.minsi %max3A_515, %min3A_517 : vector<16xi32>
      %convert_element_type3A_519 = arith.fptosi %get3A_511 : vector<16xf32> to vector<16xi32>
      %max3A_520 = arith.constant 0 : i32
      %max3A_521 = vector.broadcast %max3A_520 : i32 to vector<16xi32>
      %max3A_522 = arith.maxsi %convert_element_type3A_519, %max3A_521 : vector<16xi32>
      %min3A_523 = arith.constant 511 : i32
      %min3A_524 = vector.broadcast %min3A_523 : i32 to vector<16xi32>
      %min3A_525 = arith.minsi %max3A_522, %min3A_524 : vector<16xi32>
      %add3A_526 = arith.constant 1 : i32
      %add3A_527 = vector.broadcast %add3A_526 : i32 to vector<16xi32>
      %add3A_528 = arith.addi %min3A_518, %add3A_527 : vector<16xi32>
      %min3A_529 = arith.constant 511 : i32
      %min3A_530 = vector.broadcast %min3A_529 : i32 to vector<16xi32>
      %min3A_531 = arith.minsi %add3A_528, %min3A_530 : vector<16xi32>
      %add3A_532 = arith.constant 1 : i32
      %add3A_533 = vector.broadcast %add3A_532 : i32 to vector<16xi32>
      %add3A_534 = arith.addi %min3A_525, %add3A_533 : vector<16xi32>
      %min3A_535 = arith.constant 511 : i32
      %min3A_536 = vector.broadcast %min3A_535 : i32 to vector<16xi32>
      %min3A_537 = arith.minsi %add3A_534, %min3A_536 : vector<16xi32>
      %convert_element_type3A_538 = arith.sitofp %min3A_518 : vector<16xi32> to vector<16xf32>
      %sub3A_539 = arith.subf %get3A_508, %convert_element_type3A_538 : vector<16xf32>
      %convert_element_type3A_540 = arith.sitofp %min3A_525 : vector<16xi32> to vector<16xf32>
      %sub3A_541 = arith.subf %get3A_511, %convert_element_type3A_540 : vector<16xf32>
      %add3A_542 = arith.constant 80 : i32
      %add3A_543 = arith.addi %add3A_13, %add3A_542 : i32
      %add3A_544 = vector.broadcast %add3A_543 : i32 to vector<16xi32>
      %add3A_545 = arith.addi %add3A_544, %iota3A : vector<16xi32>
      %shift_right_logical3A_546 = arith.constant 18 : i32
      %shift_right_logical3A_547 = vector.broadcast %shift_right_logical3A_546 : i32 to vector<16xi32>
      %shift_right_logical3A_548 = arith.shrui %add3A_545, %shift_right_logical3A_547 : vector<16xi32>
      %shift_left3A_549 = arith.constant 18 : i32
      %shift_left3A_550 = vector.broadcast %shift_left3A_549 : i32 to vector<16xi32>
      %shift_left3A_551 = arith.shli %shift_right_logical3A_548, %shift_left3A_550 : vector<16xi32>
      %shift_left3A_552 = arith.constant 9 : i32
      %shift_left3A_553 = vector.broadcast %shift_left3A_552 : i32 to vector<16xi32>
      %shift_left3A_554 = arith.shli %min3A_525, %shift_left3A_553 : vector<16xi32>
      %add3A_555 = arith.addi %shift_left3A_551, %shift_left3A_554 : vector<16xi32>
      %shift_left3A_556 = arith.constant 9 : i32
      %shift_left3A_557 = vector.broadcast %shift_left3A_556 : i32 to vector<16xi32>
      %shift_left3A_558 = arith.shli %min3A_537, %shift_left3A_557 : vector<16xi32>
      %add3A_559 = arith.addi %shift_left3A_551, %shift_left3A_558 : vector<16xi32>
      %add3A_560 = arith.addi %add3A_555, %min3A_518 : vector<16xi32>
      %swap3A_561 = arith.constant 80 : index
      %swap3A_562 = tpu.vector_load %arg8[%swap3A_561] {strides = array<i32>} : memref<128xi32, #tpu.memory_space<vmem>>, vector<16xi32>,
      %swap3A_563 = vector.shape_cast %swap3A_562 : vector<16xi32> to vector<16xi32>
      %swap3A_564 = vector.shape_cast %add3A_560 : vector<16xi32> to vector<16xi32>
      tpu.vector_store %arg8[%swap3A_561], %swap3A_564 {strides = array<i32>} : memref<128xi32, #tpu.memory_space<vmem>>, vector<16xi32>,
      %add3A_565 = arith.addi %add3A_555, %min3A_531 : vector<16xi32>
      %swap3A_566 = arith.constant 80 : index
      %swap3A_567 = tpu.vector_load %arg9[%swap3A_566] {strides = array<i32>} : memref<128xi32, #tpu.memory_space<vmem>>, vector<16xi32>,
      %swap3A_568 = vector.shape_cast %swap3A_567 : vector<16xi32> to vector<16xi32>
      %swap3A_569 = vector.shape_cast %add3A_565 : vector<16xi32> to vector<16xi32>
      tpu.vector_store %arg9[%swap3A_566], %swap3A_569 {strides = array<i32>} : memref<128xi32, #tpu.memory_space<vmem>>, vector<16xi32>,
      %add3A_570 = arith.addi %add3A_559, %min3A_518 : vector<16xi32>
      %swap3A_571 = arith.constant 80 : index
      %swap3A_572 = tpu.vector_load %arg10[%swap3A_571] {strides = array<i32>} : memref<128xi32, #tpu.memory_space<vmem>>, vector<16xi32>,
      %swap3A_573 = vector.shape_cast %swap3A_572 : vector<16xi32> to vector<16xi32>
      %swap3A_574 = vector.shape_cast %add3A_570 : vector<16xi32> to vector<16xi32>
      tpu.vector_store %arg10[%swap3A_571], %swap3A_574 {strides = array<i32>} : memref<128xi32, #tpu.memory_space<vmem>>, vector<16xi32>,
      %add3A_575 = arith.addi %add3A_559, %min3A_531 : vector<16xi32>
      %swap3A_576 = arith.constant 80 : index
      %swap3A_577 = tpu.vector_load %arg11[%swap3A_576] {strides = array<i32>} : memref<128xi32, #tpu.memory_space<vmem>>, vector<16xi32>,
      %swap3A_578 = vector.shape_cast %swap3A_577 : vector<16xi32> to vector<16xi32>
      %swap3A_579 = vector.shape_cast %add3A_575 : vector<16xi32> to vector<16xi32>
      tpu.vector_store %arg11[%swap3A_576], %swap3A_579 {strides = array<i32>} : memref<128xi32, #tpu.memory_space<vmem>>, vector<16xi32>,
      %sub3A_580 = arith.constant 1.000000e+00 : f32
      %sub3A_581 = vector.broadcast %sub3A_580 : f32 to vector<16xf32>
      %sub3A_582 = arith.subf %sub3A_581, %sub3A_539 : vector<16xf32>
      %sub3A_583 = arith.constant 1.000000e+00 : f32
      %sub3A_584 = vector.broadcast %sub3A_583 : f32 to vector<16xf32>
      %sub3A_585 = arith.subf %sub3A_584, %sub3A_541 : vector<16xf32>
      %mul3A_586 = arith.mulf %sub3A_585, %sub3A_582 : vector<16xf32>
      %swap3A_587 = arith.constant 80 : index
      %swap3A_588 = tpu.vector_load %arg12[%swap3A_587] {strides = array<i32>} : memref<128xf32, #tpu.memory_space<vmem>>, vector<16xf32>,
      %swap3A_589 = vector.shape_cast %swap3A_588 : vector<16xf32> to vector<16xf32>
      %swap3A_590 = vector.shape_cast %mul3A_586 : vector<16xf32> to vector<16xf32>
      tpu.vector_store %arg12[%swap3A_587], %swap3A_590 {strides = array<i32>} : memref<128xf32, #tpu.memory_space<vmem>>, vector<16xf32>,
      %mul3A_591 = arith.mulf %sub3A_585, %sub3A_539 : vector<16xf32>
      %swap3A_592 = arith.constant 80 : index
      %swap3A_593 = tpu.vector_load %arg13[%swap3A_592] {strides = array<i32>} : memref<128xf32, #tpu.memory_space<vmem>>, vector<16xf32>,
      %swap3A_594 = vector.shape_cast %swap3A_593 : vector<16xf32> to vector<16xf32>
      %swap3A_595 = vector.shape_cast %mul3A_591 : vector<16xf32> to vector<16xf32>
      tpu.vector_store %arg13[%swap3A_592], %swap3A_595 {strides = array<i32>} : memref<128xf32, #tpu.memory_space<vmem>>, vector<16xf32>,
      %mul3A_596 = arith.mulf %sub3A_541, %sub3A_582 : vector<16xf32>
      %swap3A_597 = arith.constant 80 : index
      %swap3A_598 = tpu.vector_load %arg14[%swap3A_597] {strides = array<i32>} : memref<128xf32, #tpu.memory_space<vmem>>, vector<16xf32>,
      %swap3A_599 = vector.shape_cast %swap3A_598 : vector<16xf32> to vector<16xf32>
      %swap3A_600 = vector.shape_cast %mul3A_596 : vector<16xf32> to vector<16xf32>
      tpu.vector_store %arg14[%swap3A_597], %swap3A_600 {strides = array<i32>} : memref<128xf32, #tpu.memory_space<vmem>>, vector<16xf32>,
      %mul3A_601 = arith.mulf %sub3A_541, %sub3A_539 : vector<16xf32>
      %swap3A_602 = arith.constant 80 : index
      %swap3A_603 = tpu.vector_load %arg15[%swap3A_602] {strides = array<i32>} : memref<128xf32, #tpu.memory_space<vmem>>, vector<16xf32>,
      %swap3A_604 = vector.shape_cast %swap3A_603 : vector<16xf32> to vector<16xf32>
      %swap3A_605 = vector.shape_cast %mul3A_601 : vector<16xf32> to vector<16xf32>
      tpu.vector_store %arg15[%swap3A_602], %swap3A_605 {strides = array<i32>} : memref<128xf32, #tpu.memory_space<vmem>>, vector<16xf32>,
      %get3A_606 = arith.constant 96 : index
      %get3A_607 = tpu.vector_load %arg6[%get3A_606] {strides = array<i32>} : memref<128xf32, #tpu.memory_space<vmem>>, vector<16xf32>,
      %get3A_608 = vector.shape_cast %get3A_607 : vector<16xf32> to vector<16xf32>
      %get3A_609 = arith.constant 96 : index
      %get3A_610 = tpu.vector_load %arg7[%get3A_609] {strides = array<i32>} : memref<128xf32, #tpu.memory_space<vmem>>, vector<16xf32>,
      %get3A_611 = vector.shape_cast %get3A_610 : vector<16xf32> to vector<16xf32>
      %convert_element_type3A_612 = arith.fptosi %get3A_608 : vector<16xf32> to vector<16xi32>
      %max3A_613 = arith.constant 0 : i32
      %max3A_614 = vector.broadcast %max3A_613 : i32 to vector<16xi32>
      %max3A_615 = arith.maxsi %convert_element_type3A_612, %max3A_614 : vector<16xi32>
      %min3A_616 = arith.constant 511 : i32
      %min3A_617 = vector.broadcast %min3A_616 : i32 to vector<16xi32>
      %min3A_618 = arith.minsi %max3A_615, %min3A_617 : vector<16xi32>
      %convert_element_type3A_619 = arith.fptosi %get3A_611 : vector<16xf32> to vector<16xi32>
      %max3A_620 = arith.constant 0 : i32
      %max3A_621 = vector.broadcast %max3A_620 : i32 to vector<16xi32>
      %max3A_622 = arith.maxsi %convert_element_type3A_619, %max3A_621 : vector<16xi32>
      %min3A_623 = arith.constant 511 : i32
      %min3A_624 = vector.broadcast %min3A_623 : i32 to vector<16xi32>
      %min3A_625 = arith.minsi %max3A_622, %min3A_624 : vector<16xi32>
      %add3A_626 = arith.constant 1 : i32
      %add3A_627 = vector.broadcast %add3A_626 : i32 to vector<16xi32>
      %add3A_628 = arith.addi %min3A_618, %add3A_627 : vector<16xi32>
      %min3A_629 = arith.constant 511 : i32
      %min3A_630 = vector.broadcast %min3A_629 : i32 to vector<16xi32>
      %min3A_631 = arith.minsi %add3A_628, %min3A_630 : vector<16xi32>
      %add3A_632 = arith.constant 1 : i32
      %add3A_633 = vector.broadcast %add3A_632 : i32 to vector<16xi32>
      %add3A_634 = arith.addi %min3A_625, %add3A_633 : vector<16xi32>
      %min3A_635 = arith.constant 511 : i32
      %min3A_636 = vector.broadcast %min3A_635 : i32 to vector<16xi32>
      %min3A_637 = arith.minsi %add3A_634, %min3A_636 : vector<16xi32>
      %convert_element_type3A_638 = arith.sitofp %min3A_618 : vector<16xi32> to vector<16xf32>
      %sub3A_639 = arith.subf %get3A_608, %convert_element_type3A_638 : vector<16xf32>
      %convert_element_type3A_640 = arith.sitofp %min3A_625 : vector<16xi32> to vector<16xf32>
      %sub3A_641 = arith.subf %get3A_611, %convert_element_type3A_640 : vector<16xf32>
      %add3A_642 = arith.constant 96 : i32
      %add3A_643 = arith.addi %add3A_13, %add3A_642 : i32
      %add3A_644 = vector.broadcast %add3A_643 : i32 to vector<16xi32>
      %add3A_645 = arith.addi %add3A_644, %iota3A : vector<16xi32>
      %shift_right_logical3A_646 = arith.constant 18 : i32
      %shift_right_logical3A_647 = vector.broadcast %shift_right_logical3A_646 : i32 to vector<16xi32>
      %shift_right_logical3A_648 = arith.shrui %add3A_645, %shift_right_logical3A_647 : vector<16xi32>
      %shift_left3A_649 = arith.constant 18 : i32
      %shift_left3A_650 = vector.broadcast %shift_left3A_649 : i32 to vector<16xi32>
      %shift_left3A_651 = arith.shli %shift_right_logical3A_648, %shift_left3A_650 : vector<16xi32>
      %shift_left3A_652 = arith.constant 9 : i32
      %shift_left3A_653 = vector.broadcast %shift_left3A_652 : i32 to vector<16xi32>
      %shift_left3A_654 = arith.shli %min3A_625, %shift_left3A_653 : vector<16xi32>
      %add3A_655 = arith.addi %shift_left3A_651, %shift_left3A_654 : vector<16xi32>
      %shift_left3A_656 = arith.constant 9 : i32
      %shift_left3A_657 = vector.broadcast %shift_left3A_656 : i32 to vector<16xi32>
      %shift_left3A_658 = arith.shli %min3A_637, %shift_left3A_657 : vector<16xi32>
      %add3A_659 = arith.addi %shift_left3A_651, %shift_left3A_658 : vector<16xi32>
      %add3A_660 = arith.addi %add3A_655, %min3A_618 : vector<16xi32>
      %swap3A_661 = arith.constant 96 : index
      %swap3A_662 = tpu.vector_load %arg8[%swap3A_661] {strides = array<i32>} : memref<128xi32, #tpu.memory_space<vmem>>, vector<16xi32>,
      %swap3A_663 = vector.shape_cast %swap3A_662 : vector<16xi32> to vector<16xi32>
      %swap3A_664 = vector.shape_cast %add3A_660 : vector<16xi32> to vector<16xi32>
      tpu.vector_store %arg8[%swap3A_661], %swap3A_664 {strides = array<i32>} : memref<128xi32, #tpu.memory_space<vmem>>, vector<16xi32>,
      %add3A_665 = arith.addi %add3A_655, %min3A_631 : vector<16xi32>
      %swap3A_666 = arith.constant 96 : index
      %swap3A_667 = tpu.vector_load %arg9[%swap3A_666] {strides = array<i32>} : memref<128xi32, #tpu.memory_space<vmem>>, vector<16xi32>,
      %swap3A_668 = vector.shape_cast %swap3A_667 : vector<16xi32> to vector<16xi32>
      %swap3A_669 = vector.shape_cast %add3A_665 : vector<16xi32> to vector<16xi32>
      tpu.vector_store %arg9[%swap3A_666], %swap3A_669 {strides = array<i32>} : memref<128xi32, #tpu.memory_space<vmem>>, vector<16xi32>,
      %add3A_670 = arith.addi %add3A_659, %min3A_618 : vector<16xi32>
      %swap3A_671 = arith.constant 96 : index
      %swap3A_672 = tpu.vector_load %arg10[%swap3A_671] {strides = array<i32>} : memref<128xi32, #tpu.memory_space<vmem>>, vector<16xi32>,
      %swap3A_673 = vector.shape_cast %swap3A_672 : vector<16xi32> to vector<16xi32>
      %swap3A_674 = vector.shape_cast %add3A_670 : vector<16xi32> to vector<16xi32>
      tpu.vector_store %arg10[%swap3A_671], %swap3A_674 {strides = array<i32>} : memref<128xi32, #tpu.memory_space<vmem>>, vector<16xi32>,
      %add3A_675 = arith.addi %add3A_659, %min3A_631 : vector<16xi32>
      %swap3A_676 = arith.constant 96 : index
      %swap3A_677 = tpu.vector_load %arg11[%swap3A_676] {strides = array<i32>} : memref<128xi32, #tpu.memory_space<vmem>>, vector<16xi32>,
      %swap3A_678 = vector.shape_cast %swap3A_677 : vector<16xi32> to vector<16xi32>
      %swap3A_679 = vector.shape_cast %add3A_675 : vector<16xi32> to vector<16xi32>
      tpu.vector_store %arg11[%swap3A_676], %swap3A_679 {strides = array<i32>} : memref<128xi32, #tpu.memory_space<vmem>>, vector<16xi32>,
      %sub3A_680 = arith.constant 1.000000e+00 : f32
      %sub3A_681 = vector.broadcast %sub3A_680 : f32 to vector<16xf32>
      %sub3A_682 = arith.subf %sub3A_681, %sub3A_639 : vector<16xf32>
      %sub3A_683 = arith.constant 1.000000e+00 : f32
      %sub3A_684 = vector.broadcast %sub3A_683 : f32 to vector<16xf32>
      %sub3A_685 = arith.subf %sub3A_684, %sub3A_641 : vector<16xf32>
      %mul3A_686 = arith.mulf %sub3A_685, %sub3A_682 : vector<16xf32>
      %swap3A_687 = arith.constant 96 : index
      %swap3A_688 = tpu.vector_load %arg12[%swap3A_687] {strides = array<i32>} : memref<128xf32, #tpu.memory_space<vmem>>, vector<16xf32>,
      %swap3A_689 = vector.shape_cast %swap3A_688 : vector<16xf32> to vector<16xf32>
      %swap3A_690 = vector.shape_cast %mul3A_686 : vector<16xf32> to vector<16xf32>
      tpu.vector_store %arg12[%swap3A_687], %swap3A_690 {strides = array<i32>} : memref<128xf32, #tpu.memory_space<vmem>>, vector<16xf32>,
      %mul3A_691 = arith.mulf %sub3A_685, %sub3A_639 : vector<16xf32>
      %swap3A_692 = arith.constant 96 : index
      %swap3A_693 = tpu.vector_load %arg13[%swap3A_692] {strides = array<i32>} : memref<128xf32, #tpu.memory_space<vmem>>, vector<16xf32>,
      %swap3A_694 = vector.shape_cast %swap3A_693 : vector<16xf32> to vector<16xf32>
      %swap3A_695 = vector.shape_cast %mul3A_691 : vector<16xf32> to vector<16xf32>
      tpu.vector_store %arg13[%swap3A_692], %swap3A_695 {strides = array<i32>} : memref<128xf32, #tpu.memory_space<vmem>>, vector<16xf32>,
      %mul3A_696 = arith.mulf %sub3A_641, %sub3A_682 : vector<16xf32>
      %swap3A_697 = arith.constant 96 : index
      %swap3A_698 = tpu.vector_load %arg14[%swap3A_697] {strides = array<i32>} : memref<128xf32, #tpu.memory_space<vmem>>, vector<16xf32>,
      %swap3A_699 = vector.shape_cast %swap3A_698 : vector<16xf32> to vector<16xf32>
      %swap3A_700 = vector.shape_cast %mul3A_696 : vector<16xf32> to vector<16xf32>
      tpu.vector_store %arg14[%swap3A_697], %swap3A_700 {strides = array<i32>} : memref<128xf32, #tpu.memory_space<vmem>>, vector<16xf32>,
      %mul3A_701 = arith.mulf %sub3A_641, %sub3A_639 : vector<16xf32>
      %swap3A_702 = arith.constant 96 : index
      %swap3A_703 = tpu.vector_load %arg15[%swap3A_702] {strides = array<i32>} : memref<128xf32, #tpu.memory_space<vmem>>, vector<16xf32>,
      %swap3A_704 = vector.shape_cast %swap3A_703 : vector<16xf32> to vector<16xf32>
      %swap3A_705 = vector.shape_cast %mul3A_701 : vector<16xf32> to vector<16xf32>
      tpu.vector_store %arg15[%swap3A_702], %swap3A_705 {strides = array<i32>} : memref<128xf32, #tpu.memory_space<vmem>>, vector<16xf32>,
      %get3A_706 = arith.constant 112 : index
      %get3A_707 = tpu.vector_load %arg6[%get3A_706] {strides = array<i32>} : memref<128xf32, #tpu.memory_space<vmem>>, vector<16xf32>,
      %get3A_708 = vector.shape_cast %get3A_707 : vector<16xf32> to vector<16xf32>
      %get3A_709 = arith.constant 112 : index
      %get3A_710 = tpu.vector_load %arg7[%get3A_709] {strides = array<i32>} : memref<128xf32, #tpu.memory_space<vmem>>, vector<16xf32>,
      %get3A_711 = vector.shape_cast %get3A_710 : vector<16xf32> to vector<16xf32>
      %convert_element_type3A_712 = arith.fptosi %get3A_708 : vector<16xf32> to vector<16xi32>
      %max3A_713 = arith.constant 0 : i32
      %max3A_714 = vector.broadcast %max3A_713 : i32 to vector<16xi32>
      %max3A_715 = arith.maxsi %convert_element_type3A_712, %max3A_714 : vector<16xi32>
      %min3A_716 = arith.constant 511 : i32
      %min3A_717 = vector.broadcast %min3A_716 : i32 to vector<16xi32>
      %min3A_718 = arith.minsi %max3A_715, %min3A_717 : vector<16xi32>
      %convert_element_type3A_719 = arith.fptosi %get3A_711 : vector<16xf32> to vector<16xi32>
      %max3A_720 = arith.constant 0 : i32
      %max3A_721 = vector.broadcast %max3A_720 : i32 to vector<16xi32>
      %max3A_722 = arith.maxsi %convert_element_type3A_719, %max3A_721 : vector<16xi32>
      %min3A_723 = arith.constant 511 : i32
      %min3A_724 = vector.broadcast %min3A_723 : i32 to vector<16xi32>
      %min3A_725 = arith.minsi %max3A_722, %min3A_724 : vector<16xi32>
      %add3A_726 = arith.constant 1 : i32
      %add3A_727 = vector.broadcast %add3A_726 : i32 to vector<16xi32>
      %add3A_728 = arith.addi %min3A_718, %add3A_727 : vector<16xi32>
      %min3A_729 = arith.constant 511 : i32
      %min3A_730 = vector.broadcast %min3A_729 : i32 to vector<16xi32>
      %min3A_731 = arith.minsi %add3A_728, %min3A_730 : vector<16xi32>
      %add3A_732 = arith.constant 1 : i32
      %add3A_733 = vector.broadcast %add3A_732 : i32 to vector<16xi32>
      %add3A_734 = arith.addi %min3A_725, %add3A_733 : vector<16xi32>
      %min3A_735 = arith.constant 511 : i32
      %min3A_736 = vector.broadcast %min3A_735 : i32 to vector<16xi32>
      %min3A_737 = arith.minsi %add3A_734, %min3A_736 : vector<16xi32>
      %convert_element_type3A_738 = arith.sitofp %min3A_718 : vector<16xi32> to vector<16xf32>
      %sub3A_739 = arith.subf %get3A_708, %convert_element_type3A_738 : vector<16xf32>
      %convert_element_type3A_740 = arith.sitofp %min3A_725 : vector<16xi32> to vector<16xf32>
      %sub3A_741 = arith.subf %get3A_711, %convert_element_type3A_740 : vector<16xf32>
      %add3A_742 = arith.constant 112 : i32
      %add3A_743 = arith.addi %add3A_13, %add3A_742 : i32
      %add3A_744 = vector.broadcast %add3A_743 : i32 to vector<16xi32>
      %add3A_745 = arith.addi %add3A_744, %iota3A : vector<16xi32>
      %shift_right_logical3A_746 = arith.constant 18 : i32
      %shift_right_logical3A_747 = vector.broadcast %shift_right_logical3A_746 : i32 to vector<16xi32>
      %shift_right_logical3A_748 = arith.shrui %add3A_745, %shift_right_logical3A_747 : vector<16xi32>
      %shift_left3A_749 = arith.constant 18 : i32
      %shift_left3A_750 = vector.broadcast %shift_left3A_749 : i32 to vector<16xi32>
      %shift_left3A_751 = arith.shli %shift_right_logical3A_748, %shift_left3A_750 : vector<16xi32>
      %shift_left3A_752 = arith.constant 9 : i32
      %shift_left3A_753 = vector.broadcast %shift_left3A_752 : i32 to vector<16xi32>
      %shift_left3A_754 = arith.shli %min3A_725, %shift_left3A_753 : vector<16xi32>
      %add3A_755 = arith.addi %shift_left3A_751, %shift_left3A_754 : vector<16xi32>
      %shift_left3A_756 = arith.constant 9 : i32
      %shift_left3A_757 = vector.broadcast %shift_left3A_756 : i32 to vector<16xi32>
      %shift_left3A_758 = arith.shli %min3A_737, %shift_left3A_757 : vector<16xi32>
      %add3A_759 = arith.addi %shift_left3A_751, %shift_left3A_758 : vector<16xi32>
      %add3A_760 = arith.addi %add3A_755, %min3A_718 : vector<16xi32>
      %swap3A_761 = arith.constant 112 : index
      %swap3A_762 = tpu.vector_load %arg8[%swap3A_761] {strides = array<i32>} : memref<128xi32, #tpu.memory_space<vmem>>, vector<16xi32>,
      %swap3A_763 = vector.shape_cast %swap3A_762 : vector<16xi32> to vector<16xi32>
      %swap3A_764 = vector.shape_cast %add3A_760 : vector<16xi32> to vector<16xi32>
      tpu.vector_store %arg8[%swap3A_761], %swap3A_764 {strides = array<i32>} : memref<128xi32, #tpu.memory_space<vmem>>, vector<16xi32>,
      %add3A_765 = arith.addi %add3A_755, %min3A_731 : vector<16xi32>
      %swap3A_766 = arith.constant 112 : index
      %swap3A_767 = tpu.vector_load %arg9[%swap3A_766] {strides = array<i32>} : memref<128xi32, #tpu.memory_space<vmem>>, vector<16xi32>,
      %swap3A_768 = vector.shape_cast %swap3A_767 : vector<16xi32> to vector<16xi32>
      %swap3A_769 = vector.shape_cast %add3A_765 : vector<16xi32> to vector<16xi32>
      tpu.vector_store %arg9[%swap3A_766], %swap3A_769 {strides = array<i32>} : memref<128xi32, #tpu.memory_space<vmem>>, vector<16xi32>,
      %add3A_770 = arith.addi %add3A_759, %min3A_718 : vector<16xi32>
      %swap3A_771 = arith.constant 112 : index
      %swap3A_772 = tpu.vector_load %arg10[%swap3A_771] {strides = array<i32>} : memref<128xi32, #tpu.memory_space<vmem>>, vector<16xi32>,
      %swap3A_773 = vector.shape_cast %swap3A_772 : vector<16xi32> to vector<16xi32>
      %swap3A_774 = vector.shape_cast %add3A_770 : vector<16xi32> to vector<16xi32>
      tpu.vector_store %arg10[%swap3A_771], %swap3A_774 {strides = array<i32>} : memref<128xi32, #tpu.memory_space<vmem>>, vector<16xi32>,
      %add3A_775 = arith.addi %add3A_759, %min3A_731 : vector<16xi32>
      %swap3A_776 = arith.constant 112 : index
      %swap3A_777 = tpu.vector_load %arg11[%swap3A_776] {strides = array<i32>} : memref<128xi32, #tpu.memory_space<vmem>>, vector<16xi32>,
      %swap3A_778 = vector.shape_cast %swap3A_777 : vector<16xi32> to vector<16xi32>
      %swap3A_779 = vector.shape_cast %add3A_775 : vector<16xi32> to vector<16xi32>
      tpu.vector_store %arg11[%swap3A_776], %swap3A_779 {strides = array<i32>} : memref<128xi32, #tpu.memory_space<vmem>>, vector<16xi32>,
      %sub3A_780 = arith.constant 1.000000e+00 : f32
      %sub3A_781 = vector.broadcast %sub3A_780 : f32 to vector<16xf32>
      %sub3A_782 = arith.subf %sub3A_781, %sub3A_739 : vector<16xf32>
      %sub3A_783 = arith.constant 1.000000e+00 : f32
      %sub3A_784 = vector.broadcast %sub3A_783 : f32 to vector<16xf32>
      %sub3A_785 = arith.subf %sub3A_784, %sub3A_741 : vector<16xf32>
      %mul3A_786 = arith.mulf %sub3A_785, %sub3A_782 : vector<16xf32>
      %swap3A_787 = arith.constant 112 : index
      %swap3A_788 = tpu.vector_load %arg12[%swap3A_787] {strides = array<i32>} : memref<128xf32, #tpu.memory_space<vmem>>, vector<16xf32>,
      %swap3A_789 = vector.shape_cast %swap3A_788 : vector<16xf32> to vector<16xf32>
      %swap3A_790 = vector.shape_cast %mul3A_786 : vector<16xf32> to vector<16xf32>
      tpu.vector_store %arg12[%swap3A_787], %swap3A_790 {strides = array<i32>} : memref<128xf32, #tpu.memory_space<vmem>>, vector<16xf32>,
      %mul3A_791 = arith.mulf %sub3A_785, %sub3A_739 : vector<16xf32>
      %swap3A_792 = arith.constant 112 : index
      %swap3A_793 = tpu.vector_load %arg13[%swap3A_792] {strides = array<i32>} : memref<128xf32, #tpu.memory_space<vmem>>, vector<16xf32>,
      %swap3A_794 = vector.shape_cast %swap3A_793 : vector<16xf32> to vector<16xf32>
      %swap3A_795 = vector.shape_cast %mul3A_791 : vector<16xf32> to vector<16xf32>
      tpu.vector_store %arg13[%swap3A_792], %swap3A_795 {strides = array<i32>} : memref<128xf32, #tpu.memory_space<vmem>>, vector<16xf32>,
      %mul3A_796 = arith.mulf %sub3A_741, %sub3A_782 : vector<16xf32>
      %swap3A_797 = arith.constant 112 : index
      %swap3A_798 = tpu.vector_load %arg14[%swap3A_797] {strides = array<i32>} : memref<128xf32, #tpu.memory_space<vmem>>, vector<16xf32>,
      %swap3A_799 = vector.shape_cast %swap3A_798 : vector<16xf32> to vector<16xf32>
      %swap3A_800 = vector.shape_cast %mul3A_796 : vector<16xf32> to vector<16xf32>
      tpu.vector_store %arg14[%swap3A_797], %swap3A_800 {strides = array<i32>} : memref<128xf32, #tpu.memory_space<vmem>>, vector<16xf32>,
      %mul3A_801 = arith.mulf %sub3A_741, %sub3A_739 : vector<16xf32>
      %swap3A_802 = arith.constant 112 : index
      %swap3A_803 = tpu.vector_load %arg15[%swap3A_802] {strides = array<i32>} : memref<128xf32, #tpu.memory_space<vmem>>, vector<16xf32>,
      %swap3A_804 = vector.shape_cast %swap3A_803 : vector<16xf32> to vector<16xf32>
      %swap3A_805 = vector.shape_cast %mul3A_801 : vector<16xf32> to vector<16xf32>
      tpu.vector_store %arg15[%swap3A_802], %swap3A_805 {strides = array<i32>} : memref<128xf32, #tpu.memory_space<vmem>>, vector<16xf32>,
      %dma_start3A = arith.constant 0 : i32
      %dma_start3A_806 = arith.constant 0 : i32
      %dma_start3A_807 = tpu.memref_slice %arg2[%dma_start3A, %dma_start3A_806] : memref<524288x96xf32, #tpu.memory_space<hbm>> -> memref<524288x96xf32, #tpu.memory_space<hbm>>
      tpu.enqueue_indirect_dma source(%dma_start3A_807 : memref<524288x96xf32, #tpu.memory_space<hbm>>) target(%arg16 : memref<128x96xf32, #tpu.memory_space<vmem>>) offsets(%arg8 : memref<128xi32, #tpu.memory_space<vmem>>) semaphore(%arg21 : memref<!tpu.dma_semaphore, #tpu.memory_space<semaphore_mem>>)
      %dma_start3A_808 = arith.constant 0 : i32
      %dma_start3A_809 = arith.constant 0 : i32
      %dma_start3A_810 = tpu.memref_slice %arg2[%dma_start3A_808, %dma_start3A_809] : memref<524288x96xf32, #tpu.memory_space<hbm>> -> memref<524288x96xf32, #tpu.memory_space<hbm>>
      tpu.enqueue_indirect_dma source(%dma_start3A_810 : memref<524288x96xf32, #tpu.memory_space<hbm>>) target(%arg17 : memref<128x96xf32, #tpu.memory_space<vmem>>) offsets(%arg9 : memref<128xi32, #tpu.memory_space<vmem>>) semaphore(%arg21 : memref<!tpu.dma_semaphore, #tpu.memory_space<semaphore_mem>>)
      %dma_start3A_811 = arith.constant 0 : i32
      %dma_start3A_812 = arith.constant 0 : i32
      %dma_start3A_813 = tpu.memref_slice %arg2[%dma_start3A_811, %dma_start3A_812] : memref<524288x96xf32, #tpu.memory_space<hbm>> -> memref<524288x96xf32, #tpu.memory_space<hbm>>
      tpu.enqueue_indirect_dma source(%dma_start3A_813 : memref<524288x96xf32, #tpu.memory_space<hbm>>) target(%arg18 : memref<128x96xf32, #tpu.memory_space<vmem>>) offsets(%arg10 : memref<128xi32, #tpu.memory_space<vmem>>) semaphore(%arg21 : memref<!tpu.dma_semaphore, #tpu.memory_space<semaphore_mem>>)
      %dma_start3A_814 = arith.constant 0 : i32
      %dma_start3A_815 = arith.constant 0 : i32
      %dma_start3A_816 = tpu.memref_slice %arg2[%dma_start3A_814, %dma_start3A_815] : memref<524288x96xf32, #tpu.memory_space<hbm>> -> memref<524288x96xf32, #tpu.memory_space<hbm>>
      tpu.enqueue_indirect_dma source(%dma_start3A_816 : memref<524288x96xf32, #tpu.memory_space<hbm>>) target(%arg19 : memref<128x96xf32, #tpu.memory_space<vmem>>) offsets(%arg11 : memref<128xi32, #tpu.memory_space<vmem>>) semaphore(%arg21 : memref<!tpu.dma_semaphore, #tpu.memory_space<semaphore_mem>>)
      %dma_wait3A = arith.constant 0 : i32
      %dma_wait3A_817 = arith.constant 0 : i32
      %dma_wait3A_818 = tpu.memref_slice %arg2[%dma_wait3A, %dma_wait3A_817] : memref<524288x96xf32, #tpu.memory_space<hbm>> -> memref<524288x96xf32, #tpu.memory_space<hbm>>
      tpu.wait_indirect_dma semaphore(%arg21 : memref<!tpu.dma_semaphore, #tpu.memory_space<semaphore_mem>>) src(%dma_wait3A_818 : memref<524288x96xf32, #tpu.memory_space<hbm>>) dst(%arg16 : memref<128x96xf32, #tpu.memory_space<vmem>>)
      %dma_wait3A_819 = arith.constant 0 : i32
      %dma_wait3A_820 = arith.constant 0 : i32
      %dma_wait3A_821 = tpu.memref_slice %arg2[%dma_wait3A_819, %dma_wait3A_820] : memref<524288x96xf32, #tpu.memory_space<hbm>> -> memref<524288x96xf32, #tpu.memory_space<hbm>>
      tpu.wait_indirect_dma semaphore(%arg21 : memref<!tpu.dma_semaphore, #tpu.memory_space<semaphore_mem>>) src(%dma_wait3A_821 : memref<524288x96xf32, #tpu.memory_space<hbm>>) dst(%arg17 : memref<128x96xf32, #tpu.memory_space<vmem>>)
      %dma_wait3A_822 = arith.constant 0 : i32
      %dma_wait3A_823 = arith.constant 0 : i32
      %dma_wait3A_824 = tpu.memref_slice %arg2[%dma_wait3A_822, %dma_wait3A_823] : memref<524288x96xf32, #tpu.memory_space<hbm>> -> memref<524288x96xf32, #tpu.memory_space<hbm>>
      tpu.wait_indirect_dma semaphore(%arg21 : memref<!tpu.dma_semaphore, #tpu.memory_space<semaphore_mem>>) src(%dma_wait3A_824 : memref<524288x96xf32, #tpu.memory_space<hbm>>) dst(%arg18 : memref<128x96xf32, #tpu.memory_space<vmem>>)
      %dma_wait3A_825 = arith.constant 0 : i32
      %dma_wait3A_826 = arith.constant 0 : i32
      %dma_wait3A_827 = tpu.memref_slice %arg2[%dma_wait3A_825, %dma_wait3A_826] : memref<524288x96xf32, #tpu.memory_space<hbm>> -> memref<524288x96xf32, #tpu.memory_space<hbm>>
      tpu.wait_indirect_dma semaphore(%arg21 : memref<!tpu.dma_semaphore, #tpu.memory_space<semaphore_mem>>) src(%dma_wait3A_827 : memref<524288x96xf32, #tpu.memory_space<hbm>>) dst(%arg19 : memref<128x96xf32, #tpu.memory_space<vmem>>)
      %scan3A_828 = arith.constant 0 : i32
      %scan3A_829 = arith.constant 0 : i32
      %scan3A_830 = arith.constant 8 : i32
      %scan3A_831 = arith.addi %scan3A_829, %scan3A_830 : i32
      %scan3A_832 = arith.constant 1 : i32
      %scan3A_833 = scf.for %scan3A_836 = %scan3A_829 to %scan3A_831 step %scan3A_832 iter_args(%scan3A_837 = %scan3A_828) -> (i32)  : i32 {
        %mul3A_838 = arith.constant 16 : i32
        %mul3A_839 = arith.muli %scan3A_836, %mul3A_838 : i32
        %get3A_840 = arith.index_cast %mul3A_839 : i32 to index
        %get3A_841 = tpu.vector_load %arg12[%get3A_840] {strides = array<i32>} : memref<128xf32, #tpu.memory_space<vmem>>, vector<16xf32>,
        %get3A_842 = vector.shape_cast %get3A_841 : vector<16xf32> to vector<16xf32>
        %get3A_843 = arith.index_cast %mul3A_839 : i32 to index
        %get3A_844 = tpu.vector_load %arg13[%get3A_843] {strides = array<i32>} : memref<128xf32, #tpu.memory_space<vmem>>, vector<16xf32>,
        %get3A_845 = vector.shape_cast %get3A_844 : vector<16xf32> to vector<16xf32>
        %get3A_846 = arith.index_cast %mul3A_839 : i32 to index
        %get3A_847 = tpu.vector_load %arg14[%get3A_846] {strides = array<i32>} : memref<128xf32, #tpu.memory_space<vmem>>, vector<16xf32>,
        %get3A_848 = vector.shape_cast %get3A_847 : vector<16xf32> to vector<16xf32>
        %get3A_849 = arith.index_cast %mul3A_839 : i32 to index
        %get3A_850 = tpu.vector_load %arg15[%get3A_849] {strides = array<i32>} : memref<128xf32, #tpu.memory_space<vmem>>, vector<16xf32>,
        %get3A_851 = vector.shape_cast %get3A_850 : vector<16xf32> to vector<16xf32>
        %mul3A_852 = arith.constant 16 : i32
        %mul3A_853 = arith.muli %scan3A_836, %mul3A_852 : i32
        %add3A_854 = arith.constant 0 : i32
        %add3A_855 = arith.addi %mul3A_853, %add3A_854 : i32
        %slice3A = vector.extract_strided_slice %get3A_842 {offsets = [0], sizes = [1], strides = [1]} : vector<16xf32> to vector<1xf32>
        %squeeze3A = vector.extract %slice3A[0] : f32 from vector<1xf32>
        %broadcast_in_dim3A = vector.broadcast %squeeze3A : f32 to vector<16xf32>
        %slice3A_856 = vector.extract_strided_slice %get3A_845 {offsets = [0], sizes = [1], strides = [1]} : vector<16xf32> to vector<1xf32>
        %squeeze3A_857 = vector.extract %slice3A_856[0] : f32 from vector<1xf32>
        %broadcast_in_dim3A_858 = vector.broadcast %squeeze3A_857 : f32 to vector<16xf32>
        %slice3A_859 = vector.extract_strided_slice %get3A_848 {offsets = [0], sizes = [1], strides = [1]} : vector<16xf32> to vector<1xf32>
        %squeeze3A_860 = vector.extract %slice3A_859[0] : f32 from vector<1xf32>
        %broadcast_in_dim3A_861 = vector.broadcast %squeeze3A_860 : f32 to vector<16xf32>
        %slice3A_862 = vector.extract_strided_slice %get3A_851 {offsets = [0], sizes = [1], strides = [1]} : vector<16xf32> to vector<1xf32>
        %squeeze3A_863 = vector.extract %slice3A_862[0] : f32 from vector<1xf32>
        %broadcast_in_dim3A_864 = vector.broadcast %squeeze3A_863 : f32 to vector<16xf32>
        %get3A_865 = arith.index_cast %add3A_855 : i32 to index
        %get3A_866 = arith.constant 0 : index
        %get3A_867 = tpu.vector_load %arg16[%get3A_865, %get3A_866] {strides = array<i32>} : memref<128x96xf32, #tpu.memory_space<vmem>>, vector<1x16xf32>,
        %get3A_868 = vector.shape_cast %get3A_867 : vector<1x16xf32> to vector<16xf32>
        %mul3A_869 = arith.mulf %broadcast_in_dim3A, %get3A_868 : vector<16xf32>
        %get3A_870 = arith.index_cast %add3A_855 : i32 to index
        %get3A_871 = arith.constant 0 : index
        %get3A_872 = tpu.vector_load %arg17[%get3A_870, %get3A_871] {strides = array<i32>} : memref<128x96xf32, #tpu.memory_space<vmem>>, vector<1x16xf32>,
        %get3A_873 = vector.shape_cast %get3A_872 : vector<1x16xf32> to vector<16xf32>
        %mul3A_874 = arith.mulf %broadcast_in_dim3A_858, %get3A_873 : vector<16xf32>
        %add3A_875 = arith.addf %mul3A_869, %mul3A_874 : vector<16xf32>
        %get3A_876 = arith.index_cast %add3A_855 : i32 to index
        %get3A_877 = arith.constant 0 : index
        %get3A_878 = tpu.vector_load %arg18[%get3A_876, %get3A_877] {strides = array<i32>} : memref<128x96xf32, #tpu.memory_space<vmem>>, vector<1x16xf32>,
        %get3A_879 = vector.shape_cast %get3A_878 : vector<1x16xf32> to vector<16xf32>
        %mul3A_880 = arith.mulf %broadcast_in_dim3A_861, %get3A_879 : vector<16xf32>
        %add3A_881 = arith.addf %add3A_875, %mul3A_880 : vector<16xf32>
        %get3A_882 = arith.index_cast %add3A_855 : i32 to index
        %get3A_883 = arith.constant 0 : index
        %get3A_884 = tpu.vector_load %arg19[%get3A_882, %get3A_883] {strides = array<i32>} : memref<128x96xf32, #tpu.memory_space<vmem>>, vector<1x16xf32>,
        %get3A_885 = vector.shape_cast %get3A_884 : vector<1x16xf32> to vector<16xf32>
        %mul3A_886 = arith.mulf %broadcast_in_dim3A_864, %get3A_885 : vector<16xf32>
        %add3A_887 = arith.addf %add3A_881, %mul3A_886 : vector<16xf32>
        %swap3A_888 = arith.index_cast %add3A_855 : i32 to index
        %swap3A_889 = arith.constant 0 : index
        %swap3A_890 = tpu.vector_load %arg20[%swap3A_888, %swap3A_889] {strides = array<i32>} : memref<128x96xf32, #tpu.memory_space<vmem>>, vector<1x16xf32>,
        %swap3A_891 = vector.shape_cast %swap3A_890 : vector<1x16xf32> to vector<16xf32>
        %swap3A_892 = vector.shape_cast %add3A_887 : vector<16xf32> to vector<1x16xf32>
        tpu.vector_store %arg20[%swap3A_888, %swap3A_889], %swap3A_892 {strides = array<i32>} : memref<128x96xf32, #tpu.memory_space<vmem>>, vector<1x16xf32>,
        %get3A_893 = arith.index_cast %add3A_855 : i32 to index
        %get3A_894 = arith.constant 16 : index
        %get3A_895 = tpu.vector_load %arg16[%get3A_893, %get3A_894] {strides = array<i32>} : memref<128x96xf32, #tpu.memory_space<vmem>>, vector<1x16xf32>,
        %get3A_896 = vector.shape_cast %get3A_895 : vector<1x16xf32> to vector<16xf32>
        %mul3A_897 = arith.mulf %broadcast_in_dim3A, %get3A_896 : vector<16xf32>
        %get3A_898 = arith.index_cast %add3A_855 : i32 to index
        %get3A_899 = arith.constant 16 : index
        %get3A_900 = tpu.vector_load %arg17[%get3A_898, %get3A_899] {strides = array<i32>} : memref<128x96xf32, #tpu.memory_space<vmem>>, vector<1x16xf32>,
        %get3A_901 = vector.shape_cast %get3A_900 : vector<1x16xf32> to vector<16xf32>
        %mul3A_902 = arith.mulf %broadcast_in_dim3A_858, %get3A_901 : vector<16xf32>
        %add3A_903 = arith.addf %mul3A_897, %mul3A_902 : vector<16xf32>
        %get3A_904 = arith.index_cast %add3A_855 : i32 to index
        %get3A_905 = arith.constant 16 : index
        %get3A_906 = tpu.vector_load %arg18[%get3A_904, %get3A_905] {strides = array<i32>} : memref<128x96xf32, #tpu.memory_space<vmem>>, vector<1x16xf32>,
        %get3A_907 = vector.shape_cast %get3A_906 : vector<1x16xf32> to vector<16xf32>
        %mul3A_908 = arith.mulf %broadcast_in_dim3A_861, %get3A_907 : vector<16xf32>
        %add3A_909 = arith.addf %add3A_903, %mul3A_908 : vector<16xf32>
        %get3A_910 = arith.index_cast %add3A_855 : i32 to index
        %get3A_911 = arith.constant 16 : index
        %get3A_912 = tpu.vector_load %arg19[%get3A_910, %get3A_911] {strides = array<i32>} : memref<128x96xf32, #tpu.memory_space<vmem>>, vector<1x16xf32>,
        %get3A_913 = vector.shape_cast %get3A_912 : vector<1x16xf32> to vector<16xf32>
        %mul3A_914 = arith.mulf %broadcast_in_dim3A_864, %get3A_913 : vector<16xf32>
        %add3A_915 = arith.addf %add3A_909, %mul3A_914 : vector<16xf32>
        %swap3A_916 = arith.index_cast %add3A_855 : i32 to index
        %swap3A_917 = arith.constant 16 : index
        %swap3A_918 = tpu.vector_load %arg20[%swap3A_916, %swap3A_917] {strides = array<i32>} : memref<128x96xf32, #tpu.memory_space<vmem>>, vector<1x16xf32>,
        %swap3A_919 = vector.shape_cast %swap3A_918 : vector<1x16xf32> to vector<16xf32>
        %swap3A_920 = vector.shape_cast %add3A_915 : vector<16xf32> to vector<1x16xf32>
        tpu.vector_store %arg20[%swap3A_916, %swap3A_917], %swap3A_920 {strides = array<i32>} : memref<128x96xf32, #tpu.memory_space<vmem>>, vector<1x16xf32>,
        %get3A_921 = arith.index_cast %add3A_855 : i32 to index
        %get3A_922 = arith.constant 32 : index
        %get3A_923 = tpu.vector_load %arg16[%get3A_921, %get3A_922] {strides = array<i32>} : memref<128x96xf32, #tpu.memory_space<vmem>>, vector<1x16xf32>,
        %get3A_924 = vector.shape_cast %get3A_923 : vector<1x16xf32> to vector<16xf32>
        %mul3A_925 = arith.mulf %broadcast_in_dim3A, %get3A_924 : vector<16xf32>
        %get3A_926 = arith.index_cast %add3A_855 : i32 to index
        %get3A_927 = arith.constant 32 : index
        %get3A_928 = tpu.vector_load %arg17[%get3A_926, %get3A_927] {strides = array<i32>} : memref<128x96xf32, #tpu.memory_space<vmem>>, vector<1x16xf32>,
        %get3A_929 = vector.shape_cast %get3A_928 : vector<1x16xf32> to vector<16xf32>
        %mul3A_930 = arith.mulf %broadcast_in_dim3A_858, %get3A_929 : vector<16xf32>
        %add3A_931 = arith.addf %mul3A_925, %mul3A_930 : vector<16xf32>
        %get3A_932 = arith.index_cast %add3A_855 : i32 to index
        %get3A_933 = arith.constant 32 : index
        %get3A_934 = tpu.vector_load %arg18[%get3A_932, %get3A_933] {strides = array<i32>} : memref<128x96xf32, #tpu.memory_space<vmem>>, vector<1x16xf32>,
        %get3A_935 = vector.shape_cast %get3A_934 : vector<1x16xf32> to vector<16xf32>
        %mul3A_936 = arith.mulf %broadcast_in_dim3A_861, %get3A_935 : vector<16xf32>
        %add3A_937 = arith.addf %add3A_931, %mul3A_936 : vector<16xf32>
        %get3A_938 = arith.index_cast %add3A_855 : i32 to index
        %get3A_939 = arith.constant 32 : index
        %get3A_940 = tpu.vector_load %arg19[%get3A_938, %get3A_939] {strides = array<i32>} : memref<128x96xf32, #tpu.memory_space<vmem>>, vector<1x16xf32>,
        %get3A_941 = vector.shape_cast %get3A_940 : vector<1x16xf32> to vector<16xf32>
        %mul3A_942 = arith.mulf %broadcast_in_dim3A_864, %get3A_941 : vector<16xf32>
        %add3A_943 = arith.addf %add3A_937, %mul3A_942 : vector<16xf32>
        %swap3A_944 = arith.index_cast %add3A_855 : i32 to index
        %swap3A_945 = arith.constant 32 : index
        %swap3A_946 = tpu.vector_load %arg20[%swap3A_944, %swap3A_945] {strides = array<i32>} : memref<128x96xf32, #tpu.memory_space<vmem>>, vector<1x16xf32>,
        %swap3A_947 = vector.shape_cast %swap3A_946 : vector<1x16xf32> to vector<16xf32>
        %swap3A_948 = vector.shape_cast %add3A_943 : vector<16xf32> to vector<1x16xf32>
        tpu.vector_store %arg20[%swap3A_944, %swap3A_945], %swap3A_948 {strides = array<i32>} : memref<128x96xf32, #tpu.memory_space<vmem>>, vector<1x16xf32>,
        %get3A_949 = arith.index_cast %add3A_855 : i32 to index
        %get3A_950 = arith.constant 48 : index
        %get3A_951 = tpu.vector_load %arg16[%get3A_949, %get3A_950] {strides = array<i32>} : memref<128x96xf32, #tpu.memory_space<vmem>>, vector<1x16xf32>,
        %get3A_952 = vector.shape_cast %get3A_951 : vector<1x16xf32> to vector<16xf32>
        %mul3A_953 = arith.mulf %broadcast_in_dim3A, %get3A_952 : vector<16xf32>
        %get3A_954 = arith.index_cast %add3A_855 : i32 to index
        %get3A_955 = arith.constant 48 : index
        %get3A_956 = tpu.vector_load %arg17[%get3A_954, %get3A_955] {strides = array<i32>} : memref<128x96xf32, #tpu.memory_space<vmem>>, vector<1x16xf32>,
        %get3A_957 = vector.shape_cast %get3A_956 : vector<1x16xf32> to vector<16xf32>
        %mul3A_958 = arith.mulf %broadcast_in_dim3A_858, %get3A_957 : vector<16xf32>
        %add3A_959 = arith.addf %mul3A_953, %mul3A_958 : vector<16xf32>
        %get3A_960 = arith.index_cast %add3A_855 : i32 to index
        %get3A_961 = arith.constant 48 : index
        %get3A_962 = tpu.vector_load %arg18[%get3A_960, %get3A_961] {strides = array<i32>} : memref<128x96xf32, #tpu.memory_space<vmem>>, vector<1x16xf32>,
        %get3A_963 = vector.shape_cast %get3A_962 : vector<1x16xf32> to vector<16xf32>
        %mul3A_964 = arith.mulf %broadcast_in_dim3A_861, %get3A_963 : vector<16xf32>
        %add3A_965 = arith.addf %add3A_959, %mul3A_964 : vector<16xf32>
        %get3A_966 = arith.index_cast %add3A_855 : i32 to index
        %get3A_967 = arith.constant 48 : index
        %get3A_968 = tpu.vector_load %arg19[%get3A_966, %get3A_967] {strides = array<i32>} : memref<128x96xf32, #tpu.memory_space<vmem>>, vector<1x16xf32>,
        %get3A_969 = vector.shape_cast %get3A_968 : vector<1x16xf32> to vector<16xf32>
        %mul3A_970 = arith.mulf %broadcast_in_dim3A_864, %get3A_969 : vector<16xf32>
        %add3A_971 = arith.addf %add3A_965, %mul3A_970 : vector<16xf32>
        %swap3A_972 = arith.index_cast %add3A_855 : i32 to index
        %swap3A_973 = arith.constant 48 : index
        %swap3A_974 = tpu.vector_load %arg20[%swap3A_972, %swap3A_973] {strides = array<i32>} : memref<128x96xf32, #tpu.memory_space<vmem>>, vector<1x16xf32>,
        %swap3A_975 = vector.shape_cast %swap3A_974 : vector<1x16xf32> to vector<16xf32>
        %swap3A_976 = vector.shape_cast %add3A_971 : vector<16xf32> to vector<1x16xf32>
        tpu.vector_store %arg20[%swap3A_972, %swap3A_973], %swap3A_976 {strides = array<i32>} : memref<128x96xf32, #tpu.memory_space<vmem>>, vector<1x16xf32>,
        %get3A_977 = arith.index_cast %add3A_855 : i32 to index
        %get3A_978 = arith.constant 64 : index
        %get3A_979 = tpu.vector_load %arg16[%get3A_977, %get3A_978] {strides = array<i32>} : memref<128x96xf32, #tpu.memory_space<vmem>>, vector<1x16xf32>,
        %get3A_980 = vector.shape_cast %get3A_979 : vector<1x16xf32> to vector<16xf32>
        %mul3A_981 = arith.mulf %broadcast_in_dim3A, %get3A_980 : vector<16xf32>
        %get3A_982 = arith.index_cast %add3A_855 : i32 to index
        %get3A_983 = arith.constant 64 : index
        %get3A_984 = tpu.vector_load %arg17[%get3A_982, %get3A_983] {strides = array<i32>} : memref<128x96xf32, #tpu.memory_space<vmem>>, vector<1x16xf32>,
        %get3A_985 = vector.shape_cast %get3A_984 : vector<1x16xf32> to vector<16xf32>
        %mul3A_986 = arith.mulf %broadcast_in_dim3A_858, %get3A_985 : vector<16xf32>
        %add3A_987 = arith.addf %mul3A_981, %mul3A_986 : vector<16xf32>
        %get3A_988 = arith.index_cast %add3A_855 : i32 to index
        %get3A_989 = arith.constant 64 : index
        %get3A_990 = tpu.vector_load %arg18[%get3A_988, %get3A_989] {strides = array<i32>} : memref<128x96xf32, #tpu.memory_space<vmem>>, vector<1x16xf32>,
        %get3A_991 = vector.shape_cast %get3A_990 : vector<1x16xf32> to vector<16xf32>
        %mul3A_992 = arith.mulf %broadcast_in_dim3A_861, %get3A_991 : vector<16xf32>
        %add3A_993 = arith.addf %add3A_987, %mul3A_992 : vector<16xf32>
        %get3A_994 = arith.index_cast %add3A_855 : i32 to index
        %get3A_995 = arith.constant 64 : index
        %get3A_996 = tpu.vector_load %arg19[%get3A_994, %get3A_995] {strides = array<i32>} : memref<128x96xf32, #tpu.memory_space<vmem>>, vector<1x16xf32>,
        %get3A_997 = vector.shape_cast %get3A_996 : vector<1x16xf32> to vector<16xf32>
        %mul3A_998 = arith.mulf %broadcast_in_dim3A_864, %get3A_997 : vector<16xf32>
        %add3A_999 = arith.addf %add3A_993, %mul3A_998 : vector<16xf32>
        %swap3A_1000 = arith.index_cast %add3A_855 : i32 to index
        %swap3A_1001 = arith.constant 64 : index
        %swap3A_1002 = tpu.vector_load %arg20[%swap3A_1000, %swap3A_1001] {strides = array<i32>} : memref<128x96xf32, #tpu.memory_space<vmem>>, vector<1x16xf32>,
        %swap3A_1003 = vector.shape_cast %swap3A_1002 : vector<1x16xf32> to vector<16xf32>
        %swap3A_1004 = vector.shape_cast %add3A_999 : vector<16xf32> to vector<1x16xf32>
        tpu.vector_store %arg20[%swap3A_1000, %swap3A_1001], %swap3A_1004 {strides = array<i32>} : memref<128x96xf32, #tpu.memory_space<vmem>>, vector<1x16xf32>,
        %get3A_1005 = arith.index_cast %add3A_855 : i32 to index
        %get3A_1006 = arith.constant 80 : index
        %get3A_1007 = tpu.vector_load %arg16[%get3A_1005, %get3A_1006] {strides = array<i32>} : memref<128x96xf32, #tpu.memory_space<vmem>>, vector<1x16xf32>,
        %get3A_1008 = vector.shape_cast %get3A_1007 : vector<1x16xf32> to vector<16xf32>
        %mul3A_1009 = arith.mulf %broadcast_in_dim3A, %get3A_1008 : vector<16xf32>
        %get3A_1010 = arith.index_cast %add3A_855 : i32 to index
        %get3A_1011 = arith.constant 80 : index
        %get3A_1012 = tpu.vector_load %arg17[%get3A_1010, %get3A_1011] {strides = array<i32>} : memref<128x96xf32, #tpu.memory_space<vmem>>, vector<1x16xf32>,
        %get3A_1013 = vector.shape_cast %get3A_1012 : vector<1x16xf32> to vector<16xf32>
        %mul3A_1014 = arith.mulf %broadcast_in_dim3A_858, %get3A_1013 : vector<16xf32>
        %add3A_1015 = arith.addf %mul3A_1009, %mul3A_1014 : vector<16xf32>
        %get3A_1016 = arith.index_cast %add3A_855 : i32 to index
        %get3A_1017 = arith.constant 80 : index
        %get3A_1018 = tpu.vector_load %arg18[%get3A_1016, %get3A_1017] {strides = array<i32>} : memref<128x96xf32, #tpu.memory_space<vmem>>, vector<1x16xf32>,
        %get3A_1019 = vector.shape_cast %get3A_1018 : vector<1x16xf32> to vector<16xf32>
        %mul3A_1020 = arith.mulf %broadcast_in_dim3A_861, %get3A_1019 : vector<16xf32>
        %add3A_1021 = arith.addf %add3A_1015, %mul3A_1020 : vector<16xf32>
        %get3A_1022 = arith.index_cast %add3A_855 : i32 to index
        %get3A_1023 = arith.constant 80 : index
        %get3A_1024 = tpu.vector_load %arg19[%get3A_1022, %get3A_1023] {strides = array<i32>} : memref<128x96xf32, #tpu.memory_space<vmem>>, vector<1x16xf32>,
        %get3A_1025 = vector.shape_cast %get3A_1024 : vector<1x16xf32> to vector<16xf32>
        %mul3A_1026 = arith.mulf %broadcast_in_dim3A_864, %get3A_1025 : vector<16xf32>
        %add3A_1027 = arith.addf %add3A_1021, %mul3A_1026 : vector<16xf32>
        %swap3A_1028 = arith.index_cast %add3A_855 : i32 to index
        %swap3A_1029 = arith.constant 80 : index
        %swap3A_1030 = tpu.vector_load %arg20[%swap3A_1028, %swap3A_1029] {strides = array<i32>} : memref<128x96xf32, #tpu.memory_space<vmem>>, vector<1x16xf32>,
        %swap3A_1031 = vector.shape_cast %swap3A_1030 : vector<1x16xf32> to vector<16xf32>
        %swap3A_1032 = vector.shape_cast %add3A_1027 : vector<16xf32> to vector<1x16xf32>
        tpu.vector_store %arg20[%swap3A_1028, %swap3A_1029], %swap3A_1032 {strides = array<i32>} : memref<128x96xf32, #tpu.memory_space<vmem>>, vector<1x16xf32>,
        %mul3A_1033 = arith.constant 16 : i32
        %mul3A_1034 = arith.muli %scan3A_836, %mul3A_1033 : i32
        %add3A_1035 = arith.constant 1 : i32
        %add3A_1036 = arith.addi %mul3A_1034, %add3A_1035 : i32
        %slice3A_1037 = vector.extract_strided_slice %get3A_842 {offsets = [1], sizes = [1], strides = [1]} : vector<16xf32> to vector<1xf32>
        %squeeze3A_1038 = vector.extract %slice3A_1037[0] : f32 from vector<1xf32>
        %broadcast_in_dim3A_1039 = vector.broadcast %squeeze3A_1038 : f32 to vector<16xf32>
        %slice3A_1040 = vector.extract_strided_slice %get3A_845 {offsets = [1], sizes = [1], strides = [1]} : vector<16xf32> to vector<1xf32>
        %squeeze3A_1041 = vector.extract %slice3A_1040[0] : f32 from vector<1xf32>
        %broadcast_in_dim3A_1042 = vector.broadcast %squeeze3A_1041 : f32 to vector<16xf32>
        %slice3A_1043 = vector.extract_strided_slice %get3A_848 {offsets = [1], sizes = [1], strides = [1]} : vector<16xf32> to vector<1xf32>
        %squeeze3A_1044 = vector.extract %slice3A_1043[0] : f32 from vector<1xf32>
        %broadcast_in_dim3A_1045 = vector.broadcast %squeeze3A_1044 : f32 to vector<16xf32>
        %slice3A_1046 = vector.extract_strided_slice %get3A_851 {offsets = [1], sizes = [1], strides = [1]} : vector<16xf32> to vector<1xf32>
        %squeeze3A_1047 = vector.extract %slice3A_1046[0] : f32 from vector<1xf32>
        %broadcast_in_dim3A_1048 = vector.broadcast %squeeze3A_1047 : f32 to vector<16xf32>
        %get3A_1049 = arith.index_cast %add3A_1036 : i32 to index
        %get3A_1050 = arith.constant 0 : index
        %get3A_1051 = tpu.vector_load %arg16[%get3A_1049, %get3A_1050] {strides = array<i32>} : memref<128x96xf32, #tpu.memory_space<vmem>>, vector<1x16xf32>,
        %get3A_1052 = vector.shape_cast %get3A_1051 : vector<1x16xf32> to vector<16xf32>
        %mul3A_1053 = arith.mulf %broadcast_in_dim3A_1039, %get3A_1052 : vector<16xf32>
        %get3A_1054 = arith.index_cast %add3A_1036 : i32 to index
        %get3A_1055 = arith.constant 0 : index
        %get3A_1056 = tpu.vector_load %arg17[%get3A_1054, %get3A_1055] {strides = array<i32>} : memref<128x96xf32, #tpu.memory_space<vmem>>, vector<1x16xf32>,
        %get3A_1057 = vector.shape_cast %get3A_1056 : vector<1x16xf32> to vector<16xf32>
        %mul3A_1058 = arith.mulf %broadcast_in_dim3A_1042, %get3A_1057 : vector<16xf32>
        %add3A_1059 = arith.addf %mul3A_1053, %mul3A_1058 : vector<16xf32>
        %get3A_1060 = arith.index_cast %add3A_1036 : i32 to index
        %get3A_1061 = arith.constant 0 : index
        %get3A_1062 = tpu.vector_load %arg18[%get3A_1060, %get3A_1061] {strides = array<i32>} : memref<128x96xf32, #tpu.memory_space<vmem>>, vector<1x16xf32>,
        %get3A_1063 = vector.shape_cast %get3A_1062 : vector<1x16xf32> to vector<16xf32>
        %mul3A_1064 = arith.mulf %broadcast_in_dim3A_1045, %get3A_1063 : vector<16xf32>
        %add3A_1065 = arith.addf %add3A_1059, %mul3A_1064 : vector<16xf32>
        %get3A_1066 = arith.index_cast %add3A_1036 : i32 to index
        %get3A_1067 = arith.constant 0 : index
        %get3A_1068 = tpu.vector_load %arg19[%get3A_1066, %get3A_1067] {strides = array<i32>} : memref<128x96xf32, #tpu.memory_space<vmem>>, vector<1x16xf32>,
        %get3A_1069 = vector.shape_cast %get3A_1068 : vector<1x16xf32> to vector<16xf32>
        %mul3A_1070 = arith.mulf %broadcast_in_dim3A_1048, %get3A_1069 : vector<16xf32>
        %add3A_1071 = arith.addf %add3A_1065, %mul3A_1070 : vector<16xf32>
        %swap3A_1072 = arith.index_cast %add3A_1036 : i32 to index
        %swap3A_1073 = arith.constant 0 : index
        %swap3A_1074 = tpu.vector_load %arg20[%swap3A_1072, %swap3A_1073] {strides = array<i32>} : memref<128x96xf32, #tpu.memory_space<vmem>>, vector<1x16xf32>,
        %swap3A_1075 = vector.shape_cast %swap3A_1074 : vector<1x16xf32> to vector<16xf32>
        %swap3A_1076 = vector.shape_cast %add3A_1071 : vector<16xf32> to vector<1x16xf32>
        tpu.vector_store %arg20[%swap3A_1072, %swap3A_1073], %swap3A_1076 {strides = array<i32>} : memref<128x96xf32, #tpu.memory_space<vmem>>, vector<1x16xf32>,
        %get3A_1077 = arith.index_cast %add3A_1036 : i32 to index
        %get3A_1078 = arith.constant 16 : index
        %get3A_1079 = tpu.vector_load %arg16[%get3A_1077, %get3A_1078] {strides = array<i32>} : memref<128x96xf32, #tpu.memory_space<vmem>>, vector<1x16xf32>,
        %get3A_1080 = vector.shape_cast %get3A_1079 : vector<1x16xf32> to vector<16xf32>
        %mul3A_1081 = arith.mulf %broadcast_in_dim3A_1039, %get3A_1080 : vector<16xf32>
        %get3A_1082 = arith.index_cast %add3A_1036 : i32 to index
        %get3A_1083 = arith.constant 16 : index
        %get3A_1084 = tpu.vector_load %arg17[%get3A_1082, %get3A_1083] {strides = array<i32>} : memref<128x96xf32, #tpu.memory_space<vmem>>, vector<1x16xf32>,
        %get3A_1085 = vector.shape_cast %get3A_1084 : vector<1x16xf32> to vector<16xf32>
        %mul3A_1086 = arith.mulf %broadcast_in_dim3A_1042, %get3A_1085 : vector<16xf32>
        %add3A_1087 = arith.addf %mul3A_1081, %mul3A_1086 : vector<16xf32>
        %get3A_1088 = arith.index_cast %add3A_1036 : i32 to index
        %get3A_1089 = arith.constant 16 : index
        %get3A_1090 = tpu.vector_load %arg18[%get3A_1088, %get3A_1089] {strides = array<i32>} : memref<128x96xf32, #tpu.memory_space<vmem>>, vector<1x16xf32>,
        %get3A_1091 = vector.shape_cast %get3A_1090 : vector<1x16xf32> to vector<16xf32>
        %mul3A_1092 = arith.mulf %broadcast_in_dim3A_1045, %get3A_1091 : vector<16xf32>
        %add3A_1093 = arith.addf %add3A_1087, %mul3A_1092 : vector<16xf32>
        %get3A_1094 = arith.index_cast %add3A_1036 : i32 to index
        %get3A_1095 = arith.constant 16 : index
        %get3A_1096 = tpu.vector_load %arg19[%get3A_1094, %get3A_1095] {strides = array<i32>} : memref<128x96xf32, #tpu.memory_space<vmem>>, vector<1x16xf32>,
        %get3A_1097 = vector.shape_cast %get3A_1096 : vector<1x16xf32> to vector<16xf32>
        %mul3A_1098 = arith.mulf %broadcast_in_dim3A_1048, %get3A_1097 : vector<16xf32>
        %add3A_1099 = arith.addf %add3A_1093, %mul3A_1098 : vector<16xf32>
        %swap3A_1100 = arith.index_cast %add3A_1036 : i32 to index
        %swap3A_1101 = arith.constant 16 : index
        %swap3A_1102 = tpu.vector_load %arg20[%swap3A_1100, %swap3A_1101] {strides = array<i32>} : memref<128x96xf32, #tpu.memory_space<vmem>>, vector<1x16xf32>,
        %swap3A_1103 = vector.shape_cast %swap3A_1102 : vector<1x16xf32> to vector<16xf32>
        %swap3A_1104 = vector.shape_cast %add3A_1099 : vector<16xf32> to vector<1x16xf32>
        tpu.vector_store %arg20[%swap3A_1100, %swap3A_1101], %swap3A_1104 {strides = array<i32>} : memref<128x96xf32, #tpu.memory_space<vmem>>, vector<1x16xf32>,
        %get3A_1105 = arith.index_cast %add3A_1036 : i32 to index
        %get3A_1106 = arith.constant 32 : index
        %get3A_1107 = tpu.vector_load %arg16[%get3A_1105, %get3A_1106] {strides = array<i32>} : memref<128x96xf32, #tpu.memory_space<vmem>>, vector<1x16xf32>,
        %get3A_1108 = vector.shape_cast %get3A_1107 : vector<1x16xf32> to vector<16xf32>
        %mul3A_1109 = arith.mulf %broadcast_in_dim3A_1039, %get3A_1108 : vector<16xf32>
        %get3A_1110 = arith.index_cast %add3A_1036 : i32 to index
        %get3A_1111 = arith.constant 32 : index
        %get3A_1112 = tpu.vector_load %arg17[%get3A_1110, %get3A_1111] {strides = array<i32>} : memref<128x96xf32, #tpu.memory_space<vmem>>, vector<1x16xf32>,
        %get3A_1113 = vector.shape_cast %get3A_1112 : vector<1x16xf32> to vector<16xf32>
        %mul3A_1114 = arith.mulf %broadcast_in_dim3A_1042, %get3A_1113 : vector<16xf32>
        %add3A_1115 = arith.addf %mul3A_1109, %mul3A_1114 : vector<16xf32>
        %get3A_1116 = arith.index_cast %add3A_1036 : i32 to index
        %get3A_1117 = arith.constant 32 : index
        %get3A_1118 = tpu.vector_load %arg18[%get3A_1116, %get3A_1117] {strides = array<i32>} : memref<128x96xf32, #tpu.memory_space<vmem>>, vector<1x16xf32>,
        %get3A_1119 = vector.shape_cast %get3A_1118 : vector<1x16xf32> to vector<16xf32>
        %mul3A_1120 = arith.mulf %broadcast_in_dim3A_1045, %get3A_1119 : vector<16xf32>
        %add3A_1121 = arith.addf %add3A_1115, %mul3A_1120 : vector<16xf32>
        %get3A_1122 = arith.index_cast %add3A_1036 : i32 to index
        %get3A_1123 = arith.constant 32 : index
        %get3A_1124 = tpu.vector_load %arg19[%get3A_1122, %get3A_1123] {strides = array<i32>} : memref<128x96xf32, #tpu.memory_space<vmem>>, vector<1x16xf32>,
        %get3A_1125 = vector.shape_cast %get3A_1124 : vector<1x16xf32> to vector<16xf32>
        %mul3A_1126 = arith.mulf %broadcast_in_dim3A_1048, %get3A_1125 : vector<16xf32>
        %add3A_1127 = arith.addf %add3A_1121, %mul3A_1126 : vector<16xf32>
        %swap3A_1128 = arith.index_cast %add3A_1036 : i32 to index
        %swap3A_1129 = arith.constant 32 : index
        %swap3A_1130 = tpu.vector_load %arg20[%swap3A_1128, %swap3A_1129] {strides = array<i32>} : memref<128x96xf32, #tpu.memory_space<vmem>>, vector<1x16xf32>,
        %swap3A_1131 = vector.shape_cast %swap3A_1130 : vector<1x16xf32> to vector<16xf32>
        %swap3A_1132 = vector.shape_cast %add3A_1127 : vector<16xf32> to vector<1x16xf32>
        tpu.vector_store %arg20[%swap3A_1128, %swap3A_1129], %swap3A_1132 {strides = array<i32>} : memref<128x96xf32, #tpu.memory_space<vmem>>, vector<1x16xf32>,
        %get3A_1133 = arith.index_cast %add3A_1036 : i32 to index
        %get3A_1134 = arith.constant 48 : index
        %get3A_1135 = tpu.vector_load %arg16[%get3A_1133, %get3A_1134] {strides = array<i32>} : memref<128x96xf32, #tpu.memory_space<vmem>>, vector<1x16xf32>,
        %get3A_1136 = vector.shape_cast %get3A_1135 : vector<1x16xf32> to vector<16xf32>
        %mul3A_1137 = arith.mulf %broadcast_in_dim3A_1039, %get3A_1136 : vector<16xf32>
        %get3A_1138 = arith.index_cast %add3A_1036 : i32 to index
        %get3A_1139 = arith.constant 48 : index
        %get3A_1140 = tpu.vector_load %arg17[%get3A_1138, %get3A_1139] {strides = array<i32>} : memref<128x96xf32, #tpu.memory_space<vmem>>, vector<1x16xf32>,
        %get3A_1141 = vector.shape_cast %get3A_1140 : vector<1x16xf32> to vector<16xf32>
        %mul3A_1142 = arith.mulf %broadcast_in_dim3A_1042, %get3A_1141 : vector<16xf32>
        %add3A_1143 = arith.addf %mul3A_1137, %mul3A_1142 : vector<16xf32>
        %get3A_1144 = arith.index_cast %add3A_1036 : i32 to index
        %get3A_1145 = arith.constant 48 : index
        %get3A_1146 = tpu.vector_load %arg18[%get3A_1144, %get3A_1145] {strides = array<i32>} : memref<128x96xf32, #tpu.memory_space<vmem>>, vector<1x16xf32>,
        %get3A_1147 = vector.shape_cast %get3A_1146 : vector<1x16xf32> to vector<16xf32>
        %mul3A_1148 = arith.mulf %broadcast_in_dim3A_1045, %get3A_1147 : vector<16xf32>
        %add3A_1149 = arith.addf %add3A_1143, %mul3A_1148 : vector<16xf32>
        %get3A_1150 = arith.index_cast %add3A_1036 : i32 to index
        %get3A_1151 = arith.constant 48 : index
        %get3A_1152 = tpu.vector_load %arg19[%get3A_1150, %get3A_1151] {strides = array<i32>} : memref<128x96xf32, #tpu.memory_space<vmem>>, vector<1x16xf32>,
        %get3A_1153 = vector.shape_cast %get3A_1152 : vector<1x16xf32> to vector<16xf32>
        %mul3A_1154 = arith.mulf %broadcast_in_dim3A_1048, %get3A_1153 : vector<16xf32>
        %add3A_1155 = arith.addf %add3A_1149, %mul3A_1154 : vector<16xf32>
        %swap3A_1156 = arith.index_cast %add3A_1036 : i32 to index
        %swap3A_1157 = arith.constant 48 : index
        %swap3A_1158 = tpu.vector_load %arg20[%swap3A_1156, %swap3A_1157] {strides = array<i32>} : memref<128x96xf32, #tpu.memory_space<vmem>>, vector<1x16xf32>,
        %swap3A_1159 = vector.shape_cast %swap3A_1158 : vector<1x16xf32> to vector<16xf32>
        %swap3A_1160 = vector.shape_cast %add3A_1155 : vector<16xf32> to vector<1x16xf32>
        tpu.vector_store %arg20[%swap3A_1156, %swap3A_1157], %swap3A_1160 {strides = array<i32>} : memref<128x96xf32, #tpu.memory_space<vmem>>, vector<1x16xf32>,
        %get3A_1161 = arith.index_cast %add3A_1036 : i32 to index
        %get3A_1162 = arith.constant 64 : index
        %get3A_1163 = tpu.vector_load %arg16[%get3A_1161, %get3A_1162] {strides = array<i32>} : memref<128x96xf32, #tpu.memory_space<vmem>>, vector<1x16xf32>,
        %get3A_1164 = vector.shape_cast %get3A_1163 : vector<1x16xf32> to vector<16xf32>
        %mul3A_1165 = arith.mulf %broadcast_in_dim3A_1039, %get3A_1164 : vector<16xf32>
        %get3A_1166 = arith.index_cast %add3A_1036 : i32 to index
        %get3A_1167 = arith.constant 64 : index
        %get3A_1168 = tpu.vector_load %arg17[%get3A_1166, %get3A_1167] {strides = array<i32>} : memref<128x96xf32, #tpu.memory_space<vmem>>, vector<1x16xf32>,
        %get3A_1169 = vector.shape_cast %get3A_1168 : vector<1x16xf32> to vector<16xf32>
        %mul3A_1170 = arith.mulf %broadcast_in_dim3A_1042, %get3A_1169 : vector<16xf32>
        %add3A_1171 = arith.addf %mul3A_1165, %mul3A_1170 : vector<16xf32>
        %get3A_1172 = arith.index_cast %add3A_1036 : i32 to index
        %get3A_1173 = arith.constant 64 : index
        %get3A_1174 = tpu.vector_load %arg18[%get3A_1172, %get3A_1173] {strides = array<i32>} : memref<128x96xf32, #tpu.memory_space<vmem>>, vector<1x16xf32>,
        %get3A_1175 = vector.shape_cast %get3A_1174 : vector<1x16xf32> to vector<16xf32>
        %mul3A_1176 = arith.mulf %broadcast_in_dim3A_1045, %get3A_1175 : vector<16xf32>
        %add3A_1177 = arith.addf %add3A_1171, %mul3A_1176 : vector<16xf32>
        %get3A_1178 = arith.index_cast %add3A_1036 : i32 to index
        %get3A_1179 = arith.constant 64 : index
        %get3A_1180 = tpu.vector_load %arg19[%get3A_1178, %get3A_1179] {strides = array<i32>} : memref<128x96xf32, #tpu.memory_space<vmem>>, vector<1x16xf32>,
        %get3A_1181 = vector.shape_cast %get3A_1180 : vector<1x16xf32> to vector<16xf32>
        %mul3A_1182 = arith.mulf %broadcast_in_dim3A_1048, %get3A_1181 : vector<16xf32>
        %add3A_1183 = arith.addf %add3A_1177, %mul3A_1182 : vector<16xf32>
        %swap3A_1184 = arith.index_cast %add3A_1036 : i32 to index
        %swap3A_1185 = arith.constant 64 : index
        %swap3A_1186 = tpu.vector_load %arg20[%swap3A_1184, %swap3A_1185] {strides = array<i32>} : memref<128x96xf32, #tpu.memory_space<vmem>>, vector<1x16xf32>,
        %swap3A_1187 = vector.shape_cast %swap3A_1186 : vector<1x16xf32> to vector<16xf32>
        %swap3A_1188 = vector.shape_cast %add3A_1183 : vector<16xf32> to vector<1x16xf32>
        tpu.vector_store %arg20[%swap3A_1184, %swap3A_1185], %swap3A_1188 {strides = array<i32>} : memref<128x96xf32, #tpu.memory_space<vmem>>, vector<1x16xf32>,
        %get3A_1189 = arith.index_cast %add3A_1036 : i32 to index
        %get3A_1190 = arith.constant 80 : index
        %get3A_1191 = tpu.vector_load %arg16[%get3A_1189, %get3A_1190] {strides = array<i32>} : memref<128x96xf32, #tpu.memory_space<vmem>>, vector<1x16xf32>,
        %get3A_1192 = vector.shape_cast %get3A_1191 : vector<1x16xf32> to vector<16xf32>
        %mul3A_1193 = arith.mulf %broadcast_in_dim3A_1039, %get3A_1192 : vector<16xf32>
        %get3A_1194 = arith.index_cast %add3A_1036 : i32 to index
        %get3A_1195 = arith.constant 80 : index
        %get3A_1196 = tpu.vector_load %arg17[%get3A_1194, %get3A_1195] {strides = array<i32>} : memref<128x96xf32, #tpu.memory_space<vmem>>, vector<1x16xf32>,
        %get3A_1197 = vector.shape_cast %get3A_1196 : vector<1x16xf32> to vector<16xf32>
        %mul3A_1198 = arith.mulf %broadcast_in_dim3A_1042, %get3A_1197 : vector<16xf32>
        %add3A_1199 = arith.addf %mul3A_1193, %mul3A_1198 : vector<16xf32>
        %get3A_1200 = arith.index_cast %add3A_1036 : i32 to index
        %get3A_1201 = arith.constant 80 : index
        %get3A_1202 = tpu.vector_load %arg18[%get3A_1200, %get3A_1201] {strides = array<i32>} : memref<128x96xf32, #tpu.memory_space<vmem>>, vector<1x16xf32>,
        %get3A_1203 = vector.shape_cast %get3A_1202 : vector<1x16xf32> to vector<16xf32>
        %mul3A_1204 = arith.mulf %broadcast_in_dim3A_1045, %get3A_1203 : vector<16xf32>
        %add3A_1205 = arith.addf %add3A_1199, %mul3A_1204 : vector<16xf32>
        %get3A_1206 = arith.index_cast %add3A_1036 : i32 to index
        %get3A_1207 = arith.constant 80 : index
        %get3A_1208 = tpu.vector_load %arg19[%get3A_1206, %get3A_1207] {strides = array<i32>} : memref<128x96xf32, #tpu.memory_space<vmem>>, vector<1x16xf32>,
        %get3A_1209 = vector.shape_cast %get3A_1208 : vector<1x16xf32> to vector<16xf32>
        %mul3A_1210 = arith.mulf %broadcast_in_dim3A_1048, %get3A_1209 : vector<16xf32>
        %add3A_1211 = arith.addf %add3A_1205, %mul3A_1210 : vector<16xf32>
        %swap3A_1212 = arith.index_cast %add3A_1036 : i32 to index
        %swap3A_1213 = arith.constant 80 : index
        %swap3A_1214 = tpu.vector_load %arg20[%swap3A_1212, %swap3A_1213] {strides = array<i32>} : memref<128x96xf32, #tpu.memory_space<vmem>>, vector<1x16xf32>,
        %swap3A_1215 = vector.shape_cast %swap3A_1214 : vector<1x16xf32> to vector<16xf32>
        %swap3A_1216 = vector.shape_cast %add3A_1211 : vector<16xf32> to vector<1x16xf32>
        tpu.vector_store %arg20[%swap3A_1212, %swap3A_1213], %swap3A_1216 {strides = array<i32>} : memref<128x96xf32, #tpu.memory_space<vmem>>, vector<1x16xf32>,
        %mul3A_1217 = arith.constant 16 : i32
        %mul3A_1218 = arith.muli %scan3A_836, %mul3A_1217 : i32
        %add3A_1219 = arith.constant 2 : i32
        %add3A_1220 = arith.addi %mul3A_1218, %add3A_1219 : i32
        %slice3A_1221 = vector.extract_strided_slice %get3A_842 {offsets = [2], sizes = [1], strides = [1]} : vector<16xf32> to vector<1xf32>
        %squeeze3A_1222 = vector.extract %slice3A_1221[0] : f32 from vector<1xf32>
        %broadcast_in_dim3A_1223 = vector.broadcast %squeeze3A_1222 : f32 to vector<16xf32>
        %slice3A_1224 = vector.extract_strided_slice %get3A_845 {offsets = [2], sizes = [1], strides = [1]} : vector<16xf32> to vector<1xf32>
        %squeeze3A_1225 = vector.extract %slice3A_1224[0] : f32 from vector<1xf32>
        %broadcast_in_dim3A_1226 = vector.broadcast %squeeze3A_1225 : f32 to vector<16xf32>
        %slice3A_1227 = vector.extract_strided_slice %get3A_848 {offsets = [2], sizes = [1], strides = [1]} : vector<16xf32> to vector<1xf32>
        %squeeze3A_1228 = vector.extract %slice3A_1227[0] : f32 from vector<1xf32>
        %broadcast_in_dim3A_1229 = vector.broadcast %squeeze3A_1228 : f32 to vector<16xf32>
        %slice3A_1230 = vector.extract_strided_slice %get3A_851 {offsets = [2], sizes = [1], strides = [1]} : vector<16xf32> to vector<1xf32>
        %squeeze3A_1231 = vector.extract %slice3A_1230[0] : f32 from vector<1xf32>
        %broadcast_in_dim3A_1232 = vector.broadcast %squeeze3A_1231 : f32 to vector<16xf32>
        %get3A_1233 = arith.index_cast %add3A_1220 : i32 to index
        %get3A_1234 = arith.constant 0 : index
        %get3A_1235 = tpu.vector_load %arg16[%get3A_1233, %get3A_1234] {strides = array<i32>} : memref<128x96xf32, #tpu.memory_space<vmem>>, vector<1x16xf32>,
        %get3A_1236 = vector.shape_cast %get3A_1235 : vector<1x16xf32> to vector<16xf32>
        %mul3A_1237 = arith.mulf %broadcast_in_dim3A_1223, %get3A_1236 : vector<16xf32>
        %get3A_1238 = arith.index_cast %add3A_1220 : i32 to index
        %get3A_1239 = arith.constant 0 : index
        %get3A_1240 = tpu.vector_load %arg17[%get3A_1238, %get3A_1239] {strides = array<i32>} : memref<128x96xf32, #tpu.memory_space<vmem>>, vector<1x16xf32>,
        %get3A_1241 = vector.shape_cast %get3A_1240 : vector<1x16xf32> to vector<16xf32>
        %mul3A_1242 = arith.mulf %broadcast_in_dim3A_1226, %get3A_1241 : vector<16xf32>
        %add3A_1243 = arith.addf %mul3A_1237, %mul3A_1242 : vector<16xf32>
        %get3A_1244 = arith.index_cast %add3A_1220 : i32 to index
        %get3A_1245 = arith.constant 0 : index
        %get3A_1246 = tpu.vector_load %arg18[%get3A_1244, %get3A_1245] {strides = array<i32>} : memref<128x96xf32, #tpu.memory_space<vmem>>, vector<1x16xf32>,
        %get3A_1247 = vector.shape_cast %get3A_1246 : vector<1x16xf32> to vector<16xf32>
        %mul3A_1248 = arith.mulf %broadcast_in_dim3A_1229, %get3A_1247 : vector<16xf32>
        %add3A_1249 = arith.addf %add3A_1243, %mul3A_1248 : vector<16xf32>
        %get3A_1250 = arith.index_cast %add3A_1220 : i32 to index
        %get3A_1251 = arith.constant 0 : index
        %get3A_1252 = tpu.vector_load %arg19[%get3A_1250, %get3A_1251] {strides = array<i32>} : memref<128x96xf32, #tpu.memory_space<vmem>>, vector<1x16xf32>,
        %get3A_1253 = vector.shape_cast %get3A_1252 : vector<1x16xf32> to vector<16xf32>
        %mul3A_1254 = arith.mulf %broadcast_in_dim3A_1232, %get3A_1253 : vector<16xf32>
        %add3A_1255 = arith.addf %add3A_1249, %mul3A_1254 : vector<16xf32>
        %swap3A_1256 = arith.index_cast %add3A_1220 : i32 to index
        %swap3A_1257 = arith.constant 0 : index
        %swap3A_1258 = tpu.vector_load %arg20[%swap3A_1256, %swap3A_1257] {strides = array<i32>} : memref<128x96xf32, #tpu.memory_space<vmem>>, vector<1x16xf32>,
        %swap3A_1259 = vector.shape_cast %swap3A_1258 : vector<1x16xf32> to vector<16xf32>
        %swap3A_1260 = vector.shape_cast %add3A_1255 : vector<16xf32> to vector<1x16xf32>
        tpu.vector_store %arg20[%swap3A_1256, %swap3A_1257], %swap3A_1260 {strides = array<i32>} : memref<128x96xf32, #tpu.memory_space<vmem>>, vector<1x16xf32>,
        %get3A_1261 = arith.index_cast %add3A_1220 : i32 to index
        %get3A_1262 = arith.constant 16 : index
        %get3A_1263 = tpu.vector_load %arg16[%get3A_1261, %get3A_1262] {strides = array<i32>} : memref<128x96xf32, #tpu.memory_space<vmem>>, vector<1x16xf32>,
        %get3A_1264 = vector.shape_cast %get3A_1263 : vector<1x16xf32> to vector<16xf32>
        %mul3A_1265 = arith.mulf %broadcast_in_dim3A_1223, %get3A_1264 : vector<16xf32>
        %get3A_1266 = arith.index_cast %add3A_1220 : i32 to index
        %get3A_1267 = arith.constant 16 : index
        %get3A_1268 = tpu.vector_load %arg17[%get3A_1266, %get3A_1267] {strides = array<i32>} : memref<128x96xf32, #tpu.memory_space<vmem>>, vector<1x16xf32>,
        %get3A_1269 = vector.shape_cast %get3A_1268 : vector<1x16xf32> to vector<16xf32>
        %mul3A_1270 = arith.mulf %broadcast_in_dim3A_1226, %get3A_1269 : vector<16xf32>
        %add3A_1271 = arith.addf %mul3A_1265, %mul3A_1270 : vector<16xf32>
        %get3A_1272 = arith.index_cast %add3A_1220 : i32 to index
        %get3A_1273 = arith.constant 16 : index
        %get3A_1274 = tpu.vector_load %arg18[%get3A_1272, %get3A_1273] {strides = array<i32>} : memref<128x96xf32, #tpu.memory_space<vmem>>, vector<1x16xf32>,
        %get3A_1275 = vector.shape_cast %get3A_1274 : vector<1x16xf32> to vector<16xf32>
        %mul3A_1276 = arith.mulf %broadcast_in_dim3A_1229, %get3A_1275 : vector<16xf32>
        %add3A_1277 = arith.addf %add3A_1271, %mul3A_1276 : vector<16xf32>
        %get3A_1278 = arith.index_cast %add3A_1220 : i32 to index
        %get3A_1279 = arith.constant 16 : index
        %get3A_1280 = tpu.vector_load %arg19[%get3A_1278, %get3A_1279] {strides = array<i32>} : memref<128x96xf32, #tpu.memory_space<vmem>>, vector<1x16xf32>,
        %get3A_1281 = vector.shape_cast %get3A_1280 : vector<1x16xf32> to vector<16xf32>
        %mul3A_1282 = arith.mulf %broadcast_in_dim3A_1232, %get3A_1281 : vector<16xf32>
        %add3A_1283 = arith.addf %add3A_1277, %mul3A_1282 : vector<16xf32>
        %swap3A_1284 = arith.index_cast %add3A_1220 : i32 to index
        %swap3A_1285 = arith.constant 16 : index
        %swap3A_1286 = tpu.vector_load %arg20[%swap3A_1284, %swap3A_1285] {strides = array<i32>} : memref<128x96xf32, #tpu.memory_space<vmem>>, vector<1x16xf32>,
        %swap3A_1287 = vector.shape_cast %swap3A_1286 : vector<1x16xf32> to vector<16xf32>
        %swap3A_1288 = vector.shape_cast %add3A_1283 : vector<16xf32> to vector<1x16xf32>
        tpu.vector_store %arg20[%swap3A_1284, %swap3A_1285], %swap3A_1288 {strides = array<i32>} : memref<128x96xf32, #tpu.memory_space<vmem>>, vector<1x16xf32>,
        %get3A_1289 = arith.index_cast %add3A_1220 : i32 to index
        %get3A_1290 = arith.constant 32 : index
        %get3A_1291 = tpu.vector_load %arg16[%get3A_1289, %get3A_1290] {strides = array<i32>} : memref<128x96xf32, #tpu.memory_space<vmem>>, vector<1x16xf32>,
        %get3A_1292 = vector.shape_cast %get3A_1291 : vector<1x16xf32> to vector<16xf32>
        %mul3A_1293 = arith.mulf %broadcast_in_dim3A_1223, %get3A_1292 : vector<16xf32>
        %get3A_1294 = arith.index_cast %add3A_1220 : i32 to index
        %get3A_1295 = arith.constant 32 : index
        %get3A_1296 = tpu.vector_load %arg17[%get3A_1294, %get3A_1295] {strides = array<i32>} : memref<128x96xf32, #tpu.memory_space<vmem>>, vector<1x16xf32>,
        %get3A_1297 = vector.shape_cast %get3A_1296 : vector<1x16xf32> to vector<16xf32>
        %mul3A_1298 = arith.mulf %broadcast_in_dim3A_1226, %get3A_1297 : vector<16xf32>
        %add3A_1299 = arith.addf %mul3A_1293, %mul3A_1298 : vector<16xf32>
        %get3A_1300 = arith.index_cast %add3A_1220 : i32 to index
        %get3A_1301 = arith.constant 32 : index
        %get3A_1302 = tpu.vector_load %arg18[%get3A_1300, %get3A_1301] {strides = array<i32>} : memref<128x96xf32, #tpu.memory_space<vmem>>, vector<1x16xf32>,
        %get3A_1303 = vector.shape_cast %get3A_1302 : vector<1x16xf32> to vector<16xf32>
        %mul3A_1304 = arith.mulf %broadcast_in_dim3A_1229, %get3A_1303 : vector<16xf32>
        %add3A_1305 = arith.addf %add3A_1299, %mul3A_1304 : vector<16xf32>
        %get3A_1306 = arith.index_cast %add3A_1220 : i32 to index
        %get3A_1307 = arith.constant 32 : index
        %get3A_1308 = tpu.vector_load %arg19[%get3A_1306, %get3A_1307] {strides = array<i32>} : memref<128x96xf32, #tpu.memory_space<vmem>>, vector<1x16xf32>,
        %get3A_1309 = vector.shape_cast %get3A_1308 : vector<1x16xf32> to vector<16xf32>
        %mul3A_1310 = arith.mulf %broadcast_in_dim3A_1232, %get3A_1309 : vector<16xf32>
        %add3A_1311 = arith.addf %add3A_1305, %mul3A_1310 : vector<16xf32>
        %swap3A_1312 = arith.index_cast %add3A_1220 : i32 to index
        %swap3A_1313 = arith.constant 32 : index
        %swap3A_1314 = tpu.vector_load %arg20[%swap3A_1312, %swap3A_1313] {strides = array<i32>} : memref<128x96xf32, #tpu.memory_space<vmem>>, vector<1x16xf32>,
        %swap3A_1315 = vector.shape_cast %swap3A_1314 : vector<1x16xf32> to vector<16xf32>
        %swap3A_1316 = vector.shape_cast %add3A_1311 : vector<16xf32> to vector<1x16xf32>
        tpu.vector_store %arg20[%swap3A_1312, %swap3A_1313], %swap3A_1316 {strides = array<i32>} : memref<128x96xf32, #tpu.memory_space<vmem>>, vector<1x16xf32>,
        %get3A_1317 = arith.index_cast %add3A_1220 : i32 to index
        %get3A_1318 = arith.constant 48 : index
        %get3A_1319 = tpu.vector_load %arg16[%get3A_1317, %get3A_1318] {strides = array<i32>} : memref<128x96xf32, #tpu.memory_space<vmem>>, vector<1x16xf32>,
        %get3A_1320 = vector.shape_cast %get3A_1319 : vector<1x16xf32> to vector<16xf32>
        %mul3A_1321 = arith.mulf %broadcast_in_dim3A_1223, %get3A_1320 : vector<16xf32>
        %get3A_1322 = arith.index_cast %add3A_1220 : i32 to index
        %get3A_1323 = arith.constant 48 : index
        %get3A_1324 = tpu.vector_load %arg17[%get3A_1322, %get3A_1323] {strides = array<i32>} : memref<128x96xf32, #tpu.memory_space<vmem>>, vector<1x16xf32>,
        %get3A_1325 = vector.shape_cast %get3A_1324 : vector<1x16xf32> to vector<16xf32>
        %mul3A_1326 = arith.mulf %broadcast_in_dim3A_1226, %get3A_1325 : vector<16xf32>
        %add3A_1327 = arith.addf %mul3A_1321, %mul3A_1326 : vector<16xf32>
        %get3A_1328 = arith.index_cast %add3A_1220 : i32 to index
        %get3A_1329 = arith.constant 48 : index
        %get3A_1330 = tpu.vector_load %arg18[%get3A_1328, %get3A_1329] {strides = array<i32>} : memref<128x96xf32, #tpu.memory_space<vmem>>, vector<1x16xf32>,
        %get3A_1331 = vector.shape_cast %get3A_1330 : vector<1x16xf32> to vector<16xf32>
        %mul3A_1332 = arith.mulf %broadcast_in_dim3A_1229, %get3A_1331 : vector<16xf32>
        %add3A_1333 = arith.addf %add3A_1327, %mul3A_1332 : vector<16xf32>
        %get3A_1334 = arith.index_cast %add3A_1220 : i32 to index
        %get3A_1335 = arith.constant 48 : index
        %get3A_1336 = tpu.vector_load %arg19[%get3A_1334, %get3A_1335] {strides = array<i32>} : memref<128x96xf32, #tpu.memory_space<vmem>>, vector<1x16xf32>,
        %get3A_1337 = vector.shape_cast %get3A_1336 : vector<1x16xf32> to vector<16xf32>
        %mul3A_1338 = arith.mulf %broadcast_in_dim3A_1232, %get3A_1337 : vector<16xf32>
        %add3A_1339 = arith.addf %add3A_1333, %mul3A_1338 : vector<16xf32>
        %swap3A_1340 = arith.index_cast %add3A_1220 : i32 to index
        %swap3A_1341 = arith.constant 48 : index
        %swap3A_1342 = tpu.vector_load %arg20[%swap3A_1340, %swap3A_1341] {strides = array<i32>} : memref<128x96xf32, #tpu.memory_space<vmem>>, vector<1x16xf32>,
        %swap3A_1343 = vector.shape_cast %swap3A_1342 : vector<1x16xf32> to vector<16xf32>
        %swap3A_1344 = vector.shape_cast %add3A_1339 : vector<16xf32> to vector<1x16xf32>
        tpu.vector_store %arg20[%swap3A_1340, %swap3A_1341], %swap3A_1344 {strides = array<i32>} : memref<128x96xf32, #tpu.memory_space<vmem>>, vector<1x16xf32>,
        %get3A_1345 = arith.index_cast %add3A_1220 : i32 to index
        %get3A_1346 = arith.constant 64 : index
        %get3A_1347 = tpu.vector_load %arg16[%get3A_1345, %get3A_1346] {strides = array<i32>} : memref<128x96xf32, #tpu.memory_space<vmem>>, vector<1x16xf32>,
        %get3A_1348 = vector.shape_cast %get3A_1347 : vector<1x16xf32> to vector<16xf32>
        %mul3A_1349 = arith.mulf %broadcast_in_dim3A_1223, %get3A_1348 : vector<16xf32>
        %get3A_1350 = arith.index_cast %add3A_1220 : i32 to index
        %get3A_1351 = arith.constant 64 : index
        %get3A_1352 = tpu.vector_load %arg17[%get3A_1350, %get3A_1351] {strides = array<i32>} : memref<128x96xf32, #tpu.memory_space<vmem>>, vector<1x16xf32>,
        %get3A_1353 = vector.shape_cast %get3A_1352 : vector<1x16xf32> to vector<16xf32>
        %mul3A_1354 = arith.mulf %broadcast_in_dim3A_1226, %get3A_1353 : vector<16xf32>
        %add3A_1355 = arith.addf %mul3A_1349, %mul3A_1354 : vector<16xf32>
        %get3A_1356 = arith.index_cast %add3A_1220 : i32 to index
        %get3A_1357 = arith.constant 64 : index
        %get3A_1358 = tpu.vector_load %arg18[%get3A_1356, %get3A_1357] {strides = array<i32>} : memref<128x96xf32, #tpu.memory_space<vmem>>, vector<1x16xf32>,
        %get3A_1359 = vector.shape_cast %get3A_1358 : vector<1x16xf32> to vector<16xf32>
        %mul3A_1360 = arith.mulf %broadcast_in_dim3A_1229, %get3A_1359 : vector<16xf32>
        %add3A_1361 = arith.addf %add3A_1355, %mul3A_1360 : vector<16xf32>
        %get3A_1362 = arith.index_cast %add3A_1220 : i32 to index
        %get3A_1363 = arith.constant 64 : index
        %get3A_1364 = tpu.vector_load %arg19[%get3A_1362, %get3A_1363] {strides = array<i32>} : memref<128x96xf32, #tpu.memory_space<vmem>>, vector<1x16xf32>,
        %get3A_1365 = vector.shape_cast %get3A_1364 : vector<1x16xf32> to vector<16xf32>
        %mul3A_1366 = arith.mulf %broadcast_in_dim3A_1232, %get3A_1365 : vector<16xf32>
        %add3A_1367 = arith.addf %add3A_1361, %mul3A_1366 : vector<16xf32>
        %swap3A_1368 = arith.index_cast %add3A_1220 : i32 to index
        %swap3A_1369 = arith.constant 64 : index
        %swap3A_1370 = tpu.vector_load %arg20[%swap3A_1368, %swap3A_1369] {strides = array<i32>} : memref<128x96xf32, #tpu.memory_space<vmem>>, vector<1x16xf32>,
        %swap3A_1371 = vector.shape_cast %swap3A_1370 : vector<1x16xf32> to vector<16xf32>
        %swap3A_1372 = vector.shape_cast %add3A_1367 : vector<16xf32> to vector<1x16xf32>
        tpu.vector_store %arg20[%swap3A_1368, %swap3A_1369], %swap3A_1372 {strides = array<i32>} : memref<128x96xf32, #tpu.memory_space<vmem>>, vector<1x16xf32>,
        %get3A_1373 = arith.index_cast %add3A_1220 : i32 to index
        %get3A_1374 = arith.constant 80 : index
        %get3A_1375 = tpu.vector_load %arg16[%get3A_1373, %get3A_1374] {strides = array<i32>} : memref<128x96xf32, #tpu.memory_space<vmem>>, vector<1x16xf32>,
        %get3A_1376 = vector.shape_cast %get3A_1375 : vector<1x16xf32> to vector<16xf32>
        %mul3A_1377 = arith.mulf %broadcast_in_dim3A_1223, %get3A_1376 : vector<16xf32>
        %get3A_1378 = arith.index_cast %add3A_1220 : i32 to index
        %get3A_1379 = arith.constant 80 : index
        %get3A_1380 = tpu.vector_load %arg17[%get3A_1378, %get3A_1379] {strides = array<i32>} : memref<128x96xf32, #tpu.memory_space<vmem>>, vector<1x16xf32>,
        %get3A_1381 = vector.shape_cast %get3A_1380 : vector<1x16xf32> to vector<16xf32>
        %mul3A_1382 = arith.mulf %broadcast_in_dim3A_1226, %get3A_1381 : vector<16xf32>
        %add3A_1383 = arith.addf %mul3A_1377, %mul3A_1382 : vector<16xf32>
        %get3A_1384 = arith.index_cast %add3A_1220 : i32 to index
        %get3A_1385 = arith.constant 80 : index
        %get3A_1386 = tpu.vector_load %arg18[%get3A_1384, %get3A_1385] {strides = array<i32>} : memref<128x96xf32, #tpu.memory_space<vmem>>, vector<1x16xf32>,
        %get3A_1387 = vector.shape_cast %get3A_1386 : vector<1x16xf32> to vector<16xf32>
        %mul3A_1388 = arith.mulf %broadcast_in_dim3A_1229, %get3A_1387 : vector<16xf32>
        %add3A_1389 = arith.addf %add3A_1383, %mul3A_1388 : vector<16xf32>
        %get3A_1390 = arith.index_cast %add3A_1220 : i32 to index
        %get3A_1391 = arith.constant 80 : index
        %get3A_1392 = tpu.vector_load %arg19[%get3A_1390, %get3A_1391] {strides = array<i32>} : memref<128x96xf32, #tpu.memory_space<vmem>>, vector<1x16xf32>,
        %get3A_1393 = vector.shape_cast %get3A_1392 : vector<1x16xf32> to vector<16xf32>
        %mul3A_1394 = arith.mulf %broadcast_in_dim3A_1232, %get3A_1393 : vector<16xf32>
        %add3A_1395 = arith.addf %add3A_1389, %mul3A_1394 : vector<16xf32>
        %swap3A_1396 = arith.index_cast %add3A_1220 : i32 to index
        %swap3A_1397 = arith.constant 80 : index
        %swap3A_1398 = tpu.vector_load %arg20[%swap3A_1396, %swap3A_1397] {strides = array<i32>} : memref<128x96xf32, #tpu.memory_space<vmem>>, vector<1x16xf32>,
        %swap3A_1399 = vector.shape_cast %swap3A_1398 : vector<1x16xf32> to vector<16xf32>
        %swap3A_1400 = vector.shape_cast %add3A_1395 : vector<16xf32> to vector<1x16xf32>
        tpu.vector_store %arg20[%swap3A_1396, %swap3A_1397], %swap3A_1400 {strides = array<i32>} : memref<128x96xf32, #tpu.memory_space<vmem>>, vector<1x16xf32>,
        %mul3A_1401 = arith.constant 16 : i32
        %mul3A_1402 = arith.muli %scan3A_836, %mul3A_1401 : i32
        %add3A_1403 = arith.constant 3 : i32
        %add3A_1404 = arith.addi %mul3A_1402, %add3A_1403 : i32
        %slice3A_1405 = vector.extract_strided_slice %get3A_842 {offsets = [3], sizes = [1], strides = [1]} : vector<16xf32> to vector<1xf32>
        %squeeze3A_1406 = vector.extract %slice3A_1405[0] : f32 from vector<1xf32>
        %broadcast_in_dim3A_1407 = vector.broadcast %squeeze3A_1406 : f32 to vector<16xf32>
        %slice3A_1408 = vector.extract_strided_slice %get3A_845 {offsets = [3], sizes = [1], strides = [1]} : vector<16xf32> to vector<1xf32>
        %squeeze3A_1409 = vector.extract %slice3A_1408[0] : f32 from vector<1xf32>
        %broadcast_in_dim3A_1410 = vector.broadcast %squeeze3A_1409 : f32 to vector<16xf32>
        %slice3A_1411 = vector.extract_strided_slice %get3A_848 {offsets = [3], sizes = [1], strides = [1]} : vector<16xf32> to vector<1xf32>
        %squeeze3A_1412 = vector.extract %slice3A_1411[0] : f32 from vector<1xf32>
        %broadcast_in_dim3A_1413 = vector.broadcast %squeeze3A_1412 : f32 to vector<16xf32>
        %slice3A_1414 = vector.extract_strided_slice %get3A_851 {offsets = [3], sizes = [1], strides = [1]} : vector<16xf32> to vector<1xf32>
        %squeeze3A_1415 = vector.extract %slice3A_1414[0] : f32 from vector<1xf32>
        %broadcast_in_dim3A_1416 = vector.broadcast %squeeze3A_1415 : f32 to vector<16xf32>
        %get3A_1417 = arith.index_cast %add3A_1404 : i32 to index
        %get3A_1418 = arith.constant 0 : index
        %get3A_1419 = tpu.vector_load %arg16[%get3A_1417, %get3A_1418] {strides = array<i32>} : memref<128x96xf32, #tpu.memory_space<vmem>>, vector<1x16xf32>,
        %get3A_1420 = vector.shape_cast %get3A_1419 : vector<1x16xf32> to vector<16xf32>
        %mul3A_1421 = arith.mulf %broadcast_in_dim3A_1407, %get3A_1420 : vector<16xf32>
        %get3A_1422 = arith.index_cast %add3A_1404 : i32 to index
        %get3A_1423 = arith.constant 0 : index
        %get3A_1424 = tpu.vector_load %arg17[%get3A_1422, %get3A_1423] {strides = array<i32>} : memref<128x96xf32, #tpu.memory_space<vmem>>, vector<1x16xf32>,
        %get3A_1425 = vector.shape_cast %get3A_1424 : vector<1x16xf32> to vector<16xf32>
        %mul3A_1426 = arith.mulf %broadcast_in_dim3A_1410, %get3A_1425 : vector<16xf32>
        %add3A_1427 = arith.addf %mul3A_1421, %mul3A_1426 : vector<16xf32>
        %get3A_1428 = arith.index_cast %add3A_1404 : i32 to index
        %get3A_1429 = arith.constant 0 : index
        %get3A_1430 = tpu.vector_load %arg18[%get3A_1428, %get3A_1429] {strides = array<i32>} : memref<128x96xf32, #tpu.memory_space<vmem>>, vector<1x16xf32>,
        %get3A_1431 = vector.shape_cast %get3A_1430 : vector<1x16xf32> to vector<16xf32>
        %mul3A_1432 = arith.mulf %broadcast_in_dim3A_1413, %get3A_1431 : vector<16xf32>
        %add3A_1433 = arith.addf %add3A_1427, %mul3A_1432 : vector<16xf32>
        %get3A_1434 = arith.index_cast %add3A_1404 : i32 to index
        %get3A_1435 = arith.constant 0 : index
        %get3A_1436 = tpu.vector_load %arg19[%get3A_1434, %get3A_1435] {strides = array<i32>} : memref<128x96xf32, #tpu.memory_space<vmem>>, vector<1x16xf32>,
        %get3A_1437 = vector.shape_cast %get3A_1436 : vector<1x16xf32> to vector<16xf32>
        %mul3A_1438 = arith.mulf %broadcast_in_dim3A_1416, %get3A_1437 : vector<16xf32>
        %add3A_1439 = arith.addf %add3A_1433, %mul3A_1438 : vector<16xf32>
        %swap3A_1440 = arith.index_cast %add3A_1404 : i32 to index
        %swap3A_1441 = arith.constant 0 : index
        %swap3A_1442 = tpu.vector_load %arg20[%swap3A_1440, %swap3A_1441] {strides = array<i32>} : memref<128x96xf32, #tpu.memory_space<vmem>>, vector<1x16xf32>,
        %swap3A_1443 = vector.shape_cast %swap3A_1442 : vector<1x16xf32> to vector<16xf32>
        %swap3A_1444 = vector.shape_cast %add3A_1439 : vector<16xf32> to vector<1x16xf32>
        tpu.vector_store %arg20[%swap3A_1440, %swap3A_1441], %swap3A_1444 {strides = array<i32>} : memref<128x96xf32, #tpu.memory_space<vmem>>, vector<1x16xf32>,
        %get3A_1445 = arith.index_cast %add3A_1404 : i32 to index
        %get3A_1446 = arith.constant 16 : index
        %get3A_1447 = tpu.vector_load %arg16[%get3A_1445, %get3A_1446] {strides = array<i32>} : memref<128x96xf32, #tpu.memory_space<vmem>>, vector<1x16xf32>,
        %get3A_1448 = vector.shape_cast %get3A_1447 : vector<1x16xf32> to vector<16xf32>
        %mul3A_1449 = arith.mulf %broadcast_in_dim3A_1407, %get3A_1448 : vector<16xf32>
        %get3A_1450 = arith.index_cast %add3A_1404 : i32 to index
        %get3A_1451 = arith.constant 16 : index
        %get3A_1452 = tpu.vector_load %arg17[%get3A_1450, %get3A_1451] {strides = array<i32>} : memref<128x96xf32, #tpu.memory_space<vmem>>, vector<1x16xf32>,
        %get3A_1453 = vector.shape_cast %get3A_1452 : vector<1x16xf32> to vector<16xf32>
        %mul3A_1454 = arith.mulf %broadcast_in_dim3A_1410, %get3A_1453 : vector<16xf32>
        %add3A_1455 = arith.addf %mul3A_1449, %mul3A_1454 : vector<16xf32>
        %get3A_1456 = arith.index_cast %add3A_1404 : i32 to index
        %get3A_1457 = arith.constant 16 : index
        %get3A_1458 = tpu.vector_load %arg18[%get3A_1456, %get3A_1457] {strides = array<i32>} : memref<128x96xf32, #tpu.memory_space<vmem>>, vector<1x16xf32>,
        %get3A_1459 = vector.shape_cast %get3A_1458 : vector<1x16xf32> to vector<16xf32>
        %mul3A_1460 = arith.mulf %broadcast_in_dim3A_1413, %get3A_1459 : vector<16xf32>
        %add3A_1461 = arith.addf %add3A_1455, %mul3A_1460 : vector<16xf32>
        %get3A_1462 = arith.index_cast %add3A_1404 : i32 to index
        %get3A_1463 = arith.constant 16 : index
        %get3A_1464 = tpu.vector_load %arg19[%get3A_1462, %get3A_1463] {strides = array<i32>} : memref<128x96xf32, #tpu.memory_space<vmem>>, vector<1x16xf32>,
        %get3A_1465 = vector.shape_cast %get3A_1464 : vector<1x16xf32> to vector<16xf32>
        %mul3A_1466 = arith.mulf %broadcast_in_dim3A_1416, %get3A_1465 : vector<16xf32>
        %add3A_1467 = arith.addf %add3A_1461, %mul3A_1466 : vector<16xf32>
        %swap3A_1468 = arith.index_cast %add3A_1404 : i32 to index
        %swap3A_1469 = arith.constant 16 : index
        %swap3A_1470 = tpu.vector_load %arg20[%swap3A_1468, %swap3A_1469] {strides = array<i32>} : memref<128x96xf32, #tpu.memory_space<vmem>>, vector<1x16xf32>,
        %swap3A_1471 = vector.shape_cast %swap3A_1470 : vector<1x16xf32> to vector<16xf32>
        %swap3A_1472 = vector.shape_cast %add3A_1467 : vector<16xf32> to vector<1x16xf32>
        tpu.vector_store %arg20[%swap3A_1468, %swap3A_1469], %swap3A_1472 {strides = array<i32>} : memref<128x96xf32, #tpu.memory_space<vmem>>, vector<1x16xf32>,
        %get3A_1473 = arith.index_cast %add3A_1404 : i32 to index
        %get3A_1474 = arith.constant 32 : index
        %get3A_1475 = tpu.vector_load %arg16[%get3A_1473, %get3A_1474] {strides = array<i32>} : memref<128x96xf32, #tpu.memory_space<vmem>>, vector<1x16xf32>,
        %get3A_1476 = vector.shape_cast %get3A_1475 : vector<1x16xf32> to vector<16xf32>
        %mul3A_1477 = arith.mulf %broadcast_in_dim3A_1407, %get3A_1476 : vector<16xf32>
        %get3A_1478 = arith.index_cast %add3A_1404 : i32 to index
        %get3A_1479 = arith.constant 32 : index
        %get3A_1480 = tpu.vector_load %arg17[%get3A_1478, %get3A_1479] {strides = array<i32>} : memref<128x96xf32, #tpu.memory_space<vmem>>, vector<1x16xf32>,
        %get3A_1481 = vector.shape_cast %get3A_1480 : vector<1x16xf32> to vector<16xf32>
        %mul3A_1482 = arith.mulf %broadcast_in_dim3A_1410, %get3A_1481 : vector<16xf32>
        %add3A_1483 = arith.addf %mul3A_1477, %mul3A_1482 : vector<16xf32>
        %get3A_1484 = arith.index_cast %add3A_1404 : i32 to index
        %get3A_1485 = arith.constant 32 : index
        %get3A_1486 = tpu.vector_load %arg18[%get3A_1484, %get3A_1485] {strides = array<i32>} : memref<128x96xf32, #tpu.memory_space<vmem>>, vector<1x16xf32>,
        %get3A_1487 = vector.shape_cast %get3A_1486 : vector<1x16xf32> to vector<16xf32>
        %mul3A_1488 = arith.mulf %broadcast_in_dim3A_1413, %get3A_1487 : vector<16xf32>
        %add3A_1489 = arith.addf %add3A_1483, %mul3A_1488 : vector<16xf32>
        %get3A_1490 = arith.index_cast %add3A_1404 : i32 to index
        %get3A_1491 = arith.constant 32 : index
        %get3A_1492 = tpu.vector_load %arg19[%get3A_1490, %get3A_1491] {strides = array<i32>} : memref<128x96xf32, #tpu.memory_space<vmem>>, vector<1x16xf32>,
        %get3A_1493 = vector.shape_cast %get3A_1492 : vector<1x16xf32> to vector<16xf32>
        %mul3A_1494 = arith.mulf %broadcast_in_dim3A_1416, %get3A_1493 : vector<16xf32>
        %add3A_1495 = arith.addf %add3A_1489, %mul3A_1494 : vector<16xf32>
        %swap3A_1496 = arith.index_cast %add3A_1404 : i32 to index
        %swap3A_1497 = arith.constant 32 : index
        %swap3A_1498 = tpu.vector_load %arg20[%swap3A_1496, %swap3A_1497] {strides = array<i32>} : memref<128x96xf32, #tpu.memory_space<vmem>>, vector<1x16xf32>,
        %swap3A_1499 = vector.shape_cast %swap3A_1498 : vector<1x16xf32> to vector<16xf32>
        %swap3A_1500 = vector.shape_cast %add3A_1495 : vector<16xf32> to vector<1x16xf32>
        tpu.vector_store %arg20[%swap3A_1496, %swap3A_1497], %swap3A_1500 {strides = array<i32>} : memref<128x96xf32, #tpu.memory_space<vmem>>, vector<1x16xf32>,
        %get3A_1501 = arith.index_cast %add3A_1404 : i32 to index
        %get3A_1502 = arith.constant 48 : index
        %get3A_1503 = tpu.vector_load %arg16[%get3A_1501, %get3A_1502] {strides = array<i32>} : memref<128x96xf32, #tpu.memory_space<vmem>>, vector<1x16xf32>,
        %get3A_1504 = vector.shape_cast %get3A_1503 : vector<1x16xf32> to vector<16xf32>
        %mul3A_1505 = arith.mulf %broadcast_in_dim3A_1407, %get3A_1504 : vector<16xf32>
        %get3A_1506 = arith.index_cast %add3A_1404 : i32 to index
        %get3A_1507 = arith.constant 48 : index
        %get3A_1508 = tpu.vector_load %arg17[%get3A_1506, %get3A_1507] {strides = array<i32>} : memref<128x96xf32, #tpu.memory_space<vmem>>, vector<1x16xf32>,
        %get3A_1509 = vector.shape_cast %get3A_1508 : vector<1x16xf32> to vector<16xf32>
        %mul3A_1510 = arith.mulf %broadcast_in_dim3A_1410, %get3A_1509 : vector<16xf32>
        %add3A_1511 = arith.addf %mul3A_1505, %mul3A_1510 : vector<16xf32>
        %get3A_1512 = arith.index_cast %add3A_1404 : i32 to index
        %get3A_1513 = arith.constant 48 : index
        %get3A_1514 = tpu.vector_load %arg18[%get3A_1512, %get3A_1513] {strides = array<i32>} : memref<128x96xf32, #tpu.memory_space<vmem>>, vector<1x16xf32>,
        %get3A_1515 = vector.shape_cast %get3A_1514 : vector<1x16xf32> to vector<16xf32>
        %mul3A_1516 = arith.mulf %broadcast_in_dim3A_1413, %get3A_1515 : vector<16xf32>
        %add3A_1517 = arith.addf %add3A_1511, %mul3A_1516 : vector<16xf32>
        %get3A_1518 = arith.index_cast %add3A_1404 : i32 to index
        %get3A_1519 = arith.constant 48 : index
        %get3A_1520 = tpu.vector_load %arg19[%get3A_1518, %get3A_1519] {strides = array<i32>} : memref<128x96xf32, #tpu.memory_space<vmem>>, vector<1x16xf32>,
        %get3A_1521 = vector.shape_cast %get3A_1520 : vector<1x16xf32> to vector<16xf32>
        %mul3A_1522 = arith.mulf %broadcast_in_dim3A_1416, %get3A_1521 : vector<16xf32>
        %add3A_1523 = arith.addf %add3A_1517, %mul3A_1522 : vector<16xf32>
        %swap3A_1524 = arith.index_cast %add3A_1404 : i32 to index
        %swap3A_1525 = arith.constant 48 : index
        %swap3A_1526 = tpu.vector_load %arg20[%swap3A_1524, %swap3A_1525] {strides = array<i32>} : memref<128x96xf32, #tpu.memory_space<vmem>>, vector<1x16xf32>,
        %swap3A_1527 = vector.shape_cast %swap3A_1526 : vector<1x16xf32> to vector<16xf32>
        %swap3A_1528 = vector.shape_cast %add3A_1523 : vector<16xf32> to vector<1x16xf32>
        tpu.vector_store %arg20[%swap3A_1524, %swap3A_1525], %swap3A_1528 {strides = array<i32>} : memref<128x96xf32, #tpu.memory_space<vmem>>, vector<1x16xf32>,
        %get3A_1529 = arith.index_cast %add3A_1404 : i32 to index
        %get3A_1530 = arith.constant 64 : index
        %get3A_1531 = tpu.vector_load %arg16[%get3A_1529, %get3A_1530] {strides = array<i32>} : memref<128x96xf32, #tpu.memory_space<vmem>>, vector<1x16xf32>,
        %get3A_1532 = vector.shape_cast %get3A_1531 : vector<1x16xf32> to vector<16xf32>
        %mul3A_1533 = arith.mulf %broadcast_in_dim3A_1407, %get3A_1532 : vector<16xf32>
        %get3A_1534 = arith.index_cast %add3A_1404 : i32 to index
        %get3A_1535 = arith.constant 64 : index
        %get3A_1536 = tpu.vector_load %arg17[%get3A_1534, %get3A_1535] {strides = array<i32>} : memref<128x96xf32, #tpu.memory_space<vmem>>, vector<1x16xf32>,
        %get3A_1537 = vector.shape_cast %get3A_1536 : vector<1x16xf32> to vector<16xf32>
        %mul3A_1538 = arith.mulf %broadcast_in_dim3A_1410, %get3A_1537 : vector<16xf32>
        %add3A_1539 = arith.addf %mul3A_1533, %mul3A_1538 : vector<16xf32>
        %get3A_1540 = arith.index_cast %add3A_1404 : i32 to index
        %get3A_1541 = arith.constant 64 : index
        %get3A_1542 = tpu.vector_load %arg18[%get3A_1540, %get3A_1541] {strides = array<i32>} : memref<128x96xf32, #tpu.memory_space<vmem>>, vector<1x16xf32>,
        %get3A_1543 = vector.shape_cast %get3A_1542 : vector<1x16xf32> to vector<16xf32>
        %mul3A_1544 = arith.mulf %broadcast_in_dim3A_1413, %get3A_1543 : vector<16xf32>
        %add3A_1545 = arith.addf %add3A_1539, %mul3A_1544 : vector<16xf32>
        %get3A_1546 = arith.index_cast %add3A_1404 : i32 to index
        %get3A_1547 = arith.constant 64 : index
        %get3A_1548 = tpu.vector_load %arg19[%get3A_1546, %get3A_1547] {strides = array<i32>} : memref<128x96xf32, #tpu.memory_space<vmem>>, vector<1x16xf32>,
        %get3A_1549 = vector.shape_cast %get3A_1548 : vector<1x16xf32> to vector<16xf32>
        %mul3A_1550 = arith.mulf %broadcast_in_dim3A_1416, %get3A_1549 : vector<16xf32>
        %add3A_1551 = arith.addf %add3A_1545, %mul3A_1550 : vector<16xf32>
        %swap3A_1552 = arith.index_cast %add3A_1404 : i32 to index
        %swap3A_1553 = arith.constant 64 : index
        %swap3A_1554 = tpu.vector_load %arg20[%swap3A_1552, %swap3A_1553] {strides = array<i32>} : memref<128x96xf32, #tpu.memory_space<vmem>>, vector<1x16xf32>,
        %swap3A_1555 = vector.shape_cast %swap3A_1554 : vector<1x16xf32> to vector<16xf32>
        %swap3A_1556 = vector.shape_cast %add3A_1551 : vector<16xf32> to vector<1x16xf32>
        tpu.vector_store %arg20[%swap3A_1552, %swap3A_1553], %swap3A_1556 {strides = array<i32>} : memref<128x96xf32, #tpu.memory_space<vmem>>, vector<1x16xf32>,
        %get3A_1557 = arith.index_cast %add3A_1404 : i32 to index
        %get3A_1558 = arith.constant 80 : index
        %get3A_1559 = tpu.vector_load %arg16[%get3A_1557, %get3A_1558] {strides = array<i32>} : memref<128x96xf32, #tpu.memory_space<vmem>>, vector<1x16xf32>,
        %get3A_1560 = vector.shape_cast %get3A_1559 : vector<1x16xf32> to vector<16xf32>
        %mul3A_1561 = arith.mulf %broadcast_in_dim3A_1407, %get3A_1560 : vector<16xf32>
        %get3A_1562 = arith.index_cast %add3A_1404 : i32 to index
        %get3A_1563 = arith.constant 80 : index
        %get3A_1564 = tpu.vector_load %arg17[%get3A_1562, %get3A_1563] {strides = array<i32>} : memref<128x96xf32, #tpu.memory_space<vmem>>, vector<1x16xf32>,
        %get3A_1565 = vector.shape_cast %get3A_1564 : vector<1x16xf32> to vector<16xf32>
        %mul3A_1566 = arith.mulf %broadcast_in_dim3A_1410, %get3A_1565 : vector<16xf32>
        %add3A_1567 = arith.addf %mul3A_1561, %mul3A_1566 : vector<16xf32>
        %get3A_1568 = arith.index_cast %add3A_1404 : i32 to index
        %get3A_1569 = arith.constant 80 : index
        %get3A_1570 = tpu.vector_load %arg18[%get3A_1568, %get3A_1569] {strides = array<i32>} : memref<128x96xf32, #tpu.memory_space<vmem>>, vector<1x16xf32>,
        %get3A_1571 = vector.shape_cast %get3A_1570 : vector<1x16xf32> to vector<16xf32>
        %mul3A_1572 = arith.mulf %broadcast_in_dim3A_1413, %get3A_1571 : vector<16xf32>
        %add3A_1573 = arith.addf %add3A_1567, %mul3A_1572 : vector<16xf32>
        %get3A_1574 = arith.index_cast %add3A_1404 : i32 to index
        %get3A_1575 = arith.constant 80 : index
        %get3A_1576 = tpu.vector_load %arg19[%get3A_1574, %get3A_1575] {strides = array<i32>} : memref<128x96xf32, #tpu.memory_space<vmem>>, vector<1x16xf32>,
        %get3A_1577 = vector.shape_cast %get3A_1576 : vector<1x16xf32> to vector<16xf32>
        %mul3A_1578 = arith.mulf %broadcast_in_dim3A_1416, %get3A_1577 : vector<16xf32>
        %add3A_1579 = arith.addf %add3A_1573, %mul3A_1578 : vector<16xf32>
        %swap3A_1580 = arith.index_cast %add3A_1404 : i32 to index
        %swap3A_1581 = arith.constant 80 : index
        %swap3A_1582 = tpu.vector_load %arg20[%swap3A_1580, %swap3A_1581] {strides = array<i32>} : memref<128x96xf32, #tpu.memory_space<vmem>>, vector<1x16xf32>,
        %swap3A_1583 = vector.shape_cast %swap3A_1582 : vector<1x16xf32> to vector<16xf32>
        %swap3A_1584 = vector.shape_cast %add3A_1579 : vector<16xf32> to vector<1x16xf32>
        tpu.vector_store %arg20[%swap3A_1580, %swap3A_1581], %swap3A_1584 {strides = array<i32>} : memref<128x96xf32, #tpu.memory_space<vmem>>, vector<1x16xf32>,
        %mul3A_1585 = arith.constant 16 : i32
        %mul3A_1586 = arith.muli %scan3A_836, %mul3A_1585 : i32
        %add3A_1587 = arith.constant 4 : i32
        %add3A_1588 = arith.addi %mul3A_1586, %add3A_1587 : i32
        %slice3A_1589 = vector.extract_strided_slice %get3A_842 {offsets = [4], sizes = [1], strides = [1]} : vector<16xf32> to vector<1xf32>
        %squeeze3A_1590 = vector.extract %slice3A_1589[0] : f32 from vector<1xf32>
        %broadcast_in_dim3A_1591 = vector.broadcast %squeeze3A_1590 : f32 to vector<16xf32>
        %slice3A_1592 = vector.extract_strided_slice %get3A_845 {offsets = [4], sizes = [1], strides = [1]} : vector<16xf32> to vector<1xf32>
        %squeeze3A_1593 = vector.extract %slice3A_1592[0] : f32 from vector<1xf32>
        %broadcast_in_dim3A_1594 = vector.broadcast %squeeze3A_1593 : f32 to vector<16xf32>
        %slice3A_1595 = vector.extract_strided_slice %get3A_848 {offsets = [4], sizes = [1], strides = [1]} : vector<16xf32> to vector<1xf32>
        %squeeze3A_1596 = vector.extract %slice3A_1595[0] : f32 from vector<1xf32>
        %broadcast_in_dim3A_1597 = vector.broadcast %squeeze3A_1596 : f32 to vector<16xf32>
        %slice3A_1598 = vector.extract_strided_slice %get3A_851 {offsets = [4], sizes = [1], strides = [1]} : vector<16xf32> to vector<1xf32>
        %squeeze3A_1599 = vector.extract %slice3A_1598[0] : f32 from vector<1xf32>
        %broadcast_in_dim3A_1600 = vector.broadcast %squeeze3A_1599 : f32 to vector<16xf32>
        %get3A_1601 = arith.index_cast %add3A_1588 : i32 to index
        %get3A_1602 = arith.constant 0 : index
        %get3A_1603 = tpu.vector_load %arg16[%get3A_1601, %get3A_1602] {strides = array<i32>} : memref<128x96xf32, #tpu.memory_space<vmem>>, vector<1x16xf32>,
        %get3A_1604 = vector.shape_cast %get3A_1603 : vector<1x16xf32> to vector<16xf32>
        %mul3A_1605 = arith.mulf %broadcast_in_dim3A_1591, %get3A_1604 : vector<16xf32>
        %get3A_1606 = arith.index_cast %add3A_1588 : i32 to index
        %get3A_1607 = arith.constant 0 : index
        %get3A_1608 = tpu.vector_load %arg17[%get3A_1606, %get3A_1607] {strides = array<i32>} : memref<128x96xf32, #tpu.memory_space<vmem>>, vector<1x16xf32>,
        %get3A_1609 = vector.shape_cast %get3A_1608 : vector<1x16xf32> to vector<16xf32>
        %mul3A_1610 = arith.mulf %broadcast_in_dim3A_1594, %get3A_1609 : vector<16xf32>
        %add3A_1611 = arith.addf %mul3A_1605, %mul3A_1610 : vector<16xf32>
        %get3A_1612 = arith.index_cast %add3A_1588 : i32 to index
        %get3A_1613 = arith.constant 0 : index
        %get3A_1614 = tpu.vector_load %arg18[%get3A_1612, %get3A_1613] {strides = array<i32>} : memref<128x96xf32, #tpu.memory_space<vmem>>, vector<1x16xf32>,
        %get3A_1615 = vector.shape_cast %get3A_1614 : vector<1x16xf32> to vector<16xf32>
        %mul3A_1616 = arith.mulf %broadcast_in_dim3A_1597, %get3A_1615 : vector<16xf32>
        %add3A_1617 = arith.addf %add3A_1611, %mul3A_1616 : vector<16xf32>
        %get3A_1618 = arith.index_cast %add3A_1588 : i32 to index
        %get3A_1619 = arith.constant 0 : index
        %get3A_1620 = tpu.vector_load %arg19[%get3A_1618, %get3A_1619] {strides = array<i32>} : memref<128x96xf32, #tpu.memory_space<vmem>>, vector<1x16xf32>,
        %get3A_1621 = vector.shape_cast %get3A_1620 : vector<1x16xf32> to vector<16xf32>
        %mul3A_1622 = arith.mulf %broadcast_in_dim3A_1600, %get3A_1621 : vector<16xf32>
        %add3A_1623 = arith.addf %add3A_1617, %mul3A_1622 : vector<16xf32>
        %swap3A_1624 = arith.index_cast %add3A_1588 : i32 to index
        %swap3A_1625 = arith.constant 0 : index
        %swap3A_1626 = tpu.vector_load %arg20[%swap3A_1624, %swap3A_1625] {strides = array<i32>} : memref<128x96xf32, #tpu.memory_space<vmem>>, vector<1x16xf32>,
        %swap3A_1627 = vector.shape_cast %swap3A_1626 : vector<1x16xf32> to vector<16xf32>
        %swap3A_1628 = vector.shape_cast %add3A_1623 : vector<16xf32> to vector<1x16xf32>
        tpu.vector_store %arg20[%swap3A_1624, %swap3A_1625], %swap3A_1628 {strides = array<i32>} : memref<128x96xf32, #tpu.memory_space<vmem>>, vector<1x16xf32>,
        %get3A_1629 = arith.index_cast %add3A_1588 : i32 to index
        %get3A_1630 = arith.constant 16 : index
        %get3A_1631 = tpu.vector_load %arg16[%get3A_1629, %get3A_1630] {strides = array<i32>} : memref<128x96xf32, #tpu.memory_space<vmem>>, vector<1x16xf32>,
        %get3A_1632 = vector.shape_cast %get3A_1631 : vector<1x16xf32> to vector<16xf32>
        %mul3A_1633 = arith.mulf %broadcast_in_dim3A_1591, %get3A_1632 : vector<16xf32>
        %get3A_1634 = arith.index_cast %add3A_1588 : i32 to index
        %get3A_1635 = arith.constant 16 : index
        %get3A_1636 = tpu.vector_load %arg17[%get3A_1634, %get3A_1635] {strides = array<i32>} : memref<128x96xf32, #tpu.memory_space<vmem>>, vector<1x16xf32>,
        %get3A_1637 = vector.shape_cast %get3A_1636 : vector<1x16xf32> to vector<16xf32>
        %mul3A_1638 = arith.mulf %broadcast_in_dim3A_1594, %get3A_1637 : vector<16xf32>
        %add3A_1639 = arith.addf %mul3A_1633, %mul3A_1638 : vector<16xf32>
        %get3A_1640 = arith.index_cast %add3A_1588 : i32 to index
        %get3A_1641 = arith.constant 16 : index
        %get3A_1642 = tpu.vector_load %arg18[%get3A_1640, %get3A_1641] {strides = array<i32>} : memref<128x96xf32, #tpu.memory_space<vmem>>, vector<1x16xf32>,
        %get3A_1643 = vector.shape_cast %get3A_1642 : vector<1x16xf32> to vector<16xf32>
        %mul3A_1644 = arith.mulf %broadcast_in_dim3A_1597, %get3A_1643 : vector<16xf32>
        %add3A_1645 = arith.addf %add3A_1639, %mul3A_1644 : vector<16xf32>
        %get3A_1646 = arith.index_cast %add3A_1588 : i32 to index
        %get3A_1647 = arith.constant 16 : index
        %get3A_1648 = tpu.vector_load %arg19[%get3A_1646, %get3A_1647] {strides = array<i32>} : memref<128x96xf32, #tpu.memory_space<vmem>>, vector<1x16xf32>,
        %get3A_1649 = vector.shape_cast %get3A_1648 : vector<1x16xf32> to vector<16xf32>
        %mul3A_1650 = arith.mulf %broadcast_in_dim3A_1600, %get3A_1649 : vector<16xf32>
        %add3A_1651 = arith.addf %add3A_1645, %mul3A_1650 : vector<16xf32>
        %swap3A_1652 = arith.index_cast %add3A_1588 : i32 to index
        %swap3A_1653 = arith.constant 16 : index
        %swap3A_1654 = tpu.vector_load %arg20[%swap3A_1652, %swap3A_1653] {strides = array<i32>} : memref<128x96xf32, #tpu.memory_space<vmem>>, vector<1x16xf32>,
        %swap3A_1655 = vector.shape_cast %swap3A_1654 : vector<1x16xf32> to vector<16xf32>
        %swap3A_1656 = vector.shape_cast %add3A_1651 : vector<16xf32> to vector<1x16xf32>
        tpu.vector_store %arg20[%swap3A_1652, %swap3A_1653], %swap3A_1656 {strides = array<i32>} : memref<128x96xf32, #tpu.memory_space<vmem>>, vector<1x16xf32>,
        %get3A_1657 = arith.index_cast %add3A_1588 : i32 to index
        %get3A_1658 = arith.constant 32 : index
        %get3A_1659 = tpu.vector_load %arg16[%get3A_1657, %get3A_1658] {strides = array<i32>} : memref<128x96xf32, #tpu.memory_space<vmem>>, vector<1x16xf32>,
        %get3A_1660 = vector.shape_cast %get3A_1659 : vector<1x16xf32> to vector<16xf32>
        %mul3A_1661 = arith.mulf %broadcast_in_dim3A_1591, %get3A_1660 : vector<16xf32>
        %get3A_1662 = arith.index_cast %add3A_1588 : i32 to index
        %get3A_1663 = arith.constant 32 : index
        %get3A_1664 = tpu.vector_load %arg17[%get3A_1662, %get3A_1663] {strides = array<i32>} : memref<128x96xf32, #tpu.memory_space<vmem>>, vector<1x16xf32>,
        %get3A_1665 = vector.shape_cast %get3A_1664 : vector<1x16xf32> to vector<16xf32>
        %mul3A_1666 = arith.mulf %broadcast_in_dim3A_1594, %get3A_1665 : vector<16xf32>
        %add3A_1667 = arith.addf %mul3A_1661, %mul3A_1666 : vector<16xf32>
        %get3A_1668 = arith.index_cast %add3A_1588 : i32 to index
        %get3A_1669 = arith.constant 32 : index
        %get3A_1670 = tpu.vector_load %arg18[%get3A_1668, %get3A_1669] {strides = array<i32>} : memref<128x96xf32, #tpu.memory_space<vmem>>, vector<1x16xf32>,
        %get3A_1671 = vector.shape_cast %get3A_1670 : vector<1x16xf32> to vector<16xf32>
        %mul3A_1672 = arith.mulf %broadcast_in_dim3A_1597, %get3A_1671 : vector<16xf32>
        %add3A_1673 = arith.addf %add3A_1667, %mul3A_1672 : vector<16xf32>
        %get3A_1674 = arith.index_cast %add3A_1588 : i32 to index
        %get3A_1675 = arith.constant 32 : index
        %get3A_1676 = tpu.vector_load %arg19[%get3A_1674, %get3A_1675] {strides = array<i32>} : memref<128x96xf32, #tpu.memory_space<vmem>>, vector<1x16xf32>,
        %get3A_1677 = vector.shape_cast %get3A_1676 : vector<1x16xf32> to vector<16xf32>
        %mul3A_1678 = arith.mulf %broadcast_in_dim3A_1600, %get3A_1677 : vector<16xf32>
        %add3A_1679 = arith.addf %add3A_1673, %mul3A_1678 : vector<16xf32>
        %swap3A_1680 = arith.index_cast %add3A_1588 : i32 to index
        %swap3A_1681 = arith.constant 32 : index
        %swap3A_1682 = tpu.vector_load %arg20[%swap3A_1680, %swap3A_1681] {strides = array<i32>} : memref<128x96xf32, #tpu.memory_space<vmem>>, vector<1x16xf32>,
        %swap3A_1683 = vector.shape_cast %swap3A_1682 : vector<1x16xf32> to vector<16xf32>
        %swap3A_1684 = vector.shape_cast %add3A_1679 : vector<16xf32> to vector<1x16xf32>
        tpu.vector_store %arg20[%swap3A_1680, %swap3A_1681], %swap3A_1684 {strides = array<i32>} : memref<128x96xf32, #tpu.memory_space<vmem>>, vector<1x16xf32>,
        %get3A_1685 = arith.index_cast %add3A_1588 : i32 to index
        %get3A_1686 = arith.constant 48 : index
        %get3A_1687 = tpu.vector_load %arg16[%get3A_1685, %get3A_1686] {strides = array<i32>} : memref<128x96xf32, #tpu.memory_space<vmem>>, vector<1x16xf32>,
        %get3A_1688 = vector.shape_cast %get3A_1687 : vector<1x16xf32> to vector<16xf32>
        %mul3A_1689 = arith.mulf %broadcast_in_dim3A_1591, %get3A_1688 : vector<16xf32>
        %get3A_1690 = arith.index_cast %add3A_1588 : i32 to index
        %get3A_1691 = arith.constant 48 : index
        %get3A_1692 = tpu.vector_load %arg17[%get3A_1690, %get3A_1691] {strides = array<i32>} : memref<128x96xf32, #tpu.memory_space<vmem>>, vector<1x16xf32>,
        %get3A_1693 = vector.shape_cast %get3A_1692 : vector<1x16xf32> to vector<16xf32>
        %mul3A_1694 = arith.mulf %broadcast_in_dim3A_1594, %get3A_1693 : vector<16xf32>
        %add3A_1695 = arith.addf %mul3A_1689, %mul3A_1694 : vector<16xf32>
        %get3A_1696 = arith.index_cast %add3A_1588 : i32 to index
        %get3A_1697 = arith.constant 48 : index
        %get3A_1698 = tpu.vector_load %arg18[%get3A_1696, %get3A_1697] {strides = array<i32>} : memref<128x96xf32, #tpu.memory_space<vmem>>, vector<1x16xf32>,
        %get3A_1699 = vector.shape_cast %get3A_1698 : vector<1x16xf32> to vector<16xf32>
        %mul3A_1700 = arith.mulf %broadcast_in_dim3A_1597, %get3A_1699 : vector<16xf32>
        %add3A_1701 = arith.addf %add3A_1695, %mul3A_1700 : vector<16xf32>
        %get3A_1702 = arith.index_cast %add3A_1588 : i32 to index
        %get3A_1703 = arith.constant 48 : index
        %get3A_1704 = tpu.vector_load %arg19[%get3A_1702, %get3A_1703] {strides = array<i32>} : memref<128x96xf32, #tpu.memory_space<vmem>>, vector<1x16xf32>,
        %get3A_1705 = vector.shape_cast %get3A_1704 : vector<1x16xf32> to vector<16xf32>
        %mul3A_1706 = arith.mulf %broadcast_in_dim3A_1600, %get3A_1705 : vector<16xf32>
        %add3A_1707 = arith.addf %add3A_1701, %mul3A_1706 : vector<16xf32>
        %swap3A_1708 = arith.index_cast %add3A_1588 : i32 to index
        %swap3A_1709 = arith.constant 48 : index
        %swap3A_1710 = tpu.vector_load %arg20[%swap3A_1708, %swap3A_1709] {strides = array<i32>} : memref<128x96xf32, #tpu.memory_space<vmem>>, vector<1x16xf32>,
        %swap3A_1711 = vector.shape_cast %swap3A_1710 : vector<1x16xf32> to vector<16xf32>
        %swap3A_1712 = vector.shape_cast %add3A_1707 : vector<16xf32> to vector<1x16xf32>
        tpu.vector_store %arg20[%swap3A_1708, %swap3A_1709], %swap3A_1712 {strides = array<i32>} : memref<128x96xf32, #tpu.memory_space<vmem>>, vector<1x16xf32>,
        %get3A_1713 = arith.index_cast %add3A_1588 : i32 to index
        %get3A_1714 = arith.constant 64 : index
        %get3A_1715 = tpu.vector_load %arg16[%get3A_1713, %get3A_1714] {strides = array<i32>} : memref<128x96xf32, #tpu.memory_space<vmem>>, vector<1x16xf32>,
        %get3A_1716 = vector.shape_cast %get3A_1715 : vector<1x16xf32> to vector<16xf32>
        %mul3A_1717 = arith.mulf %broadcast_in_dim3A_1591, %get3A_1716 : vector<16xf32>
        %get3A_1718 = arith.index_cast %add3A_1588 : i32 to index
        %get3A_1719 = arith.constant 64 : index
        %get3A_1720 = tpu.vector_load %arg17[%get3A_1718, %get3A_1719] {strides = array<i32>} : memref<128x96xf32, #tpu.memory_space<vmem>>, vector<1x16xf32>,
        %get3A_1721 = vector.shape_cast %get3A_1720 : vector<1x16xf32> to vector<16xf32>
        %mul3A_1722 = arith.mulf %broadcast_in_dim3A_1594, %get3A_1721 : vector<16xf32>
        %add3A_1723 = arith.addf %mul3A_1717, %mul3A_1722 : vector<16xf32>
        %get3A_1724 = arith.index_cast %add3A_1588 : i32 to index
        %get3A_1725 = arith.constant 64 : index
        %get3A_1726 = tpu.vector_load %arg18[%get3A_1724, %get3A_1725] {strides = array<i32>} : memref<128x96xf32, #tpu.memory_space<vmem>>, vector<1x16xf32>,
        %get3A_1727 = vector.shape_cast %get3A_1726 : vector<1x16xf32> to vector<16xf32>
        %mul3A_1728 = arith.mulf %broadcast_in_dim3A_1597, %get3A_1727 : vector<16xf32>
        %add3A_1729 = arith.addf %add3A_1723, %mul3A_1728 : vector<16xf32>
        %get3A_1730 = arith.index_cast %add3A_1588 : i32 to index
        %get3A_1731 = arith.constant 64 : index
        %get3A_1732 = tpu.vector_load %arg19[%get3A_1730, %get3A_1731] {strides = array<i32>} : memref<128x96xf32, #tpu.memory_space<vmem>>, vector<1x16xf32>,
        %get3A_1733 = vector.shape_cast %get3A_1732 : vector<1x16xf32> to vector<16xf32>
        %mul3A_1734 = arith.mulf %broadcast_in_dim3A_1600, %get3A_1733 : vector<16xf32>
        %add3A_1735 = arith.addf %add3A_1729, %mul3A_1734 : vector<16xf32>
        %swap3A_1736 = arith.index_cast %add3A_1588 : i32 to index
        %swap3A_1737 = arith.constant 64 : index
        %swap3A_1738 = tpu.vector_load %arg20[%swap3A_1736, %swap3A_1737] {strides = array<i32>} : memref<128x96xf32, #tpu.memory_space<vmem>>, vector<1x16xf32>,
        %swap3A_1739 = vector.shape_cast %swap3A_1738 : vector<1x16xf32> to vector<16xf32>
        %swap3A_1740 = vector.shape_cast %add3A_1735 : vector<16xf32> to vector<1x16xf32>
        tpu.vector_store %arg20[%swap3A_1736, %swap3A_1737], %swap3A_1740 {strides = array<i32>} : memref<128x96xf32, #tpu.memory_space<vmem>>, vector<1x16xf32>,
        %get3A_1741 = arith.index_cast %add3A_1588 : i32 to index
        %get3A_1742 = arith.constant 80 : index
        %get3A_1743 = tpu.vector_load %arg16[%get3A_1741, %get3A_1742] {strides = array<i32>} : memref<128x96xf32, #tpu.memory_space<vmem>>, vector<1x16xf32>,
        %get3A_1744 = vector.shape_cast %get3A_1743 : vector<1x16xf32> to vector<16xf32>
        %mul3A_1745 = arith.mulf %broadcast_in_dim3A_1591, %get3A_1744 : vector<16xf32>
        %get3A_1746 = arith.index_cast %add3A_1588 : i32 to index
        %get3A_1747 = arith.constant 80 : index
        %get3A_1748 = tpu.vector_load %arg17[%get3A_1746, %get3A_1747] {strides = array<i32>} : memref<128x96xf32, #tpu.memory_space<vmem>>, vector<1x16xf32>,
        %get3A_1749 = vector.shape_cast %get3A_1748 : vector<1x16xf32> to vector<16xf32>
        %mul3A_1750 = arith.mulf %broadcast_in_dim3A_1594, %get3A_1749 : vector<16xf32>
        %add3A_1751 = arith.addf %mul3A_1745, %mul3A_1750 : vector<16xf32>
        %get3A_1752 = arith.index_cast %add3A_1588 : i32 to index
        %get3A_1753 = arith.constant 80 : index
        %get3A_1754 = tpu.vector_load %arg18[%get3A_1752, %get3A_1753] {strides = array<i32>} : memref<128x96xf32, #tpu.memory_space<vmem>>, vector<1x16xf32>,
        %get3A_1755 = vector.shape_cast %get3A_1754 : vector<1x16xf32> to vector<16xf32>
        %mul3A_1756 = arith.mulf %broadcast_in_dim3A_1597, %get3A_1755 : vector<16xf32>
        %add3A_1757 = arith.addf %add3A_1751, %mul3A_1756 : vector<16xf32>
        %get3A_1758 = arith.index_cast %add3A_1588 : i32 to index
        %get3A_1759 = arith.constant 80 : index
        %get3A_1760 = tpu.vector_load %arg19[%get3A_1758, %get3A_1759] {strides = array<i32>} : memref<128x96xf32, #tpu.memory_space<vmem>>, vector<1x16xf32>,
        %get3A_1761 = vector.shape_cast %get3A_1760 : vector<1x16xf32> to vector<16xf32>
        %mul3A_1762 = arith.mulf %broadcast_in_dim3A_1600, %get3A_1761 : vector<16xf32>
        %add3A_1763 = arith.addf %add3A_1757, %mul3A_1762 : vector<16xf32>
        %swap3A_1764 = arith.index_cast %add3A_1588 : i32 to index
        %swap3A_1765 = arith.constant 80 : index
        %swap3A_1766 = tpu.vector_load %arg20[%swap3A_1764, %swap3A_1765] {strides = array<i32>} : memref<128x96xf32, #tpu.memory_space<vmem>>, vector<1x16xf32>,
        %swap3A_1767 = vector.shape_cast %swap3A_1766 : vector<1x16xf32> to vector<16xf32>
        %swap3A_1768 = vector.shape_cast %add3A_1763 : vector<16xf32> to vector<1x16xf32>
        tpu.vector_store %arg20[%swap3A_1764, %swap3A_1765], %swap3A_1768 {strides = array<i32>} : memref<128x96xf32, #tpu.memory_space<vmem>>, vector<1x16xf32>,
        %mul3A_1769 = arith.constant 16 : i32
        %mul3A_1770 = arith.muli %scan3A_836, %mul3A_1769 : i32
        %add3A_1771 = arith.constant 5 : i32
        %add3A_1772 = arith.addi %mul3A_1770, %add3A_1771 : i32
        %slice3A_1773 = vector.extract_strided_slice %get3A_842 {offsets = [5], sizes = [1], strides = [1]} : vector<16xf32> to vector<1xf32>
        %squeeze3A_1774 = vector.extract %slice3A_1773[0] : f32 from vector<1xf32>
        %broadcast_in_dim3A_1775 = vector.broadcast %squeeze3A_1774 : f32 to vector<16xf32>
        %slice3A_1776 = vector.extract_strided_slice %get3A_845 {offsets = [5], sizes = [1], strides = [1]} : vector<16xf32> to vector<1xf32>
        %squeeze3A_1777 = vector.extract %slice3A_1776[0] : f32 from vector<1xf32>
        %broadcast_in_dim3A_1778 = vector.broadcast %squeeze3A_1777 : f32 to vector<16xf32>
        %slice3A_1779 = vector.extract_strided_slice %get3A_848 {offsets = [5], sizes = [1], strides = [1]} : vector<16xf32> to vector<1xf32>
        %squeeze3A_1780 = vector.extract %slice3A_1779[0] : f32 from vector<1xf32>
        %broadcast_in_dim3A_1781 = vector.broadcast %squeeze3A_1780 : f32 to vector<16xf32>
        %slice3A_1782 = vector.extract_strided_slice %get3A_851 {offsets = [5], sizes = [1], strides = [1]} : vector<16xf32> to vector<1xf32>
        %squeeze3A_1783 = vector.extract %slice3A_1782[0] : f32 from vector<1xf32>
        %broadcast_in_dim3A_1784 = vector.broadcast %squeeze3A_1783 : f32 to vector<16xf32>
        %get3A_1785 = arith.index_cast %add3A_1772 : i32 to index
        %get3A_1786 = arith.constant 0 : index
        %get3A_1787 = tpu.vector_load %arg16[%get3A_1785, %get3A_1786] {strides = array<i32>} : memref<128x96xf32, #tpu.memory_space<vmem>>, vector<1x16xf32>,
        %get3A_1788 = vector.shape_cast %get3A_1787 : vector<1x16xf32> to vector<16xf32>
        %mul3A_1789 = arith.mulf %broadcast_in_dim3A_1775, %get3A_1788 : vector<16xf32>
        %get3A_1790 = arith.index_cast %add3A_1772 : i32 to index
        %get3A_1791 = arith.constant 0 : index
        %get3A_1792 = tpu.vector_load %arg17[%get3A_1790, %get3A_1791] {strides = array<i32>} : memref<128x96xf32, #tpu.memory_space<vmem>>, vector<1x16xf32>,
        %get3A_1793 = vector.shape_cast %get3A_1792 : vector<1x16xf32> to vector<16xf32>
        %mul3A_1794 = arith.mulf %broadcast_in_dim3A_1778, %get3A_1793 : vector<16xf32>
        %add3A_1795 = arith.addf %mul3A_1789, %mul3A_1794 : vector<16xf32>
        %get3A_1796 = arith.index_cast %add3A_1772 : i32 to index
        %get3A_1797 = arith.constant 0 : index
        %get3A_1798 = tpu.vector_load %arg18[%get3A_1796, %get3A_1797] {strides = array<i32>} : memref<128x96xf32, #tpu.memory_space<vmem>>, vector<1x16xf32>,
        %get3A_1799 = vector.shape_cast %get3A_1798 : vector<1x16xf32> to vector<16xf32>
        %mul3A_1800 = arith.mulf %broadcast_in_dim3A_1781, %get3A_1799 : vector<16xf32>
        %add3A_1801 = arith.addf %add3A_1795, %mul3A_1800 : vector<16xf32>
        %get3A_1802 = arith.index_cast %add3A_1772 : i32 to index
        %get3A_1803 = arith.constant 0 : index
        %get3A_1804 = tpu.vector_load %arg19[%get3A_1802, %get3A_1803] {strides = array<i32>} : memref<128x96xf32, #tpu.memory_space<vmem>>, vector<1x16xf32>,
        %get3A_1805 = vector.shape_cast %get3A_1804 : vector<1x16xf32> to vector<16xf32>
        %mul3A_1806 = arith.mulf %broadcast_in_dim3A_1784, %get3A_1805 : vector<16xf32>
        %add3A_1807 = arith.addf %add3A_1801, %mul3A_1806 : vector<16xf32>
        %swap3A_1808 = arith.index_cast %add3A_1772 : i32 to index
        %swap3A_1809 = arith.constant 0 : index
        %swap3A_1810 = tpu.vector_load %arg20[%swap3A_1808, %swap3A_1809] {strides = array<i32>} : memref<128x96xf32, #tpu.memory_space<vmem>>, vector<1x16xf32>,
        %swap3A_1811 = vector.shape_cast %swap3A_1810 : vector<1x16xf32> to vector<16xf32>
        %swap3A_1812 = vector.shape_cast %add3A_1807 : vector<16xf32> to vector<1x16xf32>
        tpu.vector_store %arg20[%swap3A_1808, %swap3A_1809], %swap3A_1812 {strides = array<i32>} : memref<128x96xf32, #tpu.memory_space<vmem>>, vector<1x16xf32>,
        %get3A_1813 = arith.index_cast %add3A_1772 : i32 to index
        %get3A_1814 = arith.constant 16 : index
        %get3A_1815 = tpu.vector_load %arg16[%get3A_1813, %get3A_1814] {strides = array<i32>} : memref<128x96xf32, #tpu.memory_space<vmem>>, vector<1x16xf32>,
        %get3A_1816 = vector.shape_cast %get3A_1815 : vector<1x16xf32> to vector<16xf32>
        %mul3A_1817 = arith.mulf %broadcast_in_dim3A_1775, %get3A_1816 : vector<16xf32>
        %get3A_1818 = arith.index_cast %add3A_1772 : i32 to index
        %get3A_1819 = arith.constant 16 : index
        %get3A_1820 = tpu.vector_load %arg17[%get3A_1818, %get3A_1819] {strides = array<i32>} : memref<128x96xf32, #tpu.memory_space<vmem>>, vector<1x16xf32>,
        %get3A_1821 = vector.shape_cast %get3A_1820 : vector<1x16xf32> to vector<16xf32>
        %mul3A_1822 = arith.mulf %broadcast_in_dim3A_1778, %get3A_1821 : vector<16xf32>
        %add3A_1823 = arith.addf %mul3A_1817, %mul3A_1822 : vector<16xf32>
        %get3A_1824 = arith.index_cast %add3A_1772 : i32 to index
        %get3A_1825 = arith.constant 16 : index
        %get3A_1826 = tpu.vector_load %arg18[%get3A_1824, %get3A_1825] {strides = array<i32>} : memref<128x96xf32, #tpu.memory_space<vmem>>, vector<1x16xf32>,
        %get3A_1827 = vector.shape_cast %get3A_1826 : vector<1x16xf32> to vector<16xf32>
        %mul3A_1828 = arith.mulf %broadcast_in_dim3A_1781, %get3A_1827 : vector<16xf32>
        %add3A_1829 = arith.addf %add3A_1823, %mul3A_1828 : vector<16xf32>
        %get3A_1830 = arith.index_cast %add3A_1772 : i32 to index
        %get3A_1831 = arith.constant 16 : index
        %get3A_1832 = tpu.vector_load %arg19[%get3A_1830, %get3A_1831] {strides = array<i32>} : memref<128x96xf32, #tpu.memory_space<vmem>>, vector<1x16xf32>,
        %get3A_1833 = vector.shape_cast %get3A_1832 : vector<1x16xf32> to vector<16xf32>
        %mul3A_1834 = arith.mulf %broadcast_in_dim3A_1784, %get3A_1833 : vector<16xf32>
        %add3A_1835 = arith.addf %add3A_1829, %mul3A_1834 : vector<16xf32>
        %swap3A_1836 = arith.index_cast %add3A_1772 : i32 to index
        %swap3A_1837 = arith.constant 16 : index
        %swap3A_1838 = tpu.vector_load %arg20[%swap3A_1836, %swap3A_1837] {strides = array<i32>} : memref<128x96xf32, #tpu.memory_space<vmem>>, vector<1x16xf32>,
        %swap3A_1839 = vector.shape_cast %swap3A_1838 : vector<1x16xf32> to vector<16xf32>
        %swap3A_1840 = vector.shape_cast %add3A_1835 : vector<16xf32> to vector<1x16xf32>
        tpu.vector_store %arg20[%swap3A_1836, %swap3A_1837], %swap3A_1840 {strides = array<i32>} : memref<128x96xf32, #tpu.memory_space<vmem>>, vector<1x16xf32>,
        %get3A_1841 = arith.index_cast %add3A_1772 : i32 to index
        %get3A_1842 = arith.constant 32 : index
        %get3A_1843 = tpu.vector_load %arg16[%get3A_1841, %get3A_1842] {strides = array<i32>} : memref<128x96xf32, #tpu.memory_space<vmem>>, vector<1x16xf32>,
        %get3A_1844 = vector.shape_cast %get3A_1843 : vector<1x16xf32> to vector<16xf32>
        %mul3A_1845 = arith.mulf %broadcast_in_dim3A_1775, %get3A_1844 : vector<16xf32>
        %get3A_1846 = arith.index_cast %add3A_1772 : i32 to index
        %get3A_1847 = arith.constant 32 : index
        %get3A_1848 = tpu.vector_load %arg17[%get3A_1846, %get3A_1847] {strides = array<i32>} : memref<128x96xf32, #tpu.memory_space<vmem>>, vector<1x16xf32>,
        %get3A_1849 = vector.shape_cast %get3A_1848 : vector<1x16xf32> to vector<16xf32>
        %mul3A_1850 = arith.mulf %broadcast_in_dim3A_1778, %get3A_1849 : vector<16xf32>
        %add3A_1851 = arith.addf %mul3A_1845, %mul3A_1850 : vector<16xf32>
        %get3A_1852 = arith.index_cast %add3A_1772 : i32 to index
        %get3A_1853 = arith.constant 32 : index
        %get3A_1854 = tpu.vector_load %arg18[%get3A_1852, %get3A_1853] {strides = array<i32>} : memref<128x96xf32, #tpu.memory_space<vmem>>, vector<1x16xf32>,
        %get3A_1855 = vector.shape_cast %get3A_1854 : vector<1x16xf32> to vector<16xf32>
        %mul3A_1856 = arith.mulf %broadcast_in_dim3A_1781, %get3A_1855 : vector<16xf32>
        %add3A_1857 = arith.addf %add3A_1851, %mul3A_1856 : vector<16xf32>
        %get3A_1858 = arith.index_cast %add3A_1772 : i32 to index
        %get3A_1859 = arith.constant 32 : index
        %get3A_1860 = tpu.vector_load %arg19[%get3A_1858, %get3A_1859] {strides = array<i32>} : memref<128x96xf32, #tpu.memory_space<vmem>>, vector<1x16xf32>,
        %get3A_1861 = vector.shape_cast %get3A_1860 : vector<1x16xf32> to vector<16xf32>
        %mul3A_1862 = arith.mulf %broadcast_in_dim3A_1784, %get3A_1861 : vector<16xf32>
        %add3A_1863 = arith.addf %add3A_1857, %mul3A_1862 : vector<16xf32>
        %swap3A_1864 = arith.index_cast %add3A_1772 : i32 to index
        %swap3A_1865 = arith.constant 32 : index
        %swap3A_1866 = tpu.vector_load %arg20[%swap3A_1864, %swap3A_1865] {strides = array<i32>} : memref<128x96xf32, #tpu.memory_space<vmem>>, vector<1x16xf32>,
        %swap3A_1867 = vector.shape_cast %swap3A_1866 : vector<1x16xf32> to vector<16xf32>
        %swap3A_1868 = vector.shape_cast %add3A_1863 : vector<16xf32> to vector<1x16xf32>
        tpu.vector_store %arg20[%swap3A_1864, %swap3A_1865], %swap3A_1868 {strides = array<i32>} : memref<128x96xf32, #tpu.memory_space<vmem>>, vector<1x16xf32>,
        %get3A_1869 = arith.index_cast %add3A_1772 : i32 to index
        %get3A_1870 = arith.constant 48 : index
        %get3A_1871 = tpu.vector_load %arg16[%get3A_1869, %get3A_1870] {strides = array<i32>} : memref<128x96xf32, #tpu.memory_space<vmem>>, vector<1x16xf32>,
        %get3A_1872 = vector.shape_cast %get3A_1871 : vector<1x16xf32> to vector<16xf32>
        %mul3A_1873 = arith.mulf %broadcast_in_dim3A_1775, %get3A_1872 : vector<16xf32>
        %get3A_1874 = arith.index_cast %add3A_1772 : i32 to index
        %get3A_1875 = arith.constant 48 : index
        %get3A_1876 = tpu.vector_load %arg17[%get3A_1874, %get3A_1875] {strides = array<i32>} : memref<128x96xf32, #tpu.memory_space<vmem>>, vector<1x16xf32>,
        %get3A_1877 = vector.shape_cast %get3A_1876 : vector<1x16xf32> to vector<16xf32>
        %mul3A_1878 = arith.mulf %broadcast_in_dim3A_1778, %get3A_1877 : vector<16xf32>
        %add3A_1879 = arith.addf %mul3A_1873, %mul3A_1878 : vector<16xf32>
        %get3A_1880 = arith.index_cast %add3A_1772 : i32 to index
        %get3A_1881 = arith.constant 48 : index
        %get3A_1882 = tpu.vector_load %arg18[%get3A_1880, %get3A_1881] {strides = array<i32>} : memref<128x96xf32, #tpu.memory_space<vmem>>, vector<1x16xf32>,
        %get3A_1883 = vector.shape_cast %get3A_1882 : vector<1x16xf32> to vector<16xf32>
        %mul3A_1884 = arith.mulf %broadcast_in_dim3A_1781, %get3A_1883 : vector<16xf32>
        %add3A_1885 = arith.addf %add3A_1879, %mul3A_1884 : vector<16xf32>
        %get3A_1886 = arith.index_cast %add3A_1772 : i32 to index
        %get3A_1887 = arith.constant 48 : index
        %get3A_1888 = tpu.vector_load %arg19[%get3A_1886, %get3A_1887] {strides = array<i32>} : memref<128x96xf32, #tpu.memory_space<vmem>>, vector<1x16xf32>,
        %get3A_1889 = vector.shape_cast %get3A_1888 : vector<1x16xf32> to vector<16xf32>
        %mul3A_1890 = arith.mulf %broadcast_in_dim3A_1784, %get3A_1889 : vector<16xf32>
        %add3A_1891 = arith.addf %add3A_1885, %mul3A_1890 : vector<16xf32>
        %swap3A_1892 = arith.index_cast %add3A_1772 : i32 to index
        %swap3A_1893 = arith.constant 48 : index
        %swap3A_1894 = tpu.vector_load %arg20[%swap3A_1892, %swap3A_1893] {strides = array<i32>} : memref<128x96xf32, #tpu.memory_space<vmem>>, vector<1x16xf32>,
        %swap3A_1895 = vector.shape_cast %swap3A_1894 : vector<1x16xf32> to vector<16xf32>
        %swap3A_1896 = vector.shape_cast %add3A_1891 : vector<16xf32> to vector<1x16xf32>
        tpu.vector_store %arg20[%swap3A_1892, %swap3A_1893], %swap3A_1896 {strides = array<i32>} : memref<128x96xf32, #tpu.memory_space<vmem>>, vector<1x16xf32>,
        %get3A_1897 = arith.index_cast %add3A_1772 : i32 to index
        %get3A_1898 = arith.constant 64 : index
        %get3A_1899 = tpu.vector_load %arg16[%get3A_1897, %get3A_1898] {strides = array<i32>} : memref<128x96xf32, #tpu.memory_space<vmem>>, vector<1x16xf32>,
        %get3A_1900 = vector.shape_cast %get3A_1899 : vector<1x16xf32> to vector<16xf32>
        %mul3A_1901 = arith.mulf %broadcast_in_dim3A_1775, %get3A_1900 : vector<16xf32>
        %get3A_1902 = arith.index_cast %add3A_1772 : i32 to index
        %get3A_1903 = arith.constant 64 : index
        %get3A_1904 = tpu.vector_load %arg17[%get3A_1902, %get3A_1903] {strides = array<i32>} : memref<128x96xf32, #tpu.memory_space<vmem>>, vector<1x16xf32>,
        %get3A_1905 = vector.shape_cast %get3A_1904 : vector<1x16xf32> to vector<16xf32>
        %mul3A_1906 = arith.mulf %broadcast_in_dim3A_1778, %get3A_1905 : vector<16xf32>
        %add3A_1907 = arith.addf %mul3A_1901, %mul3A_1906 : vector<16xf32>
        %get3A_1908 = arith.index_cast %add3A_1772 : i32 to index
        %get3A_1909 = arith.constant 64 : index
        %get3A_1910 = tpu.vector_load %arg18[%get3A_1908, %get3A_1909] {strides = array<i32>} : memref<128x96xf32, #tpu.memory_space<vmem>>, vector<1x16xf32>,
        %get3A_1911 = vector.shape_cast %get3A_1910 : vector<1x16xf32> to vector<16xf32>
        %mul3A_1912 = arith.mulf %broadcast_in_dim3A_1781, %get3A_1911 : vector<16xf32>
        %add3A_1913 = arith.addf %add3A_1907, %mul3A_1912 : vector<16xf32>
        %get3A_1914 = arith.index_cast %add3A_1772 : i32 to index
        %get3A_1915 = arith.constant 64 : index
        %get3A_1916 = tpu.vector_load %arg19[%get3A_1914, %get3A_1915] {strides = array<i32>} : memref<128x96xf32, #tpu.memory_space<vmem>>, vector<1x16xf32>,
        %get3A_1917 = vector.shape_cast %get3A_1916 : vector<1x16xf32> to vector<16xf32>
        %mul3A_1918 = arith.mulf %broadcast_in_dim3A_1784, %get3A_1917 : vector<16xf32>
        %add3A_1919 = arith.addf %add3A_1913, %mul3A_1918 : vector<16xf32>
        %swap3A_1920 = arith.index_cast %add3A_1772 : i32 to index
        %swap3A_1921 = arith.constant 64 : index
        %swap3A_1922 = tpu.vector_load %arg20[%swap3A_1920, %swap3A_1921] {strides = array<i32>} : memref<128x96xf32, #tpu.memory_space<vmem>>, vector<1x16xf32>,
        %swap3A_1923 = vector.shape_cast %swap3A_1922 : vector<1x16xf32> to vector<16xf32>
        %swap3A_1924 = vector.shape_cast %add3A_1919 : vector<16xf32> to vector<1x16xf32>
        tpu.vector_store %arg20[%swap3A_1920, %swap3A_1921], %swap3A_1924 {strides = array<i32>} : memref<128x96xf32, #tpu.memory_space<vmem>>, vector<1x16xf32>,
        %get3A_1925 = arith.index_cast %add3A_1772 : i32 to index
        %get3A_1926 = arith.constant 80 : index
        %get3A_1927 = tpu.vector_load %arg16[%get3A_1925, %get3A_1926] {strides = array<i32>} : memref<128x96xf32, #tpu.memory_space<vmem>>, vector<1x16xf32>,
        %get3A_1928 = vector.shape_cast %get3A_1927 : vector<1x16xf32> to vector<16xf32>
        %mul3A_1929 = arith.mulf %broadcast_in_dim3A_1775, %get3A_1928 : vector<16xf32>
        %get3A_1930 = arith.index_cast %add3A_1772 : i32 to index
        %get3A_1931 = arith.constant 80 : index
        %get3A_1932 = tpu.vector_load %arg17[%get3A_1930, %get3A_1931] {strides = array<i32>} : memref<128x96xf32, #tpu.memory_space<vmem>>, vector<1x16xf32>,
        %get3A_1933 = vector.shape_cast %get3A_1932 : vector<1x16xf32> to vector<16xf32>
        %mul3A_1934 = arith.mulf %broadcast_in_dim3A_1778, %get3A_1933 : vector<16xf32>
        %add3A_1935 = arith.addf %mul3A_1929, %mul3A_1934 : vector<16xf32>
        %get3A_1936 = arith.index_cast %add3A_1772 : i32 to index
        %get3A_1937 = arith.constant 80 : index
        %get3A_1938 = tpu.vector_load %arg18[%get3A_1936, %get3A_1937] {strides = array<i32>} : memref<128x96xf32, #tpu.memory_space<vmem>>, vector<1x16xf32>,
        %get3A_1939 = vector.shape_cast %get3A_1938 : vector<1x16xf32> to vector<16xf32>
        %mul3A_1940 = arith.mulf %broadcast_in_dim3A_1781, %get3A_1939 : vector<16xf32>
        %add3A_1941 = arith.addf %add3A_1935, %mul3A_1940 : vector<16xf32>
        %get3A_1942 = arith.index_cast %add3A_1772 : i32 to index
        %get3A_1943 = arith.constant 80 : index
        %get3A_1944 = tpu.vector_load %arg19[%get3A_1942, %get3A_1943] {strides = array<i32>} : memref<128x96xf32, #tpu.memory_space<vmem>>, vector<1x16xf32>,
        %get3A_1945 = vector.shape_cast %get3A_1944 : vector<1x16xf32> to vector<16xf32>
        %mul3A_1946 = arith.mulf %broadcast_in_dim3A_1784, %get3A_1945 : vector<16xf32>
        %add3A_1947 = arith.addf %add3A_1941, %mul3A_1946 : vector<16xf32>
        %swap3A_1948 = arith.index_cast %add3A_1772 : i32 to index
        %swap3A_1949 = arith.constant 80 : index
        %swap3A_1950 = tpu.vector_load %arg20[%swap3A_1948, %swap3A_1949] {strides = array<i32>} : memref<128x96xf32, #tpu.memory_space<vmem>>, vector<1x16xf32>,
        %swap3A_1951 = vector.shape_cast %swap3A_1950 : vector<1x16xf32> to vector<16xf32>
        %swap3A_1952 = vector.shape_cast %add3A_1947 : vector<16xf32> to vector<1x16xf32>
        tpu.vector_store %arg20[%swap3A_1948, %swap3A_1949], %swap3A_1952 {strides = array<i32>} : memref<128x96xf32, #tpu.memory_space<vmem>>, vector<1x16xf32>,
        %mul3A_1953 = arith.constant 16 : i32
        %mul3A_1954 = arith.muli %scan3A_836, %mul3A_1953 : i32
        %add3A_1955 = arith.constant 6 : i32
        %add3A_1956 = arith.addi %mul3A_1954, %add3A_1955 : i32
        %slice3A_1957 = vector.extract_strided_slice %get3A_842 {offsets = [6], sizes = [1], strides = [1]} : vector<16xf32> to vector<1xf32>
        %squeeze3A_1958 = vector.extract %slice3A_1957[0] : f32 from vector<1xf32>
        %broadcast_in_dim3A_1959 = vector.broadcast %squeeze3A_1958 : f32 to vector<16xf32>
        %slice3A_1960 = vector.extract_strided_slice %get3A_845 {offsets = [6], sizes = [1], strides = [1]} : vector<16xf32> to vector<1xf32>
        %squeeze3A_1961 = vector.extract %slice3A_1960[0] : f32 from vector<1xf32>
        %broadcast_in_dim3A_1962 = vector.broadcast %squeeze3A_1961 : f32 to vector<16xf32>
        %slice3A_1963 = vector.extract_strided_slice %get3A_848 {offsets = [6], sizes = [1], strides = [1]} : vector<16xf32> to vector<1xf32>
        %squeeze3A_1964 = vector.extract %slice3A_1963[0] : f32 from vector<1xf32>
        %broadcast_in_dim3A_1965 = vector.broadcast %squeeze3A_1964 : f32 to vector<16xf32>
        %slice3A_1966 = vector.extract_strided_slice %get3A_851 {offsets = [6], sizes = [1], strides = [1]} : vector<16xf32> to vector<1xf32>
        %squeeze3A_1967 = vector.extract %slice3A_1966[0] : f32 from vector<1xf32>
        %broadcast_in_dim3A_1968 = vector.broadcast %squeeze3A_1967 : f32 to vector<16xf32>
        %get3A_1969 = arith.index_cast %add3A_1956 : i32 to index
        %get3A_1970 = arith.constant 0 : index
        %get3A_1971 = tpu.vector_load %arg16[%get3A_1969, %get3A_1970] {strides = array<i32>} : memref<128x96xf32, #tpu.memory_space<vmem>>, vector<1x16xf32>,
        %get3A_1972 = vector.shape_cast %get3A_1971 : vector<1x16xf32> to vector<16xf32>
        %mul3A_1973 = arith.mulf %broadcast_in_dim3A_1959, %get3A_1972 : vector<16xf32>
        %get3A_1974 = arith.index_cast %add3A_1956 : i32 to index
        %get3A_1975 = arith.constant 0 : index
        %get3A_1976 = tpu.vector_load %arg17[%get3A_1974, %get3A_1975] {strides = array<i32>} : memref<128x96xf32, #tpu.memory_space<vmem>>, vector<1x16xf32>,
        %get3A_1977 = vector.shape_cast %get3A_1976 : vector<1x16xf32> to vector<16xf32>
        %mul3A_1978 = arith.mulf %broadcast_in_dim3A_1962, %get3A_1977 : vector<16xf32>
        %add3A_1979 = arith.addf %mul3A_1973, %mul3A_1978 : vector<16xf32>
        %get3A_1980 = arith.index_cast %add3A_1956 : i32 to index
        %get3A_1981 = arith.constant 0 : index
        %get3A_1982 = tpu.vector_load %arg18[%get3A_1980, %get3A_1981] {strides = array<i32>} : memref<128x96xf32, #tpu.memory_space<vmem>>, vector<1x16xf32>,
        %get3A_1983 = vector.shape_cast %get3A_1982 : vector<1x16xf32> to vector<16xf32>
        %mul3A_1984 = arith.mulf %broadcast_in_dim3A_1965, %get3A_1983 : vector<16xf32>
        %add3A_1985 = arith.addf %add3A_1979, %mul3A_1984 : vector<16xf32>
        %get3A_1986 = arith.index_cast %add3A_1956 : i32 to index
        %get3A_1987 = arith.constant 0 : index
        %get3A_1988 = tpu.vector_load %arg19[%get3A_1986, %get3A_1987] {strides = array<i32>} : memref<128x96xf32, #tpu.memory_space<vmem>>, vector<1x16xf32>,
        %get3A_1989 = vector.shape_cast %get3A_1988 : vector<1x16xf32> to vector<16xf32>
        %mul3A_1990 = arith.mulf %broadcast_in_dim3A_1968, %get3A_1989 : vector<16xf32>
        %add3A_1991 = arith.addf %add3A_1985, %mul3A_1990 : vector<16xf32>
        %swap3A_1992 = arith.index_cast %add3A_1956 : i32 to index
        %swap3A_1993 = arith.constant 0 : index
        %swap3A_1994 = tpu.vector_load %arg20[%swap3A_1992, %swap3A_1993] {strides = array<i32>} : memref<128x96xf32, #tpu.memory_space<vmem>>, vector<1x16xf32>,
        %swap3A_1995 = vector.shape_cast %swap3A_1994 : vector<1x16xf32> to vector<16xf32>
        %swap3A_1996 = vector.shape_cast %add3A_1991 : vector<16xf32> to vector<1x16xf32>
        tpu.vector_store %arg20[%swap3A_1992, %swap3A_1993], %swap3A_1996 {strides = array<i32>} : memref<128x96xf32, #tpu.memory_space<vmem>>, vector<1x16xf32>,
        %get3A_1997 = arith.index_cast %add3A_1956 : i32 to index
        %get3A_1998 = arith.constant 16 : index
        %get3A_1999 = tpu.vector_load %arg16[%get3A_1997, %get3A_1998] {strides = array<i32>} : memref<128x96xf32, #tpu.memory_space<vmem>>, vector<1x16xf32>,
        %get3A_2000 = vector.shape_cast %get3A_1999 : vector<1x16xf32> to vector<16xf32>
        %mul3A_2001 = arith.mulf %broadcast_in_dim3A_1959, %get3A_2000 : vector<16xf32>
        %get3A_2002 = arith.index_cast %add3A_1956 : i32 to index
        %get3A_2003 = arith.constant 16 : index
        %get3A_2004 = tpu.vector_load %arg17[%get3A_2002, %get3A_2003] {strides = array<i32>} : memref<128x96xf32, #tpu.memory_space<vmem>>, vector<1x16xf32>,
        %get3A_2005 = vector.shape_cast %get3A_2004 : vector<1x16xf32> to vector<16xf32>
        %mul3A_2006 = arith.mulf %broadcast_in_dim3A_1962, %get3A_2005 : vector<16xf32>
        %add3A_2007 = arith.addf %mul3A_2001, %mul3A_2006 : vector<16xf32>
        %get3A_2008 = arith.index_cast %add3A_1956 : i32 to index
        %get3A_2009 = arith.constant 16 : index
        %get3A_2010 = tpu.vector_load %arg18[%get3A_2008, %get3A_2009] {strides = array<i32>} : memref<128x96xf32, #tpu.memory_space<vmem>>, vector<1x16xf32>,
        %get3A_2011 = vector.shape_cast %get3A_2010 : vector<1x16xf32> to vector<16xf32>
        %mul3A_2012 = arith.mulf %broadcast_in_dim3A_1965, %get3A_2011 : vector<16xf32>
        %add3A_2013 = arith.addf %add3A_2007, %mul3A_2012 : vector<16xf32>
        %get3A_2014 = arith.index_cast %add3A_1956 : i32 to index
        %get3A_2015 = arith.constant 16 : index
        %get3A_2016 = tpu.vector_load %arg19[%get3A_2014, %get3A_2015] {strides = array<i32>} : memref<128x96xf32, #tpu.memory_space<vmem>>, vector<1x16xf32>,
        %get3A_2017 = vector.shape_cast %get3A_2016 : vector<1x16xf32> to vector<16xf32>
        %mul3A_2018 = arith.mulf %broadcast_in_dim3A_1968, %get3A_2017 : vector<16xf32>
        %add3A_2019 = arith.addf %add3A_2013, %mul3A_2018 : vector<16xf32>
        %swap3A_2020 = arith.index_cast %add3A_1956 : i32 to index
        %swap3A_2021 = arith.constant 16 : index
        %swap3A_2022 = tpu.vector_load %arg20[%swap3A_2020, %swap3A_2021] {strides = array<i32>} : memref<128x96xf32, #tpu.memory_space<vmem>>, vector<1x16xf32>,
        %swap3A_2023 = vector.shape_cast %swap3A_2022 : vector<1x16xf32> to vector<16xf32>
        %swap3A_2024 = vector.shape_cast %add3A_2019 : vector<16xf32> to vector<1x16xf32>
        tpu.vector_store %arg20[%swap3A_2020, %swap3A_2021], %swap3A_2024 {strides = array<i32>} : memref<128x96xf32, #tpu.memory_space<vmem>>, vector<1x16xf32>,
        %get3A_2025 = arith.index_cast %add3A_1956 : i32 to index
        %get3A_2026 = arith.constant 32 : index
        %get3A_2027 = tpu.vector_load %arg16[%get3A_2025, %get3A_2026] {strides = array<i32>} : memref<128x96xf32, #tpu.memory_space<vmem>>, vector<1x16xf32>,
        %get3A_2028 = vector.shape_cast %get3A_2027 : vector<1x16xf32> to vector<16xf32>
        %mul3A_2029 = arith.mulf %broadcast_in_dim3A_1959, %get3A_2028 : vector<16xf32>
        %get3A_2030 = arith.index_cast %add3A_1956 : i32 to index
        %get3A_2031 = arith.constant 32 : index
        %get3A_2032 = tpu.vector_load %arg17[%get3A_2030, %get3A_2031] {strides = array<i32>} : memref<128x96xf32, #tpu.memory_space<vmem>>, vector<1x16xf32>,
        %get3A_2033 = vector.shape_cast %get3A_2032 : vector<1x16xf32> to vector<16xf32>
        %mul3A_2034 = arith.mulf %broadcast_in_dim3A_1962, %get3A_2033 : vector<16xf32>
        %add3A_2035 = arith.addf %mul3A_2029, %mul3A_2034 : vector<16xf32>
        %get3A_2036 = arith.index_cast %add3A_1956 : i32 to index
        %get3A_2037 = arith.constant 32 : index
        %get3A_2038 = tpu.vector_load %arg18[%get3A_2036, %get3A_2037] {strides = array<i32>} : memref<128x96xf32, #tpu.memory_space<vmem>>, vector<1x16xf32>,
        %get3A_2039 = vector.shape_cast %get3A_2038 : vector<1x16xf32> to vector<16xf32>
        %mul3A_2040 = arith.mulf %broadcast_in_dim3A_1965, %get3A_2039 : vector<16xf32>
        %add3A_2041 = arith.addf %add3A_2035, %mul3A_2040 : vector<16xf32>
        %get3A_2042 = arith.index_cast %add3A_1956 : i32 to index
        %get3A_2043 = arith.constant 32 : index
        %get3A_2044 = tpu.vector_load %arg19[%get3A_2042, %get3A_2043] {strides = array<i32>} : memref<128x96xf32, #tpu.memory_space<vmem>>, vector<1x16xf32>,
        %get3A_2045 = vector.shape_cast %get3A_2044 : vector<1x16xf32> to vector<16xf32>
        %mul3A_2046 = arith.mulf %broadcast_in_dim3A_1968, %get3A_2045 : vector<16xf32>
        %add3A_2047 = arith.addf %add3A_2041, %mul3A_2046 : vector<16xf32>
        %swap3A_2048 = arith.index_cast %add3A_1956 : i32 to index
        %swap3A_2049 = arith.constant 32 : index
        %swap3A_2050 = tpu.vector_load %arg20[%swap3A_2048, %swap3A_2049] {strides = array<i32>} : memref<128x96xf32, #tpu.memory_space<vmem>>, vector<1x16xf32>,
        %swap3A_2051 = vector.shape_cast %swap3A_2050 : vector<1x16xf32> to vector<16xf32>
        %swap3A_2052 = vector.shape_cast %add3A_2047 : vector<16xf32> to vector<1x16xf32>
        tpu.vector_store %arg20[%swap3A_2048, %swap3A_2049], %swap3A_2052 {strides = array<i32>} : memref<128x96xf32, #tpu.memory_space<vmem>>, vector<1x16xf32>,
        %get3A_2053 = arith.index_cast %add3A_1956 : i32 to index
        %get3A_2054 = arith.constant 48 : index
        %get3A_2055 = tpu.vector_load %arg16[%get3A_2053, %get3A_2054] {strides = array<i32>} : memref<128x96xf32, #tpu.memory_space<vmem>>, vector<1x16xf32>,
        %get3A_2056 = vector.shape_cast %get3A_2055 : vector<1x16xf32> to vector<16xf32>
        %mul3A_2057 = arith.mulf %broadcast_in_dim3A_1959, %get3A_2056 : vector<16xf32>
        %get3A_2058 = arith.index_cast %add3A_1956 : i32 to index
        %get3A_2059 = arith.constant 48 : index
        %get3A_2060 = tpu.vector_load %arg17[%get3A_2058, %get3A_2059] {strides = array<i32>} : memref<128x96xf32, #tpu.memory_space<vmem>>, vector<1x16xf32>,
        %get3A_2061 = vector.shape_cast %get3A_2060 : vector<1x16xf32> to vector<16xf32>
        %mul3A_2062 = arith.mulf %broadcast_in_dim3A_1962, %get3A_2061 : vector<16xf32>
        %add3A_2063 = arith.addf %mul3A_2057, %mul3A_2062 : vector<16xf32>
        %get3A_2064 = arith.index_cast %add3A_1956 : i32 to index
        %get3A_2065 = arith.constant 48 : index
        %get3A_2066 = tpu.vector_load %arg18[%get3A_2064, %get3A_2065] {strides = array<i32>} : memref<128x96xf32, #tpu.memory_space<vmem>>, vector<1x16xf32>,
        %get3A_2067 = vector.shape_cast %get3A_2066 : vector<1x16xf32> to vector<16xf32>
        %mul3A_2068 = arith.mulf %broadcast_in_dim3A_1965, %get3A_2067 : vector<16xf32>
        %add3A_2069 = arith.addf %add3A_2063, %mul3A_2068 : vector<16xf32>
        %get3A_2070 = arith.index_cast %add3A_1956 : i32 to index
        %get3A_2071 = arith.constant 48 : index
        %get3A_2072 = tpu.vector_load %arg19[%get3A_2070, %get3A_2071] {strides = array<i32>} : memref<128x96xf32, #tpu.memory_space<vmem>>, vector<1x16xf32>,
        %get3A_2073 = vector.shape_cast %get3A_2072 : vector<1x16xf32> to vector<16xf32>
        %mul3A_2074 = arith.mulf %broadcast_in_dim3A_1968, %get3A_2073 : vector<16xf32>
        %add3A_2075 = arith.addf %add3A_2069, %mul3A_2074 : vector<16xf32>
        %swap3A_2076 = arith.index_cast %add3A_1956 : i32 to index
        %swap3A_2077 = arith.constant 48 : index
        %swap3A_2078 = tpu.vector_load %arg20[%swap3A_2076, %swap3A_2077] {strides = array<i32>} : memref<128x96xf32, #tpu.memory_space<vmem>>, vector<1x16xf32>,
        %swap3A_2079 = vector.shape_cast %swap3A_2078 : vector<1x16xf32> to vector<16xf32>
        %swap3A_2080 = vector.shape_cast %add3A_2075 : vector<16xf32> to vector<1x16xf32>
        tpu.vector_store %arg20[%swap3A_2076, %swap3A_2077], %swap3A_2080 {strides = array<i32>} : memref<128x96xf32, #tpu.memory_space<vmem>>, vector<1x16xf32>,
        %get3A_2081 = arith.index_cast %add3A_1956 : i32 to index
        %get3A_2082 = arith.constant 64 : index
        %get3A_2083 = tpu.vector_load %arg16[%get3A_2081, %get3A_2082] {strides = array<i32>} : memref<128x96xf32, #tpu.memory_space<vmem>>, vector<1x16xf32>,
        %get3A_2084 = vector.shape_cast %get3A_2083 : vector<1x16xf32> to vector<16xf32>
        %mul3A_2085 = arith.mulf %broadcast_in_dim3A_1959, %get3A_2084 : vector<16xf32>
        %get3A_2086 = arith.index_cast %add3A_1956 : i32 to index
        %get3A_2087 = arith.constant 64 : index
        %get3A_2088 = tpu.vector_load %arg17[%get3A_2086, %get3A_2087] {strides = array<i32>} : memref<128x96xf32, #tpu.memory_space<vmem>>, vector<1x16xf32>,
        %get3A_2089 = vector.shape_cast %get3A_2088 : vector<1x16xf32> to vector<16xf32>
        %mul3A_2090 = arith.mulf %broadcast_in_dim3A_1962, %get3A_2089 : vector<16xf32>
        %add3A_2091 = arith.addf %mul3A_2085, %mul3A_2090 : vector<16xf32>
        %get3A_2092 = arith.index_cast %add3A_1956 : i32 to index
        %get3A_2093 = arith.constant 64 : index
        %get3A_2094 = tpu.vector_load %arg18[%get3A_2092, %get3A_2093] {strides = array<i32>} : memref<128x96xf32, #tpu.memory_space<vmem>>, vector<1x16xf32>,
        %get3A_2095 = vector.shape_cast %get3A_2094 : vector<1x16xf32> to vector<16xf32>
        %mul3A_2096 = arith.mulf %broadcast_in_dim3A_1965, %get3A_2095 : vector<16xf32>
        %add3A_2097 = arith.addf %add3A_2091, %mul3A_2096 : vector<16xf32>
        %get3A_2098 = arith.index_cast %add3A_1956 : i32 to index
        %get3A_2099 = arith.constant 64 : index
        %get3A_2100 = tpu.vector_load %arg19[%get3A_2098, %get3A_2099] {strides = array<i32>} : memref<128x96xf32, #tpu.memory_space<vmem>>, vector<1x16xf32>,
        %get3A_2101 = vector.shape_cast %get3A_2100 : vector<1x16xf32> to vector<16xf32>
        %mul3A_2102 = arith.mulf %broadcast_in_dim3A_1968, %get3A_2101 : vector<16xf32>
        %add3A_2103 = arith.addf %add3A_2097, %mul3A_2102 : vector<16xf32>
        %swap3A_2104 = arith.index_cast %add3A_1956 : i32 to index
        %swap3A_2105 = arith.constant 64 : index
        %swap3A_2106 = tpu.vector_load %arg20[%swap3A_2104, %swap3A_2105] {strides = array<i32>} : memref<128x96xf32, #tpu.memory_space<vmem>>, vector<1x16xf32>,
        %swap3A_2107 = vector.shape_cast %swap3A_2106 : vector<1x16xf32> to vector<16xf32>
        %swap3A_2108 = vector.shape_cast %add3A_2103 : vector<16xf32> to vector<1x16xf32>
        tpu.vector_store %arg20[%swap3A_2104, %swap3A_2105], %swap3A_2108 {strides = array<i32>} : memref<128x96xf32, #tpu.memory_space<vmem>>, vector<1x16xf32>,
        %get3A_2109 = arith.index_cast %add3A_1956 : i32 to index
        %get3A_2110 = arith.constant 80 : index
        %get3A_2111 = tpu.vector_load %arg16[%get3A_2109, %get3A_2110] {strides = array<i32>} : memref<128x96xf32, #tpu.memory_space<vmem>>, vector<1x16xf32>,
        %get3A_2112 = vector.shape_cast %get3A_2111 : vector<1x16xf32> to vector<16xf32>
        %mul3A_2113 = arith.mulf %broadcast_in_dim3A_1959, %get3A_2112 : vector<16xf32>
        %get3A_2114 = arith.index_cast %add3A_1956 : i32 to index
        %get3A_2115 = arith.constant 80 : index
        %get3A_2116 = tpu.vector_load %arg17[%get3A_2114, %get3A_2115] {strides = array<i32>} : memref<128x96xf32, #tpu.memory_space<vmem>>, vector<1x16xf32>,
        %get3A_2117 = vector.shape_cast %get3A_2116 : vector<1x16xf32> to vector<16xf32>
        %mul3A_2118 = arith.mulf %broadcast_in_dim3A_1962, %get3A_2117 : vector<16xf32>
        %add3A_2119 = arith.addf %mul3A_2113, %mul3A_2118 : vector<16xf32>
        %get3A_2120 = arith.index_cast %add3A_1956 : i32 to index
        %get3A_2121 = arith.constant 80 : index
        %get3A_2122 = tpu.vector_load %arg18[%get3A_2120, %get3A_2121] {strides = array<i32>} : memref<128x96xf32, #tpu.memory_space<vmem>>, vector<1x16xf32>,
        %get3A_2123 = vector.shape_cast %get3A_2122 : vector<1x16xf32> to vector<16xf32>
        %mul3A_2124 = arith.mulf %broadcast_in_dim3A_1965, %get3A_2123 : vector<16xf32>
        %add3A_2125 = arith.addf %add3A_2119, %mul3A_2124 : vector<16xf32>
        %get3A_2126 = arith.index_cast %add3A_1956 : i32 to index
        %get3A_2127 = arith.constant 80 : index
        %get3A_2128 = tpu.vector_load %arg19[%get3A_2126, %get3A_2127] {strides = array<i32>} : memref<128x96xf32, #tpu.memory_space<vmem>>, vector<1x16xf32>,
        %get3A_2129 = vector.shape_cast %get3A_2128 : vector<1x16xf32> to vector<16xf32>
        %mul3A_2130 = arith.mulf %broadcast_in_dim3A_1968, %get3A_2129 : vector<16xf32>
        %add3A_2131 = arith.addf %add3A_2125, %mul3A_2130 : vector<16xf32>
        %swap3A_2132 = arith.index_cast %add3A_1956 : i32 to index
        %swap3A_2133 = arith.constant 80 : index
        %swap3A_2134 = tpu.vector_load %arg20[%swap3A_2132, %swap3A_2133] {strides = array<i32>} : memref<128x96xf32, #tpu.memory_space<vmem>>, vector<1x16xf32>,
        %swap3A_2135 = vector.shape_cast %swap3A_2134 : vector<1x16xf32> to vector<16xf32>
        %swap3A_2136 = vector.shape_cast %add3A_2131 : vector<16xf32> to vector<1x16xf32>
        tpu.vector_store %arg20[%swap3A_2132, %swap3A_2133], %swap3A_2136 {strides = array<i32>} : memref<128x96xf32, #tpu.memory_space<vmem>>, vector<1x16xf32>,
        %mul3A_2137 = arith.constant 16 : i32
        %mul3A_2138 = arith.muli %scan3A_836, %mul3A_2137 : i32
        %add3A_2139 = arith.constant 7 : i32
        %add3A_2140 = arith.addi %mul3A_2138, %add3A_2139 : i32
        %slice3A_2141 = vector.extract_strided_slice %get3A_842 {offsets = [7], sizes = [1], strides = [1]} : vector<16xf32> to vector<1xf32>
        %squeeze3A_2142 = vector.extract %slice3A_2141[0] : f32 from vector<1xf32>
        %broadcast_in_dim3A_2143 = vector.broadcast %squeeze3A_2142 : f32 to vector<16xf32>
        %slice3A_2144 = vector.extract_strided_slice %get3A_845 {offsets = [7], sizes = [1], strides = [1]} : vector<16xf32> to vector<1xf32>
        %squeeze3A_2145 = vector.extract %slice3A_2144[0] : f32 from vector<1xf32>
        %broadcast_in_dim3A_2146 = vector.broadcast %squeeze3A_2145 : f32 to vector<16xf32>
        %slice3A_2147 = vector.extract_strided_slice %get3A_848 {offsets = [7], sizes = [1], strides = [1]} : vector<16xf32> to vector<1xf32>
        %squeeze3A_2148 = vector.extract %slice3A_2147[0] : f32 from vector<1xf32>
        %broadcast_in_dim3A_2149 = vector.broadcast %squeeze3A_2148 : f32 to vector<16xf32>
        %slice3A_2150 = vector.extract_strided_slice %get3A_851 {offsets = [7], sizes = [1], strides = [1]} : vector<16xf32> to vector<1xf32>
        %squeeze3A_2151 = vector.extract %slice3A_2150[0] : f32 from vector<1xf32>
        %broadcast_in_dim3A_2152 = vector.broadcast %squeeze3A_2151 : f32 to vector<16xf32>
        %get3A_2153 = arith.index_cast %add3A_2140 : i32 to index
        %get3A_2154 = arith.constant 0 : index
        %get3A_2155 = tpu.vector_load %arg16[%get3A_2153, %get3A_2154] {strides = array<i32>} : memref<128x96xf32, #tpu.memory_space<vmem>>, vector<1x16xf32>,
        %get3A_2156 = vector.shape_cast %get3A_2155 : vector<1x16xf32> to vector<16xf32>
        %mul3A_2157 = arith.mulf %broadcast_in_dim3A_2143, %get3A_2156 : vector<16xf32>
        %get3A_2158 = arith.index_cast %add3A_2140 : i32 to index
        %get3A_2159 = arith.constant 0 : index
        %get3A_2160 = tpu.vector_load %arg17[%get3A_2158, %get3A_2159] {strides = array<i32>} : memref<128x96xf32, #tpu.memory_space<vmem>>, vector<1x16xf32>,
        %get3A_2161 = vector.shape_cast %get3A_2160 : vector<1x16xf32> to vector<16xf32>
        %mul3A_2162 = arith.mulf %broadcast_in_dim3A_2146, %get3A_2161 : vector<16xf32>
        %add3A_2163 = arith.addf %mul3A_2157, %mul3A_2162 : vector<16xf32>
        %get3A_2164 = arith.index_cast %add3A_2140 : i32 to index
        %get3A_2165 = arith.constant 0 : index
        %get3A_2166 = tpu.vector_load %arg18[%get3A_2164, %get3A_2165] {strides = array<i32>} : memref<128x96xf32, #tpu.memory_space<vmem>>, vector<1x16xf32>,
        %get3A_2167 = vector.shape_cast %get3A_2166 : vector<1x16xf32> to vector<16xf32>
        %mul3A_2168 = arith.mulf %broadcast_in_dim3A_2149, %get3A_2167 : vector<16xf32>
        %add3A_2169 = arith.addf %add3A_2163, %mul3A_2168 : vector<16xf32>
        %get3A_2170 = arith.index_cast %add3A_2140 : i32 to index
        %get3A_2171 = arith.constant 0 : index
        %get3A_2172 = tpu.vector_load %arg19[%get3A_2170, %get3A_2171] {strides = array<i32>} : memref<128x96xf32, #tpu.memory_space<vmem>>, vector<1x16xf32>,
        %get3A_2173 = vector.shape_cast %get3A_2172 : vector<1x16xf32> to vector<16xf32>
        %mul3A_2174 = arith.mulf %broadcast_in_dim3A_2152, %get3A_2173 : vector<16xf32>
        %add3A_2175 = arith.addf %add3A_2169, %mul3A_2174 : vector<16xf32>
        %swap3A_2176 = arith.index_cast %add3A_2140 : i32 to index
        %swap3A_2177 = arith.constant 0 : index
        %swap3A_2178 = tpu.vector_load %arg20[%swap3A_2176, %swap3A_2177] {strides = array<i32>} : memref<128x96xf32, #tpu.memory_space<vmem>>, vector<1x16xf32>,
        %swap3A_2179 = vector.shape_cast %swap3A_2178 : vector<1x16xf32> to vector<16xf32>
        %swap3A_2180 = vector.shape_cast %add3A_2175 : vector<16xf32> to vector<1x16xf32>
        tpu.vector_store %arg20[%swap3A_2176, %swap3A_2177], %swap3A_2180 {strides = array<i32>} : memref<128x96xf32, #tpu.memory_space<vmem>>, vector<1x16xf32>,
        %get3A_2181 = arith.index_cast %add3A_2140 : i32 to index
        %get3A_2182 = arith.constant 16 : index
        %get3A_2183 = tpu.vector_load %arg16[%get3A_2181, %get3A_2182] {strides = array<i32>} : memref<128x96xf32, #tpu.memory_space<vmem>>, vector<1x16xf32>,
        %get3A_2184 = vector.shape_cast %get3A_2183 : vector<1x16xf32> to vector<16xf32>
        %mul3A_2185 = arith.mulf %broadcast_in_dim3A_2143, %get3A_2184 : vector<16xf32>
        %get3A_2186 = arith.index_cast %add3A_2140 : i32 to index
        %get3A_2187 = arith.constant 16 : index
        %get3A_2188 = tpu.vector_load %arg17[%get3A_2186, %get3A_2187] {strides = array<i32>} : memref<128x96xf32, #tpu.memory_space<vmem>>, vector<1x16xf32>,
        %get3A_2189 = vector.shape_cast %get3A_2188 : vector<1x16xf32> to vector<16xf32>
        %mul3A_2190 = arith.mulf %broadcast_in_dim3A_2146, %get3A_2189 : vector<16xf32>
        %add3A_2191 = arith.addf %mul3A_2185, %mul3A_2190 : vector<16xf32>
        %get3A_2192 = arith.index_cast %add3A_2140 : i32 to index
        %get3A_2193 = arith.constant 16 : index
        %get3A_2194 = tpu.vector_load %arg18[%get3A_2192, %get3A_2193] {strides = array<i32>} : memref<128x96xf32, #tpu.memory_space<vmem>>, vector<1x16xf32>,
        %get3A_2195 = vector.shape_cast %get3A_2194 : vector<1x16xf32> to vector<16xf32>
        %mul3A_2196 = arith.mulf %broadcast_in_dim3A_2149, %get3A_2195 : vector<16xf32>
        %add3A_2197 = arith.addf %add3A_2191, %mul3A_2196 : vector<16xf32>
        %get3A_2198 = arith.index_cast %add3A_2140 : i32 to index
        %get3A_2199 = arith.constant 16 : index
        %get3A_2200 = tpu.vector_load %arg19[%get3A_2198, %get3A_2199] {strides = array<i32>} : memref<128x96xf32, #tpu.memory_space<vmem>>, vector<1x16xf32>,
        %get3A_2201 = vector.shape_cast %get3A_2200 : vector<1x16xf32> to vector<16xf32>
        %mul3A_2202 = arith.mulf %broadcast_in_dim3A_2152, %get3A_2201 : vector<16xf32>
        %add3A_2203 = arith.addf %add3A_2197, %mul3A_2202 : vector<16xf32>
        %swap3A_2204 = arith.index_cast %add3A_2140 : i32 to index
        %swap3A_2205 = arith.constant 16 : index
        %swap3A_2206 = tpu.vector_load %arg20[%swap3A_2204, %swap3A_2205] {strides = array<i32>} : memref<128x96xf32, #tpu.memory_space<vmem>>, vector<1x16xf32>,
        %swap3A_2207 = vector.shape_cast %swap3A_2206 : vector<1x16xf32> to vector<16xf32>
        %swap3A_2208 = vector.shape_cast %add3A_2203 : vector<16xf32> to vector<1x16xf32>
        tpu.vector_store %arg20[%swap3A_2204, %swap3A_2205], %swap3A_2208 {strides = array<i32>} : memref<128x96xf32, #tpu.memory_space<vmem>>, vector<1x16xf32>,
        %get3A_2209 = arith.index_cast %add3A_2140 : i32 to index
        %get3A_2210 = arith.constant 32 : index
        %get3A_2211 = tpu.vector_load %arg16[%get3A_2209, %get3A_2210] {strides = array<i32>} : memref<128x96xf32, #tpu.memory_space<vmem>>, vector<1x16xf32>,
        %get3A_2212 = vector.shape_cast %get3A_2211 : vector<1x16xf32> to vector<16xf32>
        %mul3A_2213 = arith.mulf %broadcast_in_dim3A_2143, %get3A_2212 : vector<16xf32>
        %get3A_2214 = arith.index_cast %add3A_2140 : i32 to index
        %get3A_2215 = arith.constant 32 : index
        %get3A_2216 = tpu.vector_load %arg17[%get3A_2214, %get3A_2215] {strides = array<i32>} : memref<128x96xf32, #tpu.memory_space<vmem>>, vector<1x16xf32>,
        %get3A_2217 = vector.shape_cast %get3A_2216 : vector<1x16xf32> to vector<16xf32>
        %mul3A_2218 = arith.mulf %broadcast_in_dim3A_2146, %get3A_2217 : vector<16xf32>
        %add3A_2219 = arith.addf %mul3A_2213, %mul3A_2218 : vector<16xf32>
        %get3A_2220 = arith.index_cast %add3A_2140 : i32 to index
        %get3A_2221 = arith.constant 32 : index
        %get3A_2222 = tpu.vector_load %arg18[%get3A_2220, %get3A_2221] {strides = array<i32>} : memref<128x96xf32, #tpu.memory_space<vmem>>, vector<1x16xf32>,
        %get3A_2223 = vector.shape_cast %get3A_2222 : vector<1x16xf32> to vector<16xf32>
        %mul3A_2224 = arith.mulf %broadcast_in_dim3A_2149, %get3A_2223 : vector<16xf32>
        %add3A_2225 = arith.addf %add3A_2219, %mul3A_2224 : vector<16xf32>
        %get3A_2226 = arith.index_cast %add3A_2140 : i32 to index
        %get3A_2227 = arith.constant 32 : index
        %get3A_2228 = tpu.vector_load %arg19[%get3A_2226, %get3A_2227] {strides = array<i32>} : memref<128x96xf32, #tpu.memory_space<vmem>>, vector<1x16xf32>,
        %get3A_2229 = vector.shape_cast %get3A_2228 : vector<1x16xf32> to vector<16xf32>
        %mul3A_2230 = arith.mulf %broadcast_in_dim3A_2152, %get3A_2229 : vector<16xf32>
        %add3A_2231 = arith.addf %add3A_2225, %mul3A_2230 : vector<16xf32>
        %swap3A_2232 = arith.index_cast %add3A_2140 : i32 to index
        %swap3A_2233 = arith.constant 32 : index
        %swap3A_2234 = tpu.vector_load %arg20[%swap3A_2232, %swap3A_2233] {strides = array<i32>} : memref<128x96xf32, #tpu.memory_space<vmem>>, vector<1x16xf32>,
        %swap3A_2235 = vector.shape_cast %swap3A_2234 : vector<1x16xf32> to vector<16xf32>
        %swap3A_2236 = vector.shape_cast %add3A_2231 : vector<16xf32> to vector<1x16xf32>
        tpu.vector_store %arg20[%swap3A_2232, %swap3A_2233], %swap3A_2236 {strides = array<i32>} : memref<128x96xf32, #tpu.memory_space<vmem>>, vector<1x16xf32>,
        %get3A_2237 = arith.index_cast %add3A_2140 : i32 to index
        %get3A_2238 = arith.constant 48 : index
        %get3A_2239 = tpu.vector_load %arg16[%get3A_2237, %get3A_2238] {strides = array<i32>} : memref<128x96xf32, #tpu.memory_space<vmem>>, vector<1x16xf32>,
        %get3A_2240 = vector.shape_cast %get3A_2239 : vector<1x16xf32> to vector<16xf32>
        %mul3A_2241 = arith.mulf %broadcast_in_dim3A_2143, %get3A_2240 : vector<16xf32>
        %get3A_2242 = arith.index_cast %add3A_2140 : i32 to index
        %get3A_2243 = arith.constant 48 : index
        %get3A_2244 = tpu.vector_load %arg17[%get3A_2242, %get3A_2243] {strides = array<i32>} : memref<128x96xf32, #tpu.memory_space<vmem>>, vector<1x16xf32>,
        %get3A_2245 = vector.shape_cast %get3A_2244 : vector<1x16xf32> to vector<16xf32>
        %mul3A_2246 = arith.mulf %broadcast_in_dim3A_2146, %get3A_2245 : vector<16xf32>
        %add3A_2247 = arith.addf %mul3A_2241, %mul3A_2246 : vector<16xf32>
        %get3A_2248 = arith.index_cast %add3A_2140 : i32 to index
        %get3A_2249 = arith.constant 48 : index
        %get3A_2250 = tpu.vector_load %arg18[%get3A_2248, %get3A_2249] {strides = array<i32>} : memref<128x96xf32, #tpu.memory_space<vmem>>, vector<1x16xf32>,
        %get3A_2251 = vector.shape_cast %get3A_2250 : vector<1x16xf32> to vector<16xf32>
        %mul3A_2252 = arith.mulf %broadcast_in_dim3A_2149, %get3A_2251 : vector<16xf32>
        %add3A_2253 = arith.addf %add3A_2247, %mul3A_2252 : vector<16xf32>
        %get3A_2254 = arith.index_cast %add3A_2140 : i32 to index
        %get3A_2255 = arith.constant 48 : index
        %get3A_2256 = tpu.vector_load %arg19[%get3A_2254, %get3A_2255] {strides = array<i32>} : memref<128x96xf32, #tpu.memory_space<vmem>>, vector<1x16xf32>,
        %get3A_2257 = vector.shape_cast %get3A_2256 : vector<1x16xf32> to vector<16xf32>
        %mul3A_2258 = arith.mulf %broadcast_in_dim3A_2152, %get3A_2257 : vector<16xf32>
        %add3A_2259 = arith.addf %add3A_2253, %mul3A_2258 : vector<16xf32>
        %swap3A_2260 = arith.index_cast %add3A_2140 : i32 to index
        %swap3A_2261 = arith.constant 48 : index
        %swap3A_2262 = tpu.vector_load %arg20[%swap3A_2260, %swap3A_2261] {strides = array<i32>} : memref<128x96xf32, #tpu.memory_space<vmem>>, vector<1x16xf32>,
        %swap3A_2263 = vector.shape_cast %swap3A_2262 : vector<1x16xf32> to vector<16xf32>
        %swap3A_2264 = vector.shape_cast %add3A_2259 : vector<16xf32> to vector<1x16xf32>
        tpu.vector_store %arg20[%swap3A_2260, %swap3A_2261], %swap3A_2264 {strides = array<i32>} : memref<128x96xf32, #tpu.memory_space<vmem>>, vector<1x16xf32>,
        %get3A_2265 = arith.index_cast %add3A_2140 : i32 to index
        %get3A_2266 = arith.constant 64 : index
        %get3A_2267 = tpu.vector_load %arg16[%get3A_2265, %get3A_2266] {strides = array<i32>} : memref<128x96xf32, #tpu.memory_space<vmem>>, vector<1x16xf32>,
        %get3A_2268 = vector.shape_cast %get3A_2267 : vector<1x16xf32> to vector<16xf32>
        %mul3A_2269 = arith.mulf %broadcast_in_dim3A_2143, %get3A_2268 : vector<16xf32>
        %get3A_2270 = arith.index_cast %add3A_2140 : i32 to index
        %get3A_2271 = arith.constant 64 : index
        %get3A_2272 = tpu.vector_load %arg17[%get3A_2270, %get3A_2271] {strides = array<i32>} : memref<128x96xf32, #tpu.memory_space<vmem>>, vector<1x16xf32>,
        %get3A_2273 = vector.shape_cast %get3A_2272 : vector<1x16xf32> to vector<16xf32>
        %mul3A_2274 = arith.mulf %broadcast_in_dim3A_2146, %get3A_2273 : vector<16xf32>
        %add3A_2275 = arith.addf %mul3A_2269, %mul3A_2274 : vector<16xf32>
        %get3A_2276 = arith.index_cast %add3A_2140 : i32 to index
        %get3A_2277 = arith.constant 64 : index
        %get3A_2278 = tpu.vector_load %arg18[%get3A_2276, %get3A_2277] {strides = array<i32>} : memref<128x96xf32, #tpu.memory_space<vmem>>, vector<1x16xf32>,
        %get3A_2279 = vector.shape_cast %get3A_2278 : vector<1x16xf32> to vector<16xf32>
        %mul3A_2280 = arith.mulf %broadcast_in_dim3A_2149, %get3A_2279 : vector<16xf32>
        %add3A_2281 = arith.addf %add3A_2275, %mul3A_2280 : vector<16xf32>
        %get3A_2282 = arith.index_cast %add3A_2140 : i32 to index
        %get3A_2283 = arith.constant 64 : index
        %get3A_2284 = tpu.vector_load %arg19[%get3A_2282, %get3A_2283] {strides = array<i32>} : memref<128x96xf32, #tpu.memory_space<vmem>>, vector<1x16xf32>,
        %get3A_2285 = vector.shape_cast %get3A_2284 : vector<1x16xf32> to vector<16xf32>
        %mul3A_2286 = arith.mulf %broadcast_in_dim3A_2152, %get3A_2285 : vector<16xf32>
        %add3A_2287 = arith.addf %add3A_2281, %mul3A_2286 : vector<16xf32>
        %swap3A_2288 = arith.index_cast %add3A_2140 : i32 to index
        %swap3A_2289 = arith.constant 64 : index
        %swap3A_2290 = tpu.vector_load %arg20[%swap3A_2288, %swap3A_2289] {strides = array<i32>} : memref<128x96xf32, #tpu.memory_space<vmem>>, vector<1x16xf32>,
        %swap3A_2291 = vector.shape_cast %swap3A_2290 : vector<1x16xf32> to vector<16xf32>
        %swap3A_2292 = vector.shape_cast %add3A_2287 : vector<16xf32> to vector<1x16xf32>
        tpu.vector_store %arg20[%swap3A_2288, %swap3A_2289], %swap3A_2292 {strides = array<i32>} : memref<128x96xf32, #tpu.memory_space<vmem>>, vector<1x16xf32>,
        %get3A_2293 = arith.index_cast %add3A_2140 : i32 to index
        %get3A_2294 = arith.constant 80 : index
        %get3A_2295 = tpu.vector_load %arg16[%get3A_2293, %get3A_2294] {strides = array<i32>} : memref<128x96xf32, #tpu.memory_space<vmem>>, vector<1x16xf32>,
        %get3A_2296 = vector.shape_cast %get3A_2295 : vector<1x16xf32> to vector<16xf32>
        %mul3A_2297 = arith.mulf %broadcast_in_dim3A_2143, %get3A_2296 : vector<16xf32>
        %get3A_2298 = arith.index_cast %add3A_2140 : i32 to index
        %get3A_2299 = arith.constant 80 : index
        %get3A_2300 = tpu.vector_load %arg17[%get3A_2298, %get3A_2299] {strides = array<i32>} : memref<128x96xf32, #tpu.memory_space<vmem>>, vector<1x16xf32>,
        %get3A_2301 = vector.shape_cast %get3A_2300 : vector<1x16xf32> to vector<16xf32>
        %mul3A_2302 = arith.mulf %broadcast_in_dim3A_2146, %get3A_2301 : vector<16xf32>
        %add3A_2303 = arith.addf %mul3A_2297, %mul3A_2302 : vector<16xf32>
        %get3A_2304 = arith.index_cast %add3A_2140 : i32 to index
        %get3A_2305 = arith.constant 80 : index
        %get3A_2306 = tpu.vector_load %arg18[%get3A_2304, %get3A_2305] {strides = array<i32>} : memref<128x96xf32, #tpu.memory_space<vmem>>, vector<1x16xf32>,
        %get3A_2307 = vector.shape_cast %get3A_2306 : vector<1x16xf32> to vector<16xf32>
        %mul3A_2308 = arith.mulf %broadcast_in_dim3A_2149, %get3A_2307 : vector<16xf32>
        %add3A_2309 = arith.addf %add3A_2303, %mul3A_2308 : vector<16xf32>
        %get3A_2310 = arith.index_cast %add3A_2140 : i32 to index
        %get3A_2311 = arith.constant 80 : index
        %get3A_2312 = tpu.vector_load %arg19[%get3A_2310, %get3A_2311] {strides = array<i32>} : memref<128x96xf32, #tpu.memory_space<vmem>>, vector<1x16xf32>,
        %get3A_2313 = vector.shape_cast %get3A_2312 : vector<1x16xf32> to vector<16xf32>
        %mul3A_2314 = arith.mulf %broadcast_in_dim3A_2152, %get3A_2313 : vector<16xf32>
        %add3A_2315 = arith.addf %add3A_2309, %mul3A_2314 : vector<16xf32>
        %swap3A_2316 = arith.index_cast %add3A_2140 : i32 to index
        %swap3A_2317 = arith.constant 80 : index
        %swap3A_2318 = tpu.vector_load %arg20[%swap3A_2316, %swap3A_2317] {strides = array<i32>} : memref<128x96xf32, #tpu.memory_space<vmem>>, vector<1x16xf32>,
        %swap3A_2319 = vector.shape_cast %swap3A_2318 : vector<1x16xf32> to vector<16xf32>
        %swap3A_2320 = vector.shape_cast %add3A_2315 : vector<16xf32> to vector<1x16xf32>
        tpu.vector_store %arg20[%swap3A_2316, %swap3A_2317], %swap3A_2320 {strides = array<i32>} : memref<128x96xf32, #tpu.memory_space<vmem>>, vector<1x16xf32>,
        %mul3A_2321 = arith.constant 16 : i32
        %mul3A_2322 = arith.muli %scan3A_836, %mul3A_2321 : i32
        %add3A_2323 = arith.constant 8 : i32
        %add3A_2324 = arith.addi %mul3A_2322, %add3A_2323 : i32
        %slice3A_2325 = vector.extract_strided_slice %get3A_842 {offsets = [8], sizes = [1], strides = [1]} : vector<16xf32> to vector<1xf32>
        %squeeze3A_2326 = vector.extract %slice3A_2325[0] : f32 from vector<1xf32>
        %broadcast_in_dim3A_2327 = vector.broadcast %squeeze3A_2326 : f32 to vector<16xf32>
        %slice3A_2328 = vector.extract_strided_slice %get3A_845 {offsets = [8], sizes = [1], strides = [1]} : vector<16xf32> to vector<1xf32>
        %squeeze3A_2329 = vector.extract %slice3A_2328[0] : f32 from vector<1xf32>
        %broadcast_in_dim3A_2330 = vector.broadcast %squeeze3A_2329 : f32 to vector<16xf32>
        %slice3A_2331 = vector.extract_strided_slice %get3A_848 {offsets = [8], sizes = [1], strides = [1]} : vector<16xf32> to vector<1xf32>
        %squeeze3A_2332 = vector.extract %slice3A_2331[0] : f32 from vector<1xf32>
        %broadcast_in_dim3A_2333 = vector.broadcast %squeeze3A_2332 : f32 to vector<16xf32>
        %slice3A_2334 = vector.extract_strided_slice %get3A_851 {offsets = [8], sizes = [1], strides = [1]} : vector<16xf32> to vector<1xf32>
        %squeeze3A_2335 = vector.extract %slice3A_2334[0] : f32 from vector<1xf32>
        %broadcast_in_dim3A_2336 = vector.broadcast %squeeze3A_2335 : f32 to vector<16xf32>
        %get3A_2337 = arith.index_cast %add3A_2324 : i32 to index
        %get3A_2338 = arith.constant 0 : index
        %get3A_2339 = tpu.vector_load %arg16[%get3A_2337, %get3A_2338] {strides = array<i32>} : memref<128x96xf32, #tpu.memory_space<vmem>>, vector<1x16xf32>,
        %get3A_2340 = vector.shape_cast %get3A_2339 : vector<1x16xf32> to vector<16xf32>
        %mul3A_2341 = arith.mulf %broadcast_in_dim3A_2327, %get3A_2340 : vector<16xf32>
        %get3A_2342 = arith.index_cast %add3A_2324 : i32 to index
        %get3A_2343 = arith.constant 0 : index
        %get3A_2344 = tpu.vector_load %arg17[%get3A_2342, %get3A_2343] {strides = array<i32>} : memref<128x96xf32, #tpu.memory_space<vmem>>, vector<1x16xf32>,
        %get3A_2345 = vector.shape_cast %get3A_2344 : vector<1x16xf32> to vector<16xf32>
        %mul3A_2346 = arith.mulf %broadcast_in_dim3A_2330, %get3A_2345 : vector<16xf32>
        %add3A_2347 = arith.addf %mul3A_2341, %mul3A_2346 : vector<16xf32>
        %get3A_2348 = arith.index_cast %add3A_2324 : i32 to index
        %get3A_2349 = arith.constant 0 : index
        %get3A_2350 = tpu.vector_load %arg18[%get3A_2348, %get3A_2349] {strides = array<i32>} : memref<128x96xf32, #tpu.memory_space<vmem>>, vector<1x16xf32>,
        %get3A_2351 = vector.shape_cast %get3A_2350 : vector<1x16xf32> to vector<16xf32>
        %mul3A_2352 = arith.mulf %broadcast_in_dim3A_2333, %get3A_2351 : vector<16xf32>
        %add3A_2353 = arith.addf %add3A_2347, %mul3A_2352 : vector<16xf32>
        %get3A_2354 = arith.index_cast %add3A_2324 : i32 to index
        %get3A_2355 = arith.constant 0 : index
        %get3A_2356 = tpu.vector_load %arg19[%get3A_2354, %get3A_2355] {strides = array<i32>} : memref<128x96xf32, #tpu.memory_space<vmem>>, vector<1x16xf32>,
        %get3A_2357 = vector.shape_cast %get3A_2356 : vector<1x16xf32> to vector<16xf32>
        %mul3A_2358 = arith.mulf %broadcast_in_dim3A_2336, %get3A_2357 : vector<16xf32>
        %add3A_2359 = arith.addf %add3A_2353, %mul3A_2358 : vector<16xf32>
        %swap3A_2360 = arith.index_cast %add3A_2324 : i32 to index
        %swap3A_2361 = arith.constant 0 : index
        %swap3A_2362 = tpu.vector_load %arg20[%swap3A_2360, %swap3A_2361] {strides = array<i32>} : memref<128x96xf32, #tpu.memory_space<vmem>>, vector<1x16xf32>,
        %swap3A_2363 = vector.shape_cast %swap3A_2362 : vector<1x16xf32> to vector<16xf32>
        %swap3A_2364 = vector.shape_cast %add3A_2359 : vector<16xf32> to vector<1x16xf32>
        tpu.vector_store %arg20[%swap3A_2360, %swap3A_2361], %swap3A_2364 {strides = array<i32>} : memref<128x96xf32, #tpu.memory_space<vmem>>, vector<1x16xf32>,
        %get3A_2365 = arith.index_cast %add3A_2324 : i32 to index
        %get3A_2366 = arith.constant 16 : index
        %get3A_2367 = tpu.vector_load %arg16[%get3A_2365, %get3A_2366] {strides = array<i32>} : memref<128x96xf32, #tpu.memory_space<vmem>>, vector<1x16xf32>,
        %get3A_2368 = vector.shape_cast %get3A_2367 : vector<1x16xf32> to vector<16xf32>
        %mul3A_2369 = arith.mulf %broadcast_in_dim3A_2327, %get3A_2368 : vector<16xf32>
        %get3A_2370 = arith.index_cast %add3A_2324 : i32 to index
        %get3A_2371 = arith.constant 16 : index
        %get3A_2372 = tpu.vector_load %arg17[%get3A_2370, %get3A_2371] {strides = array<i32>} : memref<128x96xf32, #tpu.memory_space<vmem>>, vector<1x16xf32>,
        %get3A_2373 = vector.shape_cast %get3A_2372 : vector<1x16xf32> to vector<16xf32>
        %mul3A_2374 = arith.mulf %broadcast_in_dim3A_2330, %get3A_2373 : vector<16xf32>
        %add3A_2375 = arith.addf %mul3A_2369, %mul3A_2374 : vector<16xf32>
        %get3A_2376 = arith.index_cast %add3A_2324 : i32 to index
        %get3A_2377 = arith.constant 16 : index
        %get3A_2378 = tpu.vector_load %arg18[%get3A_2376, %get3A_2377] {strides = array<i32>} : memref<128x96xf32, #tpu.memory_space<vmem>>, vector<1x16xf32>,
        %get3A_2379 = vector.shape_cast %get3A_2378 : vector<1x16xf32> to vector<16xf32>
        %mul3A_2380 = arith.mulf %broadcast_in_dim3A_2333, %get3A_2379 : vector<16xf32>
        %add3A_2381 = arith.addf %add3A_2375, %mul3A_2380 : vector<16xf32>
        %get3A_2382 = arith.index_cast %add3A_2324 : i32 to index
        %get3A_2383 = arith.constant 16 : index
        %get3A_2384 = tpu.vector_load %arg19[%get3A_2382, %get3A_2383] {strides = array<i32>} : memref<128x96xf32, #tpu.memory_space<vmem>>, vector<1x16xf32>,
        %get3A_2385 = vector.shape_cast %get3A_2384 : vector<1x16xf32> to vector<16xf32>
        %mul3A_2386 = arith.mulf %broadcast_in_dim3A_2336, %get3A_2385 : vector<16xf32>
        %add3A_2387 = arith.addf %add3A_2381, %mul3A_2386 : vector<16xf32>
        %swap3A_2388 = arith.index_cast %add3A_2324 : i32 to index
        %swap3A_2389 = arith.constant 16 : index
        %swap3A_2390 = tpu.vector_load %arg20[%swap3A_2388, %swap3A_2389] {strides = array<i32>} : memref<128x96xf32, #tpu.memory_space<vmem>>, vector<1x16xf32>,
        %swap3A_2391 = vector.shape_cast %swap3A_2390 : vector<1x16xf32> to vector<16xf32>
        %swap3A_2392 = vector.shape_cast %add3A_2387 : vector<16xf32> to vector<1x16xf32>
        tpu.vector_store %arg20[%swap3A_2388, %swap3A_2389], %swap3A_2392 {strides = array<i32>} : memref<128x96xf32, #tpu.memory_space<vmem>>, vector<1x16xf32>,
        %get3A_2393 = arith.index_cast %add3A_2324 : i32 to index
        %get3A_2394 = arith.constant 32 : index
        %get3A_2395 = tpu.vector_load %arg16[%get3A_2393, %get3A_2394] {strides = array<i32>} : memref<128x96xf32, #tpu.memory_space<vmem>>, vector<1x16xf32>,
        %get3A_2396 = vector.shape_cast %get3A_2395 : vector<1x16xf32> to vector<16xf32>
        %mul3A_2397 = arith.mulf %broadcast_in_dim3A_2327, %get3A_2396 : vector<16xf32>
        %get3A_2398 = arith.index_cast %add3A_2324 : i32 to index
        %get3A_2399 = arith.constant 32 : index
        %get3A_2400 = tpu.vector_load %arg17[%get3A_2398, %get3A_2399] {strides = array<i32>} : memref<128x96xf32, #tpu.memory_space<vmem>>, vector<1x16xf32>,
        %get3A_2401 = vector.shape_cast %get3A_2400 : vector<1x16xf32> to vector<16xf32>
        %mul3A_2402 = arith.mulf %broadcast_in_dim3A_2330, %get3A_2401 : vector<16xf32>
        %add3A_2403 = arith.addf %mul3A_2397, %mul3A_2402 : vector<16xf32>
        %get3A_2404 = arith.index_cast %add3A_2324 : i32 to index
        %get3A_2405 = arith.constant 32 : index
        %get3A_2406 = tpu.vector_load %arg18[%get3A_2404, %get3A_2405] {strides = array<i32>} : memref<128x96xf32, #tpu.memory_space<vmem>>, vector<1x16xf32>,
        %get3A_2407 = vector.shape_cast %get3A_2406 : vector<1x16xf32> to vector<16xf32>
        %mul3A_2408 = arith.mulf %broadcast_in_dim3A_2333, %get3A_2407 : vector<16xf32>
        %add3A_2409 = arith.addf %add3A_2403, %mul3A_2408 : vector<16xf32>
        %get3A_2410 = arith.index_cast %add3A_2324 : i32 to index
        %get3A_2411 = arith.constant 32 : index
        %get3A_2412 = tpu.vector_load %arg19[%get3A_2410, %get3A_2411] {strides = array<i32>} : memref<128x96xf32, #tpu.memory_space<vmem>>, vector<1x16xf32>,
        %get3A_2413 = vector.shape_cast %get3A_2412 : vector<1x16xf32> to vector<16xf32>
        %mul3A_2414 = arith.mulf %broadcast_in_dim3A_2336, %get3A_2413 : vector<16xf32>
        %add3A_2415 = arith.addf %add3A_2409, %mul3A_2414 : vector<16xf32>
        %swap3A_2416 = arith.index_cast %add3A_2324 : i32 to index
        %swap3A_2417 = arith.constant 32 : index
        %swap3A_2418 = tpu.vector_load %arg20[%swap3A_2416, %swap3A_2417] {strides = array<i32>} : memref<128x96xf32, #tpu.memory_space<vmem>>, vector<1x16xf32>,
        %swap3A_2419 = vector.shape_cast %swap3A_2418 : vector<1x16xf32> to vector<16xf32>
        %swap3A_2420 = vector.shape_cast %add3A_2415 : vector<16xf32> to vector<1x16xf32>
        tpu.vector_store %arg20[%swap3A_2416, %swap3A_2417], %swap3A_2420 {strides = array<i32>} : memref<128x96xf32, #tpu.memory_space<vmem>>, vector<1x16xf32>,
        %get3A_2421 = arith.index_cast %add3A_2324 : i32 to index
        %get3A_2422 = arith.constant 48 : index
        %get3A_2423 = tpu.vector_load %arg16[%get3A_2421, %get3A_2422] {strides = array<i32>} : memref<128x96xf32, #tpu.memory_space<vmem>>, vector<1x16xf32>,
        %get3A_2424 = vector.shape_cast %get3A_2423 : vector<1x16xf32> to vector<16xf32>
        %mul3A_2425 = arith.mulf %broadcast_in_dim3A_2327, %get3A_2424 : vector<16xf32>
        %get3A_2426 = arith.index_cast %add3A_2324 : i32 to index
        %get3A_2427 = arith.constant 48 : index
        %get3A_2428 = tpu.vector_load %arg17[%get3A_2426, %get3A_2427] {strides = array<i32>} : memref<128x96xf32, #tpu.memory_space<vmem>>, vector<1x16xf32>,
        %get3A_2429 = vector.shape_cast %get3A_2428 : vector<1x16xf32> to vector<16xf32>
        %mul3A_2430 = arith.mulf %broadcast_in_dim3A_2330, %get3A_2429 : vector<16xf32>
        %add3A_2431 = arith.addf %mul3A_2425, %mul3A_2430 : vector<16xf32>
        %get3A_2432 = arith.index_cast %add3A_2324 : i32 to index
        %get3A_2433 = arith.constant 48 : index
        %get3A_2434 = tpu.vector_load %arg18[%get3A_2432, %get3A_2433] {strides = array<i32>} : memref<128x96xf32, #tpu.memory_space<vmem>>, vector<1x16xf32>,
        %get3A_2435 = vector.shape_cast %get3A_2434 : vector<1x16xf32> to vector<16xf32>
        %mul3A_2436 = arith.mulf %broadcast_in_dim3A_2333, %get3A_2435 : vector<16xf32>
        %add3A_2437 = arith.addf %add3A_2431, %mul3A_2436 : vector<16xf32>
        %get3A_2438 = arith.index_cast %add3A_2324 : i32 to index
        %get3A_2439 = arith.constant 48 : index
        %get3A_2440 = tpu.vector_load %arg19[%get3A_2438, %get3A_2439] {strides = array<i32>} : memref<128x96xf32, #tpu.memory_space<vmem>>, vector<1x16xf32>,
        %get3A_2441 = vector.shape_cast %get3A_2440 : vector<1x16xf32> to vector<16xf32>
        %mul3A_2442 = arith.mulf %broadcast_in_dim3A_2336, %get3A_2441 : vector<16xf32>
        %add3A_2443 = arith.addf %add3A_2437, %mul3A_2442 : vector<16xf32>
        %swap3A_2444 = arith.index_cast %add3A_2324 : i32 to index
        %swap3A_2445 = arith.constant 48 : index
        %swap3A_2446 = tpu.vector_load %arg20[%swap3A_2444, %swap3A_2445] {strides = array<i32>} : memref<128x96xf32, #tpu.memory_space<vmem>>, vector<1x16xf32>,
        %swap3A_2447 = vector.shape_cast %swap3A_2446 : vector<1x16xf32> to vector<16xf32>
        %swap3A_2448 = vector.shape_cast %add3A_2443 : vector<16xf32> to vector<1x16xf32>
        tpu.vector_store %arg20[%swap3A_2444, %swap3A_2445], %swap3A_2448 {strides = array<i32>} : memref<128x96xf32, #tpu.memory_space<vmem>>, vector<1x16xf32>,
        %get3A_2449 = arith.index_cast %add3A_2324 : i32 to index
        %get3A_2450 = arith.constant 64 : index
        %get3A_2451 = tpu.vector_load %arg16[%get3A_2449, %get3A_2450] {strides = array<i32>} : memref<128x96xf32, #tpu.memory_space<vmem>>, vector<1x16xf32>,
        %get3A_2452 = vector.shape_cast %get3A_2451 : vector<1x16xf32> to vector<16xf32>
        %mul3A_2453 = arith.mulf %broadcast_in_dim3A_2327, %get3A_2452 : vector<16xf32>
        %get3A_2454 = arith.index_cast %add3A_2324 : i32 to index
        %get3A_2455 = arith.constant 64 : index
        %get3A_2456 = tpu.vector_load %arg17[%get3A_2454, %get3A_2455] {strides = array<i32>} : memref<128x96xf32, #tpu.memory_space<vmem>>, vector<1x16xf32>,
        %get3A_2457 = vector.shape_cast %get3A_2456 : vector<1x16xf32> to vector<16xf32>
        %mul3A_2458 = arith.mulf %broadcast_in_dim3A_2330, %get3A_2457 : vector<16xf32>
        %add3A_2459 = arith.addf %mul3A_2453, %mul3A_2458 : vector<16xf32>
        %get3A_2460 = arith.index_cast %add3A_2324 : i32 to index
        %get3A_2461 = arith.constant 64 : index
        %get3A_2462 = tpu.vector_load %arg18[%get3A_2460, %get3A_2461] {strides = array<i32>} : memref<128x96xf32, #tpu.memory_space<vmem>>, vector<1x16xf32>,
        %get3A_2463 = vector.shape_cast %get3A_2462 : vector<1x16xf32> to vector<16xf32>
        %mul3A_2464 = arith.mulf %broadcast_in_dim3A_2333, %get3A_2463 : vector<16xf32>
        %add3A_2465 = arith.addf %add3A_2459, %mul3A_2464 : vector<16xf32>
        %get3A_2466 = arith.index_cast %add3A_2324 : i32 to index
        %get3A_2467 = arith.constant 64 : index
        %get3A_2468 = tpu.vector_load %arg19[%get3A_2466, %get3A_2467] {strides = array<i32>} : memref<128x96xf32, #tpu.memory_space<vmem>>, vector<1x16xf32>,
        %get3A_2469 = vector.shape_cast %get3A_2468 : vector<1x16xf32> to vector<16xf32>
        %mul3A_2470 = arith.mulf %broadcast_in_dim3A_2336, %get3A_2469 : vector<16xf32>
        %add3A_2471 = arith.addf %add3A_2465, %mul3A_2470 : vector<16xf32>
        %swap3A_2472 = arith.index_cast %add3A_2324 : i32 to index
        %swap3A_2473 = arith.constant 64 : index
        %swap3A_2474 = tpu.vector_load %arg20[%swap3A_2472, %swap3A_2473] {strides = array<i32>} : memref<128x96xf32, #tpu.memory_space<vmem>>, vector<1x16xf32>,
        %swap3A_2475 = vector.shape_cast %swap3A_2474 : vector<1x16xf32> to vector<16xf32>
        %swap3A_2476 = vector.shape_cast %add3A_2471 : vector<16xf32> to vector<1x16xf32>
        tpu.vector_store %arg20[%swap3A_2472, %swap3A_2473], %swap3A_2476 {strides = array<i32>} : memref<128x96xf32, #tpu.memory_space<vmem>>, vector<1x16xf32>,
        %get3A_2477 = arith.index_cast %add3A_2324 : i32 to index
        %get3A_2478 = arith.constant 80 : index
        %get3A_2479 = tpu.vector_load %arg16[%get3A_2477, %get3A_2478] {strides = array<i32>} : memref<128x96xf32, #tpu.memory_space<vmem>>, vector<1x16xf32>,
        %get3A_2480 = vector.shape_cast %get3A_2479 : vector<1x16xf32> to vector<16xf32>
        %mul3A_2481 = arith.mulf %broadcast_in_dim3A_2327, %get3A_2480 : vector<16xf32>
        %get3A_2482 = arith.index_cast %add3A_2324 : i32 to index
        %get3A_2483 = arith.constant 80 : index
        %get3A_2484 = tpu.vector_load %arg17[%get3A_2482, %get3A_2483] {strides = array<i32>} : memref<128x96xf32, #tpu.memory_space<vmem>>, vector<1x16xf32>,
        %get3A_2485 = vector.shape_cast %get3A_2484 : vector<1x16xf32> to vector<16xf32>
        %mul3A_2486 = arith.mulf %broadcast_in_dim3A_2330, %get3A_2485 : vector<16xf32>
        %add3A_2487 = arith.addf %mul3A_2481, %mul3A_2486 : vector<16xf32>
        %get3A_2488 = arith.index_cast %add3A_2324 : i32 to index
        %get3A_2489 = arith.constant 80 : index
        %get3A_2490 = tpu.vector_load %arg18[%get3A_2488, %get3A_2489] {strides = array<i32>} : memref<128x96xf32, #tpu.memory_space<vmem>>, vector<1x16xf32>,
        %get3A_2491 = vector.shape_cast %get3A_2490 : vector<1x16xf32> to vector<16xf32>
        %mul3A_2492 = arith.mulf %broadcast_in_dim3A_2333, %get3A_2491 : vector<16xf32>
        %add3A_2493 = arith.addf %add3A_2487, %mul3A_2492 : vector<16xf32>
        %get3A_2494 = arith.index_cast %add3A_2324 : i32 to index
        %get3A_2495 = arith.constant 80 : index
        %get3A_2496 = tpu.vector_load %arg19[%get3A_2494, %get3A_2495] {strides = array<i32>} : memref<128x96xf32, #tpu.memory_space<vmem>>, vector<1x16xf32>,
        %get3A_2497 = vector.shape_cast %get3A_2496 : vector<1x16xf32> to vector<16xf32>
        %mul3A_2498 = arith.mulf %broadcast_in_dim3A_2336, %get3A_2497 : vector<16xf32>
        %add3A_2499 = arith.addf %add3A_2493, %mul3A_2498 : vector<16xf32>
        %swap3A_2500 = arith.index_cast %add3A_2324 : i32 to index
        %swap3A_2501 = arith.constant 80 : index
        %swap3A_2502 = tpu.vector_load %arg20[%swap3A_2500, %swap3A_2501] {strides = array<i32>} : memref<128x96xf32, #tpu.memory_space<vmem>>, vector<1x16xf32>,
        %swap3A_2503 = vector.shape_cast %swap3A_2502 : vector<1x16xf32> to vector<16xf32>
        %swap3A_2504 = vector.shape_cast %add3A_2499 : vector<16xf32> to vector<1x16xf32>
        tpu.vector_store %arg20[%swap3A_2500, %swap3A_2501], %swap3A_2504 {strides = array<i32>} : memref<128x96xf32, #tpu.memory_space<vmem>>, vector<1x16xf32>,
        %mul3A_2505 = arith.constant 16 : i32
        %mul3A_2506 = arith.muli %scan3A_836, %mul3A_2505 : i32
        %add3A_2507 = arith.constant 9 : i32
        %add3A_2508 = arith.addi %mul3A_2506, %add3A_2507 : i32
        %slice3A_2509 = vector.extract_strided_slice %get3A_842 {offsets = [9], sizes = [1], strides = [1]} : vector<16xf32> to vector<1xf32>
        %squeeze3A_2510 = vector.extract %slice3A_2509[0] : f32 from vector<1xf32>
        %broadcast_in_dim3A_2511 = vector.broadcast %squeeze3A_2510 : f32 to vector<16xf32>
        %slice3A_2512 = vector.extract_strided_slice %get3A_845 {offsets = [9], sizes = [1], strides = [1]} : vector<16xf32> to vector<1xf32>
        %squeeze3A_2513 = vector.extract %slice3A_2512[0] : f32 from vector<1xf32>
        %broadcast_in_dim3A_2514 = vector.broadcast %squeeze3A_2513 : f32 to vector<16xf32>
        %slice3A_2515 = vector.extract_strided_slice %get3A_848 {offsets = [9], sizes = [1], strides = [1]} : vector<16xf32> to vector<1xf32>
        %squeeze3A_2516 = vector.extract %slice3A_2515[0] : f32 from vector<1xf32>
        %broadcast_in_dim3A_2517 = vector.broadcast %squeeze3A_2516 : f32 to vector<16xf32>
        %slice3A_2518 = vector.extract_strided_slice %get3A_851 {offsets = [9], sizes = [1], strides = [1]} : vector<16xf32> to vector<1xf32>
        %squeeze3A_2519 = vector.extract %slice3A_2518[0] : f32 from vector<1xf32>
        %broadcast_in_dim3A_2520 = vector.broadcast %squeeze3A_2519 : f32 to vector<16xf32>
        %get3A_2521 = arith.index_cast %add3A_2508 : i32 to index
        %get3A_2522 = arith.constant 0 : index
        %get3A_2523 = tpu.vector_load %arg16[%get3A_2521, %get3A_2522] {strides = array<i32>} : memref<128x96xf32, #tpu.memory_space<vmem>>, vector<1x16xf32>,
        %get3A_2524 = vector.shape_cast %get3A_2523 : vector<1x16xf32> to vector<16xf32>
        %mul3A_2525 = arith.mulf %broadcast_in_dim3A_2511, %get3A_2524 : vector<16xf32>
        %get3A_2526 = arith.index_cast %add3A_2508 : i32 to index
        %get3A_2527 = arith.constant 0 : index
        %get3A_2528 = tpu.vector_load %arg17[%get3A_2526, %get3A_2527] {strides = array<i32>} : memref<128x96xf32, #tpu.memory_space<vmem>>, vector<1x16xf32>,
        %get3A_2529 = vector.shape_cast %get3A_2528 : vector<1x16xf32> to vector<16xf32>
        %mul3A_2530 = arith.mulf %broadcast_in_dim3A_2514, %get3A_2529 : vector<16xf32>
        %add3A_2531 = arith.addf %mul3A_2525, %mul3A_2530 : vector<16xf32>
        %get3A_2532 = arith.index_cast %add3A_2508 : i32 to index
        %get3A_2533 = arith.constant 0 : index
        %get3A_2534 = tpu.vector_load %arg18[%get3A_2532, %get3A_2533] {strides = array<i32>} : memref<128x96xf32, #tpu.memory_space<vmem>>, vector<1x16xf32>,
        %get3A_2535 = vector.shape_cast %get3A_2534 : vector<1x16xf32> to vector<16xf32>
        %mul3A_2536 = arith.mulf %broadcast_in_dim3A_2517, %get3A_2535 : vector<16xf32>
        %add3A_2537 = arith.addf %add3A_2531, %mul3A_2536 : vector<16xf32>
        %get3A_2538 = arith.index_cast %add3A_2508 : i32 to index
        %get3A_2539 = arith.constant 0 : index
        %get3A_2540 = tpu.vector_load %arg19[%get3A_2538, %get3A_2539] {strides = array<i32>} : memref<128x96xf32, #tpu.memory_space<vmem>>, vector<1x16xf32>,
        %get3A_2541 = vector.shape_cast %get3A_2540 : vector<1x16xf32> to vector<16xf32>
        %mul3A_2542 = arith.mulf %broadcast_in_dim3A_2520, %get3A_2541 : vector<16xf32>
        %add3A_2543 = arith.addf %add3A_2537, %mul3A_2542 : vector<16xf32>
        %swap3A_2544 = arith.index_cast %add3A_2508 : i32 to index
        %swap3A_2545 = arith.constant 0 : index
        %swap3A_2546 = tpu.vector_load %arg20[%swap3A_2544, %swap3A_2545] {strides = array<i32>} : memref<128x96xf32, #tpu.memory_space<vmem>>, vector<1x16xf32>,
        %swap3A_2547 = vector.shape_cast %swap3A_2546 : vector<1x16xf32> to vector<16xf32>
        %swap3A_2548 = vector.shape_cast %add3A_2543 : vector<16xf32> to vector<1x16xf32>
        tpu.vector_store %arg20[%swap3A_2544, %swap3A_2545], %swap3A_2548 {strides = array<i32>} : memref<128x96xf32, #tpu.memory_space<vmem>>, vector<1x16xf32>,
        %get3A_2549 = arith.index_cast %add3A_2508 : i32 to index
        %get3A_2550 = arith.constant 16 : index
        %get3A_2551 = tpu.vector_load %arg16[%get3A_2549, %get3A_2550] {strides = array<i32>} : memref<128x96xf32, #tpu.memory_space<vmem>>, vector<1x16xf32>,
        %get3A_2552 = vector.shape_cast %get3A_2551 : vector<1x16xf32> to vector<16xf32>
        %mul3A_2553 = arith.mulf %broadcast_in_dim3A_2511, %get3A_2552 : vector<16xf32>
        %get3A_2554 = arith.index_cast %add3A_2508 : i32 to index
        %get3A_2555 = arith.constant 16 : index
        %get3A_2556 = tpu.vector_load %arg17[%get3A_2554, %get3A_2555] {strides = array<i32>} : memref<128x96xf32, #tpu.memory_space<vmem>>, vector<1x16xf32>,
        %get3A_2557 = vector.shape_cast %get3A_2556 : vector<1x16xf32> to vector<16xf32>
        %mul3A_2558 = arith.mulf %broadcast_in_dim3A_2514, %get3A_2557 : vector<16xf32>
        %add3A_2559 = arith.addf %mul3A_2553, %mul3A_2558 : vector<16xf32>
        %get3A_2560 = arith.index_cast %add3A_2508 : i32 to index
        %get3A_2561 = arith.constant 16 : index
        %get3A_2562 = tpu.vector_load %arg18[%get3A_2560, %get3A_2561] {strides = array<i32>} : memref<128x96xf32, #tpu.memory_space<vmem>>, vector<1x16xf32>,
        %get3A_2563 = vector.shape_cast %get3A_2562 : vector<1x16xf32> to vector<16xf32>
        %mul3A_2564 = arith.mulf %broadcast_in_dim3A_2517, %get3A_2563 : vector<16xf32>
        %add3A_2565 = arith.addf %add3A_2559, %mul3A_2564 : vector<16xf32>
        %get3A_2566 = arith.index_cast %add3A_2508 : i32 to index
        %get3A_2567 = arith.constant 16 : index
        %get3A_2568 = tpu.vector_load %arg19[%get3A_2566, %get3A_2567] {strides = array<i32>} : memref<128x96xf32, #tpu.memory_space<vmem>>, vector<1x16xf32>,
        %get3A_2569 = vector.shape_cast %get3A_2568 : vector<1x16xf32> to vector<16xf32>
        %mul3A_2570 = arith.mulf %broadcast_in_dim3A_2520, %get3A_2569 : vector<16xf32>
        %add3A_2571 = arith.addf %add3A_2565, %mul3A_2570 : vector<16xf32>
        %swap3A_2572 = arith.index_cast %add3A_2508 : i32 to index
        %swap3A_2573 = arith.constant 16 : index
        %swap3A_2574 = tpu.vector_load %arg20[%swap3A_2572, %swap3A_2573] {strides = array<i32>} : memref<128x96xf32, #tpu.memory_space<vmem>>, vector<1x16xf32>,
        %swap3A_2575 = vector.shape_cast %swap3A_2574 : vector<1x16xf32> to vector<16xf32>
        %swap3A_2576 = vector.shape_cast %add3A_2571 : vector<16xf32> to vector<1x16xf32>
        tpu.vector_store %arg20[%swap3A_2572, %swap3A_2573], %swap3A_2576 {strides = array<i32>} : memref<128x96xf32, #tpu.memory_space<vmem>>, vector<1x16xf32>,
        %get3A_2577 = arith.index_cast %add3A_2508 : i32 to index
        %get3A_2578 = arith.constant 32 : index
        %get3A_2579 = tpu.vector_load %arg16[%get3A_2577, %get3A_2578] {strides = array<i32>} : memref<128x96xf32, #tpu.memory_space<vmem>>, vector<1x16xf32>,
        %get3A_2580 = vector.shape_cast %get3A_2579 : vector<1x16xf32> to vector<16xf32>
        %mul3A_2581 = arith.mulf %broadcast_in_dim3A_2511, %get3A_2580 : vector<16xf32>
        %get3A_2582 = arith.index_cast %add3A_2508 : i32 to index
        %get3A_2583 = arith.constant 32 : index
        %get3A_2584 = tpu.vector_load %arg17[%get3A_2582, %get3A_2583] {strides = array<i32>} : memref<128x96xf32, #tpu.memory_space<vmem>>, vector<1x16xf32>,
        %get3A_2585 = vector.shape_cast %get3A_2584 : vector<1x16xf32> to vector<16xf32>
        %mul3A_2586 = arith.mulf %broadcast_in_dim3A_2514, %get3A_2585 : vector<16xf32>
        %add3A_2587 = arith.addf %mul3A_2581, %mul3A_2586 : vector<16xf32>
        %get3A_2588 = arith.index_cast %add3A_2508 : i32 to index
        %get3A_2589 = arith.constant 32 : index
        %get3A_2590 = tpu.vector_load %arg18[%get3A_2588, %get3A_2589] {strides = array<i32>} : memref<128x96xf32, #tpu.memory_space<vmem>>, vector<1x16xf32>,
        %get3A_2591 = vector.shape_cast %get3A_2590 : vector<1x16xf32> to vector<16xf32>
        %mul3A_2592 = arith.mulf %broadcast_in_dim3A_2517, %get3A_2591 : vector<16xf32>
        %add3A_2593 = arith.addf %add3A_2587, %mul3A_2592 : vector<16xf32>
        %get3A_2594 = arith.index_cast %add3A_2508 : i32 to index
        %get3A_2595 = arith.constant 32 : index
        %get3A_2596 = tpu.vector_load %arg19[%get3A_2594, %get3A_2595] {strides = array<i32>} : memref<128x96xf32, #tpu.memory_space<vmem>>, vector<1x16xf32>,
        %get3A_2597 = vector.shape_cast %get3A_2596 : vector<1x16xf32> to vector<16xf32>
        %mul3A_2598 = arith.mulf %broadcast_in_dim3A_2520, %get3A_2597 : vector<16xf32>
        %add3A_2599 = arith.addf %add3A_2593, %mul3A_2598 : vector<16xf32>
        %swap3A_2600 = arith.index_cast %add3A_2508 : i32 to index
        %swap3A_2601 = arith.constant 32 : index
        %swap3A_2602 = tpu.vector_load %arg20[%swap3A_2600, %swap3A_2601] {strides = array<i32>} : memref<128x96xf32, #tpu.memory_space<vmem>>, vector<1x16xf32>,
        %swap3A_2603 = vector.shape_cast %swap3A_2602 : vector<1x16xf32> to vector<16xf32>
        %swap3A_2604 = vector.shape_cast %add3A_2599 : vector<16xf32> to vector<1x16xf32>
        tpu.vector_store %arg20[%swap3A_2600, %swap3A_2601], %swap3A_2604 {strides = array<i32>} : memref<128x96xf32, #tpu.memory_space<vmem>>, vector<1x16xf32>,
        %get3A_2605 = arith.index_cast %add3A_2508 : i32 to index
        %get3A_2606 = arith.constant 48 : index
        %get3A_2607 = tpu.vector_load %arg16[%get3A_2605, %get3A_2606] {strides = array<i32>} : memref<128x96xf32, #tpu.memory_space<vmem>>, vector<1x16xf32>,
        %get3A_2608 = vector.shape_cast %get3A_2607 : vector<1x16xf32> to vector<16xf32>
        %mul3A_2609 = arith.mulf %broadcast_in_dim3A_2511, %get3A_2608 : vector<16xf32>
        %get3A_2610 = arith.index_cast %add3A_2508 : i32 to index
        %get3A_2611 = arith.constant 48 : index
        %get3A_2612 = tpu.vector_load %arg17[%get3A_2610, %get3A_2611] {strides = array<i32>} : memref<128x96xf32, #tpu.memory_space<vmem>>, vector<1x16xf32>,
        %get3A_2613 = vector.shape_cast %get3A_2612 : vector<1x16xf32> to vector<16xf32>
        %mul3A_2614 = arith.mulf %broadcast_in_dim3A_2514, %get3A_2613 : vector<16xf32>
        %add3A_2615 = arith.addf %mul3A_2609, %mul3A_2614 : vector<16xf32>
        %get3A_2616 = arith.index_cast %add3A_2508 : i32 to index
        %get3A_2617 = arith.constant 48 : index
        %get3A_2618 = tpu.vector_load %arg18[%get3A_2616, %get3A_2617] {strides = array<i32>} : memref<128x96xf32, #tpu.memory_space<vmem>>, vector<1x16xf32>,
        %get3A_2619 = vector.shape_cast %get3A_2618 : vector<1x16xf32> to vector<16xf32>
        %mul3A_2620 = arith.mulf %broadcast_in_dim3A_2517, %get3A_2619 : vector<16xf32>
        %add3A_2621 = arith.addf %add3A_2615, %mul3A_2620 : vector<16xf32>
        %get3A_2622 = arith.index_cast %add3A_2508 : i32 to index
        %get3A_2623 = arith.constant 48 : index
        %get3A_2624 = tpu.vector_load %arg19[%get3A_2622, %get3A_2623] {strides = array<i32>} : memref<128x96xf32, #tpu.memory_space<vmem>>, vector<1x16xf32>,
        %get3A_2625 = vector.shape_cast %get3A_2624 : vector<1x16xf32> to vector<16xf32>
        %mul3A_2626 = arith.mulf %broadcast_in_dim3A_2520, %get3A_2625 : vector<16xf32>
        %add3A_2627 = arith.addf %add3A_2621, %mul3A_2626 : vector<16xf32>
        %swap3A_2628 = arith.index_cast %add3A_2508 : i32 to index
        %swap3A_2629 = arith.constant 48 : index
        %swap3A_2630 = tpu.vector_load %arg20[%swap3A_2628, %swap3A_2629] {strides = array<i32>} : memref<128x96xf32, #tpu.memory_space<vmem>>, vector<1x16xf32>,
        %swap3A_2631 = vector.shape_cast %swap3A_2630 : vector<1x16xf32> to vector<16xf32>
        %swap3A_2632 = vector.shape_cast %add3A_2627 : vector<16xf32> to vector<1x16xf32>
        tpu.vector_store %arg20[%swap3A_2628, %swap3A_2629], %swap3A_2632 {strides = array<i32>} : memref<128x96xf32, #tpu.memory_space<vmem>>, vector<1x16xf32>,
        %get3A_2633 = arith.index_cast %add3A_2508 : i32 to index
        %get3A_2634 = arith.constant 64 : index
        %get3A_2635 = tpu.vector_load %arg16[%get3A_2633, %get3A_2634] {strides = array<i32>} : memref<128x96xf32, #tpu.memory_space<vmem>>, vector<1x16xf32>,
        %get3A_2636 = vector.shape_cast %get3A_2635 : vector<1x16xf32> to vector<16xf32>
        %mul3A_2637 = arith.mulf %broadcast_in_dim3A_2511, %get3A_2636 : vector<16xf32>
        %get3A_2638 = arith.index_cast %add3A_2508 : i32 to index
        %get3A_2639 = arith.constant 64 : index
        %get3A_2640 = tpu.vector_load %arg17[%get3A_2638, %get3A_2639] {strides = array<i32>} : memref<128x96xf32, #tpu.memory_space<vmem>>, vector<1x16xf32>,
        %get3A_2641 = vector.shape_cast %get3A_2640 : vector<1x16xf32> to vector<16xf32>
        %mul3A_2642 = arith.mulf %broadcast_in_dim3A_2514, %get3A_2641 : vector<16xf32>
        %add3A_2643 = arith.addf %mul3A_2637, %mul3A_2642 : vector<16xf32>
        %get3A_2644 = arith.index_cast %add3A_2508 : i32 to index
        %get3A_2645 = arith.constant 64 : index
        %get3A_2646 = tpu.vector_load %arg18[%get3A_2644, %get3A_2645] {strides = array<i32>} : memref<128x96xf32, #tpu.memory_space<vmem>>, vector<1x16xf32>,
        %get3A_2647 = vector.shape_cast %get3A_2646 : vector<1x16xf32> to vector<16xf32>
        %mul3A_2648 = arith.mulf %broadcast_in_dim3A_2517, %get3A_2647 : vector<16xf32>
        %add3A_2649 = arith.addf %add3A_2643, %mul3A_2648 : vector<16xf32>
        %get3A_2650 = arith.index_cast %add3A_2508 : i32 to index
        %get3A_2651 = arith.constant 64 : index
        %get3A_2652 = tpu.vector_load %arg19[%get3A_2650, %get3A_2651] {strides = array<i32>} : memref<128x96xf32, #tpu.memory_space<vmem>>, vector<1x16xf32>,
        %get3A_2653 = vector.shape_cast %get3A_2652 : vector<1x16xf32> to vector<16xf32>
        %mul3A_2654 = arith.mulf %broadcast_in_dim3A_2520, %get3A_2653 : vector<16xf32>
        %add3A_2655 = arith.addf %add3A_2649, %mul3A_2654 : vector<16xf32>
        %swap3A_2656 = arith.index_cast %add3A_2508 : i32 to index
        %swap3A_2657 = arith.constant 64 : index
        %swap3A_2658 = tpu.vector_load %arg20[%swap3A_2656, %swap3A_2657] {strides = array<i32>} : memref<128x96xf32, #tpu.memory_space<vmem>>, vector<1x16xf32>,
        %swap3A_2659 = vector.shape_cast %swap3A_2658 : vector<1x16xf32> to vector<16xf32>
        %swap3A_2660 = vector.shape_cast %add3A_2655 : vector<16xf32> to vector<1x16xf32>
        tpu.vector_store %arg20[%swap3A_2656, %swap3A_2657], %swap3A_2660 {strides = array<i32>} : memref<128x96xf32, #tpu.memory_space<vmem>>, vector<1x16xf32>,
        %get3A_2661 = arith.index_cast %add3A_2508 : i32 to index
        %get3A_2662 = arith.constant 80 : index
        %get3A_2663 = tpu.vector_load %arg16[%get3A_2661, %get3A_2662] {strides = array<i32>} : memref<128x96xf32, #tpu.memory_space<vmem>>, vector<1x16xf32>,
        %get3A_2664 = vector.shape_cast %get3A_2663 : vector<1x16xf32> to vector<16xf32>
        %mul3A_2665 = arith.mulf %broadcast_in_dim3A_2511, %get3A_2664 : vector<16xf32>
        %get3A_2666 = arith.index_cast %add3A_2508 : i32 to index
        %get3A_2667 = arith.constant 80 : index
        %get3A_2668 = tpu.vector_load %arg17[%get3A_2666, %get3A_2667] {strides = array<i32>} : memref<128x96xf32, #tpu.memory_space<vmem>>, vector<1x16xf32>,
        %get3A_2669 = vector.shape_cast %get3A_2668 : vector<1x16xf32> to vector<16xf32>
        %mul3A_2670 = arith.mulf %broadcast_in_dim3A_2514, %get3A_2669 : vector<16xf32>
        %add3A_2671 = arith.addf %mul3A_2665, %mul3A_2670 : vector<16xf32>
        %get3A_2672 = arith.index_cast %add3A_2508 : i32 to index
        %get3A_2673 = arith.constant 80 : index
        %get3A_2674 = tpu.vector_load %arg18[%get3A_2672, %get3A_2673] {strides = array<i32>} : memref<128x96xf32, #tpu.memory_space<vmem>>, vector<1x16xf32>,
        %get3A_2675 = vector.shape_cast %get3A_2674 : vector<1x16xf32> to vector<16xf32>
        %mul3A_2676 = arith.mulf %broadcast_in_dim3A_2517, %get3A_2675 : vector<16xf32>
        %add3A_2677 = arith.addf %add3A_2671, %mul3A_2676 : vector<16xf32>
        %get3A_2678 = arith.index_cast %add3A_2508 : i32 to index
        %get3A_2679 = arith.constant 80 : index
        %get3A_2680 = tpu.vector_load %arg19[%get3A_2678, %get3A_2679] {strides = array<i32>} : memref<128x96xf32, #tpu.memory_space<vmem>>, vector<1x16xf32>,
        %get3A_2681 = vector.shape_cast %get3A_2680 : vector<1x16xf32> to vector<16xf32>
        %mul3A_2682 = arith.mulf %broadcast_in_dim3A_2520, %get3A_2681 : vector<16xf32>
        %add3A_2683 = arith.addf %add3A_2677, %mul3A_2682 : vector<16xf32>
        %swap3A_2684 = arith.index_cast %add3A_2508 : i32 to index
        %swap3A_2685 = arith.constant 80 : index
        %swap3A_2686 = tpu.vector_load %arg20[%swap3A_2684, %swap3A_2685] {strides = array<i32>} : memref<128x96xf32, #tpu.memory_space<vmem>>, vector<1x16xf32>,
        %swap3A_2687 = vector.shape_cast %swap3A_2686 : vector<1x16xf32> to vector<16xf32>
        %swap3A_2688 = vector.shape_cast %add3A_2683 : vector<16xf32> to vector<1x16xf32>
        tpu.vector_store %arg20[%swap3A_2684, %swap3A_2685], %swap3A_2688 {strides = array<i32>} : memref<128x96xf32, #tpu.memory_space<vmem>>, vector<1x16xf32>,
        %mul3A_2689 = arith.constant 16 : i32
        %mul3A_2690 = arith.muli %scan3A_836, %mul3A_2689 : i32
        %add3A_2691 = arith.constant 10 : i32
        %add3A_2692 = arith.addi %mul3A_2690, %add3A_2691 : i32
        %slice3A_2693 = vector.extract_strided_slice %get3A_842 {offsets = [10], sizes = [1], strides = [1]} : vector<16xf32> to vector<1xf32>
        %squeeze3A_2694 = vector.extract %slice3A_2693[0] : f32 from vector<1xf32>
        %broadcast_in_dim3A_2695 = vector.broadcast %squeeze3A_2694 : f32 to vector<16xf32>
        %slice3A_2696 = vector.extract_strided_slice %get3A_845 {offsets = [10], sizes = [1], strides = [1]} : vector<16xf32> to vector<1xf32>
        %squeeze3A_2697 = vector.extract %slice3A_2696[0] : f32 from vector<1xf32>
        %broadcast_in_dim3A_2698 = vector.broadcast %squeeze3A_2697 : f32 to vector<16xf32>
        %slice3A_2699 = vector.extract_strided_slice %get3A_848 {offsets = [10], sizes = [1], strides = [1]} : vector<16xf32> to vector<1xf32>
        %squeeze3A_2700 = vector.extract %slice3A_2699[0] : f32 from vector<1xf32>
        %broadcast_in_dim3A_2701 = vector.broadcast %squeeze3A_2700 : f32 to vector<16xf32>
        %slice3A_2702 = vector.extract_strided_slice %get3A_851 {offsets = [10], sizes = [1], strides = [1]} : vector<16xf32> to vector<1xf32>
        %squeeze3A_2703 = vector.extract %slice3A_2702[0] : f32 from vector<1xf32>
        %broadcast_in_dim3A_2704 = vector.broadcast %squeeze3A_2703 : f32 to vector<16xf32>
        %get3A_2705 = arith.index_cast %add3A_2692 : i32 to index
        %get3A_2706 = arith.constant 0 : index
        %get3A_2707 = tpu.vector_load %arg16[%get3A_2705, %get3A_2706] {strides = array<i32>} : memref<128x96xf32, #tpu.memory_space<vmem>>, vector<1x16xf32>,
        %get3A_2708 = vector.shape_cast %get3A_2707 : vector<1x16xf32> to vector<16xf32>
        %mul3A_2709 = arith.mulf %broadcast_in_dim3A_2695, %get3A_2708 : vector<16xf32>
        %get3A_2710 = arith.index_cast %add3A_2692 : i32 to index
        %get3A_2711 = arith.constant 0 : index
        %get3A_2712 = tpu.vector_load %arg17[%get3A_2710, %get3A_2711] {strides = array<i32>} : memref<128x96xf32, #tpu.memory_space<vmem>>, vector<1x16xf32>,
        %get3A_2713 = vector.shape_cast %get3A_2712 : vector<1x16xf32> to vector<16xf32>
        %mul3A_2714 = arith.mulf %broadcast_in_dim3A_2698, %get3A_2713 : vector<16xf32>
        %add3A_2715 = arith.addf %mul3A_2709, %mul3A_2714 : vector<16xf32>
        %get3A_2716 = arith.index_cast %add3A_2692 : i32 to index
        %get3A_2717 = arith.constant 0 : index
        %get3A_2718 = tpu.vector_load %arg18[%get3A_2716, %get3A_2717] {strides = array<i32>} : memref<128x96xf32, #tpu.memory_space<vmem>>, vector<1x16xf32>,
        %get3A_2719 = vector.shape_cast %get3A_2718 : vector<1x16xf32> to vector<16xf32>
        %mul3A_2720 = arith.mulf %broadcast_in_dim3A_2701, %get3A_2719 : vector<16xf32>
        %add3A_2721 = arith.addf %add3A_2715, %mul3A_2720 : vector<16xf32>
        %get3A_2722 = arith.index_cast %add3A_2692 : i32 to index
        %get3A_2723 = arith.constant 0 : index
        %get3A_2724 = tpu.vector_load %arg19[%get3A_2722, %get3A_2723] {strides = array<i32>} : memref<128x96xf32, #tpu.memory_space<vmem>>, vector<1x16xf32>,
        %get3A_2725 = vector.shape_cast %get3A_2724 : vector<1x16xf32> to vector<16xf32>
        %mul3A_2726 = arith.mulf %broadcast_in_dim3A_2704, %get3A_2725 : vector<16xf32>
        %add3A_2727 = arith.addf %add3A_2721, %mul3A_2726 : vector<16xf32>
        %swap3A_2728 = arith.index_cast %add3A_2692 : i32 to index
        %swap3A_2729 = arith.constant 0 : index
        %swap3A_2730 = tpu.vector_load %arg20[%swap3A_2728, %swap3A_2729] {strides = array<i32>} : memref<128x96xf32, #tpu.memory_space<vmem>>, vector<1x16xf32>,
        %swap3A_2731 = vector.shape_cast %swap3A_2730 : vector<1x16xf32> to vector<16xf32>
        %swap3A_2732 = vector.shape_cast %add3A_2727 : vector<16xf32> to vector<1x16xf32>
        tpu.vector_store %arg20[%swap3A_2728, %swap3A_2729], %swap3A_2732 {strides = array<i32>} : memref<128x96xf32, #tpu.memory_space<vmem>>, vector<1x16xf32>,
        %get3A_2733 = arith.index_cast %add3A_2692 : i32 to index
        %get3A_2734 = arith.constant 16 : index
        %get3A_2735 = tpu.vector_load %arg16[%get3A_2733, %get3A_2734] {strides = array<i32>} : memref<128x96xf32, #tpu.memory_space<vmem>>, vector<1x16xf32>,
        %get3A_2736 = vector.shape_cast %get3A_2735 : vector<1x16xf32> to vector<16xf32>
        %mul3A_2737 = arith.mulf %broadcast_in_dim3A_2695, %get3A_2736 : vector<16xf32>
        %get3A_2738 = arith.index_cast %add3A_2692 : i32 to index
        %get3A_2739 = arith.constant 16 : index
        %get3A_2740 = tpu.vector_load %arg17[%get3A_2738, %get3A_2739] {strides = array<i32>} : memref<128x96xf32, #tpu.memory_space<vmem>>, vector<1x16xf32>,
        %get3A_2741 = vector.shape_cast %get3A_2740 : vector<1x16xf32> to vector<16xf32>
        %mul3A_2742 = arith.mulf %broadcast_in_dim3A_2698, %get3A_2741 : vector<16xf32>
        %add3A_2743 = arith.addf %mul3A_2737, %mul3A_2742 : vector<16xf32>
        %get3A_2744 = arith.index_cast %add3A_2692 : i32 to index
        %get3A_2745 = arith.constant 16 : index
        %get3A_2746 = tpu.vector_load %arg18[%get3A_2744, %get3A_2745] {strides = array<i32>} : memref<128x96xf32, #tpu.memory_space<vmem>>, vector<1x16xf32>,
        %get3A_2747 = vector.shape_cast %get3A_2746 : vector<1x16xf32> to vector<16xf32>
        %mul3A_2748 = arith.mulf %broadcast_in_dim3A_2701, %get3A_2747 : vector<16xf32>
        %add3A_2749 = arith.addf %add3A_2743, %mul3A_2748 : vector<16xf32>
        %get3A_2750 = arith.index_cast %add3A_2692 : i32 to index
        %get3A_2751 = arith.constant 16 : index
        %get3A_2752 = tpu.vector_load %arg19[%get3A_2750, %get3A_2751] {strides = array<i32>} : memref<128x96xf32, #tpu.memory_space<vmem>>, vector<1x16xf32>,
        %get3A_2753 = vector.shape_cast %get3A_2752 : vector<1x16xf32> to vector<16xf32>
        %mul3A_2754 = arith.mulf %broadcast_in_dim3A_2704, %get3A_2753 : vector<16xf32>
        %add3A_2755 = arith.addf %add3A_2749, %mul3A_2754 : vector<16xf32>
        %swap3A_2756 = arith.index_cast %add3A_2692 : i32 to index
        %swap3A_2757 = arith.constant 16 : index
        %swap3A_2758 = tpu.vector_load %arg20[%swap3A_2756, %swap3A_2757] {strides = array<i32>} : memref<128x96xf32, #tpu.memory_space<vmem>>, vector<1x16xf32>,
        %swap3A_2759 = vector.shape_cast %swap3A_2758 : vector<1x16xf32> to vector<16xf32>
        %swap3A_2760 = vector.shape_cast %add3A_2755 : vector<16xf32> to vector<1x16xf32>
        tpu.vector_store %arg20[%swap3A_2756, %swap3A_2757], %swap3A_2760 {strides = array<i32>} : memref<128x96xf32, #tpu.memory_space<vmem>>, vector<1x16xf32>,
        %get3A_2761 = arith.index_cast %add3A_2692 : i32 to index
        %get3A_2762 = arith.constant 32 : index
        %get3A_2763 = tpu.vector_load %arg16[%get3A_2761, %get3A_2762] {strides = array<i32>} : memref<128x96xf32, #tpu.memory_space<vmem>>, vector<1x16xf32>,
        %get3A_2764 = vector.shape_cast %get3A_2763 : vector<1x16xf32> to vector<16xf32>
        %mul3A_2765 = arith.mulf %broadcast_in_dim3A_2695, %get3A_2764 : vector<16xf32>
        %get3A_2766 = arith.index_cast %add3A_2692 : i32 to index
        %get3A_2767 = arith.constant 32 : index
        %get3A_2768 = tpu.vector_load %arg17[%get3A_2766, %get3A_2767] {strides = array<i32>} : memref<128x96xf32, #tpu.memory_space<vmem>>, vector<1x16xf32>,
        %get3A_2769 = vector.shape_cast %get3A_2768 : vector<1x16xf32> to vector<16xf32>
        %mul3A_2770 = arith.mulf %broadcast_in_dim3A_2698, %get3A_2769 : vector<16xf32>
        %add3A_2771 = arith.addf %mul3A_2765, %mul3A_2770 : vector<16xf32>
        %get3A_2772 = arith.index_cast %add3A_2692 : i32 to index
        %get3A_2773 = arith.constant 32 : index
        %get3A_2774 = tpu.vector_load %arg18[%get3A_2772, %get3A_2773] {strides = array<i32>} : memref<128x96xf32, #tpu.memory_space<vmem>>, vector<1x16xf32>,
        %get3A_2775 = vector.shape_cast %get3A_2774 : vector<1x16xf32> to vector<16xf32>
        %mul3A_2776 = arith.mulf %broadcast_in_dim3A_2701, %get3A_2775 : vector<16xf32>
        %add3A_2777 = arith.addf %add3A_2771, %mul3A_2776 : vector<16xf32>
        %get3A_2778 = arith.index_cast %add3A_2692 : i32 to index
        %get3A_2779 = arith.constant 32 : index
        %get3A_2780 = tpu.vector_load %arg19[%get3A_2778, %get3A_2779] {strides = array<i32>} : memref<128x96xf32, #tpu.memory_space<vmem>>, vector<1x16xf32>,
        %get3A_2781 = vector.shape_cast %get3A_2780 : vector<1x16xf32> to vector<16xf32>
        %mul3A_2782 = arith.mulf %broadcast_in_dim3A_2704, %get3A_2781 : vector<16xf32>
        %add3A_2783 = arith.addf %add3A_2777, %mul3A_2782 : vector<16xf32>
        %swap3A_2784 = arith.index_cast %add3A_2692 : i32 to index
        %swap3A_2785 = arith.constant 32 : index
        %swap3A_2786 = tpu.vector_load %arg20[%swap3A_2784, %swap3A_2785] {strides = array<i32>} : memref<128x96xf32, #tpu.memory_space<vmem>>, vector<1x16xf32>,
        %swap3A_2787 = vector.shape_cast %swap3A_2786 : vector<1x16xf32> to vector<16xf32>
        %swap3A_2788 = vector.shape_cast %add3A_2783 : vector<16xf32> to vector<1x16xf32>
        tpu.vector_store %arg20[%swap3A_2784, %swap3A_2785], %swap3A_2788 {strides = array<i32>} : memref<128x96xf32, #tpu.memory_space<vmem>>, vector<1x16xf32>,
        %get3A_2789 = arith.index_cast %add3A_2692 : i32 to index
        %get3A_2790 = arith.constant 48 : index
        %get3A_2791 = tpu.vector_load %arg16[%get3A_2789, %get3A_2790] {strides = array<i32>} : memref<128x96xf32, #tpu.memory_space<vmem>>, vector<1x16xf32>,
        %get3A_2792 = vector.shape_cast %get3A_2791 : vector<1x16xf32> to vector<16xf32>
        %mul3A_2793 = arith.mulf %broadcast_in_dim3A_2695, %get3A_2792 : vector<16xf32>
        %get3A_2794 = arith.index_cast %add3A_2692 : i32 to index
        %get3A_2795 = arith.constant 48 : index
        %get3A_2796 = tpu.vector_load %arg17[%get3A_2794, %get3A_2795] {strides = array<i32>} : memref<128x96xf32, #tpu.memory_space<vmem>>, vector<1x16xf32>,
        %get3A_2797 = vector.shape_cast %get3A_2796 : vector<1x16xf32> to vector<16xf32>
        %mul3A_2798 = arith.mulf %broadcast_in_dim3A_2698, %get3A_2797 : vector<16xf32>
        %add3A_2799 = arith.addf %mul3A_2793, %mul3A_2798 : vector<16xf32>
        %get3A_2800 = arith.index_cast %add3A_2692 : i32 to index
        %get3A_2801 = arith.constant 48 : index
        %get3A_2802 = tpu.vector_load %arg18[%get3A_2800, %get3A_2801] {strides = array<i32>} : memref<128x96xf32, #tpu.memory_space<vmem>>, vector<1x16xf32>,
        %get3A_2803 = vector.shape_cast %get3A_2802 : vector<1x16xf32> to vector<16xf32>
        %mul3A_2804 = arith.mulf %broadcast_in_dim3A_2701, %get3A_2803 : vector<16xf32>
        %add3A_2805 = arith.addf %add3A_2799, %mul3A_2804 : vector<16xf32>
        %get3A_2806 = arith.index_cast %add3A_2692 : i32 to index
        %get3A_2807 = arith.constant 48 : index
        %get3A_2808 = tpu.vector_load %arg19[%get3A_2806, %get3A_2807] {strides = array<i32>} : memref<128x96xf32, #tpu.memory_space<vmem>>, vector<1x16xf32>,
        %get3A_2809 = vector.shape_cast %get3A_2808 : vector<1x16xf32> to vector<16xf32>
        %mul3A_2810 = arith.mulf %broadcast_in_dim3A_2704, %get3A_2809 : vector<16xf32>
        %add3A_2811 = arith.addf %add3A_2805, %mul3A_2810 : vector<16xf32>
        %swap3A_2812 = arith.index_cast %add3A_2692 : i32 to index
        %swap3A_2813 = arith.constant 48 : index
        %swap3A_2814 = tpu.vector_load %arg20[%swap3A_2812, %swap3A_2813] {strides = array<i32>} : memref<128x96xf32, #tpu.memory_space<vmem>>, vector<1x16xf32>,
        %swap3A_2815 = vector.shape_cast %swap3A_2814 : vector<1x16xf32> to vector<16xf32>
        %swap3A_2816 = vector.shape_cast %add3A_2811 : vector<16xf32> to vector<1x16xf32>
        tpu.vector_store %arg20[%swap3A_2812, %swap3A_2813], %swap3A_2816 {strides = array<i32>} : memref<128x96xf32, #tpu.memory_space<vmem>>, vector<1x16xf32>,
        %get3A_2817 = arith.index_cast %add3A_2692 : i32 to index
        %get3A_2818 = arith.constant 64 : index
        %get3A_2819 = tpu.vector_load %arg16[%get3A_2817, %get3A_2818] {strides = array<i32>} : memref<128x96xf32, #tpu.memory_space<vmem>>, vector<1x16xf32>,
        %get3A_2820 = vector.shape_cast %get3A_2819 : vector<1x16xf32> to vector<16xf32>
        %mul3A_2821 = arith.mulf %broadcast_in_dim3A_2695, %get3A_2820 : vector<16xf32>
        %get3A_2822 = arith.index_cast %add3A_2692 : i32 to index
        %get3A_2823 = arith.constant 64 : index
        %get3A_2824 = tpu.vector_load %arg17[%get3A_2822, %get3A_2823] {strides = array<i32>} : memref<128x96xf32, #tpu.memory_space<vmem>>, vector<1x16xf32>,
        %get3A_2825 = vector.shape_cast %get3A_2824 : vector<1x16xf32> to vector<16xf32>
        %mul3A_2826 = arith.mulf %broadcast_in_dim3A_2698, %get3A_2825 : vector<16xf32>
        %add3A_2827 = arith.addf %mul3A_2821, %mul3A_2826 : vector<16xf32>
        %get3A_2828 = arith.index_cast %add3A_2692 : i32 to index
        %get3A_2829 = arith.constant 64 : index
        %get3A_2830 = tpu.vector_load %arg18[%get3A_2828, %get3A_2829] {strides = array<i32>} : memref<128x96xf32, #tpu.memory_space<vmem>>, vector<1x16xf32>,
        %get3A_2831 = vector.shape_cast %get3A_2830 : vector<1x16xf32> to vector<16xf32>
        %mul3A_2832 = arith.mulf %broadcast_in_dim3A_2701, %get3A_2831 : vector<16xf32>
        %add3A_2833 = arith.addf %add3A_2827, %mul3A_2832 : vector<16xf32>
        %get3A_2834 = arith.index_cast %add3A_2692 : i32 to index
        %get3A_2835 = arith.constant 64 : index
        %get3A_2836 = tpu.vector_load %arg19[%get3A_2834, %get3A_2835] {strides = array<i32>} : memref<128x96xf32, #tpu.memory_space<vmem>>, vector<1x16xf32>,
        %get3A_2837 = vector.shape_cast %get3A_2836 : vector<1x16xf32> to vector<16xf32>
        %mul3A_2838 = arith.mulf %broadcast_in_dim3A_2704, %get3A_2837 : vector<16xf32>
        %add3A_2839 = arith.addf %add3A_2833, %mul3A_2838 : vector<16xf32>
        %swap3A_2840 = arith.index_cast %add3A_2692 : i32 to index
        %swap3A_2841 = arith.constant 64 : index
        %swap3A_2842 = tpu.vector_load %arg20[%swap3A_2840, %swap3A_2841] {strides = array<i32>} : memref<128x96xf32, #tpu.memory_space<vmem>>, vector<1x16xf32>,
        %swap3A_2843 = vector.shape_cast %swap3A_2842 : vector<1x16xf32> to vector<16xf32>
        %swap3A_2844 = vector.shape_cast %add3A_2839 : vector<16xf32> to vector<1x16xf32>
        tpu.vector_store %arg20[%swap3A_2840, %swap3A_2841], %swap3A_2844 {strides = array<i32>} : memref<128x96xf32, #tpu.memory_space<vmem>>, vector<1x16xf32>,
        %get3A_2845 = arith.index_cast %add3A_2692 : i32 to index
        %get3A_2846 = arith.constant 80 : index
        %get3A_2847 = tpu.vector_load %arg16[%get3A_2845, %get3A_2846] {strides = array<i32>} : memref<128x96xf32, #tpu.memory_space<vmem>>, vector<1x16xf32>,
        %get3A_2848 = vector.shape_cast %get3A_2847 : vector<1x16xf32> to vector<16xf32>
        %mul3A_2849 = arith.mulf %broadcast_in_dim3A_2695, %get3A_2848 : vector<16xf32>
        %get3A_2850 = arith.index_cast %add3A_2692 : i32 to index
        %get3A_2851 = arith.constant 80 : index
        %get3A_2852 = tpu.vector_load %arg17[%get3A_2850, %get3A_2851] {strides = array<i32>} : memref<128x96xf32, #tpu.memory_space<vmem>>, vector<1x16xf32>,
        %get3A_2853 = vector.shape_cast %get3A_2852 : vector<1x16xf32> to vector<16xf32>
        %mul3A_2854 = arith.mulf %broadcast_in_dim3A_2698, %get3A_2853 : vector<16xf32>
        %add3A_2855 = arith.addf %mul3A_2849, %mul3A_2854 : vector<16xf32>
        %get3A_2856 = arith.index_cast %add3A_2692 : i32 to index
        %get3A_2857 = arith.constant 80 : index
        %get3A_2858 = tpu.vector_load %arg18[%get3A_2856, %get3A_2857] {strides = array<i32>} : memref<128x96xf32, #tpu.memory_space<vmem>>, vector<1x16xf32>,
        %get3A_2859 = vector.shape_cast %get3A_2858 : vector<1x16xf32> to vector<16xf32>
        %mul3A_2860 = arith.mulf %broadcast_in_dim3A_2701, %get3A_2859 : vector<16xf32>
        %add3A_2861 = arith.addf %add3A_2855, %mul3A_2860 : vector<16xf32>
        %get3A_2862 = arith.index_cast %add3A_2692 : i32 to index
        %get3A_2863 = arith.constant 80 : index
        %get3A_2864 = tpu.vector_load %arg19[%get3A_2862, %get3A_2863] {strides = array<i32>} : memref<128x96xf32, #tpu.memory_space<vmem>>, vector<1x16xf32>,
        %get3A_2865 = vector.shape_cast %get3A_2864 : vector<1x16xf32> to vector<16xf32>
        %mul3A_2866 = arith.mulf %broadcast_in_dim3A_2704, %get3A_2865 : vector<16xf32>
        %add3A_2867 = arith.addf %add3A_2861, %mul3A_2866 : vector<16xf32>
        %swap3A_2868 = arith.index_cast %add3A_2692 : i32 to index
        %swap3A_2869 = arith.constant 80 : index
        %swap3A_2870 = tpu.vector_load %arg20[%swap3A_2868, %swap3A_2869] {strides = array<i32>} : memref<128x96xf32, #tpu.memory_space<vmem>>, vector<1x16xf32>,
        %swap3A_2871 = vector.shape_cast %swap3A_2870 : vector<1x16xf32> to vector<16xf32>
        %swap3A_2872 = vector.shape_cast %add3A_2867 : vector<16xf32> to vector<1x16xf32>
        tpu.vector_store %arg20[%swap3A_2868, %swap3A_2869], %swap3A_2872 {strides = array<i32>} : memref<128x96xf32, #tpu.memory_space<vmem>>, vector<1x16xf32>,
        %mul3A_2873 = arith.constant 16 : i32
        %mul3A_2874 = arith.muli %scan3A_836, %mul3A_2873 : i32
        %add3A_2875 = arith.constant 11 : i32
        %add3A_2876 = arith.addi %mul3A_2874, %add3A_2875 : i32
        %slice3A_2877 = vector.extract_strided_slice %get3A_842 {offsets = [11], sizes = [1], strides = [1]} : vector<16xf32> to vector<1xf32>
        %squeeze3A_2878 = vector.extract %slice3A_2877[0] : f32 from vector<1xf32>
        %broadcast_in_dim3A_2879 = vector.broadcast %squeeze3A_2878 : f32 to vector<16xf32>
        %slice3A_2880 = vector.extract_strided_slice %get3A_845 {offsets = [11], sizes = [1], strides = [1]} : vector<16xf32> to vector<1xf32>
        %squeeze3A_2881 = vector.extract %slice3A_2880[0] : f32 from vector<1xf32>
        %broadcast_in_dim3A_2882 = vector.broadcast %squeeze3A_2881 : f32 to vector<16xf32>
        %slice3A_2883 = vector.extract_strided_slice %get3A_848 {offsets = [11], sizes = [1], strides = [1]} : vector<16xf32> to vector<1xf32>
        %squeeze3A_2884 = vector.extract %slice3A_2883[0] : f32 from vector<1xf32>
        %broadcast_in_dim3A_2885 = vector.broadcast %squeeze3A_2884 : f32 to vector<16xf32>
        %slice3A_2886 = vector.extract_strided_slice %get3A_851 {offsets = [11], sizes = [1], strides = [1]} : vector<16xf32> to vector<1xf32>
        %squeeze3A_2887 = vector.extract %slice3A_2886[0] : f32 from vector<1xf32>
        %broadcast_in_dim3A_2888 = vector.broadcast %squeeze3A_2887 : f32 to vector<16xf32>
        %get3A_2889 = arith.index_cast %add3A_2876 : i32 to index
        %get3A_2890 = arith.constant 0 : index
        %get3A_2891 = tpu.vector_load %arg16[%get3A_2889, %get3A_2890] {strides = array<i32>} : memref<128x96xf32, #tpu.memory_space<vmem>>, vector<1x16xf32>,
        %get3A_2892 = vector.shape_cast %get3A_2891 : vector<1x16xf32> to vector<16xf32>
        %mul3A_2893 = arith.mulf %broadcast_in_dim3A_2879, %get3A_2892 : vector<16xf32>
        %get3A_2894 = arith.index_cast %add3A_2876 : i32 to index
        %get3A_2895 = arith.constant 0 : index
        %get3A_2896 = tpu.vector_load %arg17[%get3A_2894, %get3A_2895] {strides = array<i32>} : memref<128x96xf32, #tpu.memory_space<vmem>>, vector<1x16xf32>,
        %get3A_2897 = vector.shape_cast %get3A_2896 : vector<1x16xf32> to vector<16xf32>
        %mul3A_2898 = arith.mulf %broadcast_in_dim3A_2882, %get3A_2897 : vector<16xf32>
        %add3A_2899 = arith.addf %mul3A_2893, %mul3A_2898 : vector<16xf32>
        %get3A_2900 = arith.index_cast %add3A_2876 : i32 to index
        %get3A_2901 = arith.constant 0 : index
        %get3A_2902 = tpu.vector_load %arg18[%get3A_2900, %get3A_2901] {strides = array<i32>} : memref<128x96xf32, #tpu.memory_space<vmem>>, vector<1x16xf32>,
        %get3A_2903 = vector.shape_cast %get3A_2902 : vector<1x16xf32> to vector<16xf32>
        %mul3A_2904 = arith.mulf %broadcast_in_dim3A_2885, %get3A_2903 : vector<16xf32>
        %add3A_2905 = arith.addf %add3A_2899, %mul3A_2904 : vector<16xf32>
        %get3A_2906 = arith.index_cast %add3A_2876 : i32 to index
        %get3A_2907 = arith.constant 0 : index
        %get3A_2908 = tpu.vector_load %arg19[%get3A_2906, %get3A_2907] {strides = array<i32>} : memref<128x96xf32, #tpu.memory_space<vmem>>, vector<1x16xf32>,
        %get3A_2909 = vector.shape_cast %get3A_2908 : vector<1x16xf32> to vector<16xf32>
        %mul3A_2910 = arith.mulf %broadcast_in_dim3A_2888, %get3A_2909 : vector<16xf32>
        %add3A_2911 = arith.addf %add3A_2905, %mul3A_2910 : vector<16xf32>
        %swap3A_2912 = arith.index_cast %add3A_2876 : i32 to index
        %swap3A_2913 = arith.constant 0 : index
        %swap3A_2914 = tpu.vector_load %arg20[%swap3A_2912, %swap3A_2913] {strides = array<i32>} : memref<128x96xf32, #tpu.memory_space<vmem>>, vector<1x16xf32>,
        %swap3A_2915 = vector.shape_cast %swap3A_2914 : vector<1x16xf32> to vector<16xf32>
        %swap3A_2916 = vector.shape_cast %add3A_2911 : vector<16xf32> to vector<1x16xf32>
        tpu.vector_store %arg20[%swap3A_2912, %swap3A_2913], %swap3A_2916 {strides = array<i32>} : memref<128x96xf32, #tpu.memory_space<vmem>>, vector<1x16xf32>,
        %get3A_2917 = arith.index_cast %add3A_2876 : i32 to index
        %get3A_2918 = arith.constant 16 : index
        %get3A_2919 = tpu.vector_load %arg16[%get3A_2917, %get3A_2918] {strides = array<i32>} : memref<128x96xf32, #tpu.memory_space<vmem>>, vector<1x16xf32>,
        %get3A_2920 = vector.shape_cast %get3A_2919 : vector<1x16xf32> to vector<16xf32>
        %mul3A_2921 = arith.mulf %broadcast_in_dim3A_2879, %get3A_2920 : vector<16xf32>
        %get3A_2922 = arith.index_cast %add3A_2876 : i32 to index
        %get3A_2923 = arith.constant 16 : index
        %get3A_2924 = tpu.vector_load %arg17[%get3A_2922, %get3A_2923] {strides = array<i32>} : memref<128x96xf32, #tpu.memory_space<vmem>>, vector<1x16xf32>,
        %get3A_2925 = vector.shape_cast %get3A_2924 : vector<1x16xf32> to vector<16xf32>
        %mul3A_2926 = arith.mulf %broadcast_in_dim3A_2882, %get3A_2925 : vector<16xf32>
        %add3A_2927 = arith.addf %mul3A_2921, %mul3A_2926 : vector<16xf32>
        %get3A_2928 = arith.index_cast %add3A_2876 : i32 to index
        %get3A_2929 = arith.constant 16 : index
        %get3A_2930 = tpu.vector_load %arg18[%get3A_2928, %get3A_2929] {strides = array<i32>} : memref<128x96xf32, #tpu.memory_space<vmem>>, vector<1x16xf32>,
        %get3A_2931 = vector.shape_cast %get3A_2930 : vector<1x16xf32> to vector<16xf32>
        %mul3A_2932 = arith.mulf %broadcast_in_dim3A_2885, %get3A_2931 : vector<16xf32>
        %add3A_2933 = arith.addf %add3A_2927, %mul3A_2932 : vector<16xf32>
        %get3A_2934 = arith.index_cast %add3A_2876 : i32 to index
        %get3A_2935 = arith.constant 16 : index
        %get3A_2936 = tpu.vector_load %arg19[%get3A_2934, %get3A_2935] {strides = array<i32>} : memref<128x96xf32, #tpu.memory_space<vmem>>, vector<1x16xf32>,
        %get3A_2937 = vector.shape_cast %get3A_2936 : vector<1x16xf32> to vector<16xf32>
        %mul3A_2938 = arith.mulf %broadcast_in_dim3A_2888, %get3A_2937 : vector<16xf32>
        %add3A_2939 = arith.addf %add3A_2933, %mul3A_2938 : vector<16xf32>
        %swap3A_2940 = arith.index_cast %add3A_2876 : i32 to index
        %swap3A_2941 = arith.constant 16 : index
        %swap3A_2942 = tpu.vector_load %arg20[%swap3A_2940, %swap3A_2941] {strides = array<i32>} : memref<128x96xf32, #tpu.memory_space<vmem>>, vector<1x16xf32>,
        %swap3A_2943 = vector.shape_cast %swap3A_2942 : vector<1x16xf32> to vector<16xf32>
        %swap3A_2944 = vector.shape_cast %add3A_2939 : vector<16xf32> to vector<1x16xf32>
        tpu.vector_store %arg20[%swap3A_2940, %swap3A_2941], %swap3A_2944 {strides = array<i32>} : memref<128x96xf32, #tpu.memory_space<vmem>>, vector<1x16xf32>,
        %get3A_2945 = arith.index_cast %add3A_2876 : i32 to index
        %get3A_2946 = arith.constant 32 : index
        %get3A_2947 = tpu.vector_load %arg16[%get3A_2945, %get3A_2946] {strides = array<i32>} : memref<128x96xf32, #tpu.memory_space<vmem>>, vector<1x16xf32>,
        %get3A_2948 = vector.shape_cast %get3A_2947 : vector<1x16xf32> to vector<16xf32>
        %mul3A_2949 = arith.mulf %broadcast_in_dim3A_2879, %get3A_2948 : vector<16xf32>
        %get3A_2950 = arith.index_cast %add3A_2876 : i32 to index
        %get3A_2951 = arith.constant 32 : index
        %get3A_2952 = tpu.vector_load %arg17[%get3A_2950, %get3A_2951] {strides = array<i32>} : memref<128x96xf32, #tpu.memory_space<vmem>>, vector<1x16xf32>,
        %get3A_2953 = vector.shape_cast %get3A_2952 : vector<1x16xf32> to vector<16xf32>
        %mul3A_2954 = arith.mulf %broadcast_in_dim3A_2882, %get3A_2953 : vector<16xf32>
        %add3A_2955 = arith.addf %mul3A_2949, %mul3A_2954 : vector<16xf32>
        %get3A_2956 = arith.index_cast %add3A_2876 : i32 to index
        %get3A_2957 = arith.constant 32 : index
        %get3A_2958 = tpu.vector_load %arg18[%get3A_2956, %get3A_2957] {strides = array<i32>} : memref<128x96xf32, #tpu.memory_space<vmem>>, vector<1x16xf32>,
        %get3A_2959 = vector.shape_cast %get3A_2958 : vector<1x16xf32> to vector<16xf32>
        %mul3A_2960 = arith.mulf %broadcast_in_dim3A_2885, %get3A_2959 : vector<16xf32>
        %add3A_2961 = arith.addf %add3A_2955, %mul3A_2960 : vector<16xf32>
        %get3A_2962 = arith.index_cast %add3A_2876 : i32 to index
        %get3A_2963 = arith.constant 32 : index
        %get3A_2964 = tpu.vector_load %arg19[%get3A_2962, %get3A_2963] {strides = array<i32>} : memref<128x96xf32, #tpu.memory_space<vmem>>, vector<1x16xf32>,
        %get3A_2965 = vector.shape_cast %get3A_2964 : vector<1x16xf32> to vector<16xf32>
        %mul3A_2966 = arith.mulf %broadcast_in_dim3A_2888, %get3A_2965 : vector<16xf32>
        %add3A_2967 = arith.addf %add3A_2961, %mul3A_2966 : vector<16xf32>
        %swap3A_2968 = arith.index_cast %add3A_2876 : i32 to index
        %swap3A_2969 = arith.constant 32 : index
        %swap3A_2970 = tpu.vector_load %arg20[%swap3A_2968, %swap3A_2969] {strides = array<i32>} : memref<128x96xf32, #tpu.memory_space<vmem>>, vector<1x16xf32>,
        %swap3A_2971 = vector.shape_cast %swap3A_2970 : vector<1x16xf32> to vector<16xf32>
        %swap3A_2972 = vector.shape_cast %add3A_2967 : vector<16xf32> to vector<1x16xf32>
        tpu.vector_store %arg20[%swap3A_2968, %swap3A_2969], %swap3A_2972 {strides = array<i32>} : memref<128x96xf32, #tpu.memory_space<vmem>>, vector<1x16xf32>,
        %get3A_2973 = arith.index_cast %add3A_2876 : i32 to index
        %get3A_2974 = arith.constant 48 : index
        %get3A_2975 = tpu.vector_load %arg16[%get3A_2973, %get3A_2974] {strides = array<i32>} : memref<128x96xf32, #tpu.memory_space<vmem>>, vector<1x16xf32>,
        %get3A_2976 = vector.shape_cast %get3A_2975 : vector<1x16xf32> to vector<16xf32>
        %mul3A_2977 = arith.mulf %broadcast_in_dim3A_2879, %get3A_2976 : vector<16xf32>
        %get3A_2978 = arith.index_cast %add3A_2876 : i32 to index
        %get3A_2979 = arith.constant 48 : index
        %get3A_2980 = tpu.vector_load %arg17[%get3A_2978, %get3A_2979] {strides = array<i32>} : memref<128x96xf32, #tpu.memory_space<vmem>>, vector<1x16xf32>,
        %get3A_2981 = vector.shape_cast %get3A_2980 : vector<1x16xf32> to vector<16xf32>
        %mul3A_2982 = arith.mulf %broadcast_in_dim3A_2882, %get3A_2981 : vector<16xf32>
        %add3A_2983 = arith.addf %mul3A_2977, %mul3A_2982 : vector<16xf32>
        %get3A_2984 = arith.index_cast %add3A_2876 : i32 to index
        %get3A_2985 = arith.constant 48 : index
        %get3A_2986 = tpu.vector_load %arg18[%get3A_2984, %get3A_2985] {strides = array<i32>} : memref<128x96xf32, #tpu.memory_space<vmem>>, vector<1x16xf32>,
        %get3A_2987 = vector.shape_cast %get3A_2986 : vector<1x16xf32> to vector<16xf32>
        %mul3A_2988 = arith.mulf %broadcast_in_dim3A_2885, %get3A_2987 : vector<16xf32>
        %add3A_2989 = arith.addf %add3A_2983, %mul3A_2988 : vector<16xf32>
        %get3A_2990 = arith.index_cast %add3A_2876 : i32 to index
        %get3A_2991 = arith.constant 48 : index
        %get3A_2992 = tpu.vector_load %arg19[%get3A_2990, %get3A_2991] {strides = array<i32>} : memref<128x96xf32, #tpu.memory_space<vmem>>, vector<1x16xf32>,
        %get3A_2993 = vector.shape_cast %get3A_2992 : vector<1x16xf32> to vector<16xf32>
        %mul3A_2994 = arith.mulf %broadcast_in_dim3A_2888, %get3A_2993 : vector<16xf32>
        %add3A_2995 = arith.addf %add3A_2989, %mul3A_2994 : vector<16xf32>
        %swap3A_2996 = arith.index_cast %add3A_2876 : i32 to index
        %swap3A_2997 = arith.constant 48 : index
        %swap3A_2998 = tpu.vector_load %arg20[%swap3A_2996, %swap3A_2997] {strides = array<i32>} : memref<128x96xf32, #tpu.memory_space<vmem>>, vector<1x16xf32>,
        %swap3A_2999 = vector.shape_cast %swap3A_2998 : vector<1x16xf32> to vector<16xf32>
        %swap3A_3000 = vector.shape_cast %add3A_2995 : vector<16xf32> to vector<1x16xf32>
        tpu.vector_store %arg20[%swap3A_2996, %swap3A_2997], %swap3A_3000 {strides = array<i32>} : memref<128x96xf32, #tpu.memory_space<vmem>>, vector<1x16xf32>,
        %get3A_3001 = arith.index_cast %add3A_2876 : i32 to index
        %get3A_3002 = arith.constant 64 : index
        %get3A_3003 = tpu.vector_load %arg16[%get3A_3001, %get3A_3002] {strides = array<i32>} : memref<128x96xf32, #tpu.memory_space<vmem>>, vector<1x16xf32>,
        %get3A_3004 = vector.shape_cast %get3A_3003 : vector<1x16xf32> to vector<16xf32>
        %mul3A_3005 = arith.mulf %broadcast_in_dim3A_2879, %get3A_3004 : vector<16xf32>
        %get3A_3006 = arith.index_cast %add3A_2876 : i32 to index
        %get3A_3007 = arith.constant 64 : index
        %get3A_3008 = tpu.vector_load %arg17[%get3A_3006, %get3A_3007] {strides = array<i32>} : memref<128x96xf32, #tpu.memory_space<vmem>>, vector<1x16xf32>,
        %get3A_3009 = vector.shape_cast %get3A_3008 : vector<1x16xf32> to vector<16xf32>
        %mul3A_3010 = arith.mulf %broadcast_in_dim3A_2882, %get3A_3009 : vector<16xf32>
        %add3A_3011 = arith.addf %mul3A_3005, %mul3A_3010 : vector<16xf32>
        %get3A_3012 = arith.index_cast %add3A_2876 : i32 to index
        %get3A_3013 = arith.constant 64 : index
        %get3A_3014 = tpu.vector_load %arg18[%get3A_3012, %get3A_3013] {strides = array<i32>} : memref<128x96xf32, #tpu.memory_space<vmem>>, vector<1x16xf32>,
        %get3A_3015 = vector.shape_cast %get3A_3014 : vector<1x16xf32> to vector<16xf32>
        %mul3A_3016 = arith.mulf %broadcast_in_dim3A_2885, %get3A_3015 : vector<16xf32>
        %add3A_3017 = arith.addf %add3A_3011, %mul3A_3016 : vector<16xf32>
        %get3A_3018 = arith.index_cast %add3A_2876 : i32 to index
        %get3A_3019 = arith.constant 64 : index
        %get3A_3020 = tpu.vector_load %arg19[%get3A_3018, %get3A_3019] {strides = array<i32>} : memref<128x96xf32, #tpu.memory_space<vmem>>, vector<1x16xf32>,
        %get3A_3021 = vector.shape_cast %get3A_3020 : vector<1x16xf32> to vector<16xf32>
        %mul3A_3022 = arith.mulf %broadcast_in_dim3A_2888, %get3A_3021 : vector<16xf32>
        %add3A_3023 = arith.addf %add3A_3017, %mul3A_3022 : vector<16xf32>
        %swap3A_3024 = arith.index_cast %add3A_2876 : i32 to index
        %swap3A_3025 = arith.constant 64 : index
        %swap3A_3026 = tpu.vector_load %arg20[%swap3A_3024, %swap3A_3025] {strides = array<i32>} : memref<128x96xf32, #tpu.memory_space<vmem>>, vector<1x16xf32>,
        %swap3A_3027 = vector.shape_cast %swap3A_3026 : vector<1x16xf32> to vector<16xf32>
        %swap3A_3028 = vector.shape_cast %add3A_3023 : vector<16xf32> to vector<1x16xf32>
        tpu.vector_store %arg20[%swap3A_3024, %swap3A_3025], %swap3A_3028 {strides = array<i32>} : memref<128x96xf32, #tpu.memory_space<vmem>>, vector<1x16xf32>,
        %get3A_3029 = arith.index_cast %add3A_2876 : i32 to index
        %get3A_3030 = arith.constant 80 : index
        %get3A_3031 = tpu.vector_load %arg16[%get3A_3029, %get3A_3030] {strides = array<i32>} : memref<128x96xf32, #tpu.memory_space<vmem>>, vector<1x16xf32>,
        %get3A_3032 = vector.shape_cast %get3A_3031 : vector<1x16xf32> to vector<16xf32>
        %mul3A_3033 = arith.mulf %broadcast_in_dim3A_2879, %get3A_3032 : vector<16xf32>
        %get3A_3034 = arith.index_cast %add3A_2876 : i32 to index
        %get3A_3035 = arith.constant 80 : index
        %get3A_3036 = tpu.vector_load %arg17[%get3A_3034, %get3A_3035] {strides = array<i32>} : memref<128x96xf32, #tpu.memory_space<vmem>>, vector<1x16xf32>,
        %get3A_3037 = vector.shape_cast %get3A_3036 : vector<1x16xf32> to vector<16xf32>
        %mul3A_3038 = arith.mulf %broadcast_in_dim3A_2882, %get3A_3037 : vector<16xf32>
        %add3A_3039 = arith.addf %mul3A_3033, %mul3A_3038 : vector<16xf32>
        %get3A_3040 = arith.index_cast %add3A_2876 : i32 to index
        %get3A_3041 = arith.constant 80 : index
        %get3A_3042 = tpu.vector_load %arg18[%get3A_3040, %get3A_3041] {strides = array<i32>} : memref<128x96xf32, #tpu.memory_space<vmem>>, vector<1x16xf32>,
        %get3A_3043 = vector.shape_cast %get3A_3042 : vector<1x16xf32> to vector<16xf32>
        %mul3A_3044 = arith.mulf %broadcast_in_dim3A_2885, %get3A_3043 : vector<16xf32>
        %add3A_3045 = arith.addf %add3A_3039, %mul3A_3044 : vector<16xf32>
        %get3A_3046 = arith.index_cast %add3A_2876 : i32 to index
        %get3A_3047 = arith.constant 80 : index
        %get3A_3048 = tpu.vector_load %arg19[%get3A_3046, %get3A_3047] {strides = array<i32>} : memref<128x96xf32, #tpu.memory_space<vmem>>, vector<1x16xf32>,
        %get3A_3049 = vector.shape_cast %get3A_3048 : vector<1x16xf32> to vector<16xf32>
        %mul3A_3050 = arith.mulf %broadcast_in_dim3A_2888, %get3A_3049 : vector<16xf32>
        %add3A_3051 = arith.addf %add3A_3045, %mul3A_3050 : vector<16xf32>
        %swap3A_3052 = arith.index_cast %add3A_2876 : i32 to index
        %swap3A_3053 = arith.constant 80 : index
        %swap3A_3054 = tpu.vector_load %arg20[%swap3A_3052, %swap3A_3053] {strides = array<i32>} : memref<128x96xf32, #tpu.memory_space<vmem>>, vector<1x16xf32>,
        %swap3A_3055 = vector.shape_cast %swap3A_3054 : vector<1x16xf32> to vector<16xf32>
        %swap3A_3056 = vector.shape_cast %add3A_3051 : vector<16xf32> to vector<1x16xf32>
        tpu.vector_store %arg20[%swap3A_3052, %swap3A_3053], %swap3A_3056 {strides = array<i32>} : memref<128x96xf32, #tpu.memory_space<vmem>>, vector<1x16xf32>,
        %mul3A_3057 = arith.constant 16 : i32
        %mul3A_3058 = arith.muli %scan3A_836, %mul3A_3057 : i32
        %add3A_3059 = arith.constant 12 : i32
        %add3A_3060 = arith.addi %mul3A_3058, %add3A_3059 : i32
        %slice3A_3061 = vector.extract_strided_slice %get3A_842 {offsets = [12], sizes = [1], strides = [1]} : vector<16xf32> to vector<1xf32>
        %squeeze3A_3062 = vector.extract %slice3A_3061[0] : f32 from vector<1xf32>
        %broadcast_in_dim3A_3063 = vector.broadcast %squeeze3A_3062 : f32 to vector<16xf32>
        %slice3A_3064 = vector.extract_strided_slice %get3A_845 {offsets = [12], sizes = [1], strides = [1]} : vector<16xf32> to vector<1xf32>
        %squeeze3A_3065 = vector.extract %slice3A_3064[0] : f32 from vector<1xf32>
        %broadcast_in_dim3A_3066 = vector.broadcast %squeeze3A_3065 : f32 to vector<16xf32>
        %slice3A_3067 = vector.extract_strided_slice %get3A_848 {offsets = [12], sizes = [1], strides = [1]} : vector<16xf32> to vector<1xf32>
        %squeeze3A_3068 = vector.extract %slice3A_3067[0] : f32 from vector<1xf32>
        %broadcast_in_dim3A_3069 = vector.broadcast %squeeze3A_3068 : f32 to vector<16xf32>
        %slice3A_3070 = vector.extract_strided_slice %get3A_851 {offsets = [12], sizes = [1], strides = [1]} : vector<16xf32> to vector<1xf32>
        %squeeze3A_3071 = vector.extract %slice3A_3070[0] : f32 from vector<1xf32>
        %broadcast_in_dim3A_3072 = vector.broadcast %squeeze3A_3071 : f32 to vector<16xf32>
        %get3A_3073 = arith.index_cast %add3A_3060 : i32 to index
        %get3A_3074 = arith.constant 0 : index
        %get3A_3075 = tpu.vector_load %arg16[%get3A_3073, %get3A_3074] {strides = array<i32>} : memref<128x96xf32, #tpu.memory_space<vmem>>, vector<1x16xf32>,
        %get3A_3076 = vector.shape_cast %get3A_3075 : vector<1x16xf32> to vector<16xf32>
        %mul3A_3077 = arith.mulf %broadcast_in_dim3A_3063, %get3A_3076 : vector<16xf32>
        %get3A_3078 = arith.index_cast %add3A_3060 : i32 to index
        %get3A_3079 = arith.constant 0 : index
        %get3A_3080 = tpu.vector_load %arg17[%get3A_3078, %get3A_3079] {strides = array<i32>} : memref<128x96xf32, #tpu.memory_space<vmem>>, vector<1x16xf32>,
        %get3A_3081 = vector.shape_cast %get3A_3080 : vector<1x16xf32> to vector<16xf32>
        %mul3A_3082 = arith.mulf %broadcast_in_dim3A_3066, %get3A_3081 : vector<16xf32>
        %add3A_3083 = arith.addf %mul3A_3077, %mul3A_3082 : vector<16xf32>
        %get3A_3084 = arith.index_cast %add3A_3060 : i32 to index
        %get3A_3085 = arith.constant 0 : index
        %get3A_3086 = tpu.vector_load %arg18[%get3A_3084, %get3A_3085] {strides = array<i32>} : memref<128x96xf32, #tpu.memory_space<vmem>>, vector<1x16xf32>,
        %get3A_3087 = vector.shape_cast %get3A_3086 : vector<1x16xf32> to vector<16xf32>
        %mul3A_3088 = arith.mulf %broadcast_in_dim3A_3069, %get3A_3087 : vector<16xf32>
        %add3A_3089 = arith.addf %add3A_3083, %mul3A_3088 : vector<16xf32>
        %get3A_3090 = arith.index_cast %add3A_3060 : i32 to index
        %get3A_3091 = arith.constant 0 : index
        %get3A_3092 = tpu.vector_load %arg19[%get3A_3090, %get3A_3091] {strides = array<i32>} : memref<128x96xf32, #tpu.memory_space<vmem>>, vector<1x16xf32>,
        %get3A_3093 = vector.shape_cast %get3A_3092 : vector<1x16xf32> to vector<16xf32>
        %mul3A_3094 = arith.mulf %broadcast_in_dim3A_3072, %get3A_3093 : vector<16xf32>
        %add3A_3095 = arith.addf %add3A_3089, %mul3A_3094 : vector<16xf32>
        %swap3A_3096 = arith.index_cast %add3A_3060 : i32 to index
        %swap3A_3097 = arith.constant 0 : index
        %swap3A_3098 = tpu.vector_load %arg20[%swap3A_3096, %swap3A_3097] {strides = array<i32>} : memref<128x96xf32, #tpu.memory_space<vmem>>, vector<1x16xf32>,
        %swap3A_3099 = vector.shape_cast %swap3A_3098 : vector<1x16xf32> to vector<16xf32>
        %swap3A_3100 = vector.shape_cast %add3A_3095 : vector<16xf32> to vector<1x16xf32>
        tpu.vector_store %arg20[%swap3A_3096, %swap3A_3097], %swap3A_3100 {strides = array<i32>} : memref<128x96xf32, #tpu.memory_space<vmem>>, vector<1x16xf32>,
        %get3A_3101 = arith.index_cast %add3A_3060 : i32 to index
        %get3A_3102 = arith.constant 16 : index
        %get3A_3103 = tpu.vector_load %arg16[%get3A_3101, %get3A_3102] {strides = array<i32>} : memref<128x96xf32, #tpu.memory_space<vmem>>, vector<1x16xf32>,
        %get3A_3104 = vector.shape_cast %get3A_3103 : vector<1x16xf32> to vector<16xf32>
        %mul3A_3105 = arith.mulf %broadcast_in_dim3A_3063, %get3A_3104 : vector<16xf32>
        %get3A_3106 = arith.index_cast %add3A_3060 : i32 to index
        %get3A_3107 = arith.constant 16 : index
        %get3A_3108 = tpu.vector_load %arg17[%get3A_3106, %get3A_3107] {strides = array<i32>} : memref<128x96xf32, #tpu.memory_space<vmem>>, vector<1x16xf32>,
        %get3A_3109 = vector.shape_cast %get3A_3108 : vector<1x16xf32> to vector<16xf32>
        %mul3A_3110 = arith.mulf %broadcast_in_dim3A_3066, %get3A_3109 : vector<16xf32>
        %add3A_3111 = arith.addf %mul3A_3105, %mul3A_3110 : vector<16xf32>
        %get3A_3112 = arith.index_cast %add3A_3060 : i32 to index
        %get3A_3113 = arith.constant 16 : index
        %get3A_3114 = tpu.vector_load %arg18[%get3A_3112, %get3A_3113] {strides = array<i32>} : memref<128x96xf32, #tpu.memory_space<vmem>>, vector<1x16xf32>,
        %get3A_3115 = vector.shape_cast %get3A_3114 : vector<1x16xf32> to vector<16xf32>
        %mul3A_3116 = arith.mulf %broadcast_in_dim3A_3069, %get3A_3115 : vector<16xf32>
        %add3A_3117 = arith.addf %add3A_3111, %mul3A_3116 : vector<16xf32>
        %get3A_3118 = arith.index_cast %add3A_3060 : i32 to index
        %get3A_3119 = arith.constant 16 : index
        %get3A_3120 = tpu.vector_load %arg19[%get3A_3118, %get3A_3119] {strides = array<i32>} : memref<128x96xf32, #tpu.memory_space<vmem>>, vector<1x16xf32>,
        %get3A_3121 = vector.shape_cast %get3A_3120 : vector<1x16xf32> to vector<16xf32>
        %mul3A_3122 = arith.mulf %broadcast_in_dim3A_3072, %get3A_3121 : vector<16xf32>
        %add3A_3123 = arith.addf %add3A_3117, %mul3A_3122 : vector<16xf32>
        %swap3A_3124 = arith.index_cast %add3A_3060 : i32 to index
        %swap3A_3125 = arith.constant 16 : index
        %swap3A_3126 = tpu.vector_load %arg20[%swap3A_3124, %swap3A_3125] {strides = array<i32>} : memref<128x96xf32, #tpu.memory_space<vmem>>, vector<1x16xf32>,
        %swap3A_3127 = vector.shape_cast %swap3A_3126 : vector<1x16xf32> to vector<16xf32>
        %swap3A_3128 = vector.shape_cast %add3A_3123 : vector<16xf32> to vector<1x16xf32>
        tpu.vector_store %arg20[%swap3A_3124, %swap3A_3125], %swap3A_3128 {strides = array<i32>} : memref<128x96xf32, #tpu.memory_space<vmem>>, vector<1x16xf32>,
        %get3A_3129 = arith.index_cast %add3A_3060 : i32 to index
        %get3A_3130 = arith.constant 32 : index
        %get3A_3131 = tpu.vector_load %arg16[%get3A_3129, %get3A_3130] {strides = array<i32>} : memref<128x96xf32, #tpu.memory_space<vmem>>, vector<1x16xf32>,
        %get3A_3132 = vector.shape_cast %get3A_3131 : vector<1x16xf32> to vector<16xf32>
        %mul3A_3133 = arith.mulf %broadcast_in_dim3A_3063, %get3A_3132 : vector<16xf32>
        %get3A_3134 = arith.index_cast %add3A_3060 : i32 to index
        %get3A_3135 = arith.constant 32 : index
        %get3A_3136 = tpu.vector_load %arg17[%get3A_3134, %get3A_3135] {strides = array<i32>} : memref<128x96xf32, #tpu.memory_space<vmem>>, vector<1x16xf32>,
        %get3A_3137 = vector.shape_cast %get3A_3136 : vector<1x16xf32> to vector<16xf32>
        %mul3A_3138 = arith.mulf %broadcast_in_dim3A_3066, %get3A_3137 : vector<16xf32>
        %add3A_3139 = arith.addf %mul3A_3133, %mul3A_3138 : vector<16xf32>
        %get3A_3140 = arith.index_cast %add3A_3060 : i32 to index
        %get3A_3141 = arith.constant 32 : index
        %get3A_3142 = tpu.vector_load %arg18[%get3A_3140, %get3A_3141] {strides = array<i32>} : memref<128x96xf32, #tpu.memory_space<vmem>>, vector<1x16xf32>,
        %get3A_3143 = vector.shape_cast %get3A_3142 : vector<1x16xf32> to vector<16xf32>
        %mul3A_3144 = arith.mulf %broadcast_in_dim3A_3069, %get3A_3143 : vector<16xf32>
        %add3A_3145 = arith.addf %add3A_3139, %mul3A_3144 : vector<16xf32>
        %get3A_3146 = arith.index_cast %add3A_3060 : i32 to index
        %get3A_3147 = arith.constant 32 : index
        %get3A_3148 = tpu.vector_load %arg19[%get3A_3146, %get3A_3147] {strides = array<i32>} : memref<128x96xf32, #tpu.memory_space<vmem>>, vector<1x16xf32>,
        %get3A_3149 = vector.shape_cast %get3A_3148 : vector<1x16xf32> to vector<16xf32>
        %mul3A_3150 = arith.mulf %broadcast_in_dim3A_3072, %get3A_3149 : vector<16xf32>
        %add3A_3151 = arith.addf %add3A_3145, %mul3A_3150 : vector<16xf32>
        %swap3A_3152 = arith.index_cast %add3A_3060 : i32 to index
        %swap3A_3153 = arith.constant 32 : index
        %swap3A_3154 = tpu.vector_load %arg20[%swap3A_3152, %swap3A_3153] {strides = array<i32>} : memref<128x96xf32, #tpu.memory_space<vmem>>, vector<1x16xf32>,
        %swap3A_3155 = vector.shape_cast %swap3A_3154 : vector<1x16xf32> to vector<16xf32>
        %swap3A_3156 = vector.shape_cast %add3A_3151 : vector<16xf32> to vector<1x16xf32>
        tpu.vector_store %arg20[%swap3A_3152, %swap3A_3153], %swap3A_3156 {strides = array<i32>} : memref<128x96xf32, #tpu.memory_space<vmem>>, vector<1x16xf32>,
        %get3A_3157 = arith.index_cast %add3A_3060 : i32 to index
        %get3A_3158 = arith.constant 48 : index
        %get3A_3159 = tpu.vector_load %arg16[%get3A_3157, %get3A_3158] {strides = array<i32>} : memref<128x96xf32, #tpu.memory_space<vmem>>, vector<1x16xf32>,
        %get3A_3160 = vector.shape_cast %get3A_3159 : vector<1x16xf32> to vector<16xf32>
        %mul3A_3161 = arith.mulf %broadcast_in_dim3A_3063, %get3A_3160 : vector<16xf32>
        %get3A_3162 = arith.index_cast %add3A_3060 : i32 to index
        %get3A_3163 = arith.constant 48 : index
        %get3A_3164 = tpu.vector_load %arg17[%get3A_3162, %get3A_3163] {strides = array<i32>} : memref<128x96xf32, #tpu.memory_space<vmem>>, vector<1x16xf32>,
        %get3A_3165 = vector.shape_cast %get3A_3164 : vector<1x16xf32> to vector<16xf32>
        %mul3A_3166 = arith.mulf %broadcast_in_dim3A_3066, %get3A_3165 : vector<16xf32>
        %add3A_3167 = arith.addf %mul3A_3161, %mul3A_3166 : vector<16xf32>
        %get3A_3168 = arith.index_cast %add3A_3060 : i32 to index
        %get3A_3169 = arith.constant 48 : index
        %get3A_3170 = tpu.vector_load %arg18[%get3A_3168, %get3A_3169] {strides = array<i32>} : memref<128x96xf32, #tpu.memory_space<vmem>>, vector<1x16xf32>,
        %get3A_3171 = vector.shape_cast %get3A_3170 : vector<1x16xf32> to vector<16xf32>
        %mul3A_3172 = arith.mulf %broadcast_in_dim3A_3069, %get3A_3171 : vector<16xf32>
        %add3A_3173 = arith.addf %add3A_3167, %mul3A_3172 : vector<16xf32>
        %get3A_3174 = arith.index_cast %add3A_3060 : i32 to index
        %get3A_3175 = arith.constant 48 : index
        %get3A_3176 = tpu.vector_load %arg19[%get3A_3174, %get3A_3175] {strides = array<i32>} : memref<128x96xf32, #tpu.memory_space<vmem>>, vector<1x16xf32>,
        %get3A_3177 = vector.shape_cast %get3A_3176 : vector<1x16xf32> to vector<16xf32>
        %mul3A_3178 = arith.mulf %broadcast_in_dim3A_3072, %get3A_3177 : vector<16xf32>
        %add3A_3179 = arith.addf %add3A_3173, %mul3A_3178 : vector<16xf32>
        %swap3A_3180 = arith.index_cast %add3A_3060 : i32 to index
        %swap3A_3181 = arith.constant 48 : index
        %swap3A_3182 = tpu.vector_load %arg20[%swap3A_3180, %swap3A_3181] {strides = array<i32>} : memref<128x96xf32, #tpu.memory_space<vmem>>, vector<1x16xf32>,
        %swap3A_3183 = vector.shape_cast %swap3A_3182 : vector<1x16xf32> to vector<16xf32>
        %swap3A_3184 = vector.shape_cast %add3A_3179 : vector<16xf32> to vector<1x16xf32>
        tpu.vector_store %arg20[%swap3A_3180, %swap3A_3181], %swap3A_3184 {strides = array<i32>} : memref<128x96xf32, #tpu.memory_space<vmem>>, vector<1x16xf32>,
        %get3A_3185 = arith.index_cast %add3A_3060 : i32 to index
        %get3A_3186 = arith.constant 64 : index
        %get3A_3187 = tpu.vector_load %arg16[%get3A_3185, %get3A_3186] {strides = array<i32>} : memref<128x96xf32, #tpu.memory_space<vmem>>, vector<1x16xf32>,
        %get3A_3188 = vector.shape_cast %get3A_3187 : vector<1x16xf32> to vector<16xf32>
        %mul3A_3189 = arith.mulf %broadcast_in_dim3A_3063, %get3A_3188 : vector<16xf32>
        %get3A_3190 = arith.index_cast %add3A_3060 : i32 to index
        %get3A_3191 = arith.constant 64 : index
        %get3A_3192 = tpu.vector_load %arg17[%get3A_3190, %get3A_3191] {strides = array<i32>} : memref<128x96xf32, #tpu.memory_space<vmem>>, vector<1x16xf32>,
        %get3A_3193 = vector.shape_cast %get3A_3192 : vector<1x16xf32> to vector<16xf32>
        %mul3A_3194 = arith.mulf %broadcast_in_dim3A_3066, %get3A_3193 : vector<16xf32>
        %add3A_3195 = arith.addf %mul3A_3189, %mul3A_3194 : vector<16xf32>
        %get3A_3196 = arith.index_cast %add3A_3060 : i32 to index
        %get3A_3197 = arith.constant 64 : index
        %get3A_3198 = tpu.vector_load %arg18[%get3A_3196, %get3A_3197] {strides = array<i32>} : memref<128x96xf32, #tpu.memory_space<vmem>>, vector<1x16xf32>,
        %get3A_3199 = vector.shape_cast %get3A_3198 : vector<1x16xf32> to vector<16xf32>
        %mul3A_3200 = arith.mulf %broadcast_in_dim3A_3069, %get3A_3199 : vector<16xf32>
        %add3A_3201 = arith.addf %add3A_3195, %mul3A_3200 : vector<16xf32>
        %get3A_3202 = arith.index_cast %add3A_3060 : i32 to index
        %get3A_3203 = arith.constant 64 : index
        %get3A_3204 = tpu.vector_load %arg19[%get3A_3202, %get3A_3203] {strides = array<i32>} : memref<128x96xf32, #tpu.memory_space<vmem>>, vector<1x16xf32>,
        %get3A_3205 = vector.shape_cast %get3A_3204 : vector<1x16xf32> to vector<16xf32>
        %mul3A_3206 = arith.mulf %broadcast_in_dim3A_3072, %get3A_3205 : vector<16xf32>
        %add3A_3207 = arith.addf %add3A_3201, %mul3A_3206 : vector<16xf32>
        %swap3A_3208 = arith.index_cast %add3A_3060 : i32 to index
        %swap3A_3209 = arith.constant 64 : index
        %swap3A_3210 = tpu.vector_load %arg20[%swap3A_3208, %swap3A_3209] {strides = array<i32>} : memref<128x96xf32, #tpu.memory_space<vmem>>, vector<1x16xf32>,
        %swap3A_3211 = vector.shape_cast %swap3A_3210 : vector<1x16xf32> to vector<16xf32>
        %swap3A_3212 = vector.shape_cast %add3A_3207 : vector<16xf32> to vector<1x16xf32>
        tpu.vector_store %arg20[%swap3A_3208, %swap3A_3209], %swap3A_3212 {strides = array<i32>} : memref<128x96xf32, #tpu.memory_space<vmem>>, vector<1x16xf32>,
        %get3A_3213 = arith.index_cast %add3A_3060 : i32 to index
        %get3A_3214 = arith.constant 80 : index
        %get3A_3215 = tpu.vector_load %arg16[%get3A_3213, %get3A_3214] {strides = array<i32>} : memref<128x96xf32, #tpu.memory_space<vmem>>, vector<1x16xf32>,
        %get3A_3216 = vector.shape_cast %get3A_3215 : vector<1x16xf32> to vector<16xf32>
        %mul3A_3217 = arith.mulf %broadcast_in_dim3A_3063, %get3A_3216 : vector<16xf32>
        %get3A_3218 = arith.index_cast %add3A_3060 : i32 to index
        %get3A_3219 = arith.constant 80 : index
        %get3A_3220 = tpu.vector_load %arg17[%get3A_3218, %get3A_3219] {strides = array<i32>} : memref<128x96xf32, #tpu.memory_space<vmem>>, vector<1x16xf32>,
        %get3A_3221 = vector.shape_cast %get3A_3220 : vector<1x16xf32> to vector<16xf32>
        %mul3A_3222 = arith.mulf %broadcast_in_dim3A_3066, %get3A_3221 : vector<16xf32>
        %add3A_3223 = arith.addf %mul3A_3217, %mul3A_3222 : vector<16xf32>
        %get3A_3224 = arith.index_cast %add3A_3060 : i32 to index
        %get3A_3225 = arith.constant 80 : index
        %get3A_3226 = tpu.vector_load %arg18[%get3A_3224, %get3A_3225] {strides = array<i32>} : memref<128x96xf32, #tpu.memory_space<vmem>>, vector<1x16xf32>,
        %get3A_3227 = vector.shape_cast %get3A_3226 : vector<1x16xf32> to vector<16xf32>
        %mul3A_3228 = arith.mulf %broadcast_in_dim3A_3069, %get3A_3227 : vector<16xf32>
        %add3A_3229 = arith.addf %add3A_3223, %mul3A_3228 : vector<16xf32>
        %get3A_3230 = arith.index_cast %add3A_3060 : i32 to index
        %get3A_3231 = arith.constant 80 : index
        %get3A_3232 = tpu.vector_load %arg19[%get3A_3230, %get3A_3231] {strides = array<i32>} : memref<128x96xf32, #tpu.memory_space<vmem>>, vector<1x16xf32>,
        %get3A_3233 = vector.shape_cast %get3A_3232 : vector<1x16xf32> to vector<16xf32>
        %mul3A_3234 = arith.mulf %broadcast_in_dim3A_3072, %get3A_3233 : vector<16xf32>
        %add3A_3235 = arith.addf %add3A_3229, %mul3A_3234 : vector<16xf32>
        %swap3A_3236 = arith.index_cast %add3A_3060 : i32 to index
        %swap3A_3237 = arith.constant 80 : index
        %swap3A_3238 = tpu.vector_load %arg20[%swap3A_3236, %swap3A_3237] {strides = array<i32>} : memref<128x96xf32, #tpu.memory_space<vmem>>, vector<1x16xf32>,
        %swap3A_3239 = vector.shape_cast %swap3A_3238 : vector<1x16xf32> to vector<16xf32>
        %swap3A_3240 = vector.shape_cast %add3A_3235 : vector<16xf32> to vector<1x16xf32>
        tpu.vector_store %arg20[%swap3A_3236, %swap3A_3237], %swap3A_3240 {strides = array<i32>} : memref<128x96xf32, #tpu.memory_space<vmem>>, vector<1x16xf32>,
        %mul3A_3241 = arith.constant 16 : i32
        %mul3A_3242 = arith.muli %scan3A_836, %mul3A_3241 : i32
        %add3A_3243 = arith.constant 13 : i32
        %add3A_3244 = arith.addi %mul3A_3242, %add3A_3243 : i32
        %slice3A_3245 = vector.extract_strided_slice %get3A_842 {offsets = [13], sizes = [1], strides = [1]} : vector<16xf32> to vector<1xf32>
        %squeeze3A_3246 = vector.extract %slice3A_3245[0] : f32 from vector<1xf32>
        %broadcast_in_dim3A_3247 = vector.broadcast %squeeze3A_3246 : f32 to vector<16xf32>
        %slice3A_3248 = vector.extract_strided_slice %get3A_845 {offsets = [13], sizes = [1], strides = [1]} : vector<16xf32> to vector<1xf32>
        %squeeze3A_3249 = vector.extract %slice3A_3248[0] : f32 from vector<1xf32>
        %broadcast_in_dim3A_3250 = vector.broadcast %squeeze3A_3249 : f32 to vector<16xf32>
        %slice3A_3251 = vector.extract_strided_slice %get3A_848 {offsets = [13], sizes = [1], strides = [1]} : vector<16xf32> to vector<1xf32>
        %squeeze3A_3252 = vector.extract %slice3A_3251[0] : f32 from vector<1xf32>
        %broadcast_in_dim3A_3253 = vector.broadcast %squeeze3A_3252 : f32 to vector<16xf32>
        %slice3A_3254 = vector.extract_strided_slice %get3A_851 {offsets = [13], sizes = [1], strides = [1]} : vector<16xf32> to vector<1xf32>
        %squeeze3A_3255 = vector.extract %slice3A_3254[0] : f32 from vector<1xf32>
        %broadcast_in_dim3A_3256 = vector.broadcast %squeeze3A_3255 : f32 to vector<16xf32>
        %get3A_3257 = arith.index_cast %add3A_3244 : i32 to index
        %get3A_3258 = arith.constant 0 : index
        %get3A_3259 = tpu.vector_load %arg16[%get3A_3257, %get3A_3258] {strides = array<i32>} : memref<128x96xf32, #tpu.memory_space<vmem>>, vector<1x16xf32>,
        %get3A_3260 = vector.shape_cast %get3A_3259 : vector<1x16xf32> to vector<16xf32>
        %mul3A_3261 = arith.mulf %broadcast_in_dim3A_3247, %get3A_3260 : vector<16xf32>
        %get3A_3262 = arith.index_cast %add3A_3244 : i32 to index
        %get3A_3263 = arith.constant 0 : index
        %get3A_3264 = tpu.vector_load %arg17[%get3A_3262, %get3A_3263] {strides = array<i32>} : memref<128x96xf32, #tpu.memory_space<vmem>>, vector<1x16xf32>,
        %get3A_3265 = vector.shape_cast %get3A_3264 : vector<1x16xf32> to vector<16xf32>
        %mul3A_3266 = arith.mulf %broadcast_in_dim3A_3250, %get3A_3265 : vector<16xf32>
        %add3A_3267 = arith.addf %mul3A_3261, %mul3A_3266 : vector<16xf32>
        %get3A_3268 = arith.index_cast %add3A_3244 : i32 to index
        %get3A_3269 = arith.constant 0 : index
        %get3A_3270 = tpu.vector_load %arg18[%get3A_3268, %get3A_3269] {strides = array<i32>} : memref<128x96xf32, #tpu.memory_space<vmem>>, vector<1x16xf32>,
        %get3A_3271 = vector.shape_cast %get3A_3270 : vector<1x16xf32> to vector<16xf32>
        %mul3A_3272 = arith.mulf %broadcast_in_dim3A_3253, %get3A_3271 : vector<16xf32>
        %add3A_3273 = arith.addf %add3A_3267, %mul3A_3272 : vector<16xf32>
        %get3A_3274 = arith.index_cast %add3A_3244 : i32 to index
        %get3A_3275 = arith.constant 0 : index
        %get3A_3276 = tpu.vector_load %arg19[%get3A_3274, %get3A_3275] {strides = array<i32>} : memref<128x96xf32, #tpu.memory_space<vmem>>, vector<1x16xf32>,
        %get3A_3277 = vector.shape_cast %get3A_3276 : vector<1x16xf32> to vector<16xf32>
        %mul3A_3278 = arith.mulf %broadcast_in_dim3A_3256, %get3A_3277 : vector<16xf32>
        %add3A_3279 = arith.addf %add3A_3273, %mul3A_3278 : vector<16xf32>
        %swap3A_3280 = arith.index_cast %add3A_3244 : i32 to index
        %swap3A_3281 = arith.constant 0 : index
        %swap3A_3282 = tpu.vector_load %arg20[%swap3A_3280, %swap3A_3281] {strides = array<i32>} : memref<128x96xf32, #tpu.memory_space<vmem>>, vector<1x16xf32>,
        %swap3A_3283 = vector.shape_cast %swap3A_3282 : vector<1x16xf32> to vector<16xf32>
        %swap3A_3284 = vector.shape_cast %add3A_3279 : vector<16xf32> to vector<1x16xf32>
        tpu.vector_store %arg20[%swap3A_3280, %swap3A_3281], %swap3A_3284 {strides = array<i32>} : memref<128x96xf32, #tpu.memory_space<vmem>>, vector<1x16xf32>,
        %get3A_3285 = arith.index_cast %add3A_3244 : i32 to index
        %get3A_3286 = arith.constant 16 : index
        %get3A_3287 = tpu.vector_load %arg16[%get3A_3285, %get3A_3286] {strides = array<i32>} : memref<128x96xf32, #tpu.memory_space<vmem>>, vector<1x16xf32>,
        %get3A_3288 = vector.shape_cast %get3A_3287 : vector<1x16xf32> to vector<16xf32>
        %mul3A_3289 = arith.mulf %broadcast_in_dim3A_3247, %get3A_3288 : vector<16xf32>
        %get3A_3290 = arith.index_cast %add3A_3244 : i32 to index
        %get3A_3291 = arith.constant 16 : index
        %get3A_3292 = tpu.vector_load %arg17[%get3A_3290, %get3A_3291] {strides = array<i32>} : memref<128x96xf32, #tpu.memory_space<vmem>>, vector<1x16xf32>,
        %get3A_3293 = vector.shape_cast %get3A_3292 : vector<1x16xf32> to vector<16xf32>
        %mul3A_3294 = arith.mulf %broadcast_in_dim3A_3250, %get3A_3293 : vector<16xf32>
        %add3A_3295 = arith.addf %mul3A_3289, %mul3A_3294 : vector<16xf32>
        %get3A_3296 = arith.index_cast %add3A_3244 : i32 to index
        %get3A_3297 = arith.constant 16 : index
        %get3A_3298 = tpu.vector_load %arg18[%get3A_3296, %get3A_3297] {strides = array<i32>} : memref<128x96xf32, #tpu.memory_space<vmem>>, vector<1x16xf32>,
        %get3A_3299 = vector.shape_cast %get3A_3298 : vector<1x16xf32> to vector<16xf32>
        %mul3A_3300 = arith.mulf %broadcast_in_dim3A_3253, %get3A_3299 : vector<16xf32>
        %add3A_3301 = arith.addf %add3A_3295, %mul3A_3300 : vector<16xf32>
        %get3A_3302 = arith.index_cast %add3A_3244 : i32 to index
        %get3A_3303 = arith.constant 16 : index
        %get3A_3304 = tpu.vector_load %arg19[%get3A_3302, %get3A_3303] {strides = array<i32>} : memref<128x96xf32, #tpu.memory_space<vmem>>, vector<1x16xf32>,
        %get3A_3305 = vector.shape_cast %get3A_3304 : vector<1x16xf32> to vector<16xf32>
        %mul3A_3306 = arith.mulf %broadcast_in_dim3A_3256, %get3A_3305 : vector<16xf32>
        %add3A_3307 = arith.addf %add3A_3301, %mul3A_3306 : vector<16xf32>
        %swap3A_3308 = arith.index_cast %add3A_3244 : i32 to index
        %swap3A_3309 = arith.constant 16 : index
        %swap3A_3310 = tpu.vector_load %arg20[%swap3A_3308, %swap3A_3309] {strides = array<i32>} : memref<128x96xf32, #tpu.memory_space<vmem>>, vector<1x16xf32>,
        %swap3A_3311 = vector.shape_cast %swap3A_3310 : vector<1x16xf32> to vector<16xf32>
        %swap3A_3312 = vector.shape_cast %add3A_3307 : vector<16xf32> to vector<1x16xf32>
        tpu.vector_store %arg20[%swap3A_3308, %swap3A_3309], %swap3A_3312 {strides = array<i32>} : memref<128x96xf32, #tpu.memory_space<vmem>>, vector<1x16xf32>,
        %get3A_3313 = arith.index_cast %add3A_3244 : i32 to index
        %get3A_3314 = arith.constant 32 : index
        %get3A_3315 = tpu.vector_load %arg16[%get3A_3313, %get3A_3314] {strides = array<i32>} : memref<128x96xf32, #tpu.memory_space<vmem>>, vector<1x16xf32>,
        %get3A_3316 = vector.shape_cast %get3A_3315 : vector<1x16xf32> to vector<16xf32>
        %mul3A_3317 = arith.mulf %broadcast_in_dim3A_3247, %get3A_3316 : vector<16xf32>
        %get3A_3318 = arith.index_cast %add3A_3244 : i32 to index
        %get3A_3319 = arith.constant 32 : index
        %get3A_3320 = tpu.vector_load %arg17[%get3A_3318, %get3A_3319] {strides = array<i32>} : memref<128x96xf32, #tpu.memory_space<vmem>>, vector<1x16xf32>,
        %get3A_3321 = vector.shape_cast %get3A_3320 : vector<1x16xf32> to vector<16xf32>
        %mul3A_3322 = arith.mulf %broadcast_in_dim3A_3250, %get3A_3321 : vector<16xf32>
        %add3A_3323 = arith.addf %mul3A_3317, %mul3A_3322 : vector<16xf32>
        %get3A_3324 = arith.index_cast %add3A_3244 : i32 to index
        %get3A_3325 = arith.constant 32 : index
        %get3A_3326 = tpu.vector_load %arg18[%get3A_3324, %get3A_3325] {strides = array<i32>} : memref<128x96xf32, #tpu.memory_space<vmem>>, vector<1x16xf32>,
        %get3A_3327 = vector.shape_cast %get3A_3326 : vector<1x16xf32> to vector<16xf32>
        %mul3A_3328 = arith.mulf %broadcast_in_dim3A_3253, %get3A_3327 : vector<16xf32>
        %add3A_3329 = arith.addf %add3A_3323, %mul3A_3328 : vector<16xf32>
        %get3A_3330 = arith.index_cast %add3A_3244 : i32 to index
        %get3A_3331 = arith.constant 32 : index
        %get3A_3332 = tpu.vector_load %arg19[%get3A_3330, %get3A_3331] {strides = array<i32>} : memref<128x96xf32, #tpu.memory_space<vmem>>, vector<1x16xf32>,
        %get3A_3333 = vector.shape_cast %get3A_3332 : vector<1x16xf32> to vector<16xf32>
        %mul3A_3334 = arith.mulf %broadcast_in_dim3A_3256, %get3A_3333 : vector<16xf32>
        %add3A_3335 = arith.addf %add3A_3329, %mul3A_3334 : vector<16xf32>
        %swap3A_3336 = arith.index_cast %add3A_3244 : i32 to index
        %swap3A_3337 = arith.constant 32 : index
        %swap3A_3338 = tpu.vector_load %arg20[%swap3A_3336, %swap3A_3337] {strides = array<i32>} : memref<128x96xf32, #tpu.memory_space<vmem>>, vector<1x16xf32>,
        %swap3A_3339 = vector.shape_cast %swap3A_3338 : vector<1x16xf32> to vector<16xf32>
        %swap3A_3340 = vector.shape_cast %add3A_3335 : vector<16xf32> to vector<1x16xf32>
        tpu.vector_store %arg20[%swap3A_3336, %swap3A_3337], %swap3A_3340 {strides = array<i32>} : memref<128x96xf32, #tpu.memory_space<vmem>>, vector<1x16xf32>,
        %get3A_3341 = arith.index_cast %add3A_3244 : i32 to index
        %get3A_3342 = arith.constant 48 : index
        %get3A_3343 = tpu.vector_load %arg16[%get3A_3341, %get3A_3342] {strides = array<i32>} : memref<128x96xf32, #tpu.memory_space<vmem>>, vector<1x16xf32>,
        %get3A_3344 = vector.shape_cast %get3A_3343 : vector<1x16xf32> to vector<16xf32>
        %mul3A_3345 = arith.mulf %broadcast_in_dim3A_3247, %get3A_3344 : vector<16xf32>
        %get3A_3346 = arith.index_cast %add3A_3244 : i32 to index
        %get3A_3347 = arith.constant 48 : index
        %get3A_3348 = tpu.vector_load %arg17[%get3A_3346, %get3A_3347] {strides = array<i32>} : memref<128x96xf32, #tpu.memory_space<vmem>>, vector<1x16xf32>,
        %get3A_3349 = vector.shape_cast %get3A_3348 : vector<1x16xf32> to vector<16xf32>
        %mul3A_3350 = arith.mulf %broadcast_in_dim3A_3250, %get3A_3349 : vector<16xf32>
        %add3A_3351 = arith.addf %mul3A_3345, %mul3A_3350 : vector<16xf32>
        %get3A_3352 = arith.index_cast %add3A_3244 : i32 to index
        %get3A_3353 = arith.constant 48 : index
        %get3A_3354 = tpu.vector_load %arg18[%get3A_3352, %get3A_3353] {strides = array<i32>} : memref<128x96xf32, #tpu.memory_space<vmem>>, vector<1x16xf32>,
        %get3A_3355 = vector.shape_cast %get3A_3354 : vector<1x16xf32> to vector<16xf32>
        %mul3A_3356 = arith.mulf %broadcast_in_dim3A_3253, %get3A_3355 : vector<16xf32>
        %add3A_3357 = arith.addf %add3A_3351, %mul3A_3356 : vector<16xf32>
        %get3A_3358 = arith.index_cast %add3A_3244 : i32 to index
        %get3A_3359 = arith.constant 48 : index
        %get3A_3360 = tpu.vector_load %arg19[%get3A_3358, %get3A_3359] {strides = array<i32>} : memref<128x96xf32, #tpu.memory_space<vmem>>, vector<1x16xf32>,
        %get3A_3361 = vector.shape_cast %get3A_3360 : vector<1x16xf32> to vector<16xf32>
        %mul3A_3362 = arith.mulf %broadcast_in_dim3A_3256, %get3A_3361 : vector<16xf32>
        %add3A_3363 = arith.addf %add3A_3357, %mul3A_3362 : vector<16xf32>
        %swap3A_3364 = arith.index_cast %add3A_3244 : i32 to index
        %swap3A_3365 = arith.constant 48 : index
        %swap3A_3366 = tpu.vector_load %arg20[%swap3A_3364, %swap3A_3365] {strides = array<i32>} : memref<128x96xf32, #tpu.memory_space<vmem>>, vector<1x16xf32>,
        %swap3A_3367 = vector.shape_cast %swap3A_3366 : vector<1x16xf32> to vector<16xf32>
        %swap3A_3368 = vector.shape_cast %add3A_3363 : vector<16xf32> to vector<1x16xf32>
        tpu.vector_store %arg20[%swap3A_3364, %swap3A_3365], %swap3A_3368 {strides = array<i32>} : memref<128x96xf32, #tpu.memory_space<vmem>>, vector<1x16xf32>,
        %get3A_3369 = arith.index_cast %add3A_3244 : i32 to index
        %get3A_3370 = arith.constant 64 : index
        %get3A_3371 = tpu.vector_load %arg16[%get3A_3369, %get3A_3370] {strides = array<i32>} : memref<128x96xf32, #tpu.memory_space<vmem>>, vector<1x16xf32>,
        %get3A_3372 = vector.shape_cast %get3A_3371 : vector<1x16xf32> to vector<16xf32>
        %mul3A_3373 = arith.mulf %broadcast_in_dim3A_3247, %get3A_3372 : vector<16xf32>
        %get3A_3374 = arith.index_cast %add3A_3244 : i32 to index
        %get3A_3375 = arith.constant 64 : index
        %get3A_3376 = tpu.vector_load %arg17[%get3A_3374, %get3A_3375] {strides = array<i32>} : memref<128x96xf32, #tpu.memory_space<vmem>>, vector<1x16xf32>,
        %get3A_3377 = vector.shape_cast %get3A_3376 : vector<1x16xf32> to vector<16xf32>
        %mul3A_3378 = arith.mulf %broadcast_in_dim3A_3250, %get3A_3377 : vector<16xf32>
        %add3A_3379 = arith.addf %mul3A_3373, %mul3A_3378 : vector<16xf32>
        %get3A_3380 = arith.index_cast %add3A_3244 : i32 to index
        %get3A_3381 = arith.constant 64 : index
        %get3A_3382 = tpu.vector_load %arg18[%get3A_3380, %get3A_3381] {strides = array<i32>} : memref<128x96xf32, #tpu.memory_space<vmem>>, vector<1x16xf32>,
        %get3A_3383 = vector.shape_cast %get3A_3382 : vector<1x16xf32> to vector<16xf32>
        %mul3A_3384 = arith.mulf %broadcast_in_dim3A_3253, %get3A_3383 : vector<16xf32>
        %add3A_3385 = arith.addf %add3A_3379, %mul3A_3384 : vector<16xf32>
        %get3A_3386 = arith.index_cast %add3A_3244 : i32 to index
        %get3A_3387 = arith.constant 64 : index
        %get3A_3388 = tpu.vector_load %arg19[%get3A_3386, %get3A_3387] {strides = array<i32>} : memref<128x96xf32, #tpu.memory_space<vmem>>, vector<1x16xf32>,
        %get3A_3389 = vector.shape_cast %get3A_3388 : vector<1x16xf32> to vector<16xf32>
        %mul3A_3390 = arith.mulf %broadcast_in_dim3A_3256, %get3A_3389 : vector<16xf32>
        %add3A_3391 = arith.addf %add3A_3385, %mul3A_3390 : vector<16xf32>
        %swap3A_3392 = arith.index_cast %add3A_3244 : i32 to index
        %swap3A_3393 = arith.constant 64 : index
        %swap3A_3394 = tpu.vector_load %arg20[%swap3A_3392, %swap3A_3393] {strides = array<i32>} : memref<128x96xf32, #tpu.memory_space<vmem>>, vector<1x16xf32>,
        %swap3A_3395 = vector.shape_cast %swap3A_3394 : vector<1x16xf32> to vector<16xf32>
        %swap3A_3396 = vector.shape_cast %add3A_3391 : vector<16xf32> to vector<1x16xf32>
        tpu.vector_store %arg20[%swap3A_3392, %swap3A_3393], %swap3A_3396 {strides = array<i32>} : memref<128x96xf32, #tpu.memory_space<vmem>>, vector<1x16xf32>,
        %get3A_3397 = arith.index_cast %add3A_3244 : i32 to index
        %get3A_3398 = arith.constant 80 : index
        %get3A_3399 = tpu.vector_load %arg16[%get3A_3397, %get3A_3398] {strides = array<i32>} : memref<128x96xf32, #tpu.memory_space<vmem>>, vector<1x16xf32>,
        %get3A_3400 = vector.shape_cast %get3A_3399 : vector<1x16xf32> to vector<16xf32>
        %mul3A_3401 = arith.mulf %broadcast_in_dim3A_3247, %get3A_3400 : vector<16xf32>
        %get3A_3402 = arith.index_cast %add3A_3244 : i32 to index
        %get3A_3403 = arith.constant 80 : index
        %get3A_3404 = tpu.vector_load %arg17[%get3A_3402, %get3A_3403] {strides = array<i32>} : memref<128x96xf32, #tpu.memory_space<vmem>>, vector<1x16xf32>,
        %get3A_3405 = vector.shape_cast %get3A_3404 : vector<1x16xf32> to vector<16xf32>
        %mul3A_3406 = arith.mulf %broadcast_in_dim3A_3250, %get3A_3405 : vector<16xf32>
        %add3A_3407 = arith.addf %mul3A_3401, %mul3A_3406 : vector<16xf32>
        %get3A_3408 = arith.index_cast %add3A_3244 : i32 to index
        %get3A_3409 = arith.constant 80 : index
        %get3A_3410 = tpu.vector_load %arg18[%get3A_3408, %get3A_3409] {strides = array<i32>} : memref<128x96xf32, #tpu.memory_space<vmem>>, vector<1x16xf32>,
        %get3A_3411 = vector.shape_cast %get3A_3410 : vector<1x16xf32> to vector<16xf32>
        %mul3A_3412 = arith.mulf %broadcast_in_dim3A_3253, %get3A_3411 : vector<16xf32>
        %add3A_3413 = arith.addf %add3A_3407, %mul3A_3412 : vector<16xf32>
        %get3A_3414 = arith.index_cast %add3A_3244 : i32 to index
        %get3A_3415 = arith.constant 80 : index
        %get3A_3416 = tpu.vector_load %arg19[%get3A_3414, %get3A_3415] {strides = array<i32>} : memref<128x96xf32, #tpu.memory_space<vmem>>, vector<1x16xf32>,
        %get3A_3417 = vector.shape_cast %get3A_3416 : vector<1x16xf32> to vector<16xf32>
        %mul3A_3418 = arith.mulf %broadcast_in_dim3A_3256, %get3A_3417 : vector<16xf32>
        %add3A_3419 = arith.addf %add3A_3413, %mul3A_3418 : vector<16xf32>
        %swap3A_3420 = arith.index_cast %add3A_3244 : i32 to index
        %swap3A_3421 = arith.constant 80 : index
        %swap3A_3422 = tpu.vector_load %arg20[%swap3A_3420, %swap3A_3421] {strides = array<i32>} : memref<128x96xf32, #tpu.memory_space<vmem>>, vector<1x16xf32>,
        %swap3A_3423 = vector.shape_cast %swap3A_3422 : vector<1x16xf32> to vector<16xf32>
        %swap3A_3424 = vector.shape_cast %add3A_3419 : vector<16xf32> to vector<1x16xf32>
        tpu.vector_store %arg20[%swap3A_3420, %swap3A_3421], %swap3A_3424 {strides = array<i32>} : memref<128x96xf32, #tpu.memory_space<vmem>>, vector<1x16xf32>,
        %mul3A_3425 = arith.constant 16 : i32
        %mul3A_3426 = arith.muli %scan3A_836, %mul3A_3425 : i32
        %add3A_3427 = arith.constant 14 : i32
        %add3A_3428 = arith.addi %mul3A_3426, %add3A_3427 : i32
        %slice3A_3429 = vector.extract_strided_slice %get3A_842 {offsets = [14], sizes = [1], strides = [1]} : vector<16xf32> to vector<1xf32>
        %squeeze3A_3430 = vector.extract %slice3A_3429[0] : f32 from vector<1xf32>
        %broadcast_in_dim3A_3431 = vector.broadcast %squeeze3A_3430 : f32 to vector<16xf32>
        %slice3A_3432 = vector.extract_strided_slice %get3A_845 {offsets = [14], sizes = [1], strides = [1]} : vector<16xf32> to vector<1xf32>
        %squeeze3A_3433 = vector.extract %slice3A_3432[0] : f32 from vector<1xf32>
        %broadcast_in_dim3A_3434 = vector.broadcast %squeeze3A_3433 : f32 to vector<16xf32>
        %slice3A_3435 = vector.extract_strided_slice %get3A_848 {offsets = [14], sizes = [1], strides = [1]} : vector<16xf32> to vector<1xf32>
        %squeeze3A_3436 = vector.extract %slice3A_3435[0] : f32 from vector<1xf32>
        %broadcast_in_dim3A_3437 = vector.broadcast %squeeze3A_3436 : f32 to vector<16xf32>
        %slice3A_3438 = vector.extract_strided_slice %get3A_851 {offsets = [14], sizes = [1], strides = [1]} : vector<16xf32> to vector<1xf32>
        %squeeze3A_3439 = vector.extract %slice3A_3438[0] : f32 from vector<1xf32>
        %broadcast_in_dim3A_3440 = vector.broadcast %squeeze3A_3439 : f32 to vector<16xf32>
        %get3A_3441 = arith.index_cast %add3A_3428 : i32 to index
        %get3A_3442 = arith.constant 0 : index
        %get3A_3443 = tpu.vector_load %arg16[%get3A_3441, %get3A_3442] {strides = array<i32>} : memref<128x96xf32, #tpu.memory_space<vmem>>, vector<1x16xf32>,
        %get3A_3444 = vector.shape_cast %get3A_3443 : vector<1x16xf32> to vector<16xf32>
        %mul3A_3445 = arith.mulf %broadcast_in_dim3A_3431, %get3A_3444 : vector<16xf32>
        %get3A_3446 = arith.index_cast %add3A_3428 : i32 to index
        %get3A_3447 = arith.constant 0 : index
        %get3A_3448 = tpu.vector_load %arg17[%get3A_3446, %get3A_3447] {strides = array<i32>} : memref<128x96xf32, #tpu.memory_space<vmem>>, vector<1x16xf32>,
        %get3A_3449 = vector.shape_cast %get3A_3448 : vector<1x16xf32> to vector<16xf32>
        %mul3A_3450 = arith.mulf %broadcast_in_dim3A_3434, %get3A_3449 : vector<16xf32>
        %add3A_3451 = arith.addf %mul3A_3445, %mul3A_3450 : vector<16xf32>
        %get3A_3452 = arith.index_cast %add3A_3428 : i32 to index
        %get3A_3453 = arith.constant 0 : index
        %get3A_3454 = tpu.vector_load %arg18[%get3A_3452, %get3A_3453] {strides = array<i32>} : memref<128x96xf32, #tpu.memory_space<vmem>>, vector<1x16xf32>,
        %get3A_3455 = vector.shape_cast %get3A_3454 : vector<1x16xf32> to vector<16xf32>
        %mul3A_3456 = arith.mulf %broadcast_in_dim3A_3437, %get3A_3455 : vector<16xf32>
        %add3A_3457 = arith.addf %add3A_3451, %mul3A_3456 : vector<16xf32>
        %get3A_3458 = arith.index_cast %add3A_3428 : i32 to index
        %get3A_3459 = arith.constant 0 : index
        %get3A_3460 = tpu.vector_load %arg19[%get3A_3458, %get3A_3459] {strides = array<i32>} : memref<128x96xf32, #tpu.memory_space<vmem>>, vector<1x16xf32>,
        %get3A_3461 = vector.shape_cast %get3A_3460 : vector<1x16xf32> to vector<16xf32>
        %mul3A_3462 = arith.mulf %broadcast_in_dim3A_3440, %get3A_3461 : vector<16xf32>
        %add3A_3463 = arith.addf %add3A_3457, %mul3A_3462 : vector<16xf32>
        %swap3A_3464 = arith.index_cast %add3A_3428 : i32 to index
        %swap3A_3465 = arith.constant 0 : index
        %swap3A_3466 = tpu.vector_load %arg20[%swap3A_3464, %swap3A_3465] {strides = array<i32>} : memref<128x96xf32, #tpu.memory_space<vmem>>, vector<1x16xf32>,
        %swap3A_3467 = vector.shape_cast %swap3A_3466 : vector<1x16xf32> to vector<16xf32>
        %swap3A_3468 = vector.shape_cast %add3A_3463 : vector<16xf32> to vector<1x16xf32>
        tpu.vector_store %arg20[%swap3A_3464, %swap3A_3465], %swap3A_3468 {strides = array<i32>} : memref<128x96xf32, #tpu.memory_space<vmem>>, vector<1x16xf32>,
        %get3A_3469 = arith.index_cast %add3A_3428 : i32 to index
        %get3A_3470 = arith.constant 16 : index
        %get3A_3471 = tpu.vector_load %arg16[%get3A_3469, %get3A_3470] {strides = array<i32>} : memref<128x96xf32, #tpu.memory_space<vmem>>, vector<1x16xf32>,
        %get3A_3472 = vector.shape_cast %get3A_3471 : vector<1x16xf32> to vector<16xf32>
        %mul3A_3473 = arith.mulf %broadcast_in_dim3A_3431, %get3A_3472 : vector<16xf32>
        %get3A_3474 = arith.index_cast %add3A_3428 : i32 to index
        %get3A_3475 = arith.constant 16 : index
        %get3A_3476 = tpu.vector_load %arg17[%get3A_3474, %get3A_3475] {strides = array<i32>} : memref<128x96xf32, #tpu.memory_space<vmem>>, vector<1x16xf32>,
        %get3A_3477 = vector.shape_cast %get3A_3476 : vector<1x16xf32> to vector<16xf32>
        %mul3A_3478 = arith.mulf %broadcast_in_dim3A_3434, %get3A_3477 : vector<16xf32>
        %add3A_3479 = arith.addf %mul3A_3473, %mul3A_3478 : vector<16xf32>
        %get3A_3480 = arith.index_cast %add3A_3428 : i32 to index
        %get3A_3481 = arith.constant 16 : index
        %get3A_3482 = tpu.vector_load %arg18[%get3A_3480, %get3A_3481] {strides = array<i32>} : memref<128x96xf32, #tpu.memory_space<vmem>>, vector<1x16xf32>,
        %get3A_3483 = vector.shape_cast %get3A_3482 : vector<1x16xf32> to vector<16xf32>
        %mul3A_3484 = arith.mulf %broadcast_in_dim3A_3437, %get3A_3483 : vector<16xf32>
        %add3A_3485 = arith.addf %add3A_3479, %mul3A_3484 : vector<16xf32>
        %get3A_3486 = arith.index_cast %add3A_3428 : i32 to index
        %get3A_3487 = arith.constant 16 : index
        %get3A_3488 = tpu.vector_load %arg19[%get3A_3486, %get3A_3487] {strides = array<i32>} : memref<128x96xf32, #tpu.memory_space<vmem>>, vector<1x16xf32>,
        %get3A_3489 = vector.shape_cast %get3A_3488 : vector<1x16xf32> to vector<16xf32>
        %mul3A_3490 = arith.mulf %broadcast_in_dim3A_3440, %get3A_3489 : vector<16xf32>
        %add3A_3491 = arith.addf %add3A_3485, %mul3A_3490 : vector<16xf32>
        %swap3A_3492 = arith.index_cast %add3A_3428 : i32 to index
        %swap3A_3493 = arith.constant 16 : index
        %swap3A_3494 = tpu.vector_load %arg20[%swap3A_3492, %swap3A_3493] {strides = array<i32>} : memref<128x96xf32, #tpu.memory_space<vmem>>, vector<1x16xf32>,
        %swap3A_3495 = vector.shape_cast %swap3A_3494 : vector<1x16xf32> to vector<16xf32>
        %swap3A_3496 = vector.shape_cast %add3A_3491 : vector<16xf32> to vector<1x16xf32>
        tpu.vector_store %arg20[%swap3A_3492, %swap3A_3493], %swap3A_3496 {strides = array<i32>} : memref<128x96xf32, #tpu.memory_space<vmem>>, vector<1x16xf32>,
        %get3A_3497 = arith.index_cast %add3A_3428 : i32 to index
        %get3A_3498 = arith.constant 32 : index
        %get3A_3499 = tpu.vector_load %arg16[%get3A_3497, %get3A_3498] {strides = array<i32>} : memref<128x96xf32, #tpu.memory_space<vmem>>, vector<1x16xf32>,
        %get3A_3500 = vector.shape_cast %get3A_3499 : vector<1x16xf32> to vector<16xf32>
        %mul3A_3501 = arith.mulf %broadcast_in_dim3A_3431, %get3A_3500 : vector<16xf32>
        %get3A_3502 = arith.index_cast %add3A_3428 : i32 to index
        %get3A_3503 = arith.constant 32 : index
        %get3A_3504 = tpu.vector_load %arg17[%get3A_3502, %get3A_3503] {strides = array<i32>} : memref<128x96xf32, #tpu.memory_space<vmem>>, vector<1x16xf32>,
        %get3A_3505 = vector.shape_cast %get3A_3504 : vector<1x16xf32> to vector<16xf32>
        %mul3A_3506 = arith.mulf %broadcast_in_dim3A_3434, %get3A_3505 : vector<16xf32>
        %add3A_3507 = arith.addf %mul3A_3501, %mul3A_3506 : vector<16xf32>
        %get3A_3508 = arith.index_cast %add3A_3428 : i32 to index
        %get3A_3509 = arith.constant 32 : index
        %get3A_3510 = tpu.vector_load %arg18[%get3A_3508, %get3A_3509] {strides = array<i32>} : memref<128x96xf32, #tpu.memory_space<vmem>>, vector<1x16xf32>,
        %get3A_3511 = vector.shape_cast %get3A_3510 : vector<1x16xf32> to vector<16xf32>
        %mul3A_3512 = arith.mulf %broadcast_in_dim3A_3437, %get3A_3511 : vector<16xf32>
        %add3A_3513 = arith.addf %add3A_3507, %mul3A_3512 : vector<16xf32>
        %get3A_3514 = arith.index_cast %add3A_3428 : i32 to index
        %get3A_3515 = arith.constant 32 : index
        %get3A_3516 = tpu.vector_load %arg19[%get3A_3514, %get3A_3515] {strides = array<i32>} : memref<128x96xf32, #tpu.memory_space<vmem>>, vector<1x16xf32>,
        %get3A_3517 = vector.shape_cast %get3A_3516 : vector<1x16xf32> to vector<16xf32>
        %mul3A_3518 = arith.mulf %broadcast_in_dim3A_3440, %get3A_3517 : vector<16xf32>
        %add3A_3519 = arith.addf %add3A_3513, %mul3A_3518 : vector<16xf32>
        %swap3A_3520 = arith.index_cast %add3A_3428 : i32 to index
        %swap3A_3521 = arith.constant 32 : index
        %swap3A_3522 = tpu.vector_load %arg20[%swap3A_3520, %swap3A_3521] {strides = array<i32>} : memref<128x96xf32, #tpu.memory_space<vmem>>, vector<1x16xf32>,
        %swap3A_3523 = vector.shape_cast %swap3A_3522 : vector<1x16xf32> to vector<16xf32>
        %swap3A_3524 = vector.shape_cast %add3A_3519 : vector<16xf32> to vector<1x16xf32>
        tpu.vector_store %arg20[%swap3A_3520, %swap3A_3521], %swap3A_3524 {strides = array<i32>} : memref<128x96xf32, #tpu.memory_space<vmem>>, vector<1x16xf32>,
        %get3A_3525 = arith.index_cast %add3A_3428 : i32 to index
        %get3A_3526 = arith.constant 48 : index
        %get3A_3527 = tpu.vector_load %arg16[%get3A_3525, %get3A_3526] {strides = array<i32>} : memref<128x96xf32, #tpu.memory_space<vmem>>, vector<1x16xf32>,
        %get3A_3528 = vector.shape_cast %get3A_3527 : vector<1x16xf32> to vector<16xf32>
        %mul3A_3529 = arith.mulf %broadcast_in_dim3A_3431, %get3A_3528 : vector<16xf32>
        %get3A_3530 = arith.index_cast %add3A_3428 : i32 to index
        %get3A_3531 = arith.constant 48 : index
        %get3A_3532 = tpu.vector_load %arg17[%get3A_3530, %get3A_3531] {strides = array<i32>} : memref<128x96xf32, #tpu.memory_space<vmem>>, vector<1x16xf32>,
        %get3A_3533 = vector.shape_cast %get3A_3532 : vector<1x16xf32> to vector<16xf32>
        %mul3A_3534 = arith.mulf %broadcast_in_dim3A_3434, %get3A_3533 : vector<16xf32>
        %add3A_3535 = arith.addf %mul3A_3529, %mul3A_3534 : vector<16xf32>
        %get3A_3536 = arith.index_cast %add3A_3428 : i32 to index
        %get3A_3537 = arith.constant 48 : index
        %get3A_3538 = tpu.vector_load %arg18[%get3A_3536, %get3A_3537] {strides = array<i32>} : memref<128x96xf32, #tpu.memory_space<vmem>>, vector<1x16xf32>,
        %get3A_3539 = vector.shape_cast %get3A_3538 : vector<1x16xf32> to vector<16xf32>
        %mul3A_3540 = arith.mulf %broadcast_in_dim3A_3437, %get3A_3539 : vector<16xf32>
        %add3A_3541 = arith.addf %add3A_3535, %mul3A_3540 : vector<16xf32>
        %get3A_3542 = arith.index_cast %add3A_3428 : i32 to index
        %get3A_3543 = arith.constant 48 : index
        %get3A_3544 = tpu.vector_load %arg19[%get3A_3542, %get3A_3543] {strides = array<i32>} : memref<128x96xf32, #tpu.memory_space<vmem>>, vector<1x16xf32>,
        %get3A_3545 = vector.shape_cast %get3A_3544 : vector<1x16xf32> to vector<16xf32>
        %mul3A_3546 = arith.mulf %broadcast_in_dim3A_3440, %get3A_3545 : vector<16xf32>
        %add3A_3547 = arith.addf %add3A_3541, %mul3A_3546 : vector<16xf32>
        %swap3A_3548 = arith.index_cast %add3A_3428 : i32 to index
        %swap3A_3549 = arith.constant 48 : index
        %swap3A_3550 = tpu.vector_load %arg20[%swap3A_3548, %swap3A_3549] {strides = array<i32>} : memref<128x96xf32, #tpu.memory_space<vmem>>, vector<1x16xf32>,
        %swap3A_3551 = vector.shape_cast %swap3A_3550 : vector<1x16xf32> to vector<16xf32>
        %swap3A_3552 = vector.shape_cast %add3A_3547 : vector<16xf32> to vector<1x16xf32>
        tpu.vector_store %arg20[%swap3A_3548, %swap3A_3549], %swap3A_3552 {strides = array<i32>} : memref<128x96xf32, #tpu.memory_space<vmem>>, vector<1x16xf32>,
        %get3A_3553 = arith.index_cast %add3A_3428 : i32 to index
        %get3A_3554 = arith.constant 64 : index
        %get3A_3555 = tpu.vector_load %arg16[%get3A_3553, %get3A_3554] {strides = array<i32>} : memref<128x96xf32, #tpu.memory_space<vmem>>, vector<1x16xf32>,
        %get3A_3556 = vector.shape_cast %get3A_3555 : vector<1x16xf32> to vector<16xf32>
        %mul3A_3557 = arith.mulf %broadcast_in_dim3A_3431, %get3A_3556 : vector<16xf32>
        %get3A_3558 = arith.index_cast %add3A_3428 : i32 to index
        %get3A_3559 = arith.constant 64 : index
        %get3A_3560 = tpu.vector_load %arg17[%get3A_3558, %get3A_3559] {strides = array<i32>} : memref<128x96xf32, #tpu.memory_space<vmem>>, vector<1x16xf32>,
        %get3A_3561 = vector.shape_cast %get3A_3560 : vector<1x16xf32> to vector<16xf32>
        %mul3A_3562 = arith.mulf %broadcast_in_dim3A_3434, %get3A_3561 : vector<16xf32>
        %add3A_3563 = arith.addf %mul3A_3557, %mul3A_3562 : vector<16xf32>
        %get3A_3564 = arith.index_cast %add3A_3428 : i32 to index
        %get3A_3565 = arith.constant 64 : index
        %get3A_3566 = tpu.vector_load %arg18[%get3A_3564, %get3A_3565] {strides = array<i32>} : memref<128x96xf32, #tpu.memory_space<vmem>>, vector<1x16xf32>,
        %get3A_3567 = vector.shape_cast %get3A_3566 : vector<1x16xf32> to vector<16xf32>
        %mul3A_3568 = arith.mulf %broadcast_in_dim3A_3437, %get3A_3567 : vector<16xf32>
        %add3A_3569 = arith.addf %add3A_3563, %mul3A_3568 : vector<16xf32>
        %get3A_3570 = arith.index_cast %add3A_3428 : i32 to index
        %get3A_3571 = arith.constant 64 : index
        %get3A_3572 = tpu.vector_load %arg19[%get3A_3570, %get3A_3571] {strides = array<i32>} : memref<128x96xf32, #tpu.memory_space<vmem>>, vector<1x16xf32>,
        %get3A_3573 = vector.shape_cast %get3A_3572 : vector<1x16xf32> to vector<16xf32>
        %mul3A_3574 = arith.mulf %broadcast_in_dim3A_3440, %get3A_3573 : vector<16xf32>
        %add3A_3575 = arith.addf %add3A_3569, %mul3A_3574 : vector<16xf32>
        %swap3A_3576 = arith.index_cast %add3A_3428 : i32 to index
        %swap3A_3577 = arith.constant 64 : index
        %swap3A_3578 = tpu.vector_load %arg20[%swap3A_3576, %swap3A_3577] {strides = array<i32>} : memref<128x96xf32, #tpu.memory_space<vmem>>, vector<1x16xf32>,
        %swap3A_3579 = vector.shape_cast %swap3A_3578 : vector<1x16xf32> to vector<16xf32>
        %swap3A_3580 = vector.shape_cast %add3A_3575 : vector<16xf32> to vector<1x16xf32>
        tpu.vector_store %arg20[%swap3A_3576, %swap3A_3577], %swap3A_3580 {strides = array<i32>} : memref<128x96xf32, #tpu.memory_space<vmem>>, vector<1x16xf32>,
        %get3A_3581 = arith.index_cast %add3A_3428 : i32 to index
        %get3A_3582 = arith.constant 80 : index
        %get3A_3583 = tpu.vector_load %arg16[%get3A_3581, %get3A_3582] {strides = array<i32>} : memref<128x96xf32, #tpu.memory_space<vmem>>, vector<1x16xf32>,
        %get3A_3584 = vector.shape_cast %get3A_3583 : vector<1x16xf32> to vector<16xf32>
        %mul3A_3585 = arith.mulf %broadcast_in_dim3A_3431, %get3A_3584 : vector<16xf32>
        %get3A_3586 = arith.index_cast %add3A_3428 : i32 to index
        %get3A_3587 = arith.constant 80 : index
        %get3A_3588 = tpu.vector_load %arg17[%get3A_3586, %get3A_3587] {strides = array<i32>} : memref<128x96xf32, #tpu.memory_space<vmem>>, vector<1x16xf32>,
        %get3A_3589 = vector.shape_cast %get3A_3588 : vector<1x16xf32> to vector<16xf32>
        %mul3A_3590 = arith.mulf %broadcast_in_dim3A_3434, %get3A_3589 : vector<16xf32>
        %add3A_3591 = arith.addf %mul3A_3585, %mul3A_3590 : vector<16xf32>
        %get3A_3592 = arith.index_cast %add3A_3428 : i32 to index
        %get3A_3593 = arith.constant 80 : index
        %get3A_3594 = tpu.vector_load %arg18[%get3A_3592, %get3A_3593] {strides = array<i32>} : memref<128x96xf32, #tpu.memory_space<vmem>>, vector<1x16xf32>,
        %get3A_3595 = vector.shape_cast %get3A_3594 : vector<1x16xf32> to vector<16xf32>
        %mul3A_3596 = arith.mulf %broadcast_in_dim3A_3437, %get3A_3595 : vector<16xf32>
        %add3A_3597 = arith.addf %add3A_3591, %mul3A_3596 : vector<16xf32>
        %get3A_3598 = arith.index_cast %add3A_3428 : i32 to index
        %get3A_3599 = arith.constant 80 : index
        %get3A_3600 = tpu.vector_load %arg19[%get3A_3598, %get3A_3599] {strides = array<i32>} : memref<128x96xf32, #tpu.memory_space<vmem>>, vector<1x16xf32>,
        %get3A_3601 = vector.shape_cast %get3A_3600 : vector<1x16xf32> to vector<16xf32>
        %mul3A_3602 = arith.mulf %broadcast_in_dim3A_3440, %get3A_3601 : vector<16xf32>
        %add3A_3603 = arith.addf %add3A_3597, %mul3A_3602 : vector<16xf32>
        %swap3A_3604 = arith.index_cast %add3A_3428 : i32 to index
        %swap3A_3605 = arith.constant 80 : index
        %swap3A_3606 = tpu.vector_load %arg20[%swap3A_3604, %swap3A_3605] {strides = array<i32>} : memref<128x96xf32, #tpu.memory_space<vmem>>, vector<1x16xf32>,
        %swap3A_3607 = vector.shape_cast %swap3A_3606 : vector<1x16xf32> to vector<16xf32>
        %swap3A_3608 = vector.shape_cast %add3A_3603 : vector<16xf32> to vector<1x16xf32>
        tpu.vector_store %arg20[%swap3A_3604, %swap3A_3605], %swap3A_3608 {strides = array<i32>} : memref<128x96xf32, #tpu.memory_space<vmem>>, vector<1x16xf32>,
        %mul3A_3609 = arith.constant 16 : i32
        %mul3A_3610 = arith.muli %scan3A_836, %mul3A_3609 : i32
        %add3A_3611 = arith.constant 15 : i32
        %add3A_3612 = arith.addi %mul3A_3610, %add3A_3611 : i32
        %slice3A_3613 = vector.extract_strided_slice %get3A_842 {offsets = [15], sizes = [1], strides = [1]} : vector<16xf32> to vector<1xf32>
        %squeeze3A_3614 = vector.extract %slice3A_3613[0] : f32 from vector<1xf32>
        %broadcast_in_dim3A_3615 = vector.broadcast %squeeze3A_3614 : f32 to vector<16xf32>
        %slice3A_3616 = vector.extract_strided_slice %get3A_845 {offsets = [15], sizes = [1], strides = [1]} : vector<16xf32> to vector<1xf32>
        %squeeze3A_3617 = vector.extract %slice3A_3616[0] : f32 from vector<1xf32>
        %broadcast_in_dim3A_3618 = vector.broadcast %squeeze3A_3617 : f32 to vector<16xf32>
        %slice3A_3619 = vector.extract_strided_slice %get3A_848 {offsets = [15], sizes = [1], strides = [1]} : vector<16xf32> to vector<1xf32>
        %squeeze3A_3620 = vector.extract %slice3A_3619[0] : f32 from vector<1xf32>
        %broadcast_in_dim3A_3621 = vector.broadcast %squeeze3A_3620 : f32 to vector<16xf32>
        %slice3A_3622 = vector.extract_strided_slice %get3A_851 {offsets = [15], sizes = [1], strides = [1]} : vector<16xf32> to vector<1xf32>
        %squeeze3A_3623 = vector.extract %slice3A_3622[0] : f32 from vector<1xf32>
        %broadcast_in_dim3A_3624 = vector.broadcast %squeeze3A_3623 : f32 to vector<16xf32>
        %get3A_3625 = arith.index_cast %add3A_3612 : i32 to index
        %get3A_3626 = arith.constant 0 : index
        %get3A_3627 = tpu.vector_load %arg16[%get3A_3625, %get3A_3626] {strides = array<i32>} : memref<128x96xf32, #tpu.memory_space<vmem>>, vector<1x16xf32>,
        %get3A_3628 = vector.shape_cast %get3A_3627 : vector<1x16xf32> to vector<16xf32>
        %mul3A_3629 = arith.mulf %broadcast_in_dim3A_3615, %get3A_3628 : vector<16xf32>
        %get3A_3630 = arith.index_cast %add3A_3612 : i32 to index
        %get3A_3631 = arith.constant 0 : index
        %get3A_3632 = tpu.vector_load %arg17[%get3A_3630, %get3A_3631] {strides = array<i32>} : memref<128x96xf32, #tpu.memory_space<vmem>>, vector<1x16xf32>,
        %get3A_3633 = vector.shape_cast %get3A_3632 : vector<1x16xf32> to vector<16xf32>
        %mul3A_3634 = arith.mulf %broadcast_in_dim3A_3618, %get3A_3633 : vector<16xf32>
        %add3A_3635 = arith.addf %mul3A_3629, %mul3A_3634 : vector<16xf32>
        %get3A_3636 = arith.index_cast %add3A_3612 : i32 to index
        %get3A_3637 = arith.constant 0 : index
        %get3A_3638 = tpu.vector_load %arg18[%get3A_3636, %get3A_3637] {strides = array<i32>} : memref<128x96xf32, #tpu.memory_space<vmem>>, vector<1x16xf32>,
        %get3A_3639 = vector.shape_cast %get3A_3638 : vector<1x16xf32> to vector<16xf32>
        %mul3A_3640 = arith.mulf %broadcast_in_dim3A_3621, %get3A_3639 : vector<16xf32>
        %add3A_3641 = arith.addf %add3A_3635, %mul3A_3640 : vector<16xf32>
        %get3A_3642 = arith.index_cast %add3A_3612 : i32 to index
        %get3A_3643 = arith.constant 0 : index
        %get3A_3644 = tpu.vector_load %arg19[%get3A_3642, %get3A_3643] {strides = array<i32>} : memref<128x96xf32, #tpu.memory_space<vmem>>, vector<1x16xf32>,
        %get3A_3645 = vector.shape_cast %get3A_3644 : vector<1x16xf32> to vector<16xf32>
        %mul3A_3646 = arith.mulf %broadcast_in_dim3A_3624, %get3A_3645 : vector<16xf32>
        %add3A_3647 = arith.addf %add3A_3641, %mul3A_3646 : vector<16xf32>
        %swap3A_3648 = arith.index_cast %add3A_3612 : i32 to index
        %swap3A_3649 = arith.constant 0 : index
        %swap3A_3650 = tpu.vector_load %arg20[%swap3A_3648, %swap3A_3649] {strides = array<i32>} : memref<128x96xf32, #tpu.memory_space<vmem>>, vector<1x16xf32>,
        %swap3A_3651 = vector.shape_cast %swap3A_3650 : vector<1x16xf32> to vector<16xf32>
        %swap3A_3652 = vector.shape_cast %add3A_3647 : vector<16xf32> to vector<1x16xf32>
        tpu.vector_store %arg20[%swap3A_3648, %swap3A_3649], %swap3A_3652 {strides = array<i32>} : memref<128x96xf32, #tpu.memory_space<vmem>>, vector<1x16xf32>,
        %get3A_3653 = arith.index_cast %add3A_3612 : i32 to index
        %get3A_3654 = arith.constant 16 : index
        %get3A_3655 = tpu.vector_load %arg16[%get3A_3653, %get3A_3654] {strides = array<i32>} : memref<128x96xf32, #tpu.memory_space<vmem>>, vector<1x16xf32>,
        %get3A_3656 = vector.shape_cast %get3A_3655 : vector<1x16xf32> to vector<16xf32>
        %mul3A_3657 = arith.mulf %broadcast_in_dim3A_3615, %get3A_3656 : vector<16xf32>
        %get3A_3658 = arith.index_cast %add3A_3612 : i32 to index
        %get3A_3659 = arith.constant 16 : index
        %get3A_3660 = tpu.vector_load %arg17[%get3A_3658, %get3A_3659] {strides = array<i32>} : memref<128x96xf32, #tpu.memory_space<vmem>>, vector<1x16xf32>,
        %get3A_3661 = vector.shape_cast %get3A_3660 : vector<1x16xf32> to vector<16xf32>
        %mul3A_3662 = arith.mulf %broadcast_in_dim3A_3618, %get3A_3661 : vector<16xf32>
        %add3A_3663 = arith.addf %mul3A_3657, %mul3A_3662 : vector<16xf32>
        %get3A_3664 = arith.index_cast %add3A_3612 : i32 to index
        %get3A_3665 = arith.constant 16 : index
        %get3A_3666 = tpu.vector_load %arg18[%get3A_3664, %get3A_3665] {strides = array<i32>} : memref<128x96xf32, #tpu.memory_space<vmem>>, vector<1x16xf32>,
        %get3A_3667 = vector.shape_cast %get3A_3666 : vector<1x16xf32> to vector<16xf32>
        %mul3A_3668 = arith.mulf %broadcast_in_dim3A_3621, %get3A_3667 : vector<16xf32>
        %add3A_3669 = arith.addf %add3A_3663, %mul3A_3668 : vector<16xf32>
        %get3A_3670 = arith.index_cast %add3A_3612 : i32 to index
        %get3A_3671 = arith.constant 16 : index
        %get3A_3672 = tpu.vector_load %arg19[%get3A_3670, %get3A_3671] {strides = array<i32>} : memref<128x96xf32, #tpu.memory_space<vmem>>, vector<1x16xf32>,
        %get3A_3673 = vector.shape_cast %get3A_3672 : vector<1x16xf32> to vector<16xf32>
        %mul3A_3674 = arith.mulf %broadcast_in_dim3A_3624, %get3A_3673 : vector<16xf32>
        %add3A_3675 = arith.addf %add3A_3669, %mul3A_3674 : vector<16xf32>
        %swap3A_3676 = arith.index_cast %add3A_3612 : i32 to index
        %swap3A_3677 = arith.constant 16 : index
        %swap3A_3678 = tpu.vector_load %arg20[%swap3A_3676, %swap3A_3677] {strides = array<i32>} : memref<128x96xf32, #tpu.memory_space<vmem>>, vector<1x16xf32>,
        %swap3A_3679 = vector.shape_cast %swap3A_3678 : vector<1x16xf32> to vector<16xf32>
        %swap3A_3680 = vector.shape_cast %add3A_3675 : vector<16xf32> to vector<1x16xf32>
        tpu.vector_store %arg20[%swap3A_3676, %swap3A_3677], %swap3A_3680 {strides = array<i32>} : memref<128x96xf32, #tpu.memory_space<vmem>>, vector<1x16xf32>,
        %get3A_3681 = arith.index_cast %add3A_3612 : i32 to index
        %get3A_3682 = arith.constant 32 : index
        %get3A_3683 = tpu.vector_load %arg16[%get3A_3681, %get3A_3682] {strides = array<i32>} : memref<128x96xf32, #tpu.memory_space<vmem>>, vector<1x16xf32>,
        %get3A_3684 = vector.shape_cast %get3A_3683 : vector<1x16xf32> to vector<16xf32>
        %mul3A_3685 = arith.mulf %broadcast_in_dim3A_3615, %get3A_3684 : vector<16xf32>
        %get3A_3686 = arith.index_cast %add3A_3612 : i32 to index
        %get3A_3687 = arith.constant 32 : index
        %get3A_3688 = tpu.vector_load %arg17[%get3A_3686, %get3A_3687] {strides = array<i32>} : memref<128x96xf32, #tpu.memory_space<vmem>>, vector<1x16xf32>,
        %get3A_3689 = vector.shape_cast %get3A_3688 : vector<1x16xf32> to vector<16xf32>
        %mul3A_3690 = arith.mulf %broadcast_in_dim3A_3618, %get3A_3689 : vector<16xf32>
        %add3A_3691 = arith.addf %mul3A_3685, %mul3A_3690 : vector<16xf32>
        %get3A_3692 = arith.index_cast %add3A_3612 : i32 to index
        %get3A_3693 = arith.constant 32 : index
        %get3A_3694 = tpu.vector_load %arg18[%get3A_3692, %get3A_3693] {strides = array<i32>} : memref<128x96xf32, #tpu.memory_space<vmem>>, vector<1x16xf32>,
        %get3A_3695 = vector.shape_cast %get3A_3694 : vector<1x16xf32> to vector<16xf32>
        %mul3A_3696 = arith.mulf %broadcast_in_dim3A_3621, %get3A_3695 : vector<16xf32>
        %add3A_3697 = arith.addf %add3A_3691, %mul3A_3696 : vector<16xf32>
        %get3A_3698 = arith.index_cast %add3A_3612 : i32 to index
        %get3A_3699 = arith.constant 32 : index
        %get3A_3700 = tpu.vector_load %arg19[%get3A_3698, %get3A_3699] {strides = array<i32>} : memref<128x96xf32, #tpu.memory_space<vmem>>, vector<1x16xf32>,
        %get3A_3701 = vector.shape_cast %get3A_3700 : vector<1x16xf32> to vector<16xf32>
        %mul3A_3702 = arith.mulf %broadcast_in_dim3A_3624, %get3A_3701 : vector<16xf32>
        %add3A_3703 = arith.addf %add3A_3697, %mul3A_3702 : vector<16xf32>
        %swap3A_3704 = arith.index_cast %add3A_3612 : i32 to index
        %swap3A_3705 = arith.constant 32 : index
        %swap3A_3706 = tpu.vector_load %arg20[%swap3A_3704, %swap3A_3705] {strides = array<i32>} : memref<128x96xf32, #tpu.memory_space<vmem>>, vector<1x16xf32>,
        %swap3A_3707 = vector.shape_cast %swap3A_3706 : vector<1x16xf32> to vector<16xf32>
        %swap3A_3708 = vector.shape_cast %add3A_3703 : vector<16xf32> to vector<1x16xf32>
        tpu.vector_store %arg20[%swap3A_3704, %swap3A_3705], %swap3A_3708 {strides = array<i32>} : memref<128x96xf32, #tpu.memory_space<vmem>>, vector<1x16xf32>,
        %get3A_3709 = arith.index_cast %add3A_3612 : i32 to index
        %get3A_3710 = arith.constant 48 : index
        %get3A_3711 = tpu.vector_load %arg16[%get3A_3709, %get3A_3710] {strides = array<i32>} : memref<128x96xf32, #tpu.memory_space<vmem>>, vector<1x16xf32>,
        %get3A_3712 = vector.shape_cast %get3A_3711 : vector<1x16xf32> to vector<16xf32>
        %mul3A_3713 = arith.mulf %broadcast_in_dim3A_3615, %get3A_3712 : vector<16xf32>
        %get3A_3714 = arith.index_cast %add3A_3612 : i32 to index
        %get3A_3715 = arith.constant 48 : index
        %get3A_3716 = tpu.vector_load %arg17[%get3A_3714, %get3A_3715] {strides = array<i32>} : memref<128x96xf32, #tpu.memory_space<vmem>>, vector<1x16xf32>,
        %get3A_3717 = vector.shape_cast %get3A_3716 : vector<1x16xf32> to vector<16xf32>
        %mul3A_3718 = arith.mulf %broadcast_in_dim3A_3618, %get3A_3717 : vector<16xf32>
        %add3A_3719 = arith.addf %mul3A_3713, %mul3A_3718 : vector<16xf32>
        %get3A_3720 = arith.index_cast %add3A_3612 : i32 to index
        %get3A_3721 = arith.constant 48 : index
        %get3A_3722 = tpu.vector_load %arg18[%get3A_3720, %get3A_3721] {strides = array<i32>} : memref<128x96xf32, #tpu.memory_space<vmem>>, vector<1x16xf32>,
        %get3A_3723 = vector.shape_cast %get3A_3722 : vector<1x16xf32> to vector<16xf32>
        %mul3A_3724 = arith.mulf %broadcast_in_dim3A_3621, %get3A_3723 : vector<16xf32>
        %add3A_3725 = arith.addf %add3A_3719, %mul3A_3724 : vector<16xf32>
        %get3A_3726 = arith.index_cast %add3A_3612 : i32 to index
        %get3A_3727 = arith.constant 48 : index
        %get3A_3728 = tpu.vector_load %arg19[%get3A_3726, %get3A_3727] {strides = array<i32>} : memref<128x96xf32, #tpu.memory_space<vmem>>, vector<1x16xf32>,
        %get3A_3729 = vector.shape_cast %get3A_3728 : vector<1x16xf32> to vector<16xf32>
        %mul3A_3730 = arith.mulf %broadcast_in_dim3A_3624, %get3A_3729 : vector<16xf32>
        %add3A_3731 = arith.addf %add3A_3725, %mul3A_3730 : vector<16xf32>
        %swap3A_3732 = arith.index_cast %add3A_3612 : i32 to index
        %swap3A_3733 = arith.constant 48 : index
        %swap3A_3734 = tpu.vector_load %arg20[%swap3A_3732, %swap3A_3733] {strides = array<i32>} : memref<128x96xf32, #tpu.memory_space<vmem>>, vector<1x16xf32>,
        %swap3A_3735 = vector.shape_cast %swap3A_3734 : vector<1x16xf32> to vector<16xf32>
        %swap3A_3736 = vector.shape_cast %add3A_3731 : vector<16xf32> to vector<1x16xf32>
        tpu.vector_store %arg20[%swap3A_3732, %swap3A_3733], %swap3A_3736 {strides = array<i32>} : memref<128x96xf32, #tpu.memory_space<vmem>>, vector<1x16xf32>,
        %get3A_3737 = arith.index_cast %add3A_3612 : i32 to index
        %get3A_3738 = arith.constant 64 : index
        %get3A_3739 = tpu.vector_load %arg16[%get3A_3737, %get3A_3738] {strides = array<i32>} : memref<128x96xf32, #tpu.memory_space<vmem>>, vector<1x16xf32>,
        %get3A_3740 = vector.shape_cast %get3A_3739 : vector<1x16xf32> to vector<16xf32>
        %mul3A_3741 = arith.mulf %broadcast_in_dim3A_3615, %get3A_3740 : vector<16xf32>
        %get3A_3742 = arith.index_cast %add3A_3612 : i32 to index
        %get3A_3743 = arith.constant 64 : index
        %get3A_3744 = tpu.vector_load %arg17[%get3A_3742, %get3A_3743] {strides = array<i32>} : memref<128x96xf32, #tpu.memory_space<vmem>>, vector<1x16xf32>,
        %get3A_3745 = vector.shape_cast %get3A_3744 : vector<1x16xf32> to vector<16xf32>
        %mul3A_3746 = arith.mulf %broadcast_in_dim3A_3618, %get3A_3745 : vector<16xf32>
        %add3A_3747 = arith.addf %mul3A_3741, %mul3A_3746 : vector<16xf32>
        %get3A_3748 = arith.index_cast %add3A_3612 : i32 to index
        %get3A_3749 = arith.constant 64 : index
        %get3A_3750 = tpu.vector_load %arg18[%get3A_3748, %get3A_3749] {strides = array<i32>} : memref<128x96xf32, #tpu.memory_space<vmem>>, vector<1x16xf32>,
        %get3A_3751 = vector.shape_cast %get3A_3750 : vector<1x16xf32> to vector<16xf32>
        %mul3A_3752 = arith.mulf %broadcast_in_dim3A_3621, %get3A_3751 : vector<16xf32>
        %add3A_3753 = arith.addf %add3A_3747, %mul3A_3752 : vector<16xf32>
        %get3A_3754 = arith.index_cast %add3A_3612 : i32 to index
        %get3A_3755 = arith.constant 64 : index
        %get3A_3756 = tpu.vector_load %arg19[%get3A_3754, %get3A_3755] {strides = array<i32>} : memref<128x96xf32, #tpu.memory_space<vmem>>, vector<1x16xf32>,
        %get3A_3757 = vector.shape_cast %get3A_3756 : vector<1x16xf32> to vector<16xf32>
        %mul3A_3758 = arith.mulf %broadcast_in_dim3A_3624, %get3A_3757 : vector<16xf32>
        %add3A_3759 = arith.addf %add3A_3753, %mul3A_3758 : vector<16xf32>
        %swap3A_3760 = arith.index_cast %add3A_3612 : i32 to index
        %swap3A_3761 = arith.constant 64 : index
        %swap3A_3762 = tpu.vector_load %arg20[%swap3A_3760, %swap3A_3761] {strides = array<i32>} : memref<128x96xf32, #tpu.memory_space<vmem>>, vector<1x16xf32>,
        %swap3A_3763 = vector.shape_cast %swap3A_3762 : vector<1x16xf32> to vector<16xf32>
        %swap3A_3764 = vector.shape_cast %add3A_3759 : vector<16xf32> to vector<1x16xf32>
        tpu.vector_store %arg20[%swap3A_3760, %swap3A_3761], %swap3A_3764 {strides = array<i32>} : memref<128x96xf32, #tpu.memory_space<vmem>>, vector<1x16xf32>,
        %get3A_3765 = arith.index_cast %add3A_3612 : i32 to index
        %get3A_3766 = arith.constant 80 : index
        %get3A_3767 = tpu.vector_load %arg16[%get3A_3765, %get3A_3766] {strides = array<i32>} : memref<128x96xf32, #tpu.memory_space<vmem>>, vector<1x16xf32>,
        %get3A_3768 = vector.shape_cast %get3A_3767 : vector<1x16xf32> to vector<16xf32>
        %mul3A_3769 = arith.mulf %broadcast_in_dim3A_3615, %get3A_3768 : vector<16xf32>
        %get3A_3770 = arith.index_cast %add3A_3612 : i32 to index
        %get3A_3771 = arith.constant 80 : index
        %get3A_3772 = tpu.vector_load %arg17[%get3A_3770, %get3A_3771] {strides = array<i32>} : memref<128x96xf32, #tpu.memory_space<vmem>>, vector<1x16xf32>,
        %get3A_3773 = vector.shape_cast %get3A_3772 : vector<1x16xf32> to vector<16xf32>
        %mul3A_3774 = arith.mulf %broadcast_in_dim3A_3618, %get3A_3773 : vector<16xf32>
        %add3A_3775 = arith.addf %mul3A_3769, %mul3A_3774 : vector<16xf32>
        %get3A_3776 = arith.index_cast %add3A_3612 : i32 to index
        %get3A_3777 = arith.constant 80 : index
        %get3A_3778 = tpu.vector_load %arg18[%get3A_3776, %get3A_3777] {strides = array<i32>} : memref<128x96xf32, #tpu.memory_space<vmem>>, vector<1x16xf32>,
        %get3A_3779 = vector.shape_cast %get3A_3778 : vector<1x16xf32> to vector<16xf32>
        %mul3A_3780 = arith.mulf %broadcast_in_dim3A_3621, %get3A_3779 : vector<16xf32>
        %add3A_3781 = arith.addf %add3A_3775, %mul3A_3780 : vector<16xf32>
        %get3A_3782 = arith.index_cast %add3A_3612 : i32 to index
        %get3A_3783 = arith.constant 80 : index
        %get3A_3784 = tpu.vector_load %arg19[%get3A_3782, %get3A_3783] {strides = array<i32>} : memref<128x96xf32, #tpu.memory_space<vmem>>, vector<1x16xf32>,
        %get3A_3785 = vector.shape_cast %get3A_3784 : vector<1x16xf32> to vector<16xf32>
        %mul3A_3786 = arith.mulf %broadcast_in_dim3A_3624, %get3A_3785 : vector<16xf32>
        %add3A_3787 = arith.addf %add3A_3781, %mul3A_3786 : vector<16xf32>
        %swap3A_3788 = arith.index_cast %add3A_3612 : i32 to index
        %swap3A_3789 = arith.constant 80 : index
        %swap3A_3790 = tpu.vector_load %arg20[%swap3A_3788, %swap3A_3789] {strides = array<i32>} : memref<128x96xf32, #tpu.memory_space<vmem>>, vector<1x16xf32>,
        %swap3A_3791 = vector.shape_cast %swap3A_3790 : vector<1x16xf32> to vector<16xf32>
        %swap3A_3792 = vector.shape_cast %add3A_3787 : vector<16xf32> to vector<1x16xf32>
        tpu.vector_store %arg20[%swap3A_3788, %swap3A_3789], %swap3A_3792 {strides = array<i32>} : memref<128x96xf32, #tpu.memory_space<vmem>>, vector<1x16xf32>,
        %scan3A_3793 = arith.constant 0 : i32
        scf.yield %scan3A_3793 : i32
      }
      %scan3A_834 = arith.constant 8 : i32
      "tpu.region"() ({
        %run_scoped3A = tpu.sem_alloc : memref<!tpu.dma_semaphore, #tpu.memory_space<semaphore_mem>>
        %dma_start3A_836 = arith.constant 0 : i32
        %dma_start3A_837 = tpu.memref_slice %arg5[%add3A_13, %dma_start3A_836] : memref<524288x96xf32, #tpu.memory_space<hbm>> -> memref<128x96xf32, #tpu.memory_space<hbm>>
        %dma_start3A_838 = arith.constant 0 : i32
        %dma_start3A_839 = tpu.memref_slice %arg5[%add3A_13, %dma_start3A_838] : memref<524288x96xf32, #tpu.memory_space<hbm>> -> memref<128x96xf32, #tpu.memory_space<hbm>>
        tpu.enqueue_dma source(%arg20 : memref<128x96xf32, #tpu.memory_space<vmem>>) target(%dma_start3A_839 : memref<128x96xf32, #tpu.memory_space<hbm>>) target_semaphore(%run_scoped3A : memref<!tpu.dma_semaphore, #tpu.memory_space<semaphore_mem>>)
        %dma_wait3A_840 = arith.constant 0 : i32
        %dma_wait3A_841 = tpu.memref_slice %arg5[%add3A_13, %dma_wait3A_840] : memref<524288x96xf32, #tpu.memory_space<hbm>> -> memref<128x96xf32, #tpu.memory_space<hbm>>
        %dma_wait3A_842 = arith.constant 0 : i32
        %dma_wait3A_843 = tpu.memref_slice %arg5[%add3A_13, %dma_wait3A_842] : memref<524288x96xf32, #tpu.memory_space<hbm>> -> memref<128x96xf32, #tpu.memory_space<hbm>>
        tpu.wait_dma2 semaphore(%run_scoped3A : memref<!tpu.dma_semaphore, #tpu.memory_space<semaphore_mem>>) src(%arg20 : memref<128x96xf32, #tpu.memory_space<vmem>>) dst(%dma_wait3A_843 : memref<128x96xf32, #tpu.memory_space<hbm>>)
        tpu.yield
      }) : () -> ()
      %scan3A_835 = arith.constant 0 : i32
      scf.yield %scan3A_835 : i32
    }
    %scan3A_8 = arith.constant 128 : i32
    return
  }
}

</mosaic_0001>

<sc_bundles>
// kernel: kernel.3.cloned.1.call-start
scs
__scs_entry_jumppad:
0x0: {  	(pc) =	sbr.rel $0x88, $3  }
0x1: {  	(tag) =	ssettag $0x0;
	lr =	simm.s32 $0x1  }
0x2: {  	[smem:$0x3F9E] =	sst lr;
	_ =	strace $0xD0000000  }
0x3: {  	_ = 	snop  }
0x4: {  	_ = 	snop  }
0x5: {  	_ = 	snop  }
0x6: {  	_ = 	snop  }
0x7: {  	_ = 	snop  }
__scs_overlays_trampoline_lowered:
0x8: {  	[smem:$0x3FAD] =	sst s0  }
0x9: {  	[smem:$0x3FAE] =	sst s1  }
0xa: {  	[smem:$0x3FAF] =	sst s2  }
0xb: {  	[smem:$0x3FB0] =	sst s3  }
0xc: {  	[smem:$0x3FB1] =	sst s4  }
0xd: {  	[smem:$0x3FB2] =	sst s5  }
0xe: {  	[smem:$0x3FB3] =	sst s6  }
0xf: {  	[smem:$0x3FB4] =	sst s7  }
0x10: {  	[smem:$0x3FB5] =	sst s8  }
0x11: {  	[smem:$0x3FB6] =	sst s9;
	s0 =	simm.s32 @!p0 $0x0  }
0x12: {  	s1 =	sld [smem:$0x3F9C];
	s0 =	simm.s32 @p0 $0x1  }
0x13: {  	[smem:$0x3FB7] =	sst s0;
	s0 =	simm.s32 @!p1 $0x0  }
0x14: {  	s2 =	sld [smem:$0x3F9B];
	s0 =	simm.s32 @p1 $0x1  }
0x15: {  	[smem:$0x3FB8] =	sst s0;
	s0 =	simm.s32 @!p2 $0x0  }
0x16: {  	s3 =	sld [smem:$0x3FDB];
	s0 =	simm.s32 @p2 $0x1  }
0x17: {  	s4 =	simm.s32 $0x1BF5;
	[smem:$0x3FBA] =	sst s0  }
0x18: {  	s0 =	sld [smem:$0x3F9D];
	_ =	swait.ge [sflag:s4], $0x0  }
0x19: {  	s7 =	sld [smem:$0x3F9E]  }
0x1a: {  	s8 =	sadd.s32 $0xFFFFE003, lr  }
0x1b: {  	s9 =	sadd.s32 $0xFFFFFEF7, lr;
	s5 =	simm.s32 $0xFFFFFFFF;
	p2 =	slt.u32 s8, $0xFFFFF086  }
0x1c: {  	p1 =	slt.u32 s9, $0xF7A;
	s5 =	simm.s32 @!p2 $0x0  }
0x1d: {  	s5 =	simm.s32 @p1 $0x1;
	p0 =	seq.s32 s7, s2  }
0x1e: {  	s7 =	smul.u32 @!p0 $0xF7A, s2;
	p2 =	seq.s32 @!p0 s5, $0x0  }
0x1f: {  	s9 =	smul.u32 $0xF7A, s1;
	s8 =	simm.s32 @!p0 $0x1BF5;
	p2 =	por !p2, p0  }
0x20: {  	[sflag:s8] =	ssyncset.s32 @!p0 $0xFFFFF086;
	s6 =	sadd.s32 @!p0 s3, s7;
	s7 =	simm.s32 @!p0 $0x108  }
0x21: {  	s3 =	sadd.s32 s3, s9;
	s6 =	sadd.s32 @!p0 $0x88, s6;
	s7 =	simm.s32 @p2 $0x1082  }
0x22: {  	[simem:s7], [sflag:s8] =	dma.local @!p0 [hbm:s6], $0xF7A  }
0x23: {  	s9 =	sor.u32 $0xD0000000, s2;
	s6 =	simm.s32 $0x108;
	_ =	swait.ge @!p0 [sflag:s8], $0x0  }
0x24: {  	s3 =	sadd.s32 $0x88, s3;
	s6 =	simm.s32 @!p1 $0x1082;
	[sflag:s4] =	ssyncset.s32 $0xFFFFF086  }
0x25: {  	[simem:s6], [sflag:s4] =	dma.local [hbm:s3], $0xF7A  }
0x26: {  	[smem:$0x3F9E] =	sst s1;
	(tag) =	ssettag s2;
	_ =	strace s9  }
0x27: {  	s1 =	sld [smem:$0x3FAE]  }
0x28: {  	s2 =	sld [smem:$0x3FAF]  }
0x29: {  	s4 =	sld [smem:$0x3FB1]  }
0x2a: {  	p0 =	seq.s32 s5, $0x0;
	s5 =	sld [smem:$0x3FB2]  }
0x2b: {  	s6 =	sld [smem:$0x3FB3]  }
0x2c: {  	s7 =	sld [smem:$0x3FB4]  }
0x2d: {  	s3 =	simm.s32 $0x108;
	s8 =	sld [smem:$0x3FB5]  }
0x2e: {  	s3 =	simm.s32 @!p0 $0x1082;
	s9 =	sld [smem:$0x3FB6]  }
0x2f: {  	lr =	sadd.s32 s0, s3;
	s0 =	sld [smem:$0x3FAD]  }
0x30: {  	s3 =	sld [smem:$0x3FB0]  }
0x31: {  	[smem:$0x3FB9] =	sst s10  }
0x32: {  	s10 =	sld [smem:$0x3FB7];
	_ =	sdelay $0x3  }
0x33: {  	p0 =	seq.s32 s10, $0x1;
	s10 =	sld [smem:$0x3FB9];
	_ =	sdelay $0x3  }
0x34: {  	[smem:$0x3FB9] =	sst s10  }
0x35: {  	s10 =	sld [smem:$0x3FB8];
	_ =	sdelay $0x3  }
0x36: {  	p1 =	seq.s32 s10, $0x1;
	s10 =	sld [smem:$0x3FB9];
	_ =	sdelay $0x3  }
0x37: {  	[smem:$0x3FB9] =	sst s10  }
0x38: {  	s10 =	sld [smem:$0x3FBA]  }
0x39: {  	_ = 	snop;
	(pc) =	sbr.ind lr, $3  }
0x3a: {  	_ = 	snop  }
0x3b: {  	_ = 	snop  }
0x3c: {  	p2 =	seq.s32 s10, $0x1;
	s10 =	sld [smem:$0x3FB9]  }
0x3d: {  	_ =	shalt  }
0x3e: {  	_ =	shalt  }
0x3f: {  	_ =	shalt  }
0x40: {  	_ =	shalt  }
0x41: {  	_ =	shalt  }
0x42: {  	_ =	shalt  }
0x43: {  	_ =	shalt  }
0x44: {  	_ =	shalt  }
0x45: {  	_ =	shalt  }
0x46: {  	_ =	shalt  }
0x47: {  	_ =	shalt  }
0x48: {  	_ =	shalt  }
0x49: {  	_ =	shalt  }
0x4a: {  	_ =	shalt  }
0x4b: {  	_ =	shalt  }
0x4c: {  	_ =	shalt  }
0x4d: {  	_ =	shalt  }
0x4e: {  	_ =	shalt  }
0x4f: {  	_ =	shalt  }
0x50: {  	_ =	shalt  }
0x51: {  	_ =	shalt  }
0x52: {  	_ =	shalt  }
0x53: {  	_ =	shalt  }
0x54: {  	_ =	shalt  }
0x55: {  	_ =	shalt  }
0x56: {  	_ =	shalt  }
0x57: {  	_ =	shalt  }
0x58: {  	_ =	shalt  }
0x59: {  	_ =	shalt  }
0x5a: {  	_ =	shalt  }
0x5b: {  	_ =	shalt  }
0x5c: {  	_ =	shalt  }
0x5d: {  	_ =	shalt  }
0x5e: {  	_ =	shalt  }
0x5f: {  	_ =	shalt  }
0x60: {  	_ =	shalt  }
0x61: {  	_ =	shalt  }
0x62: {  	_ =	shalt  }
0x63: {  	_ =	shalt  }
0x64: {  	_ =	shalt  }
0x65: {  	_ =	shalt  }
0x66: {  	_ =	shalt  }
0x67: {  	_ =	shalt  }
0x68: {  	_ =	shalt  }
0x69: {  	_ =	shalt  }
0x6a: {  	_ =	shalt  }
0x6b: {  	_ =	shalt  }
0x6c: {  	_ =	shalt  }
0x6d: {  	_ =	shalt  }
0x6e: {  	_ =	shalt  }
0x6f: {  	_ =	shalt  }
0x70: {  	_ =	shalt  }
0x71: {  	_ =	shalt  }
0x72: {  	_ =	shalt  }
0x73: {  	_ =	shalt  }
0x74: {  	_ =	shalt  }
0x75: {  	_ =	shalt  }
0x76: {  	_ =	shalt  }
0x77: {  	_ =	shalt  }
0x78: {  	_ =	shalt  }
0x79: {  	_ =	shalt  }
0x7a: {  	_ =	shalt  }
0x7b: {  	_ =	shalt  }
0x7c: {  	_ =	shalt  }
0x7d: {  	_ =	shalt  }
0x7e: {  	_ =	shalt  }
0x7f: {  	_ =	shalt  }
0x80: {  	_ =	shalt  }
0x81: {  	_ =	shalt  }
0x82: {  	_ =	shalt  }
0x83: {  	_ =	shalt  }
0x84: {  	_ =	shalt  }
0x85: {  	_ =	shalt  }
0x86: {  	_ =	shalt  }
0x87: {  	_ =	shalt  }
.Lfunc_end0:
.L_simem_size_0:
called_computation.2_lowered:
.L_overlay_start_0:
0x88: {  	s2 =	sld [smem:$0x3FD9]  }
0x89: {  	s3 =	sld [smem:$0x3FFE];
	_ =	sdelay $0x1  }
0x8a: {  	s1 =	srdreg.scid  }
0x8b: {  	s0 =	sand.u32 $0x1, s1  }
0x8c: {  	s17 =	sshll.u32 s0, $0xA;
	s2 =	sadd.s32 s3, s2  }
0x8d: {  	s2 =	sadd.s32 s2, s17  }
0x8e: {  	[smem:$0x3FC5] =	sst s2  }
0x8f: {  	_ = 	snop  }
0x90: {  	s2 =	sld [smem:$0x3FD0];
	(tm) =	ssettm $0x1  }
0x91: {  	s18 =	sld [smem:$0x3FFB];
	_ =	sdelay $0x3  }
0x92: {  	_ =	strace s18  }
0x93: {  	s3 =	sld [smem:$0x3FFC];
	_ =	sdelay $0x3  }
0x94: {  	_ =	strace s3  }
0x95: {  	s3 =	sld [smem:$0x3FFD];
	_ =	sdelay $0x3  }
0x96: {  	_ =	strace s3  }
0x97: {  	_ =	strace $0x8FFFFFFF  }
0x98: {  	s19 =	sld [smem:$0x3FDB];
	_ =	sdelay $0x1  }
0x99: {  	s4 =	simm.s32 $_scs_section_size  }
0x9a: {  	s5 =	simm.s32 $_size__tile_overlayer_lowered;
	s6 =	simm.s32 $_tile_overlayer_lowered  }
0x9b: {  	s22 =	simm.s32 $0x1BFF;
	s21 =	sshll.u32 s6, $0x1;
	s3 =	sadd.s32 s4, s19  }
0x9c: {  	s7 =	simm.s32 $0x0;
	s20 =	sshll.u32 s5, $0x1;
	s5 =	sadd.s32 s21, s3  }
0x9d: {  	[timem:s7], [sflag:s22] =	dma.local [hbm:s5], s20  }
0x9e: {  	_ =	swait.ge [sflag:s22], s20  }
0x9f: {  	s4 =	ssub.s32 $0x0, s20;
	[sflag:s22] =	ssyncset.done $0x0  }
0xa0: {  	[sflag:s22] =	ssyncadd.s32 s4;
	_ =	sdelay $0x1  }
0xa1: {  	s23 =	simm.s32 $0x1B8B  }
0xa2: {  	_ =	swait.ge [sflag:s23], $0x1  }
0xa3: {  	[sflag:s23] =	ssyncset.done $0x0  }
0xa4: {  	s25 =	simm.s32 $0x1B8E;
	s24 =	sld [smem:$0x3FFE];
	[sflag:s23] =	ssyncadd.s32 $0xFFFFFFFF  }
0xa5: {  	s26 =	simm.s32 $execute0_lowered;
	[smem:$0x3FD2] =	sst s25  }
0xa6: {  	s5 =	sshll.u32 s26, $0x1;
	_ =	strace $0x80000049;
	[dreg:$0x1] =	wrdreg $0xFFFFFFFF  }
0xa7: {  	s28 =	simm.s32 $_size_execute0_lowered;
	s3 =	sadd.s32 s3, s5;
	[dreg:$0x0] =	wrdreg $0x0  }
0xa8: {  	s5 =	sshll.u32 s28, $0x1;
	[dreg:$0x2] =	wrdreg s3  }
0xa9: {  	[dreg:$0x3] =	wrdreg s5  }
0xaa: {  	[dreg:$0x4] =	wrdreg $0xC0  }
0xab: {  	_ =	task [dreg:s7], $0x5FFFF  }
0xac: {  	[dreg:$0x1] =	wrdreg $0xFFFFFFFF  }
0xad: {  	[dreg:$0x0] =	wrdreg $0x60  }
0xae: {  	[dreg:$0x2] =	wrdreg s2  }
0xaf: {  	[dreg:$0x3] =	wrdreg s24  }
0xb0: {  	[dreg:$0x4] =	wrdreg $0x9  }
0xb1: {  	_ =	task.clear_ibuf [dreg:s7], $0x5FFFF;
	_ =	strace $0x90000049  }
0xb2: {  	s29 =	simm.s32 $0x9;
	_ =	strace $0x8000004B  }
0xb3: {  	_ =	swait.ge [sflag:s29], $0x1  }
0xb4: {  	[sflag:s29] =	ssyncadd.s32 $0xFFFFFFFF  }
0xb5: {  	_ =	strace $0x9000004B  }
0xb6: {  	_ =	sfence  }
0xb7: {  	s30 =	sld [smem:$0x0];
	_ =	sdelay $0x2  }
0xb8: {  	s31 =	sshll.u32 s1, $0xD;
	s1 =	sshrl.u32 s1, $0x2  }
0xb9: {  	s3 =	sand.u32 $0x4000, s31;
	s1 =	sadd.s32 s1, s30  }
0xba: {  	s0 =	sor.u32 s3, s0;
	s1 =	sshll.u32 s1, $0x11  }
0xbb: {  	s0 =	sor.u32 s1, s0  }
0xbc: {  	s0 =	sadd.s32 $0x8F2B, s0  }
0xbd: {  	[sflag:s0] =	ssyncadd.remote.s32 $0x1  }
0xbe: {  	_ =	sfence.sel $0xFFFF  }
0xbf: {  	[dreg:$0x0] =	wrdreg $0xFFFFFFFF;
	(pc) =	sbr.abs _section_cstart, $3  }
0xc0: {  	[dreg:$0x1] =	wrdreg $0xFFFFFFFF  }
0xc1: {  	_ =	task.clear_ibuf [dreg:s7], $0x2FFFF;
	_ =	strace $0x9FFFFFFF  }
0xc2: {  	(tm) =	ssettm $0x7FFFFFFF  }
0xc3: {  	_ =	shalt  }
tec
execute0_lowered:
.L_overlay_start_1:
0x0: {  	(tag) =	ssettag $0x1  }
0x1: {  	s1 =	rddreg [dreg:$0x0]  }
0x2: {  	s3 =	rddreg [dreg:$0x1]  }
0x3: {  	s0 =	rddreg [dreg:$0x2];
	s2 =	simm.s32 $0x0;
	s4 =	srdreg.scid  }
0x4: {  	s10 =	simm.s32 $0x80;
	s11 =	simm.s32 $0x100;
	s12 =	simm.s32 $0x500  }
0x5: {  	s13 =	simm.s32 $0x180;
	s14 =	simm.s32 $0x3500;
	s15 =	simm.s32 $0x200  }
0x6: {  	s16 =	simm.s32 $0x6500;
	s17 =	simm.s32 $0x280;
	s18 =	simm.s32 $0x9500  }
0x7: {  	s19 =	simm.s32 $0x1;
	s20 =	simm.s32 $0xC500;
	s21 =	simm.s32 $0x0  }
0x8: {  	[smem:$0x7FF] =	sst s2;
	s7 =	sand.u32 $0x1, s4;
	s4 =	sadd.s32 $0x811000, s3  }
0x9: {  	s5 =	sadd.s32 $0x801000, s3;
	s6 =	sadd.s32 $0x1000, s3;
	s8 =	ssub.s32 $0x2, s7  }
0xa: {  	s3 =	stileid.u32;
	_ =	strace $0x8000004A;
	s9 =	sshrl.u32 s8, $0x1  }
0xb: {  	s31 =	sshll.u32 s3, $0xF;
	s7 =	sshll.u32 s7, $0xE;
	s8 =	ssub.s32 s8, s9  }
0xc: {  	s7 =	sor.u32 s7, s31;
	s9 =	simm.s32 $0x2;
	s8 =	smax.u32 s8, $0x1  }
.LBB2_1:
0xd: {  	s22 =	simm.s32 $0x0  }
.LBB2_2:
0xe: {  	s23 =	sshll.u32 s22, $0x7  }
0xf: {  	s23 =	sadd.s32 s7, s23  }
0x10: {  	s25 =	sshrl.u32 s23, $0x3  }
0x11: {  	s24 =	simm.s32 $0x0;
	s26 =	sadd.s32 s4, s25  }
0x12: {  	[tilespmem:s24], [sflag:$0x2] =	stream.linear.gather [hbm4b:s26+s24], $0x80, $0x38;
	[tilespmem:$0xF500] =	vst v63  }
0x13: {  	_ =	swait.ge [sflag:s9], $0x80  }
0x14: {  	[sflag:s9] =	ssyncset.done $0x0  }
0x15: {  	s25 =	sadd.s32 s5, s25;
	[sflag:s9] =	ssyncadd.s32 $0xFFFFFF80  }
0x16: {  	[tilespmem:s10], [sflag:$0x2] =	stream.linear.gather [hbm4b:s25+s24], $0x80, $0x38;
	[tilespmem:$0xF500] =	vst v63  }
0x17: {  	_ =	swait.ge [sflag:s9], $0x80  }
0x18: {  	[sflag:s9] =	ssyncset.done $0x0  }
0x19: {  	[sflag:s9] =	ssyncadd.s32 $0xFFFFFF80  }
0x1a: {  	v1 =	vld [tilespmem:$0x0]  }
0x1b: {  	v2 =	vld [tilespmem:$0x80]  }
0x1c: {  	v7 =	vld [tilespmem:$0x10]  }
0x1d: {  	v27 =	vld [tilespmem:$0x90]  }
0x1e: {  	v18 =	vld [tilespmem:$0x20]  }
0x1f: {  	v19 =	vld [tilespmem:$0xA0]  }
0x20: {  	v23 =	vld [tilespmem:$0x30]  }
0x21: {  	v25 =	vld [tilespmem:$0xB0]  }
0x22: {  	v51 =	vld [tilespmem:$0x40]  }
0x23: {  	v54 =	vld [tilespmem:$0xC0];
	v0 =	vtrunc.f32 v1  }
0x24: {  	v3 =	vtrunc.f32 v2;
	v12 =	vtrunc.f32 v7  }
0x25: {  	v14 =	vtrunc.f32 v27;
	v21 =	vtrunc.f32 v18  }
0x26: {  	v22 =	vtrunc.f32 v19;
	v43 =	vtrunc.f32 v23  }
0x27: {  	v45 =	vtrunc.f32 v25;
	v59 =	vtrunc.f32 v51  }
0x28: {  	v61 =	vtrunc.f32 v54;
	v0 =	vcvt.f32.s32 v0  }
0x29: {  	v3 =	vcvt.f32.s32 v3;
	v12 =	vcvt.f32.s32 v12  }
0x2a: {  	v5 =	vmov s23;
	v14 =	vcvt.f32.s32 v14;
	v21 =	vcvt.f32.s32 v21  }
0x2b: {  	v5 =	vand.u32 $0xFFFC0000, v5;
	v22 =	vcvt.f32.s32 v22;
	v47 =	vcvt.f32.s32 v45  }
0x2c: {  	v62 =	vcvt.f32.s32 v61;
	vm0 =	vgt.s32 v0, $0x0;
	vm13 =	vgt.s32 v3, $0x0  }
0x2d: {  	vm14 =	vgt.s32 v12, $0x0;
	vm15 =	vgt.s32 v14, $0x0;
	vm4 =	vgt.s32 v21, $0x0  }
0x2e: {  	vm5 =	vgt.s32 v22, $0x0;
	vm7 =	vgt.s32 v47, $0x0;
	vm9 =	vgt.s32 v62, $0x0  }
0x2f: {  	v0 =	vnsel vm0, $0x0, v0;
	v3 =	vnsel vm13, $0x0, v3;
	v12 =	vnsel vm14, $0x0, v12  }
0x30: {  	v14 =	vnsel vm15, $0x0, v14;
	v34 =	vnsel vm4, $0x0, v21;
	v22 =	vnsel vm5, $0x0, v22  }
0x31: {  	v4 =	vmin.u32 v0, $0x1FF;
	v0 =	vmin.u32 v0, $0x1FE;
	v8 =	vmin.u32 v3, $0x1FF  }
0x32: {  	v3 =	vmin.u32 v3, $0x1FE;
	v15 =	vmin.u32 v12, $0x1FF;
	v16 =	vmin.u32 v14, $0x1FF  }
0x33: {  	v12 =	vmin.u32 v12, $0x1FE;
	v14 =	vmin.u32 v14, $0x1FE;
	v21 =	vmin.u32 v34, $0x1FF  }
0x34: {  	v35 =	vmin.u32 v22, $0x1FF;
	v36 =	vmin.u32 v22, $0x1FE;
	v6 =	vcvt.s32.f32 v4  }
0x35: {  	v9 =	vadd.s32 $0x1, v0;
	v0 =	vbroadcast v5, $0x0;
	v10 =	vcvt.s32.f32 v8  }
0x36: {  	v8 =	vshll.u32 v8, $0x9;
	v3 =	vshll.u32 v3, $0x9;
	v17 =	vcvt.s32.f32 v15  }
0x37: {  	v30 =	vadd.s32 $0x1, v12;
	v31 =	vcvt.s32.f32 v16;
	v16 =	vshll.u32 v16, $0x9  }
0x38: {  	v14 =	vshll.u32 v14, $0x9;
	v24 =	vcvt.s32.f32 v21;
	v37 =	vcvt.s32.f32 v35  }
0x39: {  	v6 =	vsub.f32 v1, v6;
	v1 =	vor.u32 $0x200, v0;
	v2 =	vsub.f32 v2, v10  }
0x3a: {  	v8 =	vor.u32 v0, v8;
	v7 =	vsub.f32 v7, v17;
	v5 =	vsub.f32 v27, v31  }
0x3b: {  	v32 =	vor.u32 v0, v16;
	v10 =	vshll.u32 v35, $0x9;
	v38 =	vsub.f32 v18, v24  }
0x3c: {  	v39 =	vsub.f32 v19, v37;
	v19 =	vcvt.f32.s32 v43;
	v18 =	vnsel vm9, $0x0, v62  }
0x3d: {  	v3 =	vadd.s32 v3, v1;
	v28 =	vor.u32 v4, v8;
	v8 =	vadd.s32 v9, v8  }
0x3e: {  	v14 =	vadd.s32 v14, v1;
	v16 =	vor.u32 v15, v32;
	v12 =	vadd.s32 v30, v32  }
0x3f: {  	v10 =	vor.u32 v0, v10;
	v11 =	vsub.f32 $1.000000000e+00, v6;
	v13 =	vsub.f32 $1.000000000e+00, v2;
	[tilespmem:$0x100] =	vst v28  }
0x40: {  	v4 =	vor.u32 v4, v3;
	v3 =	vadd.s32 v9, v3;
	v17 =	vsub.f32 $1.000000000e+00, v7;
	[tilespmem:$0x180] =	vst v8  }
0x41: {  	v20 =	vsub.f32 $1.000000000e+00, v5;
	v15 =	vor.u32 v15, v14;
	v8 =	vshll.u32 v36, $0x9;
	[tilespmem:$0x110] =	vst v16  }
0x42: {  	v40 =	vor.u32 v21, v10;
	v42 =	vsub.f32 $1.000000000e+00, v38;
	v44 =	vsub.f32 $1.000000000e+00, v39;
	[tilespmem:$0x190] =	vst v12  }
0x43: {  	vm6 =	vgt.s32 v19, $0x0;
	v28 =	vmin.u32 v18, $0x1FF;
	[tilespmem:$0x280] =	vst v3;
	v3 =	vmul.f32 v39, v38  }
0x44: {  	[tilespmem:$0x200] =	vst v4;
	v8 =	vadd.s32 v8, v1;
	v32 =	vcvt.s32.f32 v28;
	v29 =	vmul.f32 v13, v11  }
0x45: {  	v49 =	vnsel vm6, $0x0, v19;
	[tilespmem:$0x210] =	vst v15;
	v13 =	vmul.f32 v13, v6;
	v11 =	vmul.f32 v11, v2  }
0x46: {  	v27 =	vld [tilespmem:$0x50];
	[tilespmem:$0x120] =	vst v40;
	v2 =	vmul.f32 v2, v6;
	v6 =	vadd.s32 v30, v14;
	v33 =	vmul.f32 v20, v17  }
0x47: {  	v20 =	vmul.f32 v20, v7;
	v17 =	vmul.f32 v17, v5;
	v46 =	vor.u32 v21, v8;
	[tilespmem:$0x290] =	vst v6  }
0x48: {  	v5 =	vmul.f32 v5, v7;
	v7 =	vmin.u32 v34, $0x1FE;
	v48 =	vmul.f32 v44, v42;
	[tilespmem:$0x220] =	vst v46  }
0x49: {  	v50 =	vmin.u32 v49, $0x1FF;
	v16 =	vmin.u32 v49, $0x1FE;
	v7 =	vadd.s32 $0x1, v7;
	[tilespmem:$0x4A0] =	vst v3  }
0x4a: {  	v53 =	vcvt.s32.f32 v50;
	v55 =	vadd.s32 $0x1, v16;
	v34 =	vsub.f32 v54, v32;
	[tilespmem:$0x380] =	vst v13  }
0x4b: {  	v36 =	vtrunc.f32 v27;
	v41 =	vadd.s32 v7, v10;
	v7 =	vadd.s32 v7, v8;
	[tilespmem:$0x480] =	vst v2  }
0x4c: {  	v13 =	vmul.f32 v44, v38;
	v10 =	vmul.f32 v42, v39;
	v8 =	vnsel vm7, $0x0, v47;
	[tilespmem:$0x310] =	vst v33  }
0x4d: {  	[tilespmem:$0x390] =	vst v20;
	v20 =	vcvt.f32.s32 v59;
	v33 =	vmin.u32 v18, $0x1FE;
	v2 =	vshll.u32 v28, $0x9  }
0x4e: {  	v30 =	vld [tilespmem:$0xD0];
	[tilespmem:$0x300] =	vst v29;
	v37 =	vcvt.f32.s32 v36;
	v52 =	vmin.u32 v8, $0x1FF;
	v8 =	vmin.u32 v8, $0x1FE  }
0x4f: {  	[tilespmem:$0x400] =	vst v11;
	v57 =	vsub.f32 v23, v53;
	v2 =	vor.u32 v0, v2;
	v40 =	vsub.f32 $1.000000000e+00, v34  }
0x50: {  	[tilespmem:$0x410] =	vst v17;
	v56 =	vcvt.s32.f32 v52;
	v15 =	vshll.u32 v52, $0x9;
	v8 =	vshll.u32 v8, $0x9  }
0x51: {  	vm8 =	vgt.s32 v20, $0x0;
	[tilespmem:$0x420] =	vst v10;
	v10 =	vshll.u32 v33, $0x9;
	vm10 =	vgt.s32 v37, $0x0  }
0x52: {  	[tilespmem:$0x490] =	vst v5;
	v15 =	vor.u32 v0, v15;
	v8 =	vadd.s32 v8, v1;
	v19 =	vsub.f32 $1.000000000e+00, v57  }
0x53: {  	[tilespmem:$0x320] =	vst v48;
	v47 =	vld [tilespmem:$0x60];
	v24 =	vnsel vm8, $0x0, v20;
	v10 =	vadd.s32 v10, v1;
	v38 =	vtrunc.f32 v30  }
0x54: {  	v28 =	vld [tilespmem:$0xF0];
	[tilespmem:$0x1A0] =	vst v41;
	v43 =	vnsel vm10, $0x0, v37;
	v16 =	vsub.f32 v25, v56;
	v58 =	vor.u32 v50, v15  }
0x55: {  	[tilespmem:$0x2A0] =	vst v7;
	v15 =	vadd.s32 v55, v15;
	v4 =	vor.u32 v50, v8;
	v6 =	vadd.s32 v55, v8  }
0x56: {  	[tilespmem:$0x3A0] =	vst v13;
	v26 =	vmin.u32 v24, $0x1FF;
	v9 =	vmin.u32 v24, $0x1FE;
	v45 =	vmin.u32 v43, $0x1FF  }
0x57: {  	v29 =	vcvt.s32.f32 v26;
	v9 =	vadd.s32 $0x1, v9;
	[tilespmem:$0x130] =	vst v58;
	v35 =	vor.u32 v26, v2  }
0x58: {  	[tilespmem:$0x1B0] =	vst v15;
	v41 =	vor.u32 v26, v10;
	v49 =	vcvt.s32.f32 v45;
	v58 =	vtrunc.f32 v47  }
0x59: {  	v50 =	vld [tilespmem:$0xE0];
	[tilespmem:$0x230] =	vst v4;
	v37 =	vtrunc.f32 v28;
	v60 =	vsub.f32 $1.000000000e+00, v16;
	v25 =	vmul.f32 v19, v16  }
0x5a: {  	v24 =	vld [tilespmem:$0x70];
	[tilespmem:$0x2B0] =	vst v6;
	v31 =	vmul.f32 v16, v57;
	v2 =	vadd.s32 v9, v2;
	v16 =	vcvt.f32.s32 v38  }
0x5b: {  	v9 =	vadd.s32 v9, v10;
	v10 =	vmin.u32 v43, $0x1FE;
	[tilespmem:$0x140] =	vst v35;
	v12 =	vsub.f32 v51, v29  }
0x5c: {  	[tilespmem:$0x240] =	vst v41;
	v10 =	vadd.s32 $0x1, v10;
	v53 =	vsub.f32 v27, v49;
	v63 =	vmul.f32 v60, v19  }
0x5d: {  	[tilespmem:$0x1C0] =	vst v2;
	v5 =	vmul.f32 v60, v57;
	vm11 =	vgt.s32 v16, $0x0;
	v44 =	vmul.f32 v40, v12  }
0x5e: {  	[tilespmem:$0x2C0] =	vst v9;
	v39 =	vsub.f32 $1.000000000e+00, v12;
	v3 =	vmul.f32 v34, v12;
	v12 =	vcvt.f32.s32 v58  }
0x5f: {  	[tilespmem:$0x430] =	vst v25;
	v46 =	vnsel vm11, $0x0, v16;
	v60 =	vtrunc.f32 v50;
	v35 =	vtrunc.f32 v24  }
0x60: {  	[tilespmem:$0x4B0] =	vst v31;
	v48 =	vmin.u32 v46, $0x1FF;
	v52 =	vmin.u32 v46, $0x1FE;
	v62 =	vcvt.f32.s32 v60  }
0x61: {  	[tilespmem:$0x330] =	vst v63;
	v63 =	vsub.f32 $1.000000000e+00, v53;
	v36 =	vcvt.f32.s32 v35;
	v42 =	vmul.f32 v40, v39  }
0x62: {  	[tilespmem:$0x3B0] =	vst v5;
	v4 =	vmul.f32 v39, v34;
	v51 =	vcvt.s32.f32 v48;
	v7 =	vshll.u32 v48, $0x9  }
0x63: {  	v55 =	vshll.u32 v52, $0x9;
	[tilespmem:$0x3C0] =	vst v44;
	vm12 =	vgt.s32 v12, $0x0;
	v56 =	vor.u32 v0, v7  }
0x64: {  	[tilespmem:$0x4C0] =	vst v3;
	v57 =	vadd.s32 v55, v1;
	v21 =	vnsel vm12, $0x0, v12;
	vm13 =	vgt.s32 v62, $0x0  }
0x65: {  	vm14 =	vgt.s32 v36, $0x0;
	v54 =	vsub.f32 v30, v51;
	v59 =	vor.u32 v45, v56;
	[tilespmem:$0x340] =	vst v42  }
0x66: {  	v6 =	vadd.s32 v10, v56;
	v61 =	vor.u32 v45, v57;
	[tilespmem:$0x440] =	vst v4;
	v20 =	vadd.s32 v10, v57  }
0x67: {  	v23 =	vmin.u32 v21, $0x1FF;
	v11 =	vnsel vm13, $0x0, v62;
	v29 =	vmin.u32 v21, $0x1FE;
	[tilespmem:$0x150] =	vst v59  }
0x68: {  	v9 =	vnsel vm14, $0x0, v36;
	v26 =	vmin.u32 v11, $0x1FF;
	v27 =	vcvt.s32.f32 v23;
	[tilespmem:$0x1D0] =	vst v6  }
0x69: {  	[tilespmem:$0x250] =	vst v61;
	v6 =	vadd.s32 $0x1, v29;
	v32 =	vmin.u32 v11, $0x1FE;
	v5 =	vmul.f32 v63, v54  }
0x6a: {  	[tilespmem:$0x2D0] =	vst v20;
	v11 =	vcvt.f32.s32 v37;
	v2 =	vmul.f32 v54, v53;
	v33 =	vshll.u32 v26, $0x9  }
0x6b: {  	v43 =	vmin.u32 v9, $0x1FF;
	v19 =	vsub.f32 $1.000000000e+00, v54;
	v34 =	vor.u32 v0, v33;
	[tilespmem:$0x450] =	vst v5  }
0x6c: {  	v30 =	vcvt.s32.f32 v26;
	v4 =	vshll.u32 v32, $0x9;
	v38 =	vor.u32 v23, v34;
	[tilespmem:$0x4D0] =	vst v2  }
0x6d: {  	v31 =	vsub.f32 v47, v27;
	v4 =	vadd.s32 v4, v1;
	v3 =	vadd.s32 v6, v34;
	[tilespmem:$0x160] =	vst v38  }
0x6e: {  	vm15 =	vgt.s32 v11, $0x0;
	v22 =	vmul.f32 v19, v63;
	v39 =	vor.u32 v23, v4;
	[tilespmem:$0x1E0] =	vst v3  }
0x6f: {  	v7 =	vsub.f32 v50, v30;
	v42 =	vadd.s32 v6, v4;
	v40 =	vsub.f32 $1.000000000e+00, v31;
	[tilespmem:$0x260] =	vst v39  }
0x70: {  	v46 =	vcvt.s32.f32 v43;
	v25 =	vmul.f32 v19, v53;
	v44 =	vnsel vm15, $0x0, v11;
	[tilespmem:$0x2E0] =	vst v42  }
0x71: {  	v54 =	vmin.u32 v9, $0x1FE;
	v11 =	vmin.u32 v44, $0x1FF;
	[tilespmem:$0x350] =	vst v22;
	v49 =	vmul.f32 v40, v7  }
0x72: {  	[tilespmem:$0x3D0] =	vst v25;
	v41 =	vsub.f32 $1.000000000e+00, v7;
	v53 =	vshll.u32 v11, $0x9;
	v7 =	vmul.f32 v7, v31  }
0x73: {  	v50 =	vsub.f32 v24, v46;
	v52 =	vmin.u32 v44, $0x1FE;
	v0 =	vor.u32 v0, v53;
	[tilespmem:$0x460] =	vst v49  }
0x74: {  	v2 =	vadd.s32 $0x1, v54;
	v5 =	vshll.u32 v52, $0x9;
	v55 =	vor.u32 v43, v0;
	[tilespmem:$0x4E0] =	vst v7  }
0x75: {  	v48 =	vcvt.s32.f32 v11;
	v1 =	vadd.s32 v5, v1;
	v0 =	vadd.s32 v2, v0;
	[tilespmem:$0x170] =	vst v55  }
0x76: {  	v56 =	vsub.f32 $1.000000000e+00, v50;
	v58 =	vor.u32 v43, v1;
	[tilespmem:$0x1F0] =	vst v0  }
0x77: {  	v45 =	vmul.f32 v41, v40;
	v51 =	vsub.f32 v28, v48;
	v59 =	vadd.s32 v2, v1;
	[tilespmem:$0x270] =	vst v58  }
0x78: {  	v47 =	vmul.f32 v41, v31;
	[tilespmem:$0x2F0] =	vst v59  }
0x79: {  	[tilespmem:$0x360] =	vst v45;
	v57 =	vsub.f32 $1.000000000e+00, v51;
	v62 =	vmul.f32 v56, v51  }
0x7a: {  	[tilespmem:$0x3E0] =	vst v47;
	v63 =	vmul.f32 v51, v50  }
0x7b: {  	v60 =	vmul.f32 v57, v56;
	[tilespmem:$0x470] =	vst v62  }
0x7c: {  	v61 =	vmul.f32 v57, v50;
	[tilespmem:$0x4F0] =	vst v63  }
0x7d: {  	[tilespmem:$0x370] =	vst v60  }
0x7e: {  	[tilespmem:$0x3F0] =	vst v61  }
0x7f: {  	[tilespmem:s12], [sflag:$0x1] =	stream.indirect.gather [hbm4b:s1+s10], $0x60, s11, s10, $0xb8;
	[tilespmem:$0xF500] =	vst v63  }
0x80: {  	_ = 	snop  }
0x81: {  	[tilespmem:s14], [sflag:$0x1] =	stream.indirect.gather [hbm4b:s1+s10], $0x60, s13, s10, $0xb8;
	[tilespmem:$0xF500] =	vst v63  }
0x82: {  	_ = 	snop  }
0x83: {  	[tilespmem:s16], [sflag:$0x1] =	stream.indirect.gather [hbm4b:s1+s10], $0x60, s15, s10, $0xb8;
	[tilespmem:$0xF500] =	vst v63  }
0x84: {  	_ = 	snop  }
0x85: {  	[tilespmem:s18], [sflag:$0x1] =	stream.indirect.gather [hbm4b:s1+s10], $0x60, s17, s10, $0xb8;
	[tilespmem:$0xF500] =	vst v63  }
0x86: {  	_ =	swait.ge [sflag:s19], $0x3000  }
0x87: {  	[sflag:s19] =	ssyncset.done $0x0  }
0x88: {  	[sflag:s19] =	ssyncadd.s32 $0xFFFFD000  }
0x89: {  	_ =	swait.ge [sflag:s19], $0x3000  }
0x8a: {  	[sflag:s19] =	ssyncset.done $0x0  }
0x8b: {  	[sflag:s19] =	ssyncadd.s32 $0xFFFFD000  }
0x8c: {  	_ =	swait.ge [sflag:s19], $0x3000  }
0x8d: {  	[sflag:s19] =	ssyncset.done $0x0  }
0x8e: {  	[sflag:s19] =	ssyncadd.s32 $0xFFFFD000  }
0x8f: {  	_ =	swait.ge [sflag:s19], $0x3000  }
0x90: {  	[sflag:s19] =	ssyncset.done $0x0  }
0x91: {  	[sflag:s19] =	ssyncadd.s32 $0xFFFFD000  }
.LBB2_3:
0x92: {  	s25 =	smul.u32 $0x600, s24;
	_ =	sdelay $0x1  }
0x93: {  	v59 =	vld [tilespmem:s25+$0x65E0];
	_ =	sdelay $0x4  }
0x94: {  	[tilespmem:$0x1F2B0] =	vst v59;
	v59 =	vld [tilespmem:s25+$0x95E0];
	_ =	sdelay $0x4  }
0x95: {  	[tilespmem:$0x1F2E0] =	vst v59;
	v59 =	vld [tilespmem:s25+$0x5F0];
	_ =	sdelay $0x4  }
0x96: {  	[tilespmem:$0x1F280] =	vst v59;
	v59 =	vld [tilespmem:s25+$0x35F0];
	_ =	sdelay $0x4  }
0x97: {  	[tilespmem:$0x1F290] =	vst v59;
	v59 =	vld [tilespmem:s25+$0x65F0];
	_ =	sdelay $0x4  }
0x98: {  	[tilespmem:$0x1F2D0] =	vst v59;
	v59 =	vld [tilespmem:s25+$0x95F0];
	_ =	sdelay $0x4  }
0x99: {  	[tilespmem:$0x1F2F0] =	vst v59;
	v59 =	vld [tilespmem:s25+$0x600];
	_ =	sdelay $0x4  }
0x9a: {  	[tilespmem:$0x1F300] =	vst v59;
	v59 =	vld [tilespmem:s25+$0x3600];
	_ =	sdelay $0x4  }
0x9b: {  	[tilespmem:$0x1F310] =	vst v59;
	v59 =	vld [tilespmem:s25+$0x6600];
	_ =	sdelay $0x4  }
0x9c: {  	[tilespmem:$0x1F340] =	vst v59;
	v59 =	vld [tilespmem:s25+$0x9600];
	_ =	sdelay $0x4  }
0x9d: {  	[tilespmem:$0x1F360] =	vst v59;
	v59 =	vld [tilespmem:s25+$0x610];
	_ =	sdelay $0x4  }
0x9e: {  	[tilespmem:$0x1F320] =	vst v59;
	v59 =	vld [tilespmem:s25+$0x3610];
	_ =	sdelay $0x4  }
0x9f: {  	[tilespmem:$0x1F330] =	vst v59;
	v59 =	vld [tilespmem:s25+$0x6610];
	_ =	sdelay $0x4  }
0xa0: {  	[tilespmem:$0x1F350] =	vst v59;
	v59 =	vld [tilespmem:s25+$0x9610];
	_ =	sdelay $0x4  }
0xa1: {  	[tilespmem:$0x1F370] =	vst v59;
	v59 =	vld [tilespmem:s25+$0x620];
	_ =	sdelay $0x4  }
0xa2: {  	[tilespmem:$0x1F380] =	vst v59;
	v59 =	vld [tilespmem:s25+$0x3620];
	_ =	sdelay $0x4  }
0xa3: {  	[tilespmem:$0x1F390] =	vst v59;
	v59 =	vld [tilespmem:s25+$0x6620];
	_ =	sdelay $0x4  }
0xa4: {  	[tilespmem:$0x1F3C0] =	vst v59;
	v59 =	vld [tilespmem:s25+$0x9620];
	_ =	sdelay $0x4  }
0xa5: {  	[tilespmem:$0x1F3D0] =	vst v59;
	v59 =	vld [tilespmem:s25+$0x630];
	_ =	sdelay $0x4  }
0xa6: {  	[tilespmem:$0x1F3A0] =	vst v59;
	v59 =	vld [tilespmem:s25+$0x3630];
	_ =	sdelay $0x4  }
0xa7: {  	[tilespmem:$0x1F3B0] =	vst v59;
	v59 =	vld [tilespmem:s25+$0x6630];
	_ =	sdelay $0x4  }
0xa8: {  	[tilespmem:$0x1F3E0] =	vst v59;
	v59 =	vld [tilespmem:s25+$0x9630];
	_ =	sdelay $0x4  }
0xa9: {  	[tilespmem:$0x1F3F0] =	vst v59;
	v59 =	vld [tilespmem:s25+$0x640];
	_ =	sdelay $0x4  }
0xaa: {  	[tilespmem:$0x1F400] =	vst v59;
	v59 =	vld [tilespmem:s25+$0x3640];
	_ =	sdelay $0x4  }
0xab: {  	[tilespmem:$0x1F410] =	vst v59;
	v59 =	vld [tilespmem:s25+$0x6640];
	_ =	sdelay $0x4  }
0xac: {  	[tilespmem:$0x1F440] =	vst v59;
	v59 =	vld [tilespmem:s25+$0x9640];
	_ =	sdelay $0x4  }
0xad: {  	[tilespmem:$0x1F460] =	vst v59;
	v59 =	vld [tilespmem:s25+$0x650];
	_ =	sdelay $0x4  }
0xae: {  	[tilespmem:$0x1F420] =	vst v59;
	v59 =	vld [tilespmem:s25+$0x3650];
	_ =	sdelay $0x4  }
0xaf: {  	[tilespmem:$0x1F430] =	vst v59;
	v59 =	vld [tilespmem:s25+$0x6650];
	_ =	sdelay $0x4  }
0xb0: {  	[tilespmem:$0x1F450] =	vst v59;
	v59 =	vld [tilespmem:s25+$0x9650];
	_ =	sdelay $0x4  }
0xb1: {  	[tilespmem:$0x1F490] =	vst v59;
	v59 =	vld [tilespmem:s25+$0x660];
	_ =	sdelay $0x4  }
0xb2: {  	[tilespmem:$0x1F470] =	vst v59;
	v59 =	vld [tilespmem:s25+$0x3660];
	_ =	sdelay $0x4  }
0xb3: {  	[tilespmem:$0x1F4A0] =	vst v59;
	v59 =	vld [tilespmem:s25+$0x6660];
	_ =	sdelay $0x4  }
0xb4: {  	[tilespmem:$0x1F4C0] =	vst v59;
	v59 =	vld [tilespmem:s25+$0x9660];
	_ =	sdelay $0x4  }
0xb5: {  	[tilespmem:$0x1F4E0] =	vst v59;
	v59 =	vld [tilespmem:s25+$0x670];
	_ =	sdelay $0x4  }
0xb6: {  	[tilespmem:$0x1F480] =	vst v59;
	v59 =	vld [tilespmem:s25+$0x3670];
	_ =	sdelay $0x4  }
0xb7: {  	[tilespmem:$0x1F4B0] =	vst v59;
	v59 =	vld [tilespmem:s25+$0x6670];
	_ =	sdelay $0x4  }
0xb8: {  	[tilespmem:$0x1F4D0] =	vst v59;
	v59 =	vld [tilespmem:s25+$0x9670];
	_ =	sdelay $0x4  }
0xb9: {  	[tilespmem:$0x1F4F0] =	vst v59;
	v59 =	vld [tilespmem:s25+$0x680];
	_ =	sdelay $0x4  }
0xba: {  	[tilespmem:$0x1F500] =	vst v59;
	v59 =	vld [tilespmem:s25+$0x3680];
	_ =	sdelay $0x4  }
0xbb: {  	[tilespmem:$0x1F510] =	vst v59;
	v59 =	vld [tilespmem:s25+$0x6680];
	_ =	sdelay $0x4  }
0xbc: {  	[tilespmem:$0x1F540] =	vst v59;
	v59 =	vld [tilespmem:s25+$0x9680];
	_ =	sdelay $0x4  }
0xbd: {  	[tilespmem:$0x1F550] =	vst v59;
	v59 =	vld [tilespmem:s25+$0x690];
	_ =	sdelay $0x4  }
0xbe: {  	[tilespmem:$0x1F520] =	vst v59;
	v59 =	vld [tilespmem:s25+$0x3690];
	_ =	sdelay $0x4  }
0xbf: {  	[tilespmem:$0x1F530] =	vst v59;
	v59 =	vld [tilespmem:s25+$0x6690];
	_ =	sdelay $0x1  }
0xc0: {  	s26 =	sshll.u32 s24, $0x4  }
0xc1: {  	v19 =	vld [tilespmem:s26+$0x300]  }
0xc2: {  	v20 =	vld [tilespmem:s26+$0x380]  }
0xc3: {  	[tilespmem:$0x1F560] =	vst v59;
	v59 =	vld [tilespmem:s25+$0x9690]  }
0xc4: {  	v22 =	vld [tilespmem:s26+$0x400]  }
0xc5: {  	v21 =	vld [tilespmem:s26+$0x480]  }
0xc6: {  	v6 =	vld [tilespmem:s25+$0x500]  }
0xc7: {  	v7 =	vld [tilespmem:s25+$0x3500]  }
0xc8: {  	[tilespmem:$0x1F5B0] =	vst v59;
	v59 =	vld [tilespmem:s25+$0x6A0]  }
0xc9: {  	v12 =	vld [tilespmem:s25+$0x6500]  }
0xca: {  	v13 =	vld [tilespmem:s25+$0x9500]  }
0xcb: {  	v10 =	vld [tilespmem:s25+$0x510]  }
0xcc: {  	v11 =	vld [tilespmem:s25+$0x3510]  }
0xcd: {  	[tilespmem:$0x1F570] =	vst v59;
	v59 =	vld [tilespmem:s25+$0x36A0]  }
0xce: {  	v14 =	vld [tilespmem:s25+$0x6510]  }
0xcf: {  	v15 =	vld [tilespmem:s25+$0x9510]  }
0xd0: {  	v16 =	vld [tilespmem:s25+$0x520]  }
0xd1: {  	v17 =	vld [tilespmem:s25+$0x3520]  }
0xd2: {  	[tilespmem:$0x1F580] =	vst v59;
	v59 =	vld [tilespmem:s25+$0x66A0]  }
0xd3: {  	v5 =	vld [tilespmem:s25+$0x6520]  }
0xd4: {  	v25 =	vld [tilespmem:s25+$0x9520]  }
0xd5: {  	v18 =	vld [tilespmem:s25+$0x530]  }
0xd6: {  	v4 =	vld [tilespmem:s25+$0x3530]  }
0xd7: {  	[tilespmem:$0x1F5C0] =	vst v59;
	v59 =	vld [tilespmem:s25+$0x96A0]  }
0xd8: {  	v8 =	vld [tilespmem:s25+$0x6530]  }
0xd9: {  	v26 =	vld [tilespmem:s25+$0x9530]  }
0xda: {  	v23 =	vld [tilespmem:s25+$0x540]  }
0xdb: {  	v28 =	vld [tilespmem:s25+$0x3540]  }
0xdc: {  	[tilespmem:$0x1F5E0] =	vst v59;
	v59 =	vld [tilespmem:s25+$0x6B0]  }
0xdd: {  	v29 =	vld [tilespmem:s25+$0x6540]  }
0xde: {  	v34 =	vld [tilespmem:s25+$0x9540]  }
0xdf: {  	v9 =	vld [tilespmem:s25+$0x550]  }
0xe0: {  	v24 =	vld [tilespmem:s25+$0x3550]  }
0xe1: {  	[tilespmem:$0x1F590] =	vst v59;
	v59 =	vld [tilespmem:s25+$0x36B0]  }
0xe2: {  	v27 =	vld [tilespmem:s25+$0x6550]  }
0xe3: {  	v30 =	vld [tilespmem:s25+$0x9550]  }
0xe4: {  	v31 =	vld [tilespmem:s25+$0x560]  }
0xe5: {  	v32 =	vld [tilespmem:s25+$0x3560]  }
0xe6: {  	[tilespmem:$0x1F5A0] =	vst v59;
	v59 =	vld [tilespmem:s25+$0x66B0]  }
0xe7: {  	v36 =	vld [tilespmem:s25+$0x6560]  }
0xe8: {  	v42 =	vld [tilespmem:s25+$0x9560]  }
0xe9: {  	v33 =	vld [tilespmem:s25+$0x570]  }
0xea: {  	v35 =	vld [tilespmem:s25+$0x3570]  }
0xeb: {  	[tilespmem:$0x1F5D0] =	vst v59;
	v59 =	vld [tilespmem:s25+$0x96B0]  }
0xec: {  	v37 =	vld [tilespmem:s25+$0x6570]  }
0xed: {  	v45 =	vld [tilespmem:s25+$0x9570]  }
0xee: {  	v40 =	vld [tilespmem:s25+$0x580]  }
0xef: {  	v41 =	vld [tilespmem:s25+$0x3580]  }
0xf0: {  	[tilespmem:$0x1F5F0] =	vst v59;
	v59 =	vld [tilespmem:s25+$0x6C0]  }
0xf1: {  	v44 =	vld [tilespmem:s25+$0x6580]  }
0xf2: {  	v49 =	vld [tilespmem:s25+$0x9580]  }
0xf3: {  	v38 =	vld [tilespmem:s25+$0x590]  }
0xf4: {  	v39 =	vld [tilespmem:s25+$0x3590]  }
0xf5: {  	[tilespmem:$0x1F600] =	vst v59;
	v59 =	vld [tilespmem:s25+$0x36C0]  }
0xf6: {  	v43 =	vld [tilespmem:s25+$0x6590]  }
0xf7: {  	v48 =	vld [tilespmem:s25+$0x9590]  }
0xf8: {  	v47 =	vld [tilespmem:s25+$0x5A0]  }
0xf9: {  	v51 =	vld [tilespmem:s25+$0x35A0]  }
0xfa: {  	[tilespmem:$0x1F620] =	vst v59;
	v59 =	vld [tilespmem:s25+$0x66C0]  }
0xfb: {  	v53 =	vld [tilespmem:s25+$0x65A0]  }
0xfc: {  	v55 =	vld [tilespmem:s25+$0x95A0]  }
0xfd: {  	v46 =	vld [tilespmem:s25+$0x5B0]  }
0xfe: {  	v50 =	vld [tilespmem:s25+$0x35B0]  }
0xff: {  	[tilespmem:$0x1F640] =	vst v59;
	v59 =	vld [tilespmem:s25+$0x96C0]  }
0x100: {  	v52 =	vld [tilespmem:s25+$0x65B0]  }
0x101: {  	v56 =	vld [tilespmem:s25+$0x95B0]  }
0x102: {  	v54 =	vld [tilespmem:s25+$0x5C0]  }
0x103: {  	v57 =	vld [tilespmem:s25+$0x35C0]  }
0x104: {  	[tilespmem:$0x1F660] =	vst v59;
	v59 =	vld [tilespmem:s25+$0x6D0]  }
0x105: {  	v0 =	vld [tilespmem:s25+$0x65C0]  }
0x106: {  	v1 =	vld [tilespmem:s25+$0x6730]  }
0x107: {  	v60 =	vld [tilespmem:s25+$0x95C0]  }
0x108: {  	v62 =	vld [tilespmem:s25+$0x5D0]  }
0x109: {  	[tilespmem:$0x1F610] =	vst v59;
	v59 =	vld [tilespmem:s25+$0x36D0]  }
0x10a: {  	v63 =	vld [tilespmem:s25+$0x35D0];
	v2 =	vbroadcast v20, $0x0;
	[tilespmem:$0x1F270] =	vst v0;
	v0 =	vbroadcast v19, $0x0  }
0x10b: {  	v58 =	vld [tilespmem:s25+$0x65D0];
	[tilespmem:$0x1F7D0] =	vst v1;
	v1 =	vbroadcast v22, $0x0  }
0x10c: {  	v61 =	vld [tilespmem:s25+$0x95D0];
	v7 =	vmul.f32 v7, v2;
	v6 =	vmul.f32 v6, v0  }
0x10d: {  	[tilespmem:$0x1F2A0] =	vst v60;
	v60 =	vld [tilespmem:s25+$0x5E0];
	v11 =	vmul.f32 v11, v2;
	v10 =	vmul.f32 v10, v0  }
0x10e: {  	v3 =	vbroadcast v21, $0x0;
	v6 =	vadd.f32 v7, v6;
	v7 =	vmul.f32 v12, v1;
	[tilespmem:$0x1F630] =	vst v59;
	v59 =	vld [tilespmem:s25+$0x66D0]  }
0x10f: {  	v10 =	vadd.f32 v11, v10;
	v11 =	vmul.f32 v14, v1;
	v14 =	vld [tilespmem:s25+$0x750]  }
0x110: {  	v12 =	vmul.f32 v13, v3;
	v13 =	vmul.f32 v15, v3;
	v15 =	vld [tilespmem:s25+$0x3750];
	v6 =	vadd.f32 v7, v6  }
0x111: {  	[tilespmem:$0x1F2C0] =	vst v61;
	v61 =	vld [tilespmem:s25+$0x35E0]  }
0x112: {  	v10 =	vadd.f32 v11, v10;
	v11 =	vmul.f32 v18, v0;
	v18 =	vadd.f32 v12, v6;
	v12 =	vld [tilespmem:s25+$0x9750]  }
0x113: {  	[tilespmem:$0x1F650] =	vst v59;
	v59 =	vld [tilespmem:s25+$0x96D0]  }
0x114: {  	[tilespmem:$0x1F820] =	vst v14;
	v14 =	vmul.f32 v17, v2;
	v17 =	vld [tilespmem:s25+$0x6750]  }
0x115: {  	[tilespmem:$0x1F830] =	vst v15;
	v15 =	vmul.f32 v4, v2;
	v4 =	vld [tilespmem:s25+$0x3800]  }
0x116: {  	[tilespmem:$0x1FB90] =	vst v18;
	v18 =	vld [tilespmem:s25+$0x760]  }
0x117: {  	v7 =	vmul.f32 v16, v0;
	v16 =	vadd.f32 v15, v11;
	v15 =	vld [tilespmem:s25+$0x3770]  }
0x118: {  	[tilespmem:$0x1F670] =	vst v59;
	v59 =	vld [tilespmem:s25+$0x6E0]  }
0x119: {  	v6 =	vadd.f32 v14, v7;
	v7 =	vmul.f32 v5, v1;
	v5 =	vld [tilespmem:s25+$0x3820]  }
0x11a: {  	v14 =	vadd.f32 v13, v10;
	[tilespmem:$0x1F860] =	vst v12;
	v12 =	vmul.f32 v23, v0;
	v23 =	vld [tilespmem:s25+$0x3760]  }
0x11b: {  	v0 =	vmul.f32 v9, v0;
	v9 =	vld [tilespmem:s25+$0x6760]  }
0x11c: {  	[tilespmem:$0x1FBA0] =	vst v14;
	v14 =	vmul.f32 v29, v1;
	v29 =	vld [tilespmem:s25+$0x6780]  }
0x11d: {  	[tilespmem:$0x1F680] =	vst v59;
	v59 =	vld [tilespmem:s25+$0x36E0]  }
0x11e: {  	[tilespmem:$0x1F850] =	vst v17;
	v17 =	vmul.f32 v8, v1;
	v8 =	vld [tilespmem:s25+$0x9760]  }
0x11f: {  	v1 =	vmul.f32 v27, v1;
	v27 =	vld [tilespmem:s25+$0x770]  }
0x120: {  	[tilespmem:$0x1F870] =	vst v18;
	v18 =	vmul.f32 v28, v2;
	v2 =	vmul.f32 v24, v2;
	v24 =	vld [tilespmem:s25+$0x9770]  }
0x121: {  	v28 =	vld [tilespmem:s25+$0x3780]  }
0x122: {  	v25 =	vmul.f32 v25, v3;
	v6 =	vadd.f32 v7, v6;
	[tilespmem:$0x1F690] =	vst v59;
	v59 =	vld [tilespmem:s25+$0x66E0]  }
0x123: {  	v11 =	vbroadcast v20, $0x1;
	v10 =	vadd.f32 v17, v16;
	v16 =	vmul.f32 v26, v3;
	v26 =	vld [tilespmem:s25+$0x6770]  }
0x124: {  	v17 =	vadd.f32 v25, v6;
	v25 =	vld [tilespmem:s25+$0x9780];
	v6 =	vadd.f32 v18, v12  }
0x125: {  	v18 =	vmul.f32 v32, v11;
	v32 =	vld [tilespmem:s25+$0x67A0];
	v13 =	vadd.f32 v16, v10;
	v10 =	vbroadcast v19, $0x1  }
0x126: {  	[tilespmem:$0x1FBB0] =	vst v17;
	v16 =	vmul.f32 v34, v3;
	v3 =	vmul.f32 v30, v3;
	v30 =	vld [tilespmem:s25+$0x780]  }
0x127: {  	v34 =	vmul.f32 v35, v11;
	v17 =	vmul.f32 v31, v10;
	[tilespmem:$0x1F6C0] =	vst v59;
	v59 =	vld [tilespmem:s25+$0x96E0]  }
0x128: {  	v0 =	vadd.f32 v2, v0;
	v33 =	vmul.f32 v33, v10;
	v31 =	vmul.f32 v39, v11;
	v39 =	vld [tilespmem:s25+$0x6790]  }
0x129: {  	v6 =	vadd.f32 v14, v6;
	[tilespmem:$0x1FBC0] =	vst v13;
	v13 =	vbroadcast v22, $0x1;
	v35 =	vadd.f32 v18, v17;
	v17 =	vld [tilespmem:s25+$0x790]  }
0x12a: {  	v0 =	vadd.f32 v1, v0;
	v1 =	vadd.f32 v34, v33;
	v34 =	vld [tilespmem:s25+$0x7A0]  }
0x12b: {  	v7 =	vmul.f32 v43, v13;
	v43 =	vld [tilespmem:s25+$0x7B0]  }
0x12c: {  	v2 =	vadd.f32 v16, v6;
	v6 =	vbroadcast v21, $0x1;
	[tilespmem:$0x1F720] =	vst v59;
	v59 =	vld [tilespmem:s25+$0x6F0]  }
0x12d: {  	v18 =	vmul.f32 v38, v10;
	v38 =	vld [tilespmem:s25+$0x97B0]  }
0x12e: {  	[tilespmem:$0x1FBE0] =	vst v2;
	v2 =	vmul.f32 v42, v6;
	v42 =	vmul.f32 v40, v10;
	v40 =	vld [tilespmem:s25+$0x37A0]  }
0x12f: {  	v14 =	vmul.f32 v49, v6;
	v49 =	vld [tilespmem:s25+$0x67B0]  }
0x130: {  	[tilespmem:$0x1F880] =	vst v15;
	v0 =	vadd.f32 v3, v0;
	v36 =	vmul.f32 v36, v13;
	v15 =	vmul.f32 v48, v6;
	v48 =	vld [tilespmem:$0x1F2C0]  }
0x131: {  	v37 =	vmul.f32 v37, v13;
	[tilespmem:$0x1F6A0] =	vst v59;
	v59 =	vld [tilespmem:s25+$0x36F0]  }
0x132: {  	v16 =	vmul.f32 v41, v11;
	[tilespmem:$0x1FC00] =	vst v0;
	v0 =	vadd.f32 v36, v35;
	v35 =	vld [tilespmem:s25+$0x3790]  }
0x133: {  	v1 =	vadd.f32 v37, v1;
	v37 =	vld [tilespmem:s25+$0x97A0]  }
0x134: {  	v44 =	vmul.f32 v44, v13;
	v33 =	vmul.f32 v50, v11;
	v36 =	vld [tilespmem:$0x1F290];
	v3 =	vadd.f32 v16, v42  }
0x135: {  	v42 =	vmul.f32 v45, v6;
	v45 =	vadd.f32 v31, v18;
	v31 =	vld [tilespmem:s25+$0x9790];
	v16 =	vmul.f32 v47, v10  }
0x136: {  	v18 =	vmul.f32 v51, v11;
	v11 =	vbroadcast v20, $0x2;
	[tilespmem:$0x1F6B0] =	vst v59;
	v59 =	vld [tilespmem:s25+$0x66F0]  }
0x137: {  	[tilespmem:$0x1F890] =	vst v17;
	v17 =	vmul.f32 v46, v10;
	v46 =	vmul.f32 v56, v6;
	v56 =	vld [tilespmem:$0x1F270]  }
0x138: {  	v51 =	vmul.f32 v57, v11;
	v57 =	vld [tilespmem:s25+$0x37C0]  }
0x139: {  	v12 =	vadd.f32 v44, v3;
	v3 =	vadd.f32 v18, v16;
	v16 =	vld [tilespmem:s25+$0x67C0]  }
0x13a: {  	v18 =	vld [tilespmem:s25+$0x97C0]  }
0x13b: {  	v0 =	vadd.f32 v2, v0;
	[tilespmem:$0x1F6D0] =	vst v59;
	v59 =	vld [tilespmem:s25+$0x96F0]  }
0x13c: {  	v10 =	vbroadcast v19, $0x2;
	[tilespmem:$0x1F8A0] =	vst v43;
	v43 =	vld [tilespmem:$0x1F2A0]  }
0x13d: {  	[tilespmem:$0x1FC10] =	vst v0;
	v0 =	vadd.f32 v7, v45;
	v45 =	vld [tilespmem:s25+$0x37B0]  }
0x13e: {  	v41 =	vmul.f32 v53, v13;
	v47 =	vmul.f32 v54, v10;
	v54 =	vld [tilespmem:s25+$0x7C0]  }
0x13f: {  	v1 =	vadd.f32 v42, v1;
	v53 =	vmul.f32 v63, v11;
	v63 =	vmul.f32 v60, v10;
	v60 =	vld [tilespmem:s25+$0x7E0]  }
0x140: {  	v7 =	vbroadcast v21, $0x2;
	[tilespmem:$0x1F740] =	vst v59;
	v59 =	vld [tilespmem:s25+$0x700]  }
0x141: {  	[tilespmem:$0x1FC20] =	vst v1;
	v1 =	vadd.f32 v14, v12;
	v14 =	vld [tilespmem:s25+$0x67E0]  }
0x142: {  	v50 =	vmul.f32 v48, v7;
	v48 =	vld [tilespmem:s25+$0x97F0]  }
0x143: {  	v44 =	vmul.f32 v55, v6;
	v55 =	vadd.f32 v51, v47;
	v47 =	vld [tilespmem:s25+$0x37D0]  }
0x144: {  	v12 =	vbroadcast v22, $0x2;
	v51 =	vld [tilespmem:$0x1F2D0]  }
0x145: {  	v42 =	vmul.f32 v52, v13;
	v0 =	vadd.f32 v15, v0;
	[tilespmem:$0x1F6E0] =	vst v59;
	v59 =	vld [tilespmem:s25+$0x3700]  }
0x146: {  	v52 =	vmul.f32 v62, v10;
	v62 =	vmul.f32 v58, v12;
	v58 =	vld [tilespmem:$0x1F2F0]  }
0x147: {  	[tilespmem:$0x1FC50] =	vst v0;
	v0 =	vadd.f32 v33, v17;
	v33 =	vld [tilespmem:$0x1F280]  }
0x148: {  	v2 =	vadd.f32 v41, v3;
	v3 =	vmul.f32 v56, v12;
	v56 =	vld [tilespmem:s25+$0x97D0]  }
0x149: {  	[tilespmem:$0x1FC40] =	vst v1;
	v17 =	vmul.f32 v61, v11;
	v61 =	vld [tilespmem:$0x1F300]  }
0x14a: {  	[tilespmem:$0x1F6F0] =	vst v59;
	v59 =	vld [tilespmem:s25+$0x6700]  }
0x14b: {  	v1 =	vadd.f32 v44, v2;
	[tilespmem:$0x1F920] =	vst v18;
	v18 =	vld [tilespmem:s25+$0x97E0]  }
0x14c: {  	[tilespmem:$0x1F8B0] =	vst v45;
	v45 =	vld [tilespmem:$0x1F2B0]  }
0x14d: {  	[tilespmem:$0x1FC70] =	vst v1;
	v1 =	vadd.f32 v53, v52;
	v53 =	vld [tilespmem:s25+$0x67D0]  }
0x14e: {  	v0 =	vadd.f32 v42, v0;
	v42 =	vld [tilespmem:s25+$0x7D0]  }
0x14f: {  	[tilespmem:$0x1F730] =	vst v59;
	v59 =	vld [tilespmem:s25+$0x9700]  }
0x150: {  	v1 =	vadd.f32 v62, v1;
	v62 =	vld [tilespmem:$0x1F310]  }
0x151: {  	v0 =	vadd.f32 v46, v0;
	[tilespmem:$0x1F8F0] =	vst v47;
	v47 =	vld [tilespmem:s25+$0x67F0]  }
0x152: {  	v2 =	vmul.f32 v33, v10;
	v33 =	vld [tilespmem:s25+$0x7F0]  }
0x153: {  	[tilespmem:$0x1FC90] =	vst v0;
	v0 =	vadd.f32 v3, v55;
	v55 =	vld [tilespmem:$0x1F2E0]  }
0x154: {  	[tilespmem:$0x1F760] =	vst v59;
	v59 =	vld [tilespmem:s25+$0x710]  }
0x155: {  	v3 =	vadd.f32 v17, v63;
	v63 =	vld [tilespmem:s25+$0x37E0]  }
0x156: {  	[tilespmem:$0x1F8E0] =	vst v42;
	v42 =	vld [tilespmem:s25+$0x37F0]  }
0x157: {  	v44 =	vmul.f32 v43, v7;
	v46 =	vmul.f32 v45, v12;
	v15 =	vld [tilespmem:$0x1F340]  }
0x158: {  	v41 =	vmul.f32 v36, v11;
	[tilespmem:$0x1F8C0] =	vst v54;
	v36 =	vld [tilespmem:$0x1F360]  }
0x159: {  	v0 =	vadd.f32 v44, v0;
	v54 =	vadd.f32 v46, v3;
	v3 =	vmul.f32 v55, v7;
	[tilespmem:$0x1F700] =	vst v59;
	v59 =	vld [tilespmem:s25+$0x3710]  }
0x15a: {  	[tilespmem:$0x1F8D0] =	vst v57;
	v6 =	vld [tilespmem:$0x1F320]  }
0x15b: {  	[tilespmem:$0x1FCA0] =	vst v0;
	v0 =	vadd.f32 v3, v54;
	v13 =	vld [tilespmem:$0x1F330]  }
0x15c: {  	[tilespmem:$0x1F900] =	vst v16;
	v52 =	vmul.f32 v51, v12;
	v2 =	vadd.f32 v41, v2;
	v16 =	vld [tilespmem:$0x1F350]  }
0x15d: {  	v3 =	vmul.f32 v62, v11;
	[tilespmem:$0x1FCD0] =	vst v0;
	v0 =	vmul.f32 v61, v10;
	v41 =	vld [tilespmem:$0x1F370]  }
0x15e: {  	v1 =	vadd.f32 v50, v1;
	v57 =	vadd.f32 v52, v2;
	v2 =	vmul.f32 v58, v7;
	[tilespmem:$0x1F710] =	vst v59;
	v59 =	vld [tilespmem:s25+$0x6710]  }
0x15f: {  	v0 =	vadd.f32 v3, v0;
	v3 =	vmul.f32 v15, v12;
	v43 =	vld [tilespmem:$0x1F380]  }
0x160: {  	[tilespmem:$0x1FCC0] =	vst v1;
	v1 =	vadd.f32 v2, v57;
	v45 =	vld [tilespmem:$0x1F390]  }
0x161: {  	v0 =	vadd.f32 v3, v0;
	v3 =	vmul.f32 v36, v7;
	v55 =	vld [tilespmem:$0x1F3C0]  }
0x162: {  	[tilespmem:$0x1FCF0] =	vst v1;
	v1 =	vmul.f32 v6, v10;
	v2 =	vmul.f32 v13, v11;
	v57 =	vld [tilespmem:$0x1F3D0]  }
0x163: {  	v0 =	vadd.f32 v3, v0;
	[tilespmem:$0x1F750] =	vst v59;
	v59 =	vld [tilespmem:s25+$0x9710]  }
0x164: {  	v10 =	vbroadcast v20, $0x3;
	v1 =	vadd.f32 v2, v1;
	v2 =	vbroadcast v19, $0x3;
	v50 =	vld [tilespmem:$0x1F3A0]  }
0x165: {  	[tilespmem:$0x1FD00] =	vst v0;
	v0 =	vbroadcast v22, $0x3;
	v52 =	vld [tilespmem:$0x1F3B0]  }
0x166: {  	[tilespmem:$0x1F950] =	vst v33;
	v33 =	vld [tilespmem:s25+$0x6800];
	v44 =	vmul.f32 v43, v2;
	v46 =	vmul.f32 v45, v10  }
0x167: {  	[tilespmem:$0x1F930] =	vst v56;
	v54 =	vld [tilespmem:s25+$0x800];
	v3 =	vbroadcast v21, $0x3;
	v17 =	vmul.f32 v16, v12  }
0x168: {  	v6 =	vadd.f32 v46, v44;
	v56 =	vmul.f32 v55, v0;
	[tilespmem:$0x1F770] =	vst v59;
	v59 =	vld [tilespmem:s25+$0x720]  }
0x169: {  	[tilespmem:$0x1F940] =	vst v60;
	v1 =	vadd.f32 v17, v1;
	v17 =	vld [tilespmem:s25+$0x9810];
	v7 =	vmul.f32 v41, v7;
	v58 =	vmul.f32 v57, v3  }
0x16a: {  	[tilespmem:$0x1F910] =	vst v53;
	v6 =	vadd.f32 v56, v6;
	v51 =	vmul.f32 v50, v2;
	v53 =	vmul.f32 v52, v10;
	v60 =	vld [tilespmem:$0x1F3E0]  }
0x16b: {  	v1 =	vadd.f32 v7, v1;
	v44 =	vld [tilespmem:s25+$0x9800]  }
0x16c: {  	v55 =	vld [tilespmem:s25+$0x3810];
	v7 =	vadd.f32 v53, v51;
	v51 =	vadd.f32 v58, v6  }
0x16d: {  	[tilespmem:$0x1F780] =	vst v59;
	v59 =	vld [tilespmem:s25+$0x3720]  }
0x16e: {  	[tilespmem:$0x1FD20] =	vst v51;
	v51 =	vld [tilespmem:s25+$0x6820]  }
0x16f: {  	v50 =	vld [tilespmem:s25+$0x810];
	v61 =	vmul.f32 v60, v0  }
0x170: {  	v62 =	vld [tilespmem:$0x1F3F0]  }
0x171: {  	v7 =	vadd.f32 v61, v7;
	v61 =	vld [tilespmem:s25+$0x6810]  }
0x172: {  	[tilespmem:$0x1F790] =	vst v59;
	v59 =	vld [tilespmem:s25+$0x6720]  }
0x173: {  	[tilespmem:$0x1FA30] =	vst v51;
	v51 =	vld [tilespmem:s25+$0x3840]  }
0x174: {  	v36 =	vld [tilespmem:$0x1F400]  }
0x175: {  	[tilespmem:$0x1F970] =	vst v42;
	v42 =	vld [tilespmem:$0x1F410]  }
0x176: {  	v53 =	vld [tilespmem:$0x1F440]  }
0x177: {  	[tilespmem:$0x1F7C0] =	vst v59;
	v59 =	vld [tilespmem:s25+$0x9720]  }
0x178: {  	v45 =	vld [tilespmem:$0x1F420]  }
0x179: {  	[tilespmem:$0x1F990] =	vst v47;
	v47 =	vld [tilespmem:$0x1F430]  }
0x17a: {  	[tilespmem:$0x1F960] =	vst v63;
	v63 =	vmul.f32 v62, v3;
	v62 =	vld [tilespmem:$0x1F460]  }
0x17b: {  	v58 =	vld [tilespmem:$0x1F450]  }
0x17c: {  	v41 =	vmul.f32 v36, v2;
	v43 =	vmul.f32 v42, v10;
	[tilespmem:$0x1F7E0] =	vst v59;
	v59 =	vld [tilespmem:s25+$0x730]  }
0x17d: {  	[tilespmem:$0x1F9F0] =	vst v33;
	v33 =	vld [tilespmem:$0x1F490]  }
0x17e: {  	[tilespmem:$0x1F9B0] =	vst v48;
	v52 =	vadd.f32 v43, v41;
	v41 =	vld [tilespmem:s25+$0x820];
	v46 =	vmul.f32 v45, v2;
	v48 =	vmul.f32 v47, v10  }
0x17f: {  	[tilespmem:$0x1F9C0] =	vst v54;
	v54 =	vmul.f32 v53, v0;
	v15 =	vld [tilespmem:$0x1F470]  }
0x180: {  	v57 =	vadd.f32 v48, v46;
	v60 =	vmul.f32 v58, v0;
	v43 =	vld [tilespmem:$0x1F4A0]  }
0x181: {  	v56 =	vadd.f32 v63, v7;
	v6 =	vadd.f32 v54, v52;
	v63 =	vmul.f32 v62, v3;
	[tilespmem:$0x1F7A0] =	vst v59;
	v59 =	vld [tilespmem:s25+$0x3730]  }
0x182: {  	v53 =	vld [tilespmem:s25+$0x9820];
	v7 =	vadd.f32 v60, v57;
	v36 =	vmul.f32 v33, v3  }
0x183: {  	[tilespmem:$0x1F980] =	vst v14;
	v42 =	vadd.f32 v63, v6;
	v6 =	vld [tilespmem:s25+$0x830]  }
0x184: {  	[tilespmem:$0x1F9A0] =	vst v18;
	v46 =	vadd.f32 v36, v7;
	v36 =	vld [tilespmem:s25+$0x9830]  }
0x185: {  	[tilespmem:$0x1FA20] =	vst v44;
	v16 =	vmul.f32 v15, v2;
	v44 =	vmul.f32 v43, v10;
	v47 =	vld [tilespmem:$0x1F4C0]  }
0x186: {  	[tilespmem:$0x1F7B0] =	vst v59;
	v59 =	vld [tilespmem:s25+$0x9730]  }
0x187: {  	[tilespmem:$0x1FA40] =	vst v17;
	v52 =	vadd.f32 v44, v16;
	v16 =	vld [tilespmem:s25+$0x6830]  }
0x188: {  	[tilespmem:$0x1FD10] =	vst v1;
	v44 =	vld [tilespmem:s25+$0x840]  }
0x189: {  	[tilespmem:$0x1F9E0] =	vst v55;
	v54 =	vld [tilespmem:$0x1F4E0]  }
0x18a: {  	[tilespmem:$0x1F9D0] =	vst v50;
	v18 =	vld [tilespmem:$0x1F480]  }
0x18b: {  	v48 =	vmul.f32 v47, v0;
	[tilespmem:$0x1F7F0] =	vst v59;
	v59 =	vld [tilespmem:s25+$0x740]  }
0x18c: {  	[tilespmem:$0x1FA00] =	vst v61;
	v45 =	vld [tilespmem:$0x1F4B0]  }
0x18d: {  	[tilespmem:$0x1FD30] =	vst v56;
	v7 =	vadd.f32 v48, v52;
	v48 =	vld [tilespmem:s25+$0x3830]  }
0x18e: {  	[tilespmem:$0x1FA90] =	vst v51;
	v50 =	vld [tilespmem:$0x1F4D0]  }
0x18f: {  	[tilespmem:$0x1FA10] =	vst v41;
	v56 =	vld [tilespmem:$0x1F4F0]  }
0x190: {  	[tilespmem:$0x1F800] =	vst v59;
	v59 =	vld [tilespmem:s25+$0x3740]  }
0x191: {  	[tilespmem:$0x1FA60] =	vst v53;
	v2 =	vmul.f32 v18, v2;
	v10 =	vmul.f32 v45, v10;
	v57 =	vld [tilespmem:$0x1F500]  }
0x192: {  	[tilespmem:$0x1FD40] =	vst v42;
	v60 =	vld [tilespmem:$0x1F510]  }
0x193: {  	[tilespmem:$0x1FD50] =	vst v46;
	v2 =	vadd.f32 v10, v2;
	v0 =	vmul.f32 v50, v0;
	v42 =	vld [tilespmem:$0x1F540]  }
0x194: {  	[tilespmem:$0x1FA70] =	vst v36;
	v55 =	vmul.f32 v54, v3;
	v45 =	vld [tilespmem:$0x1F550]  }
0x195: {  	v0 =	vadd.f32 v0, v2;
	v3 =	vmul.f32 v56, v3;
	[tilespmem:$0x1F810] =	vst v59;
	v59 =	vld [tilespmem:s25+$0x6740]  }
0x196: {  	[tilespmem:$0x1FA50] =	vst v16;
	v17 =	vadd.f32 v55, v7;
	v62 =	vld [tilespmem:$0x1F520]  }
0x197: {  	[tilespmem:$0x1FA80] =	vst v44;
	v0 =	vadd.f32 v3, v0;
	v18 =	vld [tilespmem:$0x1F530]  }
0x198: {  	[tilespmem:$0x1FD60] =	vst v17;
	v47 =	vld [tilespmem:$0x1F560]  }
0x199: {  	[tilespmem:$0x1FD80] =	vst v0;
	v52 =	vld [tilespmem:$0x1F570]  }
0x19a: {  	v13 =	vbroadcast v20, $0x4;
	v12 =	vbroadcast v19, $0x4;
	[tilespmem:$0x1F840] =	vst v59;
	v59 =	vld [tilespmem:s25+$0x9740]  }
0x19b: {  	v15 =	vbroadcast v22, $0x4;
	v54 =	vld [tilespmem:$0x1F580]  }
0x19c: {  	v58 =	vmul.f32 v57, v12;
	v61 =	vmul.f32 v60, v13;
	v56 =	vld [tilespmem:s25+$0x6840]  }
0x19d: {  	v57 =	vld [tilespmem:$0x1F590]  }
0x19e: {  	v41 =	vadd.f32 v61, v58;
	v43 =	vmul.f32 v42, v15;
	v33 =	vmul.f32 v18, v13;
	v18 =	vld [tilespmem:$0x1F5A0]  }
0x19f: {  	v10 =	vbroadcast v21, $0x4;
	v36 =	vld [tilespmem:s25+$0x9840]  }
0x1a0: {  	v0 =	vadd.f32 v43, v41;
	v63 =	vmul.f32 v62, v12;
	v41 =	vld [tilespmem:$0x1F5B0]  }
0x1a1: {  	v46 =	vmul.f32 v45, v10;
	v43 =	vld [tilespmem:$0x1F5C0]  }
0x1a2: {  	v2 =	vadd.f32 v33, v63;
	v50 =	vmul.f32 v47, v15;
	v61 =	vld [tilespmem:s25+$0x850]  }
0x1a3: {  	v0 =	vadd.f32 v46, v0;
	v46 =	vld [tilespmem:$0x1F5D0]  }
0x1a4: {  	v2 =	vadd.f32 v50, v2;
	v50 =	vld [tilespmem:s25+$0x3850]  }
0x1a5: {  	v60 =	vld [tilespmem:s25+$0x6850]  }
0x1a6: {  	v62 =	vld [tilespmem:s25+$0x9850]  }
0x1a7: {  	v14 =	vld [tilespmem:$0x1F610]  }
0x1a8: {  	v17 =	vld [tilespmem:$0x1F620]  }
0x1a9: {  	v58 =	vmul.f32 v57, v12;
	v57 =	vld [tilespmem:$0x1F600]  }
0x1aa: {  	[tilespmem:$0x1FAB0] =	vst v36;
	v36 =	vld [tilespmem:$0x1F630]  }
0x1ab: {  	v42 =	vmul.f32 v41, v10;
	v41 =	vld [tilespmem:$0x1F640]  }
0x1ac: {  	v53 =	vmul.f32 v52, v12;
	v44 =	vmul.f32 v43, v15;
	v43 =	vld [tilespmem:s25+$0x3860]  }
0x1ad: {  	v55 =	vmul.f32 v54, v13;
	v47 =	vmul.f32 v46, v15;
	v46 =	vld [tilespmem:s25+$0x6860]  }
0x1ae: {  	v33 =	vmul.f32 v18, v13;
	v18 =	vmul.f32 v17, v13;
	v17 =	vld [tilespmem:$0x1F6A0]  }
0x1af: {  	v3 =	vadd.f32 v55, v53;
	v53 =	vld [tilespmem:$0x1F5E0]  }
0x1b0: {  	v55 =	vld [tilespmem:$0x1F5F0]  }
0x1b1: {  	v45 =	vadd.f32 v33, v58;
	v33 =	vld [tilespmem:s25+$0x860]  }
0x1b2: {  	v52 =	vadd.f32 v44, v3;
	v44 =	vld [tilespmem:$0x1F650]  }
0x1b3: {  	[tilespmem:$0x1FDA0] =	vst v0;
	v0 =	vadd.f32 v47, v45;
	v47 =	vld [tilespmem:$0x1F660]  }
0x1b4: {  	v58 =	vmul.f32 v57, v12;
	v57 =	vld [tilespmem:s25+$0x870]  }
0x1b5: {  	v51 =	vadd.f32 v42, v2;
	v42 =	vmul.f32 v41, v15;
	v41 =	vld [tilespmem:s25+$0x6870]  }
0x1b6: {  	[tilespmem:$0x1FB10] =	vst v46;
	v46 =	vld [tilespmem:s25+$0x9870]  }
0x1b7: {  	v54 =	vmul.f32 v53, v10;
	v53 =	vld [tilespmem:$0x1F670]  }
0x1b8: {  	[tilespmem:$0x1FAA0] =	vst v56;
	v56 =	vmul.f32 v55, v10;
	v55 =	vld [tilespmem:$0x1F680]  }
0x1b9: {  	v3 =	vadd.f32 v18, v58;
	v58 =	vld [tilespmem:$0x1F690]  }
0x1ba: {  	[tilespmem:$0x1FAD0] =	vst v33;
	v33 =	vld [tilespmem:$0x1F6B0]  }
0x1bb: {  	v16 =	vmul.f32 v14, v12;
	v63 =	vadd.f32 v54, v52;
	v0 =	vadd.f32 v56, v0;
	v52 =	vld [tilespmem:s25+$0x9860]  }
0x1bc: {  	[tilespmem:$0x1FDB0] =	vst v51;
	v12 =	vbroadcast v19, $0x5;
	v45 =	vmul.f32 v44, v15;
	v44 =	vld [tilespmem:$0x1F6C0]  }
0x1bd: {  	v51 =	vmul.f32 v47, v10;
	v47 =	vld [tilespmem:$0x1F6D0];
	[tilespmem:$0x1FDD0] =	vst v0;
	v0 =	vmul.f32 v36, v13  }
0x1be: {  	[tilespmem:$0x1FB40] =	vst v46;
	v46 =	vld [tilespmem:s25+$0x9880];
	v13 =	vbroadcast v20, $0x5  }
0x1bf: {  	v18 =	vmul.f32 v17, v12;
	[tilespmem:$0x1FDC0] =	vst v63;
	v63 =	vld [tilespmem:s25+$0x3870];
	v0 =	vadd.f32 v0, v16  }
0x1c0: {  	[tilespmem:$0x1FAC0] =	vst v62;
	v62 =	vmul.f32 v58, v13;
	v36 =	vmul.f32 v33, v13;
	v58 =	vld [tilespmem:s25+$0x3880]  }
0x1c1: {  	v54 =	vmul.f32 v53, v10;
	[tilespmem:$0x1FB20] =	vst v52;
	v52 =	vld [tilespmem:$0x1F6E0];
	v11 =	vadd.f32 v45, v0  }
0x1c2: {  	v2 =	vadd.f32 v36, v18;
	v18 =	vld [tilespmem:$0x1F700]  }
0x1c3: {  	v3 =	vadd.f32 v42, v3;
	v15 =	vbroadcast v22, $0x5;
	v42 =	vadd.f32 v54, v11;
	v54 =	vld [tilespmem:$0x1F6F0]  }
0x1c4: {  	v36 =	vld [tilespmem:$0x1F710]  }
0x1c5: {  	v56 =	vmul.f32 v55, v12;
	v45 =	vmul.f32 v44, v15;
	v44 =	vld [tilespmem:$0x1F730]  }
0x1c6: {  	v16 =	vadd.f32 v51, v3;
	v51 =	vmul.f32 v47, v15;
	v47 =	vld [tilespmem:$0x1F740]  }
0x1c7: {  	[tilespmem:$0x1FAE0] =	vst v43;
	v43 =	vadd.f32 v62, v56;
	v62 =	vld [tilespmem:s25+$0x880]  }
0x1c8: {  	v56 =	vld [tilespmem:s25+$0x890];
	v53 =	vmul.f32 v52, v12;
	v55 =	vmul.f32 v54, v13  }
0x1c9: {  	[tilespmem:$0x1FB30] =	vst v41;
	v52 =	vld [tilespmem:$0x1F750];
	v33 =	vmul.f32 v18, v12;
	v41 =	vmul.f32 v36, v13  }
0x1ca: {  	v7 =	vadd.f32 v45, v43;
	[tilespmem:$0x1FDF0] =	vst v42;
	v42 =	vld [tilespmem:$0x1F720];
	v45 =	vmul.f32 v44, v15;
	v10 =	vadd.f32 v55, v53  }
0x1cb: {  	v3 =	vadd.f32 v41, v33;
	v41 =	vld [tilespmem:$0x1F760]  }
0x1cc: {  	v36 =	vadd.f32 v45, v10;
	v45 =	vld [tilespmem:$0x1F770]  }
0x1cd: {  	[tilespmem:$0x1FB60] =	vst v46;
	v46 =	vld [tilespmem:s25+$0x3890]  }
0x1ce: {  	v14 =	vbroadcast v21, $0x5;
	[tilespmem:$0x1FDE0] =	vst v16;
	v16 =	vld [tilespmem:s25+$0x9890];
	v53 =	vmul.f32 v52, v15  }
0x1cf: {  	v55 =	vld [tilespmem:$0x1F790]  }
0x1d0: {  	v43 =	vmul.f32 v42, v14;
	v44 =	vadd.f32 v53, v3;
	v53 =	vld [tilespmem:$0x1F780];
	v42 =	vmul.f32 v41, v14  }
0x1d1: {  	v2 =	vadd.f32 v51, v2;
	v51 =	vmul.f32 v47, v14;
	v18 =	vld [tilespmem:$0x1F7A0];
	v47 =	vmul.f32 v45, v14  }
0x1d2: {  	v52 =	vadd.f32 v42, v36;
	v42 =	vld [tilespmem:$0x1F7C0]  }
0x1d3: {  	v17 =	vadd.f32 v47, v44;
	v44 =	vld [tilespmem:$0x1F7D0]  }
0x1d4: {  	v33 =	vadd.f32 v43, v7;
	v43 =	vadd.f32 v51, v2;
	v51 =	vld [tilespmem:s25+$0x6890]  }
0x1d5: {  	[tilespmem:$0x1FAF0] =	vst v57;
	v57 =	vmul.f32 v55, v13;
	v36 =	vld [tilespmem:$0x1F7B0];
	v54 =	vmul.f32 v53, v12  }
0x1d6: {  	[tilespmem:$0x1FE00] =	vst v33;
	v33 =	vmul.f32 v18, v12;
	v18 =	vld [tilespmem:$0x1F810]  }
0x1d7: {  	v7 =	vadd.f32 v57, v54;
	v54 =	vld [tilespmem:$0x1F7F0]  }
0x1d8: {  	[tilespmem:$0x1FE10] =	vst v43;
	v43 =	vmul.f32 v42, v15;
	v45 =	vmul.f32 v44, v15;
	v15 =	vld [tilespmem:$0x1F800]  }
0x1d9: {  	v47 =	vld [tilespmem:$0x1F7E0]  }
0x1da: {  	[tilespmem:$0x1FB00] =	vst v63;
	v63 =	vld [tilespmem:s25+$0x6880];
	v41 =	vmul.f32 v36, v13  }
0x1db: {  	v3 =	vbroadcast v19, $0x6;
	v12 =	vbroadcast v20, $0x6;
	[tilespmem:$0x1FE30] =	vst v17;
	v17 =	vld [tilespmem:$0x1F830]  }
0x1dc: {  	[tilespmem:$0x1FB70] =	vst v16;
	v2 =	vadd.f32 v41, v33;
	v55 =	vmul.f32 v54, v14;
	v54 =	vld [tilespmem:$0x1F820]  }
0x1dd: {  	[tilespmem:$0x1FB50] =	vst v51;
	v51 =	vld [tilespmem:s25+$0x8A0];
	v33 =	vmul.f32 v18, v12;
	v16 =	vmul.f32 v15, v3  }
0x1de: {  	v7 =	vadd.f32 v43, v7;
	v43 =	vld [tilespmem:$0x1F850];
	v53 =	vmul.f32 v47, v14;
	v2 =	vadd.f32 v45, v2  }
0x1df: {  	v11 =	vadd.f32 v33, v16;
	v33 =	vld [tilespmem:$0x1F840]  }
0x1e0: {  	[tilespmem:$0x1FE20] =	vst v52;
	v52 =	vld [tilespmem:s25+$0x68A0];
	v47 =	vadd.f32 v53, v7;
	v7 =	vbroadcast v22, $0x6;
	v53 =	vadd.f32 v55, v2  }
0x1e1: {  	v18 =	vmul.f32 v17, v12;
	v55 =	vmul.f32 v54, v3;
	v54 =	vld [tilespmem:$0x1F870]  }
0x1e2: {  	[tilespmem:$0x1FE50] =	vst v53;
	v53 =	vld [tilespmem:$0x1F860]  }
0x1e3: {  	v14 =	vld [tilespmem:s25+$0x98A0];
	[tilespmem:$0x1FE40] =	vst v47;
	v47 =	vmul.f32 v43, v7;
	v2 =	vadd.f32 v18, v55  }
0x1e4: {  	v10 =	vbroadcast v21, $0x6;
	v57 =	vld [tilespmem:s25+$0x38A0];
	v41 =	vmul.f32 v33, v7  }
0x1e5: {  	v23 =	vmul.f32 v23, v12;
	v2 =	vadd.f32 v47, v2;
	v47 =	vld [tilespmem:s25+$0x68C0]  }
0x1e6: {  	v15 =	vmul.f32 v59, v10;
	v59 =	vmul.f32 v54, v3;
	v11 =	vadd.f32 v41, v11;
	v41 =	vld [tilespmem:$0x1F880]  }
0x1e7: {  	v13 =	vld [tilespmem:$0x1F890];
	v9 =	vmul.f32 v9, v7;
	v16 =	vmul.f32 v53, v10  }
0x1e8: {  	v36 =	vld [tilespmem:s25+$0x8B0];
	[tilespmem:$0x1FB80] =	vst v14;
	v14 =	vbroadcast v20, $0x7;
	v18 =	vmul.f32 v28, v12;
	v59 =	vadd.f32 v23, v59  }
0x1e9: {  	v42 =	vld [tilespmem:s25+$0x68B0];
	v33 =	vmul.f32 v27, v3;
	v27 =	vmul.f32 v26, v7;
	v17 =	vadd.f32 v16, v2  }
0x1ea: {  	v44 =	vld [tilespmem:s25+$0x38B0];
	[tilespmem:$0x1FBD0] =	vst v47;
	v47 =	vmul.f32 v8, v10;
	v53 =	vadd.f32 v15, v11;
	v11 =	vadd.f32 v9, v59  }
0x1eb: {  	v28 =	vld [tilespmem:$0x1F8D0];
	v59 =	vmul.f32 v30, v3;
	v43 =	vmul.f32 v41, v12  }
0x1ec: {  	[tilespmem:$0x1FE70] =	vst v17;
	v3 =	vmul.f32 v13, v3;
	v9 =	vmul.f32 v40, v14;
	v40 =	vld [tilespmem:$0x1F8B0];
	v17 =	vadd.f32 v47, v11  }
0x1ed: {  	v11 =	vadd.f32 v18, v59;
	v18 =	vld [tilespmem:$0x1F8A0];
	v12 =	vmul.f32 v35, v12;
	v23 =	vadd.f32 v43, v33  }
0x1ee: {  	v26 =	vmul.f32 v29, v7;
	v7 =	vmul.f32 v39, v7;
	[tilespmem:$0x1FE80] =	vst v17;
	v17 =	vld [tilespmem:s25+$0x98E0]  }
0x1ef: {  	v3 =	vadd.f32 v12, v3;
	v12 =	vbroadcast v21, $0x7;
	v2 =	vadd.f32 v27, v23;
	v23 =	vld [tilespmem:s25+$0x98D0]  }
0x1f0: {  	v16 =	vmul.f32 v24, v10;
	v27 =	vmul.f32 v25, v10;
	v25 =	vld [tilespmem:$0x1F8C0]  }
0x1f1: {  	v13 =	vbroadcast v19, $0x7;
	v3 =	vadd.f32 v7, v3;
	v7 =	vmul.f32 v37, v12;
	v37 =	vld [tilespmem:$0x1F8F0]  }
0x1f2: {  	v29 =	vmul.f32 v28, v14;
	v8 =	vld [tilespmem:$0x1F900];
	v24 =	vadd.f32 v16, v2;
	v2 =	vadd.f32 v26, v11  }
0x1f3: {  	v30 =	vld [tilespmem:$0x1F8E0];
	v34 =	vmul.f32 v34, v13;
	[tilespmem:$0x1FC60] =	vst v17;
	v17 =	vbroadcast v22, $0x7  }
0x1f4: {  	v59 =	vmul.f32 v40, v14;
	v10 =	vmul.f32 v31, v10;
	[tilespmem:$0x1FE90] =	vst v24;
	v39 =	vadd.f32 v27, v2;
	v24 =	vld [tilespmem:s25+$0x98F0]  }
0x1f5: {  	v45 =	vld [tilespmem:s25+$0x98B0];
	v16 =	vadd.f32 v9, v34;
	[tilespmem:$0x1FC30] =	vst v23;
	v23 =	vmul.f32 v18, v13;
	v18 =	vmul.f32 v32, v17  }
0x1f6: {  	v10 =	vadd.f32 v10, v3;
	v27 =	vmul.f32 v25, v13;
	[tilespmem:$0x1FEA0] =	vst v39;
	v39 =	vmul.f32 v37, v14;
	v37 =	vld [tilespmem:$0x1F920]  }
0x1f7: {  	v15 =	vld [tilespmem:s25+$0x98C0];
	v2 =	vadd.f32 v59, v23;
	v23 =	vmul.f32 v49, v17;
	v3 =	vadd.f32 v18, v16  }
0x1f8: {  	v55 =	vld [tilespmem:s25+$0x8C0];
	v40 =	vmul.f32 v38, v12;
	[tilespmem:$0x1FEB0] =	vst v10;
	v32 =	vmul.f32 v30, v13;
	v10 =	vadd.f32 v29, v27  }
0x1f9: {  	v9 =	vmul.f32 v8, v17;
	v27 =	vld [tilespmem:$0x1F910];
	[tilespmem:$0x1FC80] =	vst v24;
	v2 =	vadd.f32 v23, v2;
	v24 =	vadd.f32 v7, v3  }
0x1fa: {  	v11 =	vld [tilespmem:$0x1F940];
	v25 =	vadd.f32 v39, v32  }
0x1fb: {  	v32 =	vadd.f32 v9, v10;
	[tilespmem:$0x1FEC0] =	vst v24;
	v30 =	vadd.f32 v40, v2;
	v38 =	vmul.f32 v37, v12;
	v24 =	vld [tilespmem:$0x1F960]  }
0x1fc: {  	[tilespmem:$0x1FBF0] =	vst v15;
	v18 =	vld [tilespmem:$0x1F950]  }
0x1fd: {  	[tilespmem:$0x1FED0] =	vst v30;
	v15 =	vadd.f32 v38, v32;
	v30 =	vld [tilespmem:$0x1F970]  }
0x1fe: {  	v39 =	vld [tilespmem:$0x1F930];
	v28 =	vmul.f32 v27, v17  }
0x1ff: {  	[tilespmem:$0x1FEE0] =	vst v15;
	v15 =	vld [tilespmem:$0x1F980]  }
0x200: {  	v3 =	vadd.f32 v28, v25;
	v25 =	vmul.f32 v24, v14;
	v24 =	vld [tilespmem:$0x1F990]  }
0x201: {  	v54 =	vld [tilespmem:s25+$0x38C0]  }
0x202: {  	v32 =	vmul.f32 v30, v14;
	v30 =	vld [tilespmem:$0x1F9B0]  }
0x203: {  	v11 =	vmul.f32 v11, v13;
	v2 =	vmul.f32 v18, v13;
	v27 =	vld [tilespmem:$0x1F9A0]  }
0x204: {  	v40 =	vmul.f32 v39, v12;
	v18 =	vmul.f32 v15, v17;
	v15 =	vld [tilespmem:$0x1F9C0]  }
0x205: {  	[tilespmem:$0x1FE60] =	vst v53;
	v53 =	vld [tilespmem:s25+$0x68D0];
	v10 =	vadd.f32 v25, v11;
	v2 =	vadd.f32 v32, v2;
	v25 =	vmul.f32 v24, v17  }
0x206: {  	v1 =	vbroadcast v20, $0x8;
	v47 =	vld [tilespmem:s25+$0x68E0];
	v28 =	vadd.f32 v40, v3  }
0x207: {  	v41 =	vld [tilespmem:s25+$0x38D0];
	v13 =	vbroadcast v19, $0x8;
	v32 =	vmul.f32 v30, v12;
	v2 =	vadd.f32 v25, v2  }
0x208: {  	[tilespmem:$0x1FEF0] =	vst v28;
	v28 =	vmul.f32 v27, v12;
	v27 =	vld [tilespmem:$0x1F9E0];
	v7 =	vadd.f32 v18, v10  }
0x209: {  	v18 =	vmul.f32 v4, v1;
	v25 =	vld [tilespmem:$0x1F9D0];
	v17 =	vmul.f32 v15, v13;
	v2 =	vadd.f32 v32, v2  }
0x20a: {  	v30 =	vld [tilespmem:$0x1F9F0]  }
0x20b: {  	[tilespmem:$0x1FF10] =	vst v2;
	v2 =	vadd.f32 v18, v17;
	v18 =	vld [tilespmem:$0x1FA10]  }
0x20c: {  	v35 =	vld [tilespmem:s25+$0x38E0]  }
0x20d: {  	v0 =	vbroadcast v22, $0x8;
	v14 =	vld [tilespmem:$0x1FA00];
	v3 =	vadd.f32 v28, v7  }
0x20e: {  	v33 =	vld [tilespmem:s25+$0x8D0];
	v28 =	vmul.f32 v27, v1  }
0x20f: {  	v43 =	vld [tilespmem:s25+$0x8E0];
	[tilespmem:$0x1FF00] =	vst v3;
	v3 =	vmul.f32 v25, v13;
	v32 =	vmul.f32 v30, v0  }
0x210: {  	v31 =	vld [tilespmem:s25+$0x8F0];
	v30 =	vmul.f32 v5, v1;
	v25 =	vmul.f32 v18, v13  }
0x211: {  	v26 =	vld [tilespmem:s25+$0x38F0]  }
0x212: {  	v17 =	vmul.f32 v14, v0;
	v3 =	vadd.f32 v28, v3;
	v10 =	vadd.f32 v30, v25;
	v30 =	vld [tilespmem:$0x1FA30]  }
0x213: {  	v8 =	vadd.f32 v32, v2;
	v32 =	vld [tilespmem:s25+$0x9930]  }
0x214: {  	v5 =	vadd.f32 v17, v3;
	v17 =	vld [tilespmem:$0x1FA60]  }
0x215: {  	v25 =	vld [tilespmem:$0x1FA20]  }
0x216: {  	v34 =	vld [tilespmem:s25+$0x68F0]  }
0x217: {  	v49 =	vld [tilespmem:s25+$0x900];
	v7 =	vbroadcast v21, $0x8;
	v2 =	vmul.f32 v30, v0  }
0x218: {  	v59 =	vld [tilespmem:s25+$0x3900]  }
0x219: {  	v9 =	vld [tilespmem:$0x1FA50];
	v18 =	vmul.f32 v17, v7;
	v14 =	vadd.f32 v2, v10  }
0x21a: {  	[tilespmem:$0x1FD90] =	vst v32;
	v32 =	vld [tilespmem:$0x1FA40];
	v27 =	vmul.f32 v25, v7  }
0x21b: {  	v14 =	vadd.f32 v18, v14;
	v18 =	vld [tilespmem:$0x1FA90]  }
0x21c: {  	v6 =	vmul.f32 v6, v13;
	v4 =	vmul.f32 v48, v1;
	v8 =	vadd.f32 v27, v8;
	v27 =	vld [tilespmem:$0x1FA70]  }
0x21d: {  	v29 =	vld [tilespmem:s25+$0x9900]  }
0x21e: {  	v6 =	vadd.f32 v4, v6;
	v4 =	vmul.f32 v9, v0;
	v9 =	vld [tilespmem:$0x1FAD0]  }
0x21f: {  	v17 =	vld [tilespmem:$0x1FA80];
	v3 =	vmul.f32 v32, v7  }
0x220: {  	[tilespmem:$0x1FF20] =	vst v8;
	v8 =	vmul.f32 v18, v1;
	v18 =	vld [tilespmem:$0x1FAA0]  }
0x221: {  	v25 =	vadd.f32 v3, v5;
	v3 =	vadd.f32 v4, v6;
	[tilespmem:$0x1FF40] =	vst v14;
	v14 =	vld [tilespmem:$0x1FAB0];
	v32 =	vmul.f32 v27, v7  }
0x222: {  	v6 =	vld [tilespmem:$0x1FAC0]  }
0x223: {  	v10 =	vld [tilespmem:$0x1FAE0];
	v27 =	vadd.f32 v32, v3;
	v32 =	vmul.f32 v61, v13;
	v1 =	vmul.f32 v50, v1  }
0x224: {  	v16 =	vld [tilespmem:s25+$0x910];
	v5 =	vmul.f32 v17, v13;
	v4 =	vbroadcast v19, $0x9  }
0x225: {  	v23 =	vld [tilespmem:s25+$0x6900];
	v50 =	vmul.f32 v60, v0;
	[tilespmem:$0x1FF50] =	vst v27;
	v1 =	vadd.f32 v1, v32;
	v27 =	vmul.f32 v18, v0  }
0x226: {  	v37 =	vld [tilespmem:s25+$0x3920];
	v5 =	vadd.f32 v8, v5;
	v0 =	vbroadcast v20, $0x9;
	v18 =	vmul.f32 v14, v7  }
0x227: {  	v1 =	vadd.f32 v50, v1;
	v7 =	vmul.f32 v6, v7;
	v6 =	vmul.f32 v9, v4;
	v9 =	vld [tilespmem:$0x1FB00]  }
0x228: {  	v14 =	vmul.f32 v10, v0;
	v10 =	vld [tilespmem:$0x1FB10]  }
0x229: {  	v5 =	vadd.f32 v27, v5;
	v1 =	vadd.f32 v7, v1;
	v7 =	vld [tilespmem:$0x1FAF0]  }
0x22a: {  	v6 =	vadd.f32 v14, v6;
	v14 =	vld [tilespmem:$0x1FB20]  }
0x22b: {  	[tilespmem:$0x1FCE0] =	vst v29;
	v29 =	vld [tilespmem:s25+$0x6910];
	v8 =	vbroadcast v22, $0x9;
	v5 =	vadd.f32 v18, v5  }
0x22c: {  	v39 =	vld [tilespmem:s25+$0x9910];
	[tilespmem:$0x1FCB0] =	vst v23  }
0x22d: {  	v38 =	vld [tilespmem:s25+$0x920];
	[tilespmem:$0x1FF60] =	vst v5;
	v5 =	vbroadcast v21, $0x9;
	v3 =	vmul.f32 v10, v8  }
0x22e: {  	v23 =	vld [tilespmem:s25+$0x3910];
	[tilespmem:$0x1FF70] =	vst v1;
	v1 =	vmul.f32 v9, v0  }
0x22f: {  	v9 =	vld [tilespmem:$0x1FB30];
	v2 =	vmul.f32 v7, v4;
	v7 =	vmul.f32 v14, v5;
	v3 =	vadd.f32 v3, v6  }
0x230: {  	v40 =	vld [tilespmem:s25+$0x6920]  }
0x231: {  	v14 =	vld [tilespmem:$0x1FB40];
	v6 =	vmul.f32 v62, v4;
	v62 =	vmul.f32 v58, v0;
	v3 =	vadd.f32 v7, v3  }
0x232: {  	v24 =	vld [tilespmem:s25+$0x9920]  }
0x233: {  	[tilespmem:$0x1FF80] =	vst v3;
	v3 =	vadd.f32 v62, v6;
	v62 =	vld [tilespmem:$0x1FB50]  }
0x234: {  	v11 =	vld [tilespmem:s25+$0x3940];
	v2 =	vadd.f32 v1, v2;
	v1 =	vmul.f32 v9, v8  }
0x235: {  	v48 =	vld [tilespmem:s25+$0x9940];
	v56 =	vmul.f32 v56, v4  }
0x236: {  	v12 =	vld [tilespmem:s25+$0x940];
	v46 =	vmul.f32 v46, v0;
	v2 =	vadd.f32 v1, v2;
	v9 =	vmul.f32 v14, v5  }
0x237: {  	v15 =	vld [tilespmem:s25+$0x3930]  }
0x238: {  	[tilespmem:$0x1FD70] =	vst v24;
	v24 =	vld [tilespmem:s25+$0x930];
	v56 =	vadd.f32 v46, v56;
	v2 =	vadd.f32 v9, v2;
	v7 =	vmul.f32 v62, v8  }
0x239: {  	v9 =	vld [tilespmem:$0x1FB60]  }
0x23a: {  	[tilespmem:$0x1FF90] =	vst v2;
	v2 =	vadd.f32 v7, v56;
	v56 =	vld [tilespmem:$0x1FB70]  }
0x23b: {  	v28 =	vld [tilespmem:s25+$0x6930]  }
0x23c: {  	v30 =	vld [tilespmem:s25+$0x6940];
	v6 =	vmul.f32 v63, v8  }
0x23d: {  	v17 =	vld [tilespmem:s25+$0x3950]  }
0x23e: {  	[tilespmem:$0x1FF30] =	vst v25;
	v25 =	vld [tilespmem:s25+$0x950];
	v3 =	vadd.f32 v6, v3;
	v6 =	vmul.f32 v9, v5  }
0x23f: {  	v13 =	vld [tilespmem:s25+$0x6950];
	v7 =	vmul.f32 v56, v5  }
0x240: {  	v62 =	vmul.f32 v42, v8;
	v42 =	vld [tilespmem:$0x1FB80];
	v3 =	vadd.f32 v6, v3  }
0x241: {  	v61 =	vld [tilespmem:s25+$0x9950];
	v57 =	vmul.f32 v57, v0;
	v9 =	vmul.f32 v51, v4;
	v2 =	vadd.f32 v7, v2  }
0x242: {  	v60 =	vld [tilespmem:s25+$0x6960];
	v0 =	vmul.f32 v44, v0;
	[tilespmem:$0x1FFA0] =	vst v3  }
0x243: {  	v32 =	vld [tilespmem:s25+$0x960];
	v4 =	vmul.f32 v36, v4;
	v3 =	vadd.f32 v57, v9;
	[tilespmem:$0x1FFB0] =	vst v2;
	v2 =	vmul.f32 v52, v8  }
0x244: {  	v50 =	vld [tilespmem:s25+$0x9960]  }
0x245: {  	v27 =	vld [tilespmem:s25+$0x3960];
	v0 =	vadd.f32 v0, v4;
	v4 =	vmul.f32 v42, v5;
	v2 =	vadd.f32 v2, v3  }
0x246: {  	v18 =	vld [tilespmem:s25+$0x970]  }
0x247: {  	v46 =	vld [tilespmem:s25+$0x6980];
	v9 =	vbroadcast v20, $0xA;
	v2 =	vadd.f32 v4, v2  }
0x248: {  	v10 =	vld [tilespmem:s25+$0x3970];
	v7 =	vbroadcast v19, $0xA  }
0x249: {  	[tilespmem:$0x1FFC0] =	vst v2;
	v2 =	vmul.f32 v41, v9;
	v41 =	vld [tilespmem:$0x1FBF0]  }
0x24a: {  	v3 =	vmul.f32 v55, v7;
	v55 =	vld [tilespmem:$0x1FBB0]  }
0x24b: {  	v58 =	vld [tilespmem:s25+$0x9970]  }
0x24c: {  	v44 =	vld [tilespmem:$0x1FB90];
	v5 =	vmul.f32 v45, v5;
	v0 =	vadd.f32 v62, v0;
	v4 =	vbroadcast v21, $0xA  }
0x24d: {  	v1 =	vld [tilespmem:s25+$0x980]  }
0x24e: {  	v0 =	vadd.f32 v5, v0;
	v5 =	vmul.f32 v41, v4;
	v41 =	vld [tilespmem:$0x1FC10]  }
0x24f: {  	v8 =	vmul.f32 v54, v9;
	[tilespmem:s25+$0xC520] =	vst v55;
	v55 =	vld [tilespmem:$0x1FBD0]  }
0x250: {  	v63 =	vld [tilespmem:s25+$0x3980]  }
0x251: {  	[tilespmem:$0x1FFD0] =	vst v0;
	v0 =	vadd.f32 v8, v3;
	v8 =	vld [tilespmem:$0x1FBE0]  }
0x252: {  	v14 =	vld [tilespmem:s25+$0x6970];
	v62 =	vbroadcast v22, $0xA  }
0x253: {  	v6 =	vmul.f32 v33, v7;
	[tilespmem:s25+$0xC560] =	vst v41;
	v41 =	vld [tilespmem:$0x1FC30]  }
0x254: {  	[tilespmem:s25+$0xC500] =	vst v44;
	v44 =	vld [tilespmem:s25+$0x39A0];
	v3 =	vmul.f32 v55, v62  }
0x255: {  	v51 =	vld [tilespmem:s25+$0x9980];
	v2 =	vadd.f32 v2, v6;
	v6 =	vmul.f32 v53, v62  }
0x256: {  	v36 =	vld [tilespmem:s25+$0x3990];
	[tilespmem:s25+$0xC540] =	vst v8;
	v8 =	vmul.f32 v35, v9;
	v0 =	vadd.f32 v3, v0;
	v3 =	vmul.f32 v43, v7  }
0x257: {  	v42 =	vld [tilespmem:s25+$0x69A0]  }
0x258: {  	v56 =	vld [tilespmem:s25+$0x990];
	v2 =	vadd.f32 v6, v2;
	v3 =	vadd.f32 v8, v3;
	v8 =	vmul.f32 v41, v4  }
0x259: {  	v57 =	vld [tilespmem:s25+$0x9990]  }
0x25a: {  	v54 =	vld [tilespmem:$0x1FBA0];
	v6 =	vmul.f32 v31, v7;
	v31 =	vmul.f32 v47, v62;
	v2 =	vadd.f32 v8, v2  }
0x25b: {  	v45 =	vld [tilespmem:s25+$0x9A0]  }
0x25c: {  	[tilespmem:$0x1FFF0] =	vst v2;
	v2 =	vadd.f32 v31, v3;
	v31 =	vld [tilespmem:$0x1FC60]  }
0x25d: {  	v52 =	vld [tilespmem:s25+$0x6990]  }
0x25e: {  	v33 =	vld [tilespmem:s25+$0x99A0]  }
0x25f: {  	v26 =	vmul.f32 v26, v9;
	[tilespmem:s25+$0xC510] =	vst v54;
	v54 =	vld [tilespmem:$0x1FBC0];
	v0 =	vadd.f32 v5, v0  }
0x260: {  	v53 =	vld [tilespmem:$0x1FC00]  }
0x261: {  	[tilespmem:$0x1FFE0] =	vst v0;
	v0 =	vadd.f32 v26, v6;
	v26 =	vld [tilespmem:$0x1FC50];
	v3 =	vmul.f32 v31, v4  }
0x262: {  	v6 =	vmul.f32 v49, v7;
	v49 =	vld [tilespmem:$0x1FCB0]  }
0x263: {  	v8 =	vadd.f32 v3, v2;
	v3 =	vmul.f32 v59, v9;
	v59 =	vld [tilespmem:$0x1FCC0]  }
0x264: {  	v35 =	vld [tilespmem:s25+$0x99B0]  }
0x265: {  	[tilespmem:s25+$0xC530] =	vst v54;
	v54 =	vld [tilespmem:s25+$0x39B0]  }
0x266: {  	v47 =	vld [tilespmem:$0x1FC40]  }
0x267: {  	v5 =	vmul.f32 v34, v62;
	[tilespmem:s25+$0xC590] =	vst v26;
	v26 =	vld [tilespmem:$0x1FC80];
	v2 =	vmul.f32 v16, v7  }
0x268: {  	v34 =	vld [tilespmem:$0x1FC70];
	v7 =	vmul.f32 v49, v62;
	v3 =	vadd.f32 v3, v6;
	[tilespmem:s25+$0xC5D0] =	vst v59;
	v59 =	vbroadcast v19, $0xB  }
0x269: {  	v55 =	vld [tilespmem:s25+$0x9B0]  }
0x26a: {  	v3 =	vadd.f32 v7, v3;
	v7 =	vmul.f32 v39, v4;
	v39 =	vmul.f32 v38, v59;
	v38 =	vld [tilespmem:$0x1FD10]  }
0x26b: {  	[tilespmem:s25+$0xC550] =	vst v53;
	v53 =	vld [tilespmem:$0x1FC20]  }
0x26c: {  	v43 =	vld [tilespmem:s25+$0x69B0];
	v0 =	vadd.f32 v5, v0;
	v5 =	vmul.f32 v26, v4  }
0x26d: {  	[tilespmem:s25+$0xC5A0] =	vst v34;
	v34 =	vld [tilespmem:$0x1FCA0]  }
0x26e: {  	[tilespmem:s25+$0xC580] =	vst v47;
	v47 =	vld [tilespmem:s25+$0x69C0];
	v5 =	vadd.f32 v5, v0;
	v0 =	vmul.f32 v23, v9  }
0x26f: {  	[tilespmem:s25+$0xC610] =	vst v38;
	v38 =	vld [tilespmem:$0x1FD20]  }
0x270: {  	[tilespmem:s25+$0xC570] =	vst v53;
	v53 =	vld [tilespmem:s25+$0x9C0];
	v6 =	vmul.f32 v29, v62;
	v0 =	vadd.f32 v0, v2;
	v62 =	vbroadcast v20, $0xB  }
0x271: {  	v41 =	vld [tilespmem:s25+$0x39C0]  }
0x272: {  	[tilespmem:s25+$0xC5C0] =	vst v34;
	v34 =	vld [tilespmem:s25+$0x69D0];
	v0 =	vadd.f32 v6, v0;
	v6 =	vmul.f32 v37, v62;
	v37 =	vbroadcast v22, $0xB  }
0x273: {  	v26 =	vld [tilespmem:s25+$0x99C0]  }
0x274: {  	[tilespmem:s25+$0xC620] =	vst v38;
	v38 =	vadd.f32 v7, v0;
	v0 =	vadd.f32 v6, v39;
	v6 =	vmul.f32 v40, v37;
	v40 =	vld [tilespmem:$0x1FD30]  }
0x275: {  	v31 =	vld [tilespmem:$0x1FC90]  }
0x276: {  	v23 =	vld [tilespmem:$0x1FCD0]  }
0x277: {  	v29 =	vld [tilespmem:$0x1FCE0]  }
0x278: {  	v49 =	vld [tilespmem:$0x1FCF0]  }
0x279: {  	[tilespmem:s25+$0xC630] =	vst v40;
	v40 =	vld [tilespmem:$0x1FD50]  }
0x27a: {  	v16 =	vld [tilespmem:s25+$0x9D0]  }
0x27b: {  	v9 =	vld [tilespmem:s25+$0x9E0]  }
0x27c: {  	[tilespmem:s25+$0xC5B0] =	vst v31;
	v2 =	vmul.f32 v29, v4;
	v39 =	vld [tilespmem:$0x1FD40]  }
0x27d: {  	v31 =	vld [tilespmem:s25+$0x39D0];
	[tilespmem:s25+$0xC5F0] =	vst v49  }
0x27e: {  	v49 =	vmul.f32 v15, v62;
	v4 =	vadd.f32 v2, v3;
	v2 =	vmul.f32 v24, v59;
	[tilespmem:s25+$0xC650] =	vst v40;
	v40 =	vld [tilespmem:$0x1FD70]  }
0x27f: {  	[tilespmem:s25+$0xC5E0] =	vst v23;
	v23 =	vld [tilespmem:$0x1FD00]  }
0x280: {  	v15 =	vld [tilespmem:s25+$0x69E0];
	v2 =	vadd.f32 v49, v2;
	v49 =	vmul.f32 v28, v37;
	v7 =	vmul.f32 v12, v59  }
0x281: {  	v29 =	vld [tilespmem:s25+$0x99D0];
	v0 =	vadd.f32 v6, v0;
	v6 =	vmul.f32 v11, v62;
	[tilespmem:s25+$0xC640] =	vst v39;
	v39 =	vbroadcast v21, $0xB  }
0x282: {  	v2 =	vadd.f32 v49, v2;
	v49 =	vld [tilespmem:$0x1FD60]  }
0x283: {  	v6 =	vadd.f32 v6, v7;
	v7 =	vmul.f32 v40, v39;
	v40 =	vmul.f32 v30, v37;
	v30 =	vld [tilespmem:$0x1FD90]  }
0x284: {  	[tilespmem:s25+$0xC600] =	vst v23;
	v23 =	vld [tilespmem:s25+$0x39E0]  }
0x285: {  	v24 =	vld [tilespmem:s25+$0x99E0]  }
0x286: {  	v3 =	vmul.f32 v25, v59;
	v25 =	vmul.f32 v17, v62;
	v17 =	vld [tilespmem:s25+$0x99F0]  }
0x287: {  	[tilespmem:s25+$0xC660] =	vst v49;
	v49 =	vld [tilespmem:$0x1FD80]  }
0x288: {  	v3 =	vadd.f32 v25, v3;
	v25 =	vmul.f32 v30, v39;
	v30 =	vld [tilespmem:$0x1FDA0]  }
0x289: {  	v28 =	vld [tilespmem:s25+$0x69F0]  }
0x28a: {  	v12 =	vld [tilespmem:s25+$0x9F0]  }
0x28b: {  	v11 =	vld [tilespmem:s25+$0x39F0]  }
0x28c: {  	v13 =	vmul.f32 v13, v37;
	[tilespmem:s25+$0xC670] =	vst v49;
	v49 =	vld [tilespmem:s25+$0xA00]  }
0x28d: {  	[tilespmem:s25+$0xC680] =	vst v30;
	v30 =	vadd.f32 v7, v0;
	v0 =	vadd.f32 v40, v6;
	v7 =	vmul.f32 v48, v39;
	v48 =	vld [tilespmem:$0x1FDB0]  }
0x28e: {  	v6 =	vadd.f32 v25, v2;
	v2 =	vadd.f32 v13, v3;
	v3 =	vmul.f32 v61, v39;
	v61 =	vld [tilespmem:$0x1FDC0]  }
0x28f: {  	v40 =	vld [tilespmem:s25+$0x3A00]  }
0x290: {  	v25 =	vld [tilespmem:s25+$0x6A00]  }
0x291: {  	v13 =	vld [tilespmem:s25+$0x9A00];
	[tilespmem:s25+$0xC920] =	vst v30  }
0x292: {  	v30 =	vld [tilespmem:s25+$0x3AB0];
	[tilespmem:s25+$0xC690] =	vst v48  }
0x293: {  	[tilespmem:s25+$0xC6A0] =	vst v61;
	v61 =	vadd.f32 v7, v0;
	v0 =	vmul.f32 v32, v59;
	v48 =	vld [tilespmem:$0x1FDD0]  }
0x294: {  	v7 =	vmul.f32 v27, v62;
	v32 =	vmul.f32 v10, v62;
	v27 =	vld [tilespmem:s25+$0xA10]  }
0x295: {  	v62 =	vmul.f32 v60, v37;
	v10 =	vmul.f32 v14, v37;
	v37 =	vld [tilespmem:$0x1FDF0]  }
0x296: {  	v14 =	vld [tilespmem:s25+$0x3A10];
	v0 =	vadd.f32 v7, v0  }
0x297: {  	v7 =	vld [tilespmem:$0x1FE30]  }
0x298: {  	v0 =	vadd.f32 v62, v0;
	v62 =	vld [tilespmem:$0x1FE10]  }
0x299: {  	v60 =	vmul.f32 v50, v39;
	[tilespmem:s25+$0xC6B0] =	vst v48;
	v48 =	vadd.f32 v3, v2;
	v2 =	vmul.f32 v18, v59;
	v59 =	vld [tilespmem:$0x1FDE0]  }
0x29a: {  	[tilespmem:s25+$0xC6D0] =	vst v37;
	v18 =	vbroadcast v20, $0xC;
	v37 =	vmul.f32 v58, v39;
	v39 =	vld [tilespmem:s25+$0x9A10]  }
0x29b: {  	v58 =	vld [tilespmem:s25+$0xA20]  }
0x29c: {  	v2 =	vadd.f32 v32, v2;
	v50 =	vmul.f32 v63, v18;
	v63 =	vld [tilespmem:$0x1FE20]  }
0x29d: {  	v3 =	vbroadcast v19, $0xC;
	v32 =	vld [tilespmem:s25+$0x6A10]  }
0x29e: {  	v2 =	vadd.f32 v10, v2;
	[tilespmem:s25+$0xC6C0] =	vst v59;
	v59 =	vld [tilespmem:$0x1FE00]  }
0x29f: {  	v10 =	vmul.f32 v1, v3;
	v1 =	vadd.f32 v60, v0;
	v0 =	vmul.f32 v56, v3;
	v56 =	vld [tilespmem:$0x1FE50]  }
0x2a0: {  	[tilespmem:s25+$0xC6F0] =	vst v62;
	v62 =	vld [tilespmem:s25+$0x3A20]  }
0x2a1: {  	[tilespmem:s25+$0xC700] =	vst v63;
	v63 =	vld [tilespmem:$0x1FE40]  }
0x2a2: {  	[tilespmem:s25+$0xC710] =	vst v7;
	v7 =	vadd.f32 v37, v2;
	v2 =	vmul.f32 v36, v18;
	v36 =	vld [tilespmem:s25+$0x6A20]  }
0x2a3: {  	v10 =	vadd.f32 v50, v10;
	v50 =	vld [tilespmem:s25+$0x9A20];
	[tilespmem:s25+$0xC6E0] =	vst v59;
	v59 =	vbroadcast v22, $0xC  }
0x2a4: {  	v60 =	vbroadcast v21, $0xC;
	[tilespmem:s25+$0xC730] =	vst v56;
	v56 =	vld [tilespmem:s25+$0x6A30]  }
0x2a5: {  	v0 =	vadd.f32 v2, v0;
	v37 =	vmul.f32 v46, v59;
	v2 =	vmul.f32 v52, v59;
	v52 =	vld [tilespmem:s25+$0xA30]  }
0x2a6: {  	v44 =	vmul.f32 v44, v18;
	[tilespmem:s25+$0xC720] =	vst v63;
	v46 =	vmul.f32 v51, v60;
	v63 =	vld [tilespmem:$0x1FE60]  }
0x2a7: {  	v51 =	vmul.f32 v57, v60;
	v57 =	vld [tilespmem:$0x1FE80];
	v10 =	vadd.f32 v37, v10;
	v37 =	vmul.f32 v45, v3  }
0x2a8: {  	v45 =	vld [tilespmem:s25+$0x3A30];
	v2 =	vadd.f32 v2, v0  }
0x2a9: {  	v0 =	vadd.f32 v46, v10;
	v10 =	vadd.f32 v44, v37;
	v37 =	vmul.f32 v42, v59;
	v42 =	vld [tilespmem:s25+$0x9A30]  }
0x2aa: {  	v55 =	vmul.f32 v55, v3;
	v54 =	vmul.f32 v54, v18;
	v46 =	vld [tilespmem:s25+$0xA40]  }
0x2ab: {  	v2 =	vadd.f32 v51, v2;
	v51 =	vld [tilespmem:s25+$0x3A40]  }
0x2ac: {  	v44 =	vadd.f32 v54, v55;
	v54 =	vmul.f32 v41, v18;
	v18 =	vmul.f32 v31, v18;
	v31 =	vld [tilespmem:s25+$0x9A40]  }
0x2ad: {  	v55 =	vld [tilespmem:$0x1FED0]  }
0x2ae: {  	v41 =	vld [tilespmem:s25+$0xA50]  }
0x2af: {  	v43 =	vmul.f32 v43, v59;
	[tilespmem:s25+$0xC740] =	vst v63;
	v63 =	vld [tilespmem:$0x1FE70]  }
0x2b0: {  	v33 =	vmul.f32 v33, v60;
	[tilespmem:s25+$0xC760] =	vst v57;
	v57 =	vld [tilespmem:$0x1FEA0]  }
0x2b1: {  	v35 =	vmul.f32 v35, v60;
	v10 =	vadd.f32 v37, v10;
	v43 =	vadd.f32 v43, v44;
	v44 =	vld [tilespmem:s25+$0x6A40]  }
0x2b2: {  	v16 =	vmul.f32 v16, v3;
	v37 =	vmul.f32 v53, v3;
	v53 =	vld [tilespmem:$0x1FEC0]  }
0x2b3: {  	v3 =	vadd.f32 v33, v10;
	v10 =	vadd.f32 v35, v43;
	v35 =	vmul.f32 v47, v59;
	v47 =	vld [tilespmem:s25+$0x3A50]  }
0x2b4: {  	v34 =	vmul.f32 v34, v59;
	v59 =	vld [tilespmem:$0x1FEF0]  }
0x2b5: {  	[tilespmem:s25+$0xC750] =	vst v63;
	v63 =	vld [tilespmem:$0x1FE90]  }
0x2b6: {  	v33 =	vadd.f32 v54, v37;
	v54 =	vld [tilespmem:s25+$0xA60]  }
0x2b7: {  	[tilespmem:s25+$0xC780] =	vst v57;
	v57 =	vld [tilespmem:$0x1FEE0]  }
0x2b8: {  	[tilespmem:s25+$0xC7B0] =	vst v55;
	v55 =	vld [tilespmem:s25+$0x3A60]  }
0x2b9: {  	v37 =	vbroadcast v19, $0xD;
	v43 =	vbroadcast v20, $0xD;
	[tilespmem:s25+$0xC7D0] =	vst v59;
	v59 =	vld [tilespmem:$0x1FF10]  }
0x2ba: {  	[tilespmem:s25+$0xC770] =	vst v63;
	v63 =	vld [tilespmem:$0x1FEB0]  }
0x2bb: {  	v33 =	vadd.f32 v35, v33;
	v9 =	vmul.f32 v9, v37;
	v23 =	vmul.f32 v23, v43;
	v35 =	vld [tilespmem:s25+$0x9A50];
	[tilespmem:s25+$0xC7A0] =	vst v53  }
0x2bc: {  	v53 =	vbroadcast v22, $0xD;
	[tilespmem:s25+$0xC7C0] =	vst v57;
	v57 =	vld [tilespmem:$0x1FF00]  }
0x2bd: {  	v12 =	vmul.f32 v12, v37;
	v9 =	vadd.f32 v23, v9;
	v23 =	vld [tilespmem:s25+$0x6A60]  }
0x2be: {  	v11 =	vmul.f32 v11, v43;
	[tilespmem:s25+$0xC7F0] =	vst v59;
	v59 =	vmul.f32 v28, v53;
	v28 =	vld [tilespmem:s25+$0x6A70]  }
0x2bf: {  	[tilespmem:s25+$0xC790] =	vst v63;
	v63 =	vmul.f32 v26, v60;
	v26 =	vmul.f32 v29, v60;
	v29 =	vld [tilespmem:s25+$0x6A50]  }
0x2c0: {  	v16 =	vadd.f32 v18, v16;
	v11 =	vadd.f32 v11, v12;
	v60 =	vld [tilespmem:$0x1FF20]  }
0x2c1: {  	[tilespmem:s25+$0xC7E0] =	vst v57;
	v57 =	vld [tilespmem:$0x1FF40]  }
0x2c2: {  	v34 =	vadd.f32 v34, v16;
	v11 =	vadd.f32 v59, v11;
	v59 =	vmul.f32 v27, v37;
	v27 =	vld [tilespmem:s25+$0x3A70]  }
0x2c3: {  	v16 =	vadd.f32 v63, v33;
	v63 =	vld [tilespmem:$0x1FF30]  }
0x2c4: {  	v33 =	vbroadcast v21, $0xD;
	v18 =	vadd.f32 v26, v34;
	v26 =	vld [tilespmem:s25+$0x9A60]  }
0x2c5: {  	v34 =	vld [tilespmem:s25+$0xA70]  }
0x2c6: {  	[tilespmem:s25+$0xC910] =	vst v38;
	v12 =	vmul.f32 v24, v33;
	v24 =	vld [tilespmem:s25+$0x9A70]  }
0x2c7: {  	v38 =	vbroadcast v21, $0xE;
	[tilespmem:s25+$0xC9D0] =	vst v18;
	v18 =	vbroadcast v21, $0xF;
	v21 =	vld [tilespmem:s25+$0x9AD0]  }
0x2c8: {  	v17 =	vmul.f32 v17, v33;
	[tilespmem:s25+$0xC800] =	vst v60;
	v60 =	vld [tilespmem:$0x1FF50]  }
0x2c9: {  	v14 =	vmul.f32 v14, v43;
	[tilespmem:s25+$0xC820] =	vst v57;
	v57 =	vld [tilespmem:$0x1FF60]  }
0x2ca: {  	v15 =	vmul.f32 v15, v53;
	v11 =	vadd.f32 v17, v11;
	v17 =	vld [tilespmem:s25+$0xA80]  }
0x2cb: {  	[tilespmem:s25+$0xC810] =	vst v63;
	v63 =	vmul.f32 v49, v37;
	v49 =	vmul.f32 v40, v43;
	v40 =	vadd.f32 v14, v59;
	v59 =	vld [tilespmem:$0x1FFA0]  }
0x2cc: {  	[tilespmem:s25+$0xC940] =	vst v61;
	v61 =	vmul.f32 v26, v38;
	v26 =	vld [tilespmem:s25+$0x9AC0]  }
0x2cd: {  	v9 =	vadd.f32 v15, v9;
	v15 =	vadd.f32 v49, v63;
	v63 =	vld [tilespmem:$0x1FF80]  }
0x2ce: {  	[tilespmem:s25+$0xC830] =	vst v60;
	v60 =	vld [tilespmem:$0x1FF70]  }
0x2cf: {  	v25 =	vmul.f32 v25, v53;
	v49 =	vmul.f32 v32, v53;
	[tilespmem:s25+$0xC840] =	vst v57;
	v57 =	vld [tilespmem:$0x1FF90]  }
0x2d0: {  	v13 =	vmul.f32 v13, v33;
	v9 =	vadd.f32 v12, v9;
	v32 =	vld [tilespmem:s25+$0x3A80]  }
0x2d1: {  	v15 =	vadd.f32 v25, v15;
	v12 =	vadd.f32 v49, v40;
	v25 =	vmul.f32 v58, v37;
	v40 =	vld [tilespmem:s25+$0x9A80];
	[tilespmem:s25+$0xC880] =	vst v59  }
0x2d2: {  	v49 =	vmul.f32 v62, v43;
	v62 =	vmul.f32 v50, v33;
	v50 =	vld [tilespmem:s25+$0x3A90];
	[tilespmem:s25+$0xC860] =	vst v63  }
0x2d3: {  	v37 =	vmul.f32 v52, v37;
	v59 =	vmul.f32 v45, v43;
	v13 =	vadd.f32 v13, v15;
	v63 =	vld [tilespmem:$0x1FFB0];
	[tilespmem:s25+$0xC850] =	vst v60  }
0x2d4: {  	v15 =	vadd.f32 v49, v25;
	v49 =	vbroadcast v20, $0xE;
	[tilespmem:s25+$0xC870] =	vst v57;
	v60 =	vmul.f32 v39, v33;
	v57 =	vld [tilespmem:$0x1FFC0]  }
0x2d5: {  	v58 =	vmul.f32 v36, v53;
	v45 =	vld [tilespmem:s25+$0xA90];
	v36 =	vadd.f32 v59, v37;
	v37 =	vbroadcast v19, $0xE  }
0x2d6: {  	[tilespmem:s25+$0xC8F0] =	vst v5;
	v31 =	vmul.f32 v31, v38;
	v32 =	vmul.f32 v32, v49;
	v12 =	vadd.f32 v60, v12;
	v60 =	vld [tilespmem:$0x1FFD0]  }
0x2d7: {  	[tilespmem:s25+$0xC950] =	vst v48;
	v25 =	vld [tilespmem:s25+$0x6AC0];
	v14 =	vadd.f32 v58, v15;
	v59 =	vmul.f32 v46, v37;
	v52 =	vmul.f32 v54, v37  }
0x2d8: {  	v39 =	vld [tilespmem:s25+$0x6A80];
	v48 =	vmul.f32 v40, v38;
	[tilespmem:s25+$0xC890] =	vst v63;
	v63 =	vmul.f32 v56, v53  }
0x2d9: {  	v46 =	vld [tilespmem:s25+$0x9A90];
	v5 =	vadd.f32 v62, v14;
	[tilespmem:s25+$0xC8A0] =	vst v57;
	v57 =	vmul.f32 v42, v33;
	v33 =	vbroadcast v22, $0xE  }
0x2da: {  	v62 =	vmul.f32 v41, v37;
	v53 =	vld [tilespmem:$0x1FFE0];
	v58 =	vadd.f32 v63, v36;
	v63 =	vmul.f32 v47, v49  }
0x2db: {  	v56 =	vld [tilespmem:$0x1FFF0];
	[tilespmem:s25+$0xC8B0] =	vst v60;
	v60 =	vmul.f32 v51, v49;
	v47 =	vmul.f32 v44, v33  }
0x2dc: {  	[tilespmem:s25+$0xC900] =	vst v4;
	v41 =	vld [tilespmem:s25+$0xAA0];
	v51 =	vmul.f32 v29, v33;
	v23 =	vmul.f32 v23, v33;
	v4 =	vadd.f32 v57, v58  }
0x2dd: {  	[tilespmem:s25+$0xC8E0] =	vst v8;
	v42 =	vld [tilespmem:s25+$0x6A90];
	v14 =	vadd.f32 v63, v62;
	v58 =	vmul.f32 v35, v38;
	v63 =	vmul.f32 v24, v38  }
0x2de: {  	[tilespmem:s25+$0xC930] =	vst v6;
	v36 =	vld [tilespmem:s25+$0x3AA0];
	v35 =	vmul.f32 v45, v37;
	v45 =	vmul.f32 v39, v33  }
0x2df: {  	v29 =	vld [tilespmem:s25+$0x6AA0];
	[tilespmem:s25+$0xC8C0] =	vst v53;
	v43 =	vadd.f32 v60, v59;
	v53 =	vmul.f32 v55, v49;
	v55 =	vmul.f32 v34, v37  }
0x2e0: {  	v57 =	vld [tilespmem:s25+$0xAB0];
	[tilespmem:s25+$0xC8D0] =	vst v56;
	v56 =	vmul.f32 v27, v49;
	v59 =	vmul.f32 v28, v33  }
0x2e1: {  	[tilespmem:s25+$0xC960] =	vst v1;
	v24 =	vld [tilespmem:s25+$0xAC0];
	v54 =	vadd.f32 v51, v14;
	v51 =	vbroadcast v19, $0xF;
	v8 =	vadd.f32 v47, v43  }
0x2e2: {  	[tilespmem:s25+$0xC970] =	vst v7;
	v28 =	vld [tilespmem:s25+$0x6AB0];
	v15 =	vadd.f32 v53, v52;
	v14 =	vadd.f32 v56, v55;
	v47 =	vmul.f32 v42, v33  }
0x2e3: {  	[tilespmem:s25+$0xC980] =	vst v0;
	v34 =	vld [tilespmem:s25+$0x3AC0];
	v52 =	vbroadcast v20, $0xF;
	v55 =	vmul.f32 v41, v51;
	v1 =	vadd.f32 v31, v8  }
0x2e4: {  	[tilespmem:s25+$0xC990] =	vst v2;
	v43 =	vld [tilespmem:s25+$0x9AA0];
	v60 =	vadd.f32 v23, v15;
	v31 =	vmul.f32 v17, v37;
	v37 =	vmul.f32 v50, v49  }
0x2e5: {  	[tilespmem:s25+$0xC9A0] =	vst v3;
	v53 =	vld [tilespmem:s25+$0x3AD0];
	v62 =	vadd.f32 v59, v14;
	v49 =	vmul.f32 v46, v38;
	v15 =	vbroadcast v22, $0xF  }
0x2e6: {  	[tilespmem:s25+$0xC9B0] =	vst v10;
	v6 =	vadd.f32 v58, v54;
	v54 =	vld [tilespmem:s25+$0x6AD0];
	v56 =	vmul.f32 v36, v52;
	v57 =	vmul.f32 v57, v51  }
0x2e7: {  	[tilespmem:s25+$0xC9C0] =	vst v16;
	v23 =	vld [tilespmem:s25+$0x9AB0];
	v58 =	vmul.f32 v30, v52;
	v0 =	vadd.f32 v61, v60;
	v2 =	vadd.f32 v63, v62  }
0x2e8: {  	[tilespmem:s25+$0xC9E0] =	vst v9;
	v50 =	vld [tilespmem:s25+$0xAD0];
	v33 =	vmul.f32 v34, v52;
	v44 =	vadd.f32 v32, v31;
	v7 =	vadd.f32 v37, v35  }
0x2e9: {  	[tilespmem:s25+$0xC9F0] =	vst v11;
	v59 =	vld [tilespmem:s25+$0xAE0];
	v9 =	vadd.f32 v56, v55;
	v60 =	vmul.f32 v29, v15;
	v63 =	vmul.f32 v28, v15  }
0x2ea: {  	[tilespmem:s25+$0xCA00] =	vst v13;
	v34 =	vld [tilespmem:s25+$0x3AF0];
	v11 =	vadd.f32 v58, v57;
	v32 =	vmul.f32 v24, v51;
	v41 =	vmul.f32 v25, v15  }
0x2eb: {  	[tilespmem:s25+$0xCA10] =	vst v12;
	v62 =	vld [tilespmem:s25+$0x3AE0];
	v57 =	vmul.f32 v21, v18;
	v61 =	vmul.f32 v43, v18;
	v3 =	vadd.f32 v45, v44  }
0x2ec: {  	[tilespmem:s25+$0xCA20] =	vst v5;
	v29 =	vld [tilespmem:s25+$0xAF0];
	v37 =	vmul.f32 v53, v52;
	v7 =	vadd.f32 v47, v7;
	v30 =	vadd.f32 v60, v9  }
0x2ed: {  	[tilespmem:s25+$0xCA30] =	vst v4;
	v38 =	vld [tilespmem:s25+$0x6AE0];
	v35 =	vadd.f32 v63, v11;
	v44 =	vmul.f32 v54, v15;
	v54 =	vmul.f32 v26, v18  }
0x2ee: {  	v42 =	vld [tilespmem:s25+$0x6AF0];
	[tilespmem:s25+$0xCA50] =	vst v6;
	v40 =	vadd.f32 v33, v32;
	v28 =	vmul.f32 v23, v18;
	v36 =	vmul.f32 v50, v51  }
0x2ef: {  	[tilespmem:s25+$0xCA40] =	vst v1;
	v45 =	vld [tilespmem:s25+$0x9AE0];
	v47 =	vmul.f32 v59, v51;
	v3 =	vadd.f32 v48, v3;
	v7 =	vadd.f32 v49, v7  }
0x2f0: {  	[tilespmem:s25+$0xCA60] =	vst v0;
	v39 =	vadd.f32 v61, v30;
	v46 =	vadd.f32 v41, v40;
	v49 =	vld [tilespmem:s25+$0x9AF0];
	v48 =	vmul.f32 v62, v52  }
0x2f1: {  	[tilespmem:s25+$0xCA70] =	vst v2;
	v43 =	vadd.f32 v37, v36;
	v51 =	vmul.f32 v29, v51;
	v52 =	vmul.f32 v34, v52  }
0x2f2: {  	v55 =	vmul.f32 v38, v15;
	v4 =	vadd.f32 v28, v35;
	[tilespmem:s25+$0xCA80] =	vst v3;
	v53 =	vadd.f32 v48, v47  }
0x2f3: {  	v56 =	vmul.f32 v42, v15;
	[tilespmem:s25+$0xCA90] =	vst v7;
	v50 =	vadd.f32 v44, v43;
	v6 =	vadd.f32 v52, v51  }
0x2f4: {  	p0 =	sne.s32 s24, $0x7;
	[tilespmem:s25+$0xCAA0] =	vst v39;
	v0 =	vadd.f32 v54, v46;
	v59 =	vmul.f32 v45, v18;
	v58 =	vadd.f32 v55, v53  }
.Ltmp0:
0x2f5: {  	[tilespmem:s25+$0xCAB0] =	vst v4;
	v2 =	vadd.f32 v57, v50;
	v60 =	vadd.f32 v56, v6;
	v61 =	vmul.f32 v49, v18;
	(pc) =	sbr.rel @p0 .LBB2_3-.Ltmp0, $4  }
0x2f6: {  	[tilespmem:s25+$0xCAC0] =	vst v0;
	v62 =	vadd.f32 v59, v58  }
0x2f7: {  	[tilespmem:s25+$0xCAD0] =	vst v2;
	v63 =	vadd.f32 v61, v60  }
0x2f8: {  	[tilespmem:s25+$0xCAE0] =	vst v62  }
0x2f9: {  	s24 =	sadd.s32 $0x1, s24;
	[tilespmem:s25+$0xCAF0] =	vst v63  }
0x2fa: {  	s23 =	smul.u32 $0xC, s23;
	s22 =	sadd.s32 $0x1, s22  }
0x2fb: {  	p0 =	sne.s32 s22, $0x80  }
.Ltmp1:
0x2fc: {  	s23 =	sadd.s32 s6, s23;
	(pc) =	sbr.rel @p0 .LBB2_2-.Ltmp1, $4  }
0x2fd: {  	[hbm4b:s23+s2] =	stream.linear.scatter [tilespmem:s20], [sflag:$0x2], $0x3000, $0x38;
	[tilespmem:$0xF500] =	vst v63  }
0x2fe: {  	_ =	swait.ge [sflag:s9], $0x3000  }
0x2ff: {  	[sflag:s9] =	ssyncset.done $0x0  }
0x300: {  	[sflag:s9] =	ssyncadd.s32 $0xFFFFD000  }
0x301: {  	s21 =	sadd.s32 $0x1, s21  }
0x302: {  	p0 =	sne.s32 s21, s8  }
.Ltmp2:
0x303: {  	_ = 	snop;
	(pc) =	sbr.rel @p0 .LBB2_1-.Ltmp2, $1  }
0x304: {  	_ =	sdelay $0x3  }
0x305: {  	_ =	sfence.sel $0x180000  }
0x306: {  	[bflag:$0x0] =	sbarrier.arrive $0xFFFF  }
0x307: {  	p0 =	sne.s32 s3, $0x0;
	_ =	strace $0x9000004A  }
0x308: {  	s0 =	sadd.s32 @!p0 $0x100000, s0;
	[bflag:$0x2] =	sbarrier.arrive $0xFFFF  }
0x309: {  	[sflag:s0] =	ssyncadd.tile.s32 @!p0 $0x1;
	_ =	shalt  }
.Lfunc_end2:
_tile_overlayer_lowered:
.L_overlay_start_2:
0x30a: {  	(tag) =	ssettag $0x2  }
0x30b: {  	s0 =	rddreg [dreg:$0x0];
	s2 =	stileid.u32  }
0x30c: {  	s1 =	rddreg [dreg:$0x1];
	p0 =	sne.s32 s2, $0x0  }
0x30d: {  	s3 =	rddreg [dreg:$0x2];
	[bflag:$0x3] =	sbarrier.arrive $0xFFFF;
	s2 =	simm.s32 @!p0 $0x1C02  }
0x30e: {  	[timem:s3], [sflag:s2] =	dma.local @!p0 [hbm:s0], s1  }
0x30f: {  	s0 =	simm.s32 @!p0 $0x2  }
0x310: {  	_ =	swait.ge @!p0 [sflag:s0], s1  }
0x311: {  	s1 =	ssub.s32 @!p0 $0x0, s1;
	[sflag:s0] =	ssyncset.done @!p0 $0x0  }
0x312: {  	[sflag:s0] =	ssyncadd.s32 @!p0 s1  }
0x313: {  	[bflag:$0x3] =	sbarrier.arrive $0xFFFF  }
0x314: {  	_ =	shalt  }

// kernel: sparse-core-data-format-call.1.cloned.1.call-start
scs
called_computation.1_lowered:
.L_overlay_start_0:
0x0: {  	s2 =	sld [smem:$0x3FD9]  }
0x1: {  	s3 =	sld [smem:$0x3FFE];
	_ =	sdelay $0x1  }
0x2: {  	s1 =	srdreg.scid  }
0x3: {  	s0 =	sand.u32 $0x1, s1  }
0x4: {  	s18 =	sshll.u32 s0, $0xA;
	s2 =	sadd.s32 s3, s2  }
0x5: {  	s2 =	sadd.s32 s2, s18  }
0x6: {  	[smem:$0x3FC5] =	sst s2  }
0x7: {  	_ = 	snop  }
0x8: {  	s2 =	sld [smem:$0x3FC9];
	(tm) =	ssettm $0x1  }
0x9: {  	s19 =	sld [smem:$0x3FFB];
	_ =	sdelay $0x3  }
0xa: {  	_ =	strace s19  }
0xb: {  	s3 =	sld [smem:$0x3FFC];
	_ =	sdelay $0x3  }
0xc: {  	_ =	strace s3  }
0xd: {  	s3 =	sld [smem:$0x3FFD];
	_ =	sdelay $0x3  }
0xe: {  	_ =	strace s3  }
0xf: {  	_ =	strace $0x8FFFFFFF  }
0x10: {  	s20 =	sld [smem:$0x3FDB];
	_ =	sdelay $0x1  }
0x11: {  	s4 =	simm.s32 $_scs_section_size  }
0x12: {  	s5 =	simm.s32 $_size__tile_overlayer_lowered;
	s6 =	simm.s32 $_tile_overlayer_lowered  }
0x13: {  	s23 =	simm.s32 $0x1BFF;
	s22 =	sshll.u32 s6, $0x1;
	s3 =	sadd.s32 s4, s20  }
0x14: {  	s7 =	simm.s32 $0x0;
	s21 =	sshll.u32 s5, $0x1;
	s5 =	sadd.s32 s22, s3  }
0x15: {  	[timem:s7], [sflag:s23] =	dma.local [hbm:s5], s21  }
0x16: {  	_ =	swait.ge [sflag:s23], s21  }
0x17: {  	s4 =	ssub.s32 $0x0, s21;
	[sflag:s23] =	ssyncset.done $0x0  }
0x18: {  	[sflag:s23] =	ssyncadd.s32 s4;
	_ =	sdelay $0x1  }
0x19: {  	s24 =	simm.s32 $0x1B8B  }
0x1a: {  	_ =	swait.ge [sflag:s24], $0x1  }
0x1b: {  	[sflag:s24] =	ssyncset.done $0x0  }
0x1c: {  	s26 =	simm.s32 $0x1B8E;
	s25 =	sld [smem:$0x3FFE];
	[sflag:s24] =	ssyncadd.s32 $0xFFFFFFFF  }
0x1d: {  	s27 =	simm.s32 $execute0_lowered;
	[smem:$0x3FD2] =	sst s26  }
0x1e: {  	s5 =	sshll.u32 s27, $0x1;
	_ =	strace $0x80000046;
	[dreg:$0x1] =	wrdreg $0xFFFFFFFF  }
0x1f: {  	s28 =	simm.s32 $_size_execute0_lowered;
	s3 =	sadd.s32 s3, s5;
	[dreg:$0x0] =	wrdreg $0x0  }
0x20: {  	s5 =	sshll.u32 s28, $0x1;
	[dreg:$0x2] =	wrdreg s3  }
0x21: {  	[dreg:$0x3] =	wrdreg s5  }
0x22: {  	[dreg:$0x4] =	wrdreg $0xC0  }
0x23: {  	_ =	task [dreg:s7], $0x5FFFF  }
0x24: {  	[dreg:$0x1] =	wrdreg $0xFFFFFFFF  }
0x25: {  	[dreg:$0x0] =	wrdreg $0x60  }
0x26: {  	[dreg:$0x2] =	wrdreg s2  }
0x27: {  	[dreg:$0x3] =	wrdreg s25  }
0x28: {  	[dreg:$0x4] =	wrdreg $0x9  }
0x29: {  	_ =	task.clear_ibuf [dreg:s7], $0x5FFFF;
	_ =	strace $0x90000046  }
0x2a: {  	s29 =	simm.s32 $0x9;
	_ =	strace $0x80000048  }
0x2b: {  	_ =	swait.ge [sflag:s29], $0x1  }
0x2c: {  	[sflag:s29] =	ssyncadd.s32 $0xFFFFFFFF  }
0x2d: {  	_ =	strace $0x90000048  }
0x2e: {  	_ =	sfence  }
0x2f: {  	s30 =	sld [smem:$0x0];
	_ =	sdelay $0x2  }
0x30: {  	s31 =	sshll.u32 s1, $0xD;
	s1 =	sshrl.u32 s1, $0x2  }
0x31: {  	s3 =	sand.u32 $0x4000, s31;
	s1 =	sadd.s32 s1, s30  }
0x32: {  	s0 =	sor.u32 s3, s0;
	s1 =	sshll.u32 s1, $0x11  }
0x33: {  	s0 =	sor.u32 s1, s0  }
0x34: {  	s0 =	sadd.s32 $0x8F2B, s0  }
0x35: {  	[sflag:s0] =	ssyncadd.remote.s32 $0x1  }
0x36: {  	_ =	sfence.sel $0xFFFF  }
0x37: {  	[dreg:$0x0] =	wrdreg $0xFFFFFFFF;
	(pc) =	sbr.abs _section_cstart, $3  }
0x38: {  	[dreg:$0x1] =	wrdreg $0xFFFFFFFF  }
0x39: {  	_ =	task.clear_ibuf [dreg:s7], $0x2FFFF;
	_ =	strace $0x9FFFFFFF  }
0x3a: {  	(tm) =	ssettm $0x7FFFFFFF  }
0x3b: {  	_ =	shalt  }
tec
execute0_lowered:
.L_overlay_start_1:
0x0: {  	(tag) =	ssettag $0x1  }
0x1: {  	s2 =	rddreg [dreg:$0x0]  }
0x2: {  	s4 =	rddreg [dreg:$0x1]  }
0x3: {  	s0 =	rddreg [dreg:$0x2];
	s1 =	stileid.u32  }
0x4: {  	_ =	strace $0x80000047;
	s5 =	srdreg.scid;
	s9 =	simm.s32 $0x2  }
0x5: {  	s18 =	simm.s32 $0x0;
	p0 =	por $0x0, $0x0;
	s16 =	simm.s32 $0x0  }
0x6: {  	s15 =	simm.s32 $0x0;
	s17 =	simm.s32 $0x0;
	s10 =	simm.s32 $0x0  }
0x7: {  	s12 =	simm.s32 $0x0;
	s14 =	simm.s32 $0x0;
	s3 =	sand.u32 $0x1, s1  }
0x8: {  	s4 =	sadd.s32 $0x1000, s4;
	s5 =	sshll.u32 s5, $0x4;
	s6 =	ssub.s32 $0x2, s3  }
.Ltmp0:
0x9: {  	s5 =	sand.u32 $0x10, s5;
	s7 =	sshrl.u32 s6, $0x1;
	(pc) =	sbr.rel .LBB1_1-.Ltmp0, $4  }
0xa: {  	s6 =	sand.u32 $0x1, s6;
	s8 =	sor.u32 s1, s5;
	s5 =	simm.s32 $0x1  }
0xb: {  	s13 =	smov.u32 s3;
	s6 =	sadd.s32 s6, s7;
	[sflag:s5] =	ssyncpa.u1 $0x0  }
0xc: {  	s7 =	sshrl.u32 s8, $0x1;
	s6 =	sshll.u32 s6, $0x7;
	[sflag:s9] =	ssyncpa.u1 $0x0  }
0xd: {  	s9 =	simm.s32 $0x40000;
	s11 =	smov.u32 s7;
	s8 =	sor.u32 $0x1, s6  }
.LBB1_6:
0xe: {  	v5 =	vld [tilespmem:s21+$0xFFFFFFD0];
	[tilespmem:s22+$0x2040 ss:$0x81] =	vst.msk $0xffff, v1  }
0xf: {  	v58 =	vld [tilespmem:s21+$0xFFFFFFE0];
	[tilespmem:s22+$0x2850 ss:$0x81] =	vst.msk $0xffff, v2  }
0x10: {  	s23 =	sshra.s32 s23, $0x2;
	v59 =	vld [tilespmem:s21+$0xFFFFFFF0];
	[tilespmem:s22+$0x3060 ss:$0x81] =	vst.msk $0xffff, v3  }
0x11: {  	v60 =	vld [tilespmem:s21+$0x0];
	[tilespmem:s22+$0x0 ss:$0x81] =	vst.msk $0xffff, v0;
	s20 =	sadd.s32 s23, s20  }
0x12: {  	v61 =	vld [tilespmem:s21+$0x10];
	[tilespmem:s20+$0x3870 ss:$0x81] =	vst.msk $0xffff, v4  }
0x13: {  	s18 =	sshll.u32 s18, $0x7;
	s26 =	sshll.u32 s15, $0x3;
	v62 =	vld [tilespmem:s21+$0x20];
	[tilespmem:s20+$0x810 ss:$0x81] =	vst.msk $0xffff, v5  }
0x14: {  	v63 =	vld [tilespmem:s21+$0xFFFFFFC0];
	s17 =	sshll.u32 s17, $0x16;
	s27 =	sand.u32 $0xFC00, s18;
	s22 =	sand.u32 $0xFC00, s26;
	[tilespmem:s20+$0x1020 ss:$0x81] =	vst.msk $0xffff, v58  }
0x15: {  	s16 =	sshll.u32 s16, $0xD;
	s18 =	sand.u32 $0x380, s18;
	s28 =	sadd.s32 s22, s27;
	[tilespmem:s20+$0x1830 ss:$0x81] =	vst.msk $0xffff, v59  }
0x16: {  	s29 =	sshrl.u32 s15, $0x3;
	s17 =	sadd.s32 s4, s17;
	s18 =	sor.u32 s18, s28;
	[tilespmem:s20+$0x2040 ss:$0x81] =	vst.msk $0xffff, v60  }
0x17: {  	s21 =	sand.u32 $0xF, s29;
	s16 =	sadd.s32 s16, s17;
	s18 =	sshrl.u32 s18, $0x3;
	[tilespmem:s20+$0x2850 ss:$0x81] =	vst.msk $0xffff, v61  }
0x18: {  	s16 =	sadd.s32 s21, s16;
	[tilespmem:s20+$0x3060 ss:$0x81] =	vst.msk $0xffff, v62;
	s30 =	sand.u32 $0x1FF0, s18  }
0x19: {  	s31 =	sand.u32 $0x7, s15;
	[tilespmem:s20+$0x0 ss:$0x81] =	vst.msk $0xffff, v63;
	s16 =	sadd.s32 s30, s16  }
0x1a: {  	[hbm4b:s16+s31] =	stream.linear.scatter [tilespmem:s19], [sflag:$0x2], $0x4000, $0x20;
	[tilespmem:$0x10100] =	vst v63  }
.LBB1_7:
0x1b: {  	s19 =	sadd.s32 $0x80, s10  }
0x1c: {  	s15 =	sadd.s32 $0x10, s11;
	s20 =	smov.u32 s11;
	p2 =	sgt.s32 s19, $0x1FF  }
0x1d: {  	s20 =	smov.u32 @p2 s15  }
0x1e: {  	s21 =	smov.u32 s12;
	s15 =	sadd.s32 $0x80, s12;
	p3 =	sgt.s32 s20, $0x1FF  }
0x1f: {  	s21 =	smov.u32 @p3 s15  }
0x20: {  	s22 =	smov.u32 s13;
	s15 =	sadd.s32 $0x2, s13;
	p4 =	sgt.s32 s21, $0x5F  }
0x21: {  	p1 =	slt.u32 s14, $0x2;
	s22 =	smov.u32 @p4 s15  }
0x22: {  	s18 =	smov.u32 s10;
	s19 =	simm.s32 @p2 $0x0;
	p2 =	sgt.s32 s22, $0x1  }
0x23: {  	s23 =	simm.s32 @!p1 $0x2;
	s22 =	smov.u32 @p2 s3;
	p2 =	sne.s32 s14, s8  }
.Ltmp1:
0x24: {  	s16 =	smov.u32 s11;
	_ =	swait.ge @!p1 [sflag:s23], $0x4000;
	(pc) =	sbr.rel @!p2 .LBB1_8-.Ltmp1, $4  }
0x25: {  	s17 =	smov.u32 s13;
	p0 =	por !p0, !p0;
	[sflag:s23] =	ssyncset.done @!p1 $0x0  }
0x26: {  	s10 =	smov.u32 s19;
	s20 =	smov.u32 @p3 s7;
	[sflag:s23] =	ssyncadd.s32 @!p1 $0xFFFFC000  }
0x27: {  	s11 =	smov.u32 s20;
	s21 =	simm.s32 @p4 $0x0;
	s15 =	smov.u32 s12  }
0x28: {  	s12 =	smov.u32 s21;
	s14 =	sadd.s32 $0x1, s14;
	s13 =	smov.u32 s22  }
.LBB1_1:
0x29: {  	p1 =	sge.u32 s14, s6  }
.Ltmp2:
0x2a: {  	_ = 	snop;
	(pc) =	sbr.rel @p1 .LBB1_3-.Ltmp2, $1  }
0x2b: {  	_ =	sdelay $0x3  }
0x2c: {  	s19 =	sshll.u32 s11, $0x9  }
0x2d: {  	s20 =	sshll.u32 s10, $0x3;
	s31 =	sshll.u32 s11, $0x7;
	p1 =	sgt.s32 s13, $0x1  }
0x2e: {  	s22 =	smov.u32 s13;
	s23 =	sshra.s32 s13, $0x1F;
	s24 =	sshra.s32 s12, $0x1F  }
0x2f: {  	s28 =	sshra.s32 s11, $0x1F;
	s29 =	sand.u32 $0x78, s10;
	s19 =	sand.u32 $0x3F000, s19  }
0x30: {  	s20 =	sand.u32 $0x3FC00, s20;
	s21 =	sand.u32 $0x200, s31;
	s22 =	simm.s32 @!p1 $0x1  }
0x31: {  	s26 =	sand.u32 s23, s13;
	p1 =	sgt.s32 s12, $0xFFFFFFE0;
	s23 =	smov.u32 s12  }
0x32: {  	s27 =	sand.u32 s24, s12;
	s24 =	sand.u32 s28, s11;
	s28 =	sshll.u32 s12, $0xF  }
0x33: {  	s19 =	sadd.s32 s19, s20;
	s23 =	simm.s32 @!p1 $0xFFFFFFE0;
	p1 =	sgt.s32 s11, $0x1FF  }
0x34: {  	s20 =	sand.u32 $0x180, s31;
	s31 =	sshra.s32 s10, $0x1F;
	s19 =	sor.u32 s21, s19  }
0x35: {  	s21 =	sxor.u32 $0xFFFFFFFF, s26;
	s20 =	sor.u32 s29, s20;
	s29 =	sand.u32 $0x7, s10  }
0x36: {  	s21 =	sadd.s32 s21, s22;
	s22 =	ssub.s32 s23, s27;
	s23 =	smov.u32 s11  }
0x37: {  	s27 =	smul.u32 $0x300000, s13;
	s19 =	sshrl.u32 s19, $0x3;
	s20 =	sshrl.u32 s20, $0x3  }
0x38: {  	s25 =	sadd.s32 $0x20, s22;
	s23 =	simm.s32 @!p1 $0x1FF;
	p2 =	sgt.s32 s21, $0x0  }
0x39: {  	s21 =	ssub.s32 $0x1, s21;
	s22 =	ssub.s32 $0x60, s22;
	p1 =	sgt.s32 s25, $0x7F  }
0x3a: {  	s23 =	ssub.s32 s23, s24;
	s21 =	simm.s32 @p2 $0x0;
	s22 =	simm.s32 @p1 $0x0  }
0x3b: {  	p2 =	sgt.s32 s10, $0x180;
	s21 =	smul.u32 s21, s22;
	s22 =	smov.u32 s10  }
0x3c: {  	s24 =	sand.u32 s31, s10;
	s30 =	sadd.s32 $0xFFFFFE01, s23;
	s22 =	simm.s32 @!p2 $0x180  }
0x3d: {  	s23 =	ssub.s32 $0x200, s23;
	p1 =	sgt.s32 s30, $0x0;
	s22 =	ssub.s32 s22, s24  }
0x3e: {  	s19 =	sand.u32 $0x7FC0, s19;
	s23 =	simm.s32 @p1 $0x0;
	s26 =	sadd.s32 $0xFFFFFE80, s22  }
0x3f: {  	s21 =	smul.u32 s23, s21;
	s22 =	ssub.s32 $0x200, s22;
	p1 =	sgt.s32 s26, $0x7F  }
0x40: {  	s25 =	sxor.u32 $0xFFFFFFFF, s14;
	s23 =	sadd.s32 s2, s27;
	s22 =	simm.s32 @p1 $0x0  }
0x41: {  	s30 =	sshll.u32 s29, $0x12;
	s21 =	smul.u32 s22, s21;
	s22 =	sadd.s32 s28, s23  }
0x42: {  	s31 =	sor.u32 $0x80, s30;
	s24 =	sshll.u32 s25, $0xE;
	s20 =	sadd.s32 s20, s22  }
0x43: {  	s24 =	sand.u32 $0x4000, s24;
	s21 =	sand.u32 $0x3FFFFFFF, s21;
	s19 =	sadd.s32 s19, s20  }
0x44: {  	[tilespmem:s24], [sflag:$0x1] =	stream.strided.gather [hbm4b:s19+s31], s21, s9, s31, $0x38;
	[tilespmem:$0x10100] =	vst v63  }
.LBB1_3:
0x45: {  	s19 =	sadd.s32 $0xFFFFFFFF, s14  }
0x46: {  	p1 =	sge.u32 s19, s6  }
.Ltmp3:
0x47: {  	_ = 	snop;
	(pc) =	sbr.rel @p1 .LBB1_7-.Ltmp3, $1  }
0x48: {  	_ =	sdelay $0x3  }
0x49: {  	p1 =	sgt.s32 s17, $0x1;
	s19 =	smov.u32 s17;
	s20 =	sshra.s32 s17, $0x1F  }
0x4a: {  	s21 =	smov.u32 s15;
	s22 =	sshra.s32 s15, $0x1F;
	s26 =	sshra.s32 s16, $0x1F  }
0x4b: {  	s19 =	simm.s32 @!p1 $0x1;
	s20 =	sand.u32 s20, s17;
	p1 =	sgt.s32 s15, $0xFFFFFFE0  }
0x4c: {  	s22 =	sand.u32 s22, s15;
	s20 =	sxor.u32 $0xFFFFFFFF, s20;
	s21 =	simm.s32 @!p1 $0xFFFFFFE0  }
0x4d: {  	s28 =	sshra.s32 s18, $0x1F;
	s19 =	sadd.s32 s20, s19;
	s25 =	ssub.s32 s21, s22  }
0x4e: {  	p1 =	sgt.s32 s19, $0x0;
	s19 =	ssub.s32 $0x1, s19;
	s21 =	sadd.s32 $0x20, s25  }
0x4f: {  	s20 =	ssub.s32 $0x60, s25;
	s19 =	simm.s32 @p1 $0x0;
	p1 =	sgt.s32 s21, $0x7F  }
0x50: {  	s21 =	smov.u32 s16;
	s20 =	simm.s32 @p1 $0x0;
	p1 =	sgt.s32 s16, $0x1FF  }
0x51: {  	s27 =	sand.u32 s26, s16;
	s19 =	smul.u32 s19, s20;
	s21 =	simm.s32 @!p1 $0x1FF  }
0x52: {  	p1 =	sgt.s32 s18, $0x180;
	s20 =	ssub.s32 s21, s27;
	s21 =	smov.u32 s18  }
0x53: {  	s22 =	sand.u32 s28, s18;
	s23 =	sadd.s32 $0xFFFFFE01, s20;
	s21 =	simm.s32 @!p1 $0x180  }
0x54: {  	s20 =	ssub.s32 $0x200, s20;
	p1 =	sgt.s32 s23, $0x0;
	s21 =	ssub.s32 s21, s22  }
0x55: {  	s20 =	simm.s32 @p1 $0x0;
	s22 =	sadd.s32 $0xFFFFFE80, s21  }
0x56: {  	s19 =	smul.u32 s20, s19;
	p1 =	sgt.s32 s22, $0x7F;
	s20 =	ssub.s32 $0x200, s21  }
0x57: {  	s20 =	simm.s32 @p1 $0x0  }
0x58: {  	s19 =	smul.u32 s20, s19;
	_ =	sdelay $0x1  }
0x59: {  	s20 =	simm.s32 $0x1;
	s19 =	sand.u32 $0x3FFFFFFF, s19  }
0x5a: {  	s20 =	simm.s32 @!p0 $0x0;
	_ =	swait.ge [sflag:s5], s19  }
0x5b: {  	s29 =	sshll.u32 s20, $0xE;
	s19 =	ssub.s32 $0x0, s19;
	[sflag:s5] =	ssyncset.done $0x0  }
0x5c: {  	s21 =	sor.u32 $0x40, s29;
	[sflag:s5] =	ssyncadd.s32 s19  }
0x5d: {  	s30 =	smul.u32 $0x10200, s20;
	v0 =	vld [tilespmem:s21+$0x30]  }
0x5e: {  	v3 =	vld [tilespmem:s21+$0xFFFFFFD0]  }
0x5f: {  	s19 =	sshrl.u32 s30, $0x2;
	v4 =	vld [tilespmem:s21+$0xFFFFFFE0]  }
0x60: {  	s20 =	sor.u32 $0x8000, s19;
	v5 =	vld [tilespmem:s21+$0xFFFFFFF0]  }
0x61: {  	s31 =	sand.u32 $0x1, s14;
	v1 =	vld [tilespmem:s21+$0x0];
	s22 =	sadd.s32 $0x0, s20  }
0x62: {  	s19 =	smul.u32 $0x10200, s31;
	v2 =	vld [tilespmem:s21+$0x10];
	[tilespmem:s22+$0x3870 ss:$0x81] =	vst.msk $0xffff, v0  }
0x63: {  	[tilespmem:s22+$0x810 ss:$0x81] =	vst.msk $0xffff, v3;
	v3 =	vld [tilespmem:s21+$0x20]  }
0x64: {  	s19 =	sshrl.u32 s19, $0x2;
	v0 =	vld [tilespmem:s21+$0xFFFFFFC0];
	[tilespmem:s22+$0x1020 ss:$0x81] =	vst.msk $0xffff, v4;
	s21 =	sadd.s32 $0x80, s21  }
0x65: {  	s24 =	simm.s32 $0x8;
	s23 =	simm.s32 $0x4;
	s19 =	sor.u32 $0x8000, s19;
	[tilespmem:s22+$0x1830 ss:$0x81] =	vst.msk $0xffff, v5;
	v4 =	vld [tilespmem:s21+$0x30]  }
.LBB1_5:
0x66: {  	p1 =	sne.s32 s24, $0x1FC;
	v5 =	vld [tilespmem:s21+$0xFFFFFFD0];
	[tilespmem:s22+$0x2040 ss:$0x81] =	vst.msk $0xffff, v1  }
0x67: {  	v6 =	vld [tilespmem:s21+$0xFFFFFFE0];
	[tilespmem:s22+$0x2850 ss:$0x81] =	vst.msk $0xffff, v2  }
0x68: {  	s25 =	sshra.s32 s23, $0x2;
	s23 =	smov.u32 s24;
	v7 =	vld [tilespmem:s21+$0xFFFFFFF0];
	[tilespmem:s22+$0x3060 ss:$0x81] =	vst.msk $0xffff, v3  }
.Ltmp4:
0x69: {  	v1 =	vld [tilespmem:s21+$0x0];
	[tilespmem:s22+$0x0 ss:$0x81] =	vst.msk $0xffff, v0;
	s22 =	sadd.s32 s25, s20;
	(pc) =	sbr.rel @p1 .LBB1_5-.Ltmp4, $4  }
0x6a: {  	v2 =	vld [tilespmem:s21+$0x10];
	[tilespmem:s22+$0x3870 ss:$0x81] =	vst.msk $0xffff, v4  }
0x6b: {  	[tilespmem:s22+$0x810 ss:$0x81] =	vst.msk $0xffff, v5;
	v3 =	vld [tilespmem:s21+$0x20]  }
0x6c: {  	v0 =	vld [tilespmem:s21+$0xFFFFFFC0];
	[tilespmem:s22+$0x1020 ss:$0x81] =	vst.msk $0xffff, v6;
	s21 =	sadd.s32 $0x80, s21  }
0x6d: {  	s24 =	sadd.s32 $0x4, s24;
	v4 =	vld [tilespmem:s21+$0x30];
	[tilespmem:s22+$0x1830 ss:$0x81] =	vst.msk $0xffff, v7  }
.Ltmp5:
0x6e: {  	_ = 	snop;
	(pc) =	sbr.rel .LBB1_6-.Ltmp5, $1  }
0x6f: {  	_ =	sdelay $0x3  }
.LBB1_8:
0x70: {  	_ =	sfence.sel $0x180000  }
0x71: {  	s2 =	simm.s32 $0x1;
	[bflag:$0x0] =	sbarrier.arrive $0xFFFF  }
0x72: {  	s31 =	simm.s32 $0x2;
	[sflag:s2] =	ssyncpa.u1 $0x1  }
0x73: {  	[sflag:s31] =	ssyncpa.u1 $0x1  }
0x74: {  	p0 =	sne.s32 s1, $0x0;
	_ =	strace $0x90000047  }
0x75: {  	s0 =	sadd.s32 @!p0 $0x100000, s0;
	[bflag:$0x2] =	sbarrier.arrive $0xFFFF  }
0x76: {  	[sflag:s0] =	ssyncadd.tile.s32 @!p0 $0x1;
	_ =	shalt  }
.Lfunc_end1:
_tile_overlayer_lowered:
.L_overlay_start_2:
0x77: {  	(tag) =	ssettag $0x2  }
0x78: {  	s0 =	rddreg [dreg:$0x0];
	s2 =	stileid.u32  }
0x79: {  	s1 =	rddreg [dreg:$0x1];
	p0 =	sne.s32 s2, $0x0  }
0x7a: {  	s3 =	rddreg [dreg:$0x2];
	[bflag:$0x3] =	sbarrier.arrive $0xFFFF;
	s2 =	simm.s32 @!p0 $0x1C01  }
0x7b: {  	[timem:s3], [sflag:s2] =	dma.local @!p0 [hbm:s0], s1  }
0x7c: {  	s0 =	simm.s32 @!p0 $0x1  }
0x7d: {  	_ =	swait.ge @!p0 [sflag:s0], s1  }
0x7e: {  	s1 =	ssub.s32 @!p0 $0x0, s1;
	[sflag:s0] =	ssyncset.done @!p0 $0x0  }
0x7f: {  	[sflag:s0] =	ssyncadd.s32 @!p0 s1  }
0x80: {  	[bflag:$0x3] =	sbarrier.arrive $0xFFFF  }
0x81: {  	_ =	shalt  }

// kernel: sparse-core-data-format-call.cloned.1.call-start
scs
called_computation_lowered:
.L_overlay_start_0:
0x0: {  	s2 =	sld [smem:$0x3FD9]  }
0x1: {  	s3 =	sld [smem:$0x3FFE];
	_ =	sdelay $0x1  }
0x2: {  	s1 =	srdreg.scid  }
0x3: {  	s0 =	sand.u32 $0x1, s1  }
0x4: {  	s18 =	sshll.u32 s0, $0xA;
	s2 =	sadd.s32 s3, s2  }
0x5: {  	s2 =	sadd.s32 s2, s18  }
0x6: {  	[smem:$0x3FC5] =	sst s2  }
0x7: {  	_ = 	snop  }
0x8: {  	s2 =	sld [smem:$0x3FD0];
	(tm) =	ssettm $0x1  }
0x9: {  	s19 =	sld [smem:$0x3FFB];
	_ =	sdelay $0x3  }
0xa: {  	_ =	strace s19  }
0xb: {  	s3 =	sld [smem:$0x3FFC];
	_ =	sdelay $0x3  }
0xc: {  	_ =	strace s3  }
0xd: {  	s3 =	sld [smem:$0x3FFD];
	_ =	sdelay $0x3  }
0xe: {  	_ =	strace s3  }
0xf: {  	_ =	strace $0x8FFFFFFF  }
0x10: {  	s20 =	sld [smem:$0x3FDB];
	_ =	sdelay $0x1  }
0x11: {  	s4 =	simm.s32 $_scs_section_size  }
0x12: {  	s5 =	simm.s32 $_size__tile_overlayer_lowered;
	s6 =	simm.s32 $_tile_overlayer_lowered  }
0x13: {  	s23 =	simm.s32 $0x1BFF;
	s22 =	sshll.u32 s6, $0x1;
	s3 =	sadd.s32 s4, s20  }
0x14: {  	s7 =	simm.s32 $0x0;
	s21 =	sshll.u32 s5, $0x1;
	s5 =	sadd.s32 s22, s3  }
0x15: {  	[timem:s7], [sflag:s23] =	dma.local [hbm:s5], s21  }
0x16: {  	_ =	swait.ge [sflag:s23], s21  }
0x17: {  	s4 =	ssub.s32 $0x0, s21;
	[sflag:s23] =	ssyncset.done $0x0  }
0x18: {  	[sflag:s23] =	ssyncadd.s32 s4;
	_ =	sdelay $0x1  }
0x19: {  	s24 =	simm.s32 $0x1B8B  }
0x1a: {  	_ =	swait.ge [sflag:s24], $0x1  }
0x1b: {  	[sflag:s24] =	ssyncset.done $0x0  }
0x1c: {  	s26 =	simm.s32 $0x1B8E;
	s25 =	sld [smem:$0x3FFE];
	[sflag:s24] =	ssyncadd.s32 $0xFFFFFFFF  }
0x1d: {  	s27 =	simm.s32 $execute0_lowered;
	[smem:$0x3FD2] =	sst s26  }
0x1e: {  	s5 =	sshll.u32 s27, $0x1;
	_ =	strace $0x8000004C;
	[dreg:$0x1] =	wrdreg $0xFFFFFFFF  }
0x1f: {  	s28 =	simm.s32 $_size_execute0_lowered;
	s3 =	sadd.s32 s3, s5;
	[dreg:$0x0] =	wrdreg $0x0  }
0x20: {  	s5 =	sshll.u32 s28, $0x1;
	[dreg:$0x2] =	wrdreg s3  }
0x21: {  	[dreg:$0x3] =	wrdreg s5  }
0x22: {  	[dreg:$0x4] =	wrdreg $0xC0  }
0x23: {  	_ =	task [dreg:s7], $0x5FFFF  }
0x24: {  	[dreg:$0x1] =	wrdreg $0xFFFFFFFF  }
0x25: {  	[dreg:$0x0] =	wrdreg $0x60  }
0x26: {  	[dreg:$0x2] =	wrdreg s25  }
0x27: {  	[dreg:$0x3] =	wrdreg s2  }
0x28: {  	[dreg:$0x4] =	wrdreg $0x9  }
0x29: {  	_ =	task.clear_ibuf [dreg:s7], $0x5FFFF;
	_ =	strace $0x9000004C  }
0x2a: {  	s29 =	simm.s32 $0x9;
	_ =	strace $0x8000004E  }
0x2b: {  	_ =	swait.ge [sflag:s29], $0x1  }
0x2c: {  	[sflag:s29] =	ssyncadd.s32 $0xFFFFFFFF  }
0x2d: {  	_ =	strace $0x9000004E  }
0x2e: {  	_ =	sfence  }
0x2f: {  	s30 =	sld [smem:$0x0];
	_ =	sdelay $0x2  }
0x30: {  	s31 =	sshll.u32 s1, $0xD;
	s1 =	sshrl.u32 s1, $0x2  }
0x31: {  	s3 =	sand.u32 $0x4000, s31;
	s1 =	sadd.s32 s1, s30  }
0x32: {  	s0 =	sor.u32 s3, s0;
	s1 =	sshll.u32 s1, $0x11  }
0x33: {  	s0 =	sor.u32 s1, s0  }
0x34: {  	s0 =	sadd.s32 $0x8F2B, s0  }
0x35: {  	[sflag:s0] =	ssyncadd.remote.s32 $0x1  }
0x36: {  	_ =	sfence.sel $0xFFFF  }
0x37: {  	[dreg:$0x0] =	wrdreg $0xFFFFFFFF;
	(pc) =	sbr.abs _section_cstart, $3  }
0x38: {  	[dreg:$0x1] =	wrdreg $0xFFFFFFFF  }
0x39: {  	_ =	task.clear_ibuf [dreg:s7], $0x2FFFF;
	_ =	strace $0x9FFFFFFF  }
0x3a: {  	(tm) =	ssettm $0x7FFFFFFF  }
0x3b: {  	_ =	shalt  }
tec
execute0_lowered:
.L_overlay_start_1:
0x0: {  	(tag) =	ssettag $0x1  }
0x1: {  	s4 =	rddreg [dreg:$0x0]  }
0x2: {  	s2 =	rddreg [dreg:$0x1]  }
0x3: {  	s0 =	rddreg [dreg:$0x2]  }
0x4: {  	s1 =	stileid.u32;
	s3 =	srdreg.scid  }
0x5: {  	_ =	strace $0x8000004D;
	s31 =	simm.s32 $0x2;
	s17 =	simm.s32 $0x0  }
0x6: {  	p0 =	por $0x0, $0x0;
	s9 =	simm.s32 $0x40000;
	s18 =	simm.s32 $0x0  }
0x7: {  	s19 =	simm.s32 $0x0;
	s10 =	simm.s32 $0x0;
	s11 =	simm.s32 $0x0  }
0x8: {  	s12 =	simm.s32 $0x0;
	s13 =	simm.s32 $0x0;
	s16 =	simm.s32 $0x0  }
0x9: {  	s5 =	sshll.u32 s3, $0x4;
	s3 =	sand.u32 $0x1, s1;
	s4 =	sadd.s32 $0x601000, s4  }
.Ltmp0:
0xa: {  	s5 =	sand.u32 $0x10, s5;
	s6 =	ssub.s32 $0x2, s3;
	(pc) =	sbr.rel .LBB1_1-.Ltmp0, $4  }
0xb: {  	s15 =	smov.u32 s3;
	s7 =	sshrl.u32 s6, $0x1;
	s8 =	sand.u32 $0x1, s6  }
0xc: {  	s5 =	sor.u32 s1, s5;
	s6 =	simm.s32 $0x1;
	s7 =	sadd.s32 s8, s7  }
0xd: {  	s5 =	sshrl.u32 s5, $0x1;
	[sflag:s6] =	ssyncpa.u1 $0x0;
	s7 =	sshll.u32 s7, $0x7  }
0xe: {  	[sflag:s31] =	ssyncpa.u1 $0x0;
	s14 =	smov.u32 s5;
	s8 =	sor.u32 $0x1, s7  }
.LBB1_4:
0xf: {  	s24 =	sshra.s32 s24, $0x2;
	s30 =	sshra.s32 s12, $0x1F;
	s25 =	sshll.u32 s11, $0x9  }
0x10: {  	p1 =	sgt.s32 s12, $0x1;
	s26 =	smov.u32 s12;
	s27 =	sshll.u32 s10, $0x3  }
0x11: {  	s28 =	smov.u32 s11;
	s29 =	sshra.s32 s11, $0x1F;
	s23 =	sadd.s32 s24, s23  }
0x12: {  	[tilespmem:s22+$0x2040 ss:$0x81] =	vst.msk $0xffff, v4;
	s24 =	sand.u32 s30, s12;
	s26 =	simm.s32 @!p1 $0x1;
	s25 =	sand.u32 $0x3F000, s25  }
0x13: {  	[tilespmem:s22+$0x2850 ss:$0x81] =	vst.msk $0xffff, v3;
	s27 =	sand.u32 $0x3FC00, s27;
	p1 =	sgt.s32 s11, $0x1FF;
	s29 =	sand.u32 s29, s11  }
0x14: {  	v5 =	vld [tilespmem:s21+$0xFFFFFFD0];
	[tilespmem:s22+$0x3060 ss:$0x81] =	vst.msk $0xffff, v2;
	s30 =	sshll.u32 s11, $0x7;
	s24 =	sxor.u32 $0xFFFFFFFF, s24;
	s28 =	simm.s32 @!p1 $0x1FF  }
0x15: {  	v58 =	vld [tilespmem:s21+$0xFFFFFFE0];
	[tilespmem:s22+$0x0 ss:$0x81] =	vst.msk $0xffff, v0;
	s25 =	sadd.s32 s25, s27;
	s22 =	sand.u32 $0x180, s30;
	s24 =	sadd.s32 s24, s26  }
0x16: {  	v59 =	vld [tilespmem:s21+$0xFFFFFFF0];
	s26 =	ssub.s32 $0x1, s24;
	p1 =	sgt.s32 s24, $0x0;
	s24 =	ssub.s32 s28, s29  }
0x17: {  	v60 =	vld [tilespmem:s21+$0x0];
	s28 =	smov.u32 s10;
	s29 =	sshra.s32 s10, $0x1F;
	s26 =	smul.u32 $0x60, s26  }
0x18: {  	v61 =	vld [tilespmem:s21+$0x10];
	s31 =	sadd.s32 $0xFFFFFE01, s24;
	s24 =	ssub.s32 $0x200, s24;
	s27 =	sand.u32 s29, s10  }
0x19: {  	v62 =	vld [tilespmem:s21+$0x20];
	s29 =	sand.u32 $0x78, s10;
	s26 =	simm.s32 @p1 $0x0;
	p1 =	sgt.s32 s10, $0x180  }
0x1a: {  	v63 =	vld [tilespmem:s21+$0xFFFFFFC0];
	[tilespmem:s23+$0x3870 ss:$0x81] =	vst.msk $0xffff, v1;
	s21 =	sor.u32 s29, s22;
	s28 =	simm.s32 @!p1 $0x180;
	p1 =	sgt.s32 s31, $0x0  }
0x1b: {  	[tilespmem:s23+$0x810 ss:$0x81] =	vst.msk $0xffff, v5;
	s31 =	sand.u32 $0x200, s30;
	s30 =	smul.u32 $0x300000, s12;
	s27 =	ssub.s32 s28, s27  }
0x1c: {  	[tilespmem:s23+$0x1020 ss:$0x81] =	vst.msk $0xffff, v58;
	s24 =	simm.s32 @p1 $0x0;
	s25 =	sor.u32 s31, s25;
	s28 =	sadd.s32 $0xFFFFFE80, s27  }
0x1d: {  	[tilespmem:s23+$0x1830 ss:$0x81] =	vst.msk $0xffff, v59;
	s24 =	smul.u32 s26, s24;
	s26 =	ssub.s32 $0x200, s27;
	p1 =	sgt.s32 s28, $0x7F  }
0x1e: {  	[tilespmem:s23+$0x2040 ss:$0x81] =	vst.msk $0xffff, v60;
	s21 =	sshrl.u32 s21, $0x3;
	s31 =	sshrl.u32 s25, $0x3;
	s26 =	simm.s32 @p1 $0x0  }
0x1f: {  	[tilespmem:s23+$0x2850 ss:$0x81] =	vst.msk $0xffff, v61;
	s27 =	sadd.s32 s2, s30;
	s28 =	sand.u32 $0x7, s10;
	s24 =	smul.u32 s26, s24  }
0x20: {  	[tilespmem:s23+$0x3060 ss:$0x81] =	vst.msk $0xffff, v62;
	s21 =	sadd.s32 s21, s27;
	s22 =	sand.u32 $0x7FC0, s31;
	s29 =	sshll.u32 s28, $0x12  }
0x21: {  	[tilespmem:s23+$0x0 ss:$0x81] =	vst.msk $0xffff, v63;
	s21 =	sadd.s32 s22, s21;
	s31 =	sor.u32 $0x80, s29;
	s30 =	sand.u32 $0x3FFFFFE0, s24  }
0x22: {  	[hbm4b:s21+s31] =	stream.strided.scatter [tilespmem:s20], [sflag:$0x2], s30, s9, s31, $0x20;
	[tilespmem:$0x10100] =	vst v63  }
.LBB1_5:
0x23: {  	p1 =	slt.u32 s16, $0x2  }
0x24: {  	s20 =	smov.u32 s19;
	p2 =	sgt.s32 @!p1 s19, $0x1;
	s21 =	sshra.s32 @!p1 s19, $0x1F  }
0x25: {  	s22 =	sshra.s32 @!p1 s18, $0x1F;
	p3 =	sgt.s32 @!p1 s17, $0x180;
	p2 =	por !p2, p1  }
0x26: {  	s19 =	sand.u32 @!p1 s21, s19;
	s20 =	simm.s32 @p2 $0x1;
	p2 =	sgt.s32 @!p1 s18, $0x1FF  }
0x27: {  	s21 =	smov.u32 s18;
	s19 =	sxor.u32 @!p1 $0xFFFFFFFF, s19;
	p2 =	por !p2, p1  }
0x28: {  	s18 =	sand.u32 @!p1 s22, s18;
	s19 =	sadd.s32 @!p1 s19, s20;
	s21 =	simm.s32 @p2 $0x1FF  }
0x29: {  	p3 =	por !p3, p1;
	p2 =	sgt.s32 @!p1 s19, $0x0;
	s18 =	ssub.s32 @!p1 s21, s18  }
0x2a: {  	s19 =	ssub.s32 @!p1 $0x1, s19;
	s21 =	smov.u32 s17;
	s20 =	sadd.s32 @!p1 $0xFFFFFE01, s18  }
0x2b: {  	s21 =	simm.s32 @p3 $0x180;
	p3 =	sgt.s32 @!p1 s20, $0x0;
	s20 =	sshra.s32 @!p1 s17, $0x1F  }
0x2c: {  	s19 =	smul.u32 @!p1 $0x60, s19;
	p2 =	por !p2, p1;
	s17 =	sand.u32 @!p1 s20, s17  }
0x2d: {  	s18 =	ssub.s32 @!p1 $0x200, s18;
	p3 =	por !p3, p1;
	s17 =	ssub.s32 @!p1 s21, s17  }
0x2e: {  	s19 =	simm.s32 @!p2 $0x0;
	s18 =	simm.s32 @!p3 $0x0;
	s20 =	sadd.s32 @!p1 $0xFFFFFE80, s17  }
0x2f: {  	s21 =	smov.u32 s14;
	s18 =	smul.u32 @!p1 s19, s18;
	p2 =	sgt.s32 @!p1 s20, $0x7F  }
0x30: {  	s17 =	ssub.s32 @!p1 $0x200, s17;
	s20 =	sadd.s32 $0x80, s13;
	p2 =	por !p2, p1  }
0x31: {  	s19 =	sadd.s32 $0x10, s14;
	s17 =	simm.s32 @!p2 $0x0;
	p2 =	sgt.s32 s20, $0x1FF  }
0x32: {  	s22 =	smov.u32 s15;
	s21 =	smov.u32 @p2 s19  }
0x33: {  	s17 =	smul.u32 @!p1 s17, s18;
	s18 =	sadd.s32 $0x2, s15;
	p3 =	sgt.s32 s21, $0x1FF  }
0x34: {  	p0 =	por !p0, !p0;
	s23 =	simm.s32 @!p1 $0x2;
	s22 =	smov.u32 @p3 s18  }
0x35: {  	s20 =	simm.s32 @p2 $0x0;
	s19 =	smov.u32 s12;
	p2 =	sgt.s32 s22, $0x1  }
0x36: {  	s12 =	smov.u32 s15;
	s22 =	smov.u32 @p2 s3;
	p2 =	sne.s32 s16, s8  }
.Ltmp1:
0x37: {  	s17 =	sand.u32 @!p1 $0x3FFFFFE0, s17;
	s21 =	smov.u32 @p3 s5;
	(pc) =	sbr.rel @!p2 .LBB1_6-.Ltmp1, $4  }
0x38: {  	s18 =	smov.u32 s11;
	s11 =	smov.u32 s14;
	_ =	swait.ge @!p1 [sflag:s23], s17  }
0x39: {  	s24 =	ssub.s32 @!p1 $0x0, s17;
	s17 =	smov.u32 s10;
	s10 =	smov.u32 s13  }
0x3a: {  	s13 =	smov.u32 s20;
	s14 =	smov.u32 s21;
	[sflag:s23] =	ssyncset.done @!p1 $0x0  }
0x3b: {  	s16 =	sadd.s32 $0x1, s16;
	[sflag:s23] =	ssyncadd.s32 @!p1 s24;
	s15 =	smov.u32 s22  }
.LBB1_1:
0x3c: {  	p1 =	sge.u32 s16, s7  }
0x3d: {  	s31 =	sadd.s32 $0xFFFFFFFF, s16;
	s20 =	sxor.u32 @!p1 $0xFFFFFFFF, s16;
	s21 =	sshll.u32 @!p1 s15, $0x16  }
0x3e: {  	s22 =	sshll.u32 @!p1 s14, $0xD;
	s23 =	sshll.u32 @!p1 s13, $0x4;
	s21 =	sadd.s32 @!p1 s4, s21  }
0x3f: {  	s20 =	sshll.u32 @!p1 s20, $0xE;
	s23 =	sand.u32 @!p1 $0x1FF0, s23;
	s21 =	sadd.s32 @!p1 s22, s21  }
0x40: {  	s20 =	sand.u32 @!p1 $0x4000, s20;
	s22 =	simm.s32 @!p1 $0x0;
	s21 =	sadd.s32 @!p1 s23, s21  }
0x41: {  	[tilespmem:s20], [sflag:$0x1] =	stream.linear.gather @!p1 [hbm4b:s21+s22], $0x4000, $0x38;
	[tilespmem:$0x10100] =	vst v63  }
0x42: {  	p1 =	sge.u32 s31, s7  }
.Ltmp2:
0x43: {  	_ = 	snop;
	(pc) =	sbr.rel @p1 .LBB1_5-.Ltmp2, $1  }
0x44: {  	_ =	sdelay $0x3  }
0x45: {  	s20 =	simm.s32 $0x1  }
0x46: {  	_ =	swait.ge [sflag:s6], $0x4000;
	s20 =	simm.s32 @!p0 $0x0  }
0x47: {  	[sflag:s6] =	ssyncset.done $0x0;
	s21 =	sshll.u32 s20, $0xE  }
0x48: {  	[sflag:s6] =	ssyncadd.s32 $0xFFFFC000;
	s21 =	sor.u32 $0x40, s21  }
0x49: {  	s20 =	smul.u32 $0x10200, s20;
	v0 =	vld [tilespmem:s21+$0x30]  }
0x4a: {  	v1 =	vld [tilespmem:s21+$0xFFFFFFD0]  }
0x4b: {  	s20 =	sshrl.u32 s20, $0x2;
	v5 =	vld [tilespmem:s21+$0xFFFFFFE0]  }
0x4c: {  	v6 =	vld [tilespmem:s21+$0xFFFFFFF0];
	s23 =	sor.u32 $0x8000, s20  }
0x4d: {  	s31 =	sand.u32 $0x1, s16;
	v4 =	vld [tilespmem:s21+$0x0];
	s22 =	sadd.s32 $0x0, s23  }
0x4e: {  	v3 =	vld [tilespmem:s21+$0x10];
	s20 =	smul.u32 $0x10200, s31;
	[tilespmem:s22+$0x3870 ss:$0x81] =	vst.msk $0xffff, v0  }
0x4f: {  	v2 =	vld [tilespmem:s21+$0x20];
	[tilespmem:s22+$0x810 ss:$0x81] =	vst.msk $0xffff, v1  }
0x50: {  	s20 =	sshrl.u32 s20, $0x2;
	v0 =	vld [tilespmem:s21+$0xFFFFFFC0];
	[tilespmem:s22+$0x1020 ss:$0x81] =	vst.msk $0xffff, v5;
	s21 =	sadd.s32 $0x80, s21  }
0x51: {  	s24 =	simm.s32 $0x4;
	s25 =	simm.s32 $0x8;
	s20 =	sor.u32 $0x8000, s20;
	[tilespmem:s22+$0x1830 ss:$0x81] =	vst.msk $0xffff, v6;
	v1 =	vld [tilespmem:s21+$0x30]  }
.LBB1_3:
0x52: {  	p1 =	sne.s32 s25, $0x1FC;
	v5 =	vld [tilespmem:s21+$0xFFFFFFD0];
	[tilespmem:s22+$0x2040 ss:$0x81] =	vst.msk $0xffff, v4  }
0x53: {  	v6 =	vld [tilespmem:s21+$0xFFFFFFE0];
	[tilespmem:s22+$0x2850 ss:$0x81] =	vst.msk $0xffff, v3  }
0x54: {  	s26 =	sshra.s32 s24, $0x2;
	s24 =	smov.u32 s25;
	v7 =	vld [tilespmem:s21+$0xFFFFFFF0];
	[tilespmem:s22+$0x3060 ss:$0x81] =	vst.msk $0xffff, v2  }
.Ltmp3:
0x55: {  	v4 =	vld [tilespmem:s21+$0x0];
	[tilespmem:s22+$0x0 ss:$0x81] =	vst.msk $0xffff, v0;
	s22 =	sadd.s32 s26, s23;
	(pc) =	sbr.rel @p1 .LBB1_3-.Ltmp3, $4  }
0x56: {  	v3 =	vld [tilespmem:s21+$0x10];
	[tilespmem:s22+$0x3870 ss:$0x81] =	vst.msk $0xffff, v1  }
0x57: {  	[tilespmem:s22+$0x810 ss:$0x81] =	vst.msk $0xffff, v5;
	v2 =	vld [tilespmem:s21+$0x20]  }
0x58: {  	v0 =	vld [tilespmem:s21+$0xFFFFFFC0];
	[tilespmem:s22+$0x1020 ss:$0x81] =	vst.msk $0xffff, v6;
	s21 =	sadd.s32 $0x80, s21  }
0x59: {  	s25 =	sadd.s32 $0x4, s25;
	v1 =	vld [tilespmem:s21+$0x30];
	[tilespmem:s22+$0x1830 ss:$0x81] =	vst.msk $0xffff, v7  }
.Ltmp4:
0x5a: {  	_ = 	snop;
	(pc) =	sbr.rel .LBB1_4-.Ltmp4, $1  }
0x5b: {  	_ =	sdelay $0x3  }
.LBB1_6:
0x5c: {  	_ =	sfence.sel $0x180000  }
0x5d: {  	s2 =	simm.s32 $0x1;
	[bflag:$0x0] =	sbarrier.arrive $0xFFFF  }
0x5e: {  	s31 =	simm.s32 $0x2;
	[sflag:s2] =	ssyncpa.u1 $0x1  }
0x5f: {  	[sflag:s31] =	ssyncpa.u1 $0x1  }
0x60: {  	p0 =	sne.s32 s1, $0x0;
	_ =	strace $0x9000004D  }
0x61: {  	s0 =	sadd.s32 @!p0 $0x100000, s0;
	[bflag:$0x2] =	sbarrier.arrive $0xFFFF  }
0x62: {  	[sflag:s0] =	ssyncadd.tile.s32 @!p0 $0x1;
	_ =	shalt  }
.Lfunc_end1:
_tile_overlayer_lowered:
.L_overlay_start_2:
0x63: {  	(tag) =	ssettag $0x2  }
0x64: {  	s0 =	rddreg [dreg:$0x0];
	s2 =	stileid.u32  }
0x65: {  	s1 =	rddreg [dreg:$0x1];
	p0 =	sne.s32 s2, $0x0  }
0x66: {  	s3 =	rddreg [dreg:$0x2];
	[bflag:$0x3] =	sbarrier.arrive $0xFFFF;
	s2 =	simm.s32 @!p0 $0x1C01  }
0x67: {  	[timem:s3], [sflag:s2] =	dma.local @!p0 [hbm:s0], s1  }
0x68: {  	s0 =	simm.s32 @!p0 $0x1  }
0x69: {  	_ =	swait.ge @!p0 [sflag:s0], s1  }
0x6a: {  	s1 =	ssub.s32 @!p0 $0x0, s1;
	[sflag:s0] =	ssyncset.done @!p0 $0x0  }
0x6b: {  	[sflag:s0] =	ssyncadd.s32 @!p0 s1  }
0x6c: {  	[bflag:$0x3] =	sbarrier.arrive $0xFFFF  }
0x6d: {  	_ =	shalt  }

</sc_bundles>
